<compile_context>
chip_gen: v7x
topology: tpu7x:2x2x1
jax: 0.10.2.dev20260603
libtpu: 0.0.44.dev20260713+nightly
codegen_flags: <defaults>
</compile_context>

<pallas_src>
import functools

import jax
import jax.numpy as jnp
from jax import lax
from jax.experimental import pallas as pl
from jax.experimental.pallas import tpu as pltpu
from jax.experimental.pallas import tpu_sc as plsc

N = 10000
E = 320000
DV = 128
DE = 16
DH = 64
D3 = 3 * DH

EDGE_BLOCK = 2000
NSLICE = 4
ES = E // NSLICE

SC_CORES = 2
SC_SUBCORES = 16
NW = SC_CORES * SC_SUBCORES
CH = 128
ZCH = 40
N_ZCH = N // ZCH


def _rn16(u):
    return u + jnp.uint32(0x8000)


def _proj_body(x_ref, w_ref, b_ref, o_ref):
    t = jnp.dot(x_ref[...], w_ref[...],
                preferred_element_type=jnp.float32) + b_ref[...]
    a = t[:, :DV]
    b = t[:, DV:]
    ba = lax.bitcast_convert_type(a, jnp.uint32)
    bb = lax.bitcast_convert_type(b, jnp.uint32)
    word = (_rn16(ba) >> 16) | (_rn16(bb) & jnp.uint32(0xFFFF0000))
    o_ref[...] = lax.bitcast_convert_type(word, jnp.float32)


def _node_tables(node_fea, Wqkv, bqkv):
    return pl.pallas_call(
        _proj_body,
        out_shape=jax.ShapeDtypeStruct((N, DV), jnp.float32),
    )(node_fea, Wqkv, bqkv)


def _make_gather_body(n_chunks):
    def _gather_body(tp_hbm, idx1_hbm, idx2_hbm, g1_hbm, g2_hbm,
                     i1a, i2a, r1a, r2a, i1b, i2b, r1b, r2b, sema, semb):
        c = lax.axis_index("c")
        s = lax.axis_index("s")
        wid = c * SC_SUBCORES + s
        n_iter = (n_chunks + NW - 1) // NW
        n_pair = (n_iter + 1) // 2

        def _one(u, parity, i1v, i2v, r1v, r2v, sem):
            cid = wid + (2 * u + parity) * NW

            @pl.when(cid < n_chunks)
            def _do():
                base = pl.multiple_of(cid * CH, 8)

                @pl.when(u > 0)
                def _drain():
                    pltpu.make_async_copy(
                        r1v, g1_hbm.at[pl.ds(0, CH)], sem).wait()
                    pltpu.make_async_copy(
                        r2v, g2_hbm.at[pl.ds(0, CH)], sem).wait()

                pltpu.sync_copy(idx1_hbm.at[pl.ds(base, CH)], i1v)
                pltpu.sync_copy(idx2_hbm.at[pl.ds(base, CH)], i2v)
                pltpu.sync_copy(tp_hbm.at[i1v], r1v)
                pltpu.sync_copy(tp_hbm.at[i2v], r2v)
                pltpu.async_copy(r1v, g1_hbm.at[pl.ds(base, CH)], sem)
                pltpu.async_copy(r2v, g2_hbm.at[pl.ds(base, CH)], sem)

        def _pair(u, carry):
            _one(u, 0, i1a, i2a, r1a, r2a, sema)
            _one(u, 1, i1b, i2b, r1b, r2b, semb)
            return carry

        lax.fori_loop(0, n_pair, _pair, 0)
        pltpu.make_async_copy(r1a, g1_hbm.at[pl.ds(0, CH)], sema).wait()
        pltpu.make_async_copy(r2a, g2_hbm.at[pl.ds(0, CH)], sema).wait()
        pltpu.make_async_copy(r1b, g1_hbm.at[pl.ds(0, CH)], semb).wait()
        pltpu.make_async_copy(r2b, g2_hbm.at[pl.ds(0, CH)], semb).wait()

    return _gather_body


def _sc_gather(TP, idx1, idx2):
    ne = idx1.shape[0]
    mesh = plsc.VectorSubcoreMesh(core_axis_name="c", subcore_axis_name="s",
                                  num_cores=SC_CORES, num_subcores=SC_SUBCORES)
    return pl.kernel(
        _make_gather_body(ne // CH),
        out_type=(jax.ShapeDtypeStruct((ne, DV), jnp.float32),
                  jax.ShapeDtypeStruct((ne, DV), jnp.float32)),
        mesh=mesh,
        scratch_types=[
            pltpu.VMEM((CH,), jnp.int32),
            pltpu.VMEM((CH,), jnp.int32),
            pltpu.VMEM((CH, DV), jnp.float32),
            pltpu.VMEM((CH, DV), jnp.float32),
            pltpu.VMEM((CH,), jnp.int32),
            pltpu.VMEM((CH,), jnp.int32),
            pltpu.VMEM((CH, DV), jnp.float32),
            pltpu.VMEM((CH, DV), jnp.float32),
            pltpu.SemaphoreType.DMA,
            pltpu.SemaphoreType.DMA,
        ],
    )(TP, idx1, idx2)


def _ln(x, g, b):
    mu = jnp.mean(x, axis=-1, keepdims=True)
    xc = x - mu
    var = jnp.mean(xc * xc, axis=-1, keepdims=True)
    return xc * jax.lax.rsqrt(var + 1e-5) * g + b


def _edge_body(g1_ref, g2_ref, ef_ref, we_ref, be_ref, g1v_ref, b1v_ref,
               wu_ref, bu_ref, wm_ref, bm_ref, g2v_ref, b2v_ref, o_ref):
    w1 = lax.bitcast_convert_type(g1_ref[...], jnp.uint32)
    w2 = lax.bitcast_convert_type(g2_ref[...], jnp.uint32)
    hi_mask = jnp.uint32(0xFFFF0000)
    QK1 = lax.bitcast_convert_type(w1 << 16, jnp.float32)
    Vx1 = lax.bitcast_convert_type(w1 & hi_mask, jnp.float32)
    QK2 = lax.bitcast_convert_type(w2 << 16, jnp.float32)
    Vx2 = lax.bitcast_convert_type(w2 & hi_mask, jnp.float32)
    Q1 = QK1[:, 0:DH]
    K1 = QK1[:, DH:2 * DH]
    V1 = Vx1[:, 0:DH]
    K2 = QK2[:, DH:2 * DH]
    V2 = Vx2[:, 0:DH]
    EP = jnp.dot(ef_ref[...], we_ref[...],
                 preferred_element_type=jnp.float32) + be_ref[...]
    inv_sqrt = 1.0 / (D3 ** 0.5)
    aij = jnp.concatenate([Q1 * K1, Q1 * K2, Q1 * EP], axis=1) * inv_sqrt
    ln1 = _ln(aij, g1v_ref[...], b1v_ref[...])
    m1 = 1.0 / (1.0 + jnp.exp(-ln1))
    zij = jnp.concatenate([V1, V2, EP], axis=1).astype(jnp.bfloat16)
    m2 = jnp.dot(zij, wu_ref[...].astype(jnp.bfloat16),
                 preferred_element_type=jnp.float32) + bu_ref[...]
    mij = (m1 * m2).astype(jnp.bfloat16)
    t = jnp.dot(mij, wm_ref[...].astype(jnp.bfloat16),
                preferred_element_type=jnp.float32) + bm_ref[...]
    o_ref[...] = _ln(t, g2v_ref[...], b2v_ref[...])


def _edge_mlp(G1, G2, edge_fea, We, be, g1, b1, Wu, bu, Wm, bm, g2, b2):
    ne = G1.shape[0]
    nblk = ne // EDGE_BLOCK
    row_spec = lambda d: pl.BlockSpec((EDGE_BLOCK, d), lambda i: (i, 0))
    full = lambda a, b: pl.BlockSpec((a, b), lambda i: (0, 0))
    return pl.pallas_call(
        _edge_body,
        grid=(nblk,),
        in_specs=[
            row_spec(DV), row_spec(DV), row_spec(DE),
            full(DE, DH), full(1, DH), full(1, D3), full(1, D3),
            full(D3, D3), full(1, D3), full(D3, DV), full(1, DV),
            full(1, DV), full(1, DV),
        ],
        out_specs=row_spec(DV),
        out_shape=jax.ShapeDtypeStruct((ne, DV), jnp.float32),
    )(G1, G2, edge_fea, We, be.reshape(1, DH), g1.reshape(1, D3),
      b1.reshape(1, D3), Wu, bu.reshape(1, D3), Wm, bm.reshape(1, DV),
      g2.reshape(1, DV), b2.reshape(1, DV))


def _make_scatter_body(n_chunks):
    def _scatter_body(msg_hbm, idx_hbm, p0_hbm, p1_hbm,
                      idx_v, msg_v, idx_vb, msg_vb, stage_v, acc,
                      sem_a, sem_b):
        c = lax.axis_index("c")
        s = lax.axis_index("s")
        wid = c * SC_SUBCORES + s

        z16 = jnp.zeros((16,), jnp.float32)

        def _zrow(i, carry):
            for j in range(DV // 16):
                stage_v[i, pl.ds(j * 16, 16)] = z16
            return carry

        lax.fori_loop(0, ZCH, _zrow, 0)

        def _zchunk(t, carry):
            zc = s + t * SC_SUBCORES

            @pl.when(zc < N_ZCH)
            def _do():
                rows = pl.ds(pl.multiple_of(zc * ZCH, 8), ZCH)
                pltpu.sync_copy(stage_v, acc.at[rows])

            return carry

        lax.fori_loop(0, (N_ZCH + SC_SUBCORES - 1) // SC_SUBCORES, _zchunk, 0)
        plsc.subcore_barrier()

        n_iter = (n_chunks + NW - 1) // NW
        n_pair = (n_iter + 1) // 2

        def _one(u, parity, iv, mv, sem):
            cid = wid + (2 * u + parity) * NW

            @pl.when(cid < n_chunks)
            def _do():
                base = pl.multiple_of(cid * CH, 8)

                @pl.when(u > 0)
                def _drain():
                    pltpu.make_async_copy(
                        mv, acc.at[pl.ds(0, CH)], sem).wait()

                pltpu.sync_copy(idx_hbm.at[pl.ds(base, CH)], iv)
                pltpu.sync_copy(msg_hbm.at[pl.ds(base, CH)], mv)
                pltpu.async_copy(mv, acc.at[iv], sem, add=True)

        def _pair(u, carry):
            _one(u, 0, idx_v, msg_v, sem_a)
            _one(u, 1, idx_vb, msg_vb, sem_b)
            return carry

        lax.fori_loop(0, n_pair, _pair, 0)
        pltpu.make_async_copy(msg_v, acc.at[pl.ds(0, CH)], sem_a).wait()
        pltpu.make_async_copy(msg_vb, acc.at[pl.ds(0, CH)], sem_b).wait()
        plsc.subcore_barrier()

        def _dchunk(t, carry):
            zc = s + t * SC_SUBCORES

            @pl.when(zc < N_ZCH)
            def _do():
                rows = pl.ds(pl.multiple_of(zc * ZCH, 8), ZCH)
                pltpu.sync_copy(acc.at[rows], stage_v)

                @pl.when(c == 0)
                def _c0():
                    pltpu.sync_copy(stage_v, p0_hbm.at[rows])

                @pl.when(c == 1)
                def _c1():
                    pltpu.sync_copy(stage_v, p1_hbm.at[rows])

            return carry

        lax.fori_loop(0, (N_ZCH + SC_SUBCORES - 1) // SC_SUBCORES, _dchunk, 0)

    return _scatter_body


def _sc_scatter(msg, idx1):
    ne = idx1.shape[0]
    mesh = plsc.VectorSubcoreMesh(core_axis_name="c", subcore_axis_name="s",
                                  num_cores=SC_CORES, num_subcores=SC_SUBCORES)
    return pl.kernel(
        _make_scatter_body(ne // CH),
        out_type=(jax.ShapeDtypeStruct((N, DV), jnp.float32),
                  jax.ShapeDtypeStruct((N, DV), jnp.float32)),
        mesh=mesh,
        scratch_types=[
            pltpu.VMEM((CH,), jnp.int32),
            pltpu.VMEM((CH, DV), jnp.float32),
            pltpu.VMEM((CH,), jnp.int32),
            pltpu.VMEM((CH, DV), jnp.float32),
            pltpu.VMEM((ZCH, DV), jnp.float32),
            pltpu.VMEM_SHARED((N, DV), jnp.float32),
            pltpu.SemaphoreType.DMA,
            pltpu.SemaphoreType.DMA,
        ],
    )(msg, idx1)


def _add_body(*refs):
    o_ref = refs[-1]
    acc = refs[0][...]
    for r in refs[1:-1]:
        acc = acc + r[...]
    o_ref[...] = acc


def _add_partials(parts):
    spec = pl.BlockSpec((EDGE_BLOCK, DV), lambda i: (i, 0))
    return pl.pallas_call(
        _add_body,
        grid=(N // EDGE_BLOCK,),
        in_specs=[spec] * len(parts),
        out_specs=spec,
        out_shape=jax.ShapeDtypeStruct((N, DV), jnp.float32),
    )(*parts)


def kernel(node_fea, idx1, idx2, edge_fea, Wq, bq, Wk, bk, Wv, bv, We, be,
           g1, b1, Wu, bu, Wm, bm, g2, b2):
    Wqkv = jnp.concatenate(
        [Wq, Wk, Wv, jnp.zeros((DV, 2 * DV - D3), jnp.float32)], axis=1)
    bqkv = jnp.concatenate(
        [bq, bk, bv, jnp.zeros((2 * DV - D3,), jnp.float32)]).reshape(1, 2 * DV)
    TP = _node_tables(node_fea, Wqkv, bqkv)
    parts = []
    for si in range(NSLICE):
        sl = slice(si * ES, (si + 1) * ES)
        i1 = idx1[sl]
        G1, G2 = _sc_gather(TP, i1, idx2[sl])
        msg = _edge_mlp(G1, G2, edge_fea[sl], We, be, g1, b1,
                        Wu, bu, Wm, bm, g2, b2)
        p0, p1 = _sc_scatter(msg, i1)
        parts.extend([p0, p1])
    return _add_partials(parts)

# --- scband reference (transcript-rebuilt; emitter-appended) ---
"""Pipeline reference for scband-attention-head-52037823758572 (READ-ONLY COPY).

The authoritative reference and input builder live on the scoring server;
editing this copy changes nothing except your own understanding.
"""

import jax, jax.numpy as jnp
import numpy as np

N = 10000
E = 320000
DV = 128
DE = 16
DH = 64


def _layer_norm(x, g, b):
    mu = jnp.mean(x, axis=-1, keepdims=True)
    var = jnp.mean((x - mu) ** 2, axis=-1, keepdims=True)
    return (x - mu) / jnp.sqrt(var + 1e-5) * g + b


def setup_inputs(seed: int = 0) -> dict:
    key = jax.random.key(seed)
    ks = jax.random.split(key, 10)
    s = 0.05
    inp = {}
    inp["node_fea"] = jax.random.normal(ks[0], (N, DV), dtype=jnp.float32)
    inp["idx1"] = jax.random.randint(ks[1], (E,), 0, N)
    inp["idx2"] = jax.random.randint(ks[2], (E,), 0, N)
    inp["edge_fea"] = jax.random.normal(ks[3], (E, DE), dtype=jnp.float32)
    inp["Wq"] = jax.random.normal(ks[4], (DV, DH), dtype=jnp.float32) * s
    inp["bq"] = jnp.zeros((DH,), dtype=jnp.float32)
    inp["Wk"] = jax.random.normal(ks[5], (DV, DH), dtype=jnp.float32) * s
    inp["bk"] = jnp.zeros((DH,), dtype=jnp.float32)
    inp["Wv"] = jax.random.normal(ks[6], (DV, DH), dtype=jnp.float32) * s
    inp["bv"] = jnp.zeros((DH,), dtype=jnp.float32)
    inp["We"] = jax.random.normal(ks[7], (DE, DH), dtype=jnp.float32) * s
    inp["be"] = jnp.zeros((DH,), dtype=jnp.float32)
    inp["g1"] = jnp.ones((3 * DH,), dtype=jnp.float32)
    inp["b1"] = jnp.zeros((3 * DH,), dtype=jnp.float32)
    inp["Wu"] = jax.random.normal(ks[8], (3 * DH, 3 * DH), dtype=jnp.float32) * s
    inp["bu"] = jnp.zeros((3 * DH,), dtype=jnp.float32)
    inp["Wm"] = jax.random.normal(ks[9], (3 * DH, DV), dtype=jnp.float32) * s
    inp["bm"] = jnp.zeros((DV,), dtype=jnp.float32)
    inp["g2"] = jnp.ones((DV,), dtype=jnp.float32)
    inp["b2"] = jnp.zeros((DV,), dtype=jnp.float32)
    return inp


def reference(node_fea, idx1, idx2, edge_fea, Wq, bq, Wk, bk, Wv, bv, We, be, g1, b1, Wu, bu, Wm, bm, g2, b2):
    Q = node_fea @ Wq + bq
    K = node_fea @ Wk + bk
    V = node_fea @ Wv + bv
    eij_prime = edge_fea @ We + be
    Q1 = jnp.take(Q, idx1, axis=0)
    qij = jnp.concatenate([Q1, Q1, Q1], axis=1)
    kij = jnp.concatenate([jnp.take(K, idx1, axis=0), jnp.take(K, idx2, axis=0), eij_prime], axis=1)
    d_kij = kij.shape[1]
    aij = qij * kij / np.sqrt(d_kij)
    zij = jnp.concatenate([jnp.take(V, idx1, axis=0), jnp.take(V, idx2, axis=0), eij_prime], axis=1)
    mij_1 = jax.nn.sigmoid(_layer_norm(aij, g1, b1))
    mij_2 = zij @ Wu + bu
    mij = mij_1 * mij_2
    msg = _layer_norm(mij @ Wm + bm, g2, b2)
    mi = jax.ops.segment_sum(msg, idx1, num_segments=N)
    return mi

if __name__ == "__main__":
    import jax
    _d = setup_inputs()
    print(jax.jit(kernel)(*tuple(_d.values())))

</pallas_src>

<mosaic_0001>
#map = affine_map<(d0, d1) -> (0, 0)>
#map1 = affine_map<(d0, d1) -> (0)>
module attributes {stable_mosaic.version = 14 : i64} {
  func.func @_gather_body(%arg0: i32, %arg1: i32, %arg2: memref<10000x128xf32, #tpu.memory_space<hbm>>, %arg3: memref<80000xi32, #tpu.memory_space<hbm>>, %arg4: memref<80000xi32, #tpu.memory_space<hbm>>, %arg5: memref<80000x128xf32, #tpu.memory_space<hbm>>, %arg6: memref<80000x128xf32, #tpu.memory_space<hbm>>, %arg7: memref<128xi32, #tpu.memory_space<vmem>>, %arg8: memref<128xi32, #tpu.memory_space<vmem>>, %arg9: memref<128x128xf32, #tpu.memory_space<vmem>>, %arg10: memref<128x128xf32, #tpu.memory_space<vmem>>, %arg11: memref<128xi32, #tpu.memory_space<vmem>>, %arg12: memref<128xi32, #tpu.memory_space<vmem>>, %arg13: memref<128x128xf32, #tpu.memory_space<vmem>>, %arg14: memref<128x128xf32, #tpu.memory_space<vmem>>, %arg15: memref<!tpu.dma_semaphore, #tpu.memory_space<semaphore_mem>>, %arg16: memref<!tpu.dma_semaphore, #tpu.memory_space<semaphore_mem>>) attributes {dimension_semantics = [#tpu.dimension_semantics<core_parallel>, #tpu.dimension_semantics<subcore_parallel>], iteration_bounds = array<i64: 2, 16>, scalar_prefetch = 0 : i64, scratch_operands = 10 : i64, tpu.core_type = #tpu.core_type<sc_vector_subcore>, window_params = [{transform_indices = #map}, {transform_indices = #map1}, {transform_indices = #map1}, {transform_indices = #map}, {transform_indices = #map}]} {
    %mul3A = arith.constant 16 : i32
    %mul3A_0 = arith.muli %arg0, %mul3A : i32
    %add3A = arith.addi %mul3A_0, %arg1 : i32
    %scan3A = arith.constant 0 : i32
    %scan3A_1 = arith.constant 0 : i32
    %scan3A_2 = arith.constant 10 : i32
    %scan3A_3 = arith.addi %scan3A_1, %scan3A_2 : i32
    %scan3A_4 = arith.constant 1 : i32
    scf.for %scan3A_29 = %scan3A_1 to %scan3A_3 step %scan3A_4  : i32 {
      %mul3A_30 = arith.constant 2 : i32
      %mul3A_31 = arith.muli %mul3A_30, %scan3A_29 : i32
      %add3A_32 = arith.constant 0 : i32
      %add3A_33 = arith.addi %mul3A_31, %add3A_32 : i32
      %mul3A_34 = arith.constant 32 : i32
      %mul3A_35 = arith.muli %add3A_33, %mul3A_34 : i32
      %add3A_36 = arith.addi %add3A, %mul3A_35 : i32
      %lt3A = arith.constant 625 : i32
      %lt3A_37 = arith.cmpi slt, %add3A_36, %lt3A : i32
      %convert_element_type3A = arith.extui %lt3A_37 : i1 to i32
      %cond3A = arith.constant 0 : i32
      %cond3A_38 = arith.cmpi ne, %convert_element_type3A, %cond3A : i32
      scf.if %cond3A_38 {
        %mul3A_51 = arith.constant 128 : i32
        %mul3A_52 = arith.muli %add3A_36, %mul3A_51 : i32
        %multiple_of3A = tpu.assume_multiple %mul3A_52, 8 : i32
        %gt3A = arith.constant 0 : i32
        %gt3A_53 = arith.cmpi sgt, %scan3A_29, %gt3A : i32
        %convert_element_type3A_54 = arith.extui %gt3A_53 : i1 to i32
        %cond3A_55 = arith.constant 0 : i32
        %cond3A_56 = arith.cmpi ne, %convert_element_type3A_54, %cond3A_55 : i32
        scf.if %cond3A_56 {
          %dma_wait3A_64 = arith.constant 0 : i32
          %dma_wait3A_65 = arith.constant 0 : i32
          %dma_wait3A_66 = tpu.memref_slice %arg5[%dma_wait3A_64, %dma_wait3A_65] : memref<80000x128xf32, #tpu.memory_space<hbm>> -> memref<128x128xf32, #tpu.memory_space<hbm>>
          %dma_wait3A_67 = arith.constant 0 : i32
          %dma_wait3A_68 = arith.constant 0 : i32
          %dma_wait3A_69 = tpu.memref_slice %arg5[%dma_wait3A_67, %dma_wait3A_68] : memref<80000x128xf32, #tpu.memory_space<hbm>> -> memref<128x128xf32, #tpu.memory_space<hbm>>
          tpu.wait_dma2 semaphore(%arg15 : memref<!tpu.dma_semaphore, #tpu.memory_space<semaphore_mem>>) src(%arg9 : memref<128x128xf32, #tpu.memory_space<vmem>>) dst(%dma_wait3A_69 : memref<128x128xf32, #tpu.memory_space<hbm>>)
          %dma_wait3A_70 = arith.constant 0 : i32
          %dma_wait3A_71 = arith.constant 0 : i32
          %dma_wait3A_72 = tpu.memref_slice %arg6[%dma_wait3A_70, %dma_wait3A_71] : memref<80000x128xf32, #tpu.memory_space<hbm>> -> memref<128x128xf32, #tpu.memory_space<hbm>>
          %dma_wait3A_73 = arith.constant 0 : i32
          %dma_wait3A_74 = arith.constant 0 : i32
          %dma_wait3A_75 = tpu.memref_slice %arg6[%dma_wait3A_73, %dma_wait3A_74] : memref<80000x128xf32, #tpu.memory_space<hbm>> -> memref<128x128xf32, #tpu.memory_space<hbm>>
          tpu.wait_dma2 semaphore(%arg15 : memref<!tpu.dma_semaphore, #tpu.memory_space<semaphore_mem>>) src(%arg10 : memref<128x128xf32, #tpu.memory_space<vmem>>) dst(%dma_wait3A_75 : memref<128x128xf32, #tpu.memory_space<hbm>>)
        } else {
        }
        "tpu.region"() ({
          %run_scoped3A = tpu.sem_alloc : memref<!tpu.dma_semaphore, #tpu.memory_space<semaphore_mem>>
          %dma_start3A_64 = tpu.memref_slice %arg3[%multiple_of3A] : memref<80000xi32, #tpu.memory_space<hbm>> -> memref<128xi32, #tpu.memory_space<hbm>>
          %dma_start3A_65 = tpu.memref_slice %arg3[%multiple_of3A] : memref<80000xi32, #tpu.memory_space<hbm>> -> memref<128xi32, #tpu.memory_space<hbm>>
          tpu.enqueue_dma source(%dma_start3A_65 : memref<128xi32, #tpu.memory_space<hbm>>) target(%arg7 : memref<128xi32, #tpu.memory_space<vmem>>) target_semaphore(%run_scoped3A : memref<!tpu.dma_semaphore, #tpu.memory_space<semaphore_mem>>)
          %dma_wait3A_66 = tpu.memref_slice %arg3[%multiple_of3A] : memref<80000xi32, #tpu.memory_space<hbm>> -> memref<128xi32, #tpu.memory_space<hbm>>
          %dma_wait3A_67 = tpu.memref_slice %arg3[%multiple_of3A] : memref<80000xi32, #tpu.memory_space<hbm>> -> memref<128xi32, #tpu.memory_space<hbm>>
          tpu.wait_dma2 semaphore(%run_scoped3A : memref<!tpu.dma_semaphore, #tpu.memory_space<semaphore_mem>>) src(%dma_wait3A_67 : memref<128xi32, #tpu.memory_space<hbm>>) dst(%arg7 : memref<128xi32, #tpu.memory_space<vmem>>)
          tpu.yield
        }) : () -> ()
        "tpu.region"() ({
          %run_scoped3A = tpu.sem_alloc : memref<!tpu.dma_semaphore, #tpu.memory_space<semaphore_mem>>
          %dma_start3A_64 = tpu.memref_slice %arg4[%multiple_of3A] : memref<80000xi32, #tpu.memory_space<hbm>> -> memref<128xi32, #tpu.memory_space<hbm>>
          %dma_start3A_65 = tpu.memref_slice %arg4[%multiple_of3A] : memref<80000xi32, #tpu.memory_space<hbm>> -> memref<128xi32, #tpu.memory_space<hbm>>
          tpu.enqueue_dma source(%dma_start3A_65 : memref<128xi32, #tpu.memory_space<hbm>>) target(%arg8 : memref<128xi32, #tpu.memory_space<vmem>>) target_semaphore(%run_scoped3A : memref<!tpu.dma_semaphore, #tpu.memory_space<semaphore_mem>>)
          %dma_wait3A_66 = tpu.memref_slice %arg4[%multiple_of3A] : memref<80000xi32, #tpu.memory_space<hbm>> -> memref<128xi32, #tpu.memory_space<hbm>>
          %dma_wait3A_67 = tpu.memref_slice %arg4[%multiple_of3A] : memref<80000xi32, #tpu.memory_space<hbm>> -> memref<128xi32, #tpu.memory_space<hbm>>
          tpu.wait_dma2 semaphore(%run_scoped3A : memref<!tpu.dma_semaphore, #tpu.memory_space<semaphore_mem>>) src(%dma_wait3A_67 : memref<128xi32, #tpu.memory_space<hbm>>) dst(%arg8 : memref<128xi32, #tpu.memory_space<vmem>>)
          tpu.yield
        }) : () -> ()
        "tpu.region"() ({
          %run_scoped3A = tpu.sem_alloc : memref<!tpu.dma_semaphore, #tpu.memory_space<semaphore_mem>>
          %dma_start3A_64 = arith.constant 0 : i32
          %dma_start3A_65 = arith.constant 0 : i32
          %dma_start3A_66 = tpu.memref_slice %arg2[%dma_start3A_64, %dma_start3A_65] : memref<10000x128xf32, #tpu.memory_space<hbm>> -> memref<10000x128xf32, #tpu.memory_space<hbm>>
          tpu.enqueue_indirect_dma source(%dma_start3A_66 : memref<10000x128xf32, #tpu.memory_space<hbm>>) target(%arg9 : memref<128x128xf32, #tpu.memory_space<vmem>>) offsets(%arg7 : memref<128xi32, #tpu.memory_space<vmem>>) semaphore(%run_scoped3A : memref<!tpu.dma_semaphore, #tpu.memory_space<semaphore_mem>>)
          %dma_wait3A_67 = arith.constant 0 : i32
          %dma_wait3A_68 = arith.constant 0 : i32
          %dma_wait3A_69 = tpu.memref_slice %arg2[%dma_wait3A_67, %dma_wait3A_68] : memref<10000x128xf32, #tpu.memory_space<hbm>> -> memref<10000x128xf32, #tpu.memory_space<hbm>>
          tpu.wait_indirect_dma semaphore(%run_scoped3A : memref<!tpu.dma_semaphore, #tpu.memory_space<semaphore_mem>>) src(%dma_wait3A_69 : memref<10000x128xf32, #tpu.memory_space<hbm>>) dst(%arg9 : memref<128x128xf32, #tpu.memory_space<vmem>>)
          tpu.yield
        }) : () -> ()
        "tpu.region"() ({
          %run_scoped3A = tpu.sem_alloc : memref<!tpu.dma_semaphore, #tpu.memory_space<semaphore_mem>>
          %dma_start3A_64 = arith.constant 0 : i32
          %dma_start3A_65 = arith.constant 0 : i32
          %dma_start3A_66 = tpu.memref_slice %arg2[%dma_start3A_64, %dma_start3A_65] : memref<10000x128xf32, #tpu.memory_space<hbm>> -> memref<10000x128xf32, #tpu.memory_space<hbm>>
          tpu.enqueue_indirect_dma source(%dma_start3A_66 : memref<10000x128xf32, #tpu.memory_space<hbm>>) target(%arg10 : memref<128x128xf32, #tpu.memory_space<vmem>>) offsets(%arg8 : memref<128xi32, #tpu.memory_space<vmem>>) semaphore(%run_scoped3A : memref<!tpu.dma_semaphore, #tpu.memory_space<semaphore_mem>>)
          %dma_wait3A_67 = arith.constant 0 : i32
          %dma_wait3A_68 = arith.constant 0 : i32
          %dma_wait3A_69 = tpu.memref_slice %arg2[%dma_wait3A_67, %dma_wait3A_68] : memref<10000x128xf32, #tpu.memory_space<hbm>> -> memref<10000x128xf32, #tpu.memory_space<hbm>>
          tpu.wait_indirect_dma semaphore(%run_scoped3A : memref<!tpu.dma_semaphore, #tpu.memory_space<semaphore_mem>>) src(%dma_wait3A_69 : memref<10000x128xf32, #tpu.memory_space<hbm>>) dst(%arg10 : memref<128x128xf32, #tpu.memory_space<vmem>>)
          tpu.yield
        }) : () -> ()
        %dma_start3A = arith.constant 0 : i32
        %dma_start3A_57 = tpu.memref_slice %arg5[%multiple_of3A, %dma_start3A] : memref<80000x128xf32, #tpu.memory_space<hbm>> -> memref<128x128xf32, #tpu.memory_space<hbm>>
        %dma_start3A_58 = arith.constant 0 : i32
        %dma_start3A_59 = tpu.memref_slice %arg5[%multiple_of3A, %dma_start3A_58] : memref<80000x128xf32, #tpu.memory_space<hbm>> -> memref<128x128xf32, #tpu.memory_space<hbm>>
        tpu.enqueue_dma source(%arg9 : memref<128x128xf32, #tpu.memory_space<vmem>>) target(%dma_start3A_59 : memref<128x128xf32, #tpu.memory_space<hbm>>) target_semaphore(%arg15 : memref<!tpu.dma_semaphore, #tpu.memory_space<semaphore_mem>>)
        %dma_start3A_60 = arith.constant 0 : i32
        %dma_start3A_61 = tpu.memref_slice %arg6[%multiple_of3A, %dma_start3A_60] : memref<80000x128xf32, #tpu.memory_space<hbm>> -> memref<128x128xf32, #tpu.memory_space<hbm>>
        %dma_start3A_62 = arith.constant 0 : i32
        %dma_start3A_63 = tpu.memref_slice %arg6[%multiple_of3A, %dma_start3A_62] : memref<80000x128xf32, #tpu.memory_space<hbm>> -> memref<128x128xf32, #tpu.memory_space<hbm>>
        tpu.enqueue_dma source(%arg10 : memref<128x128xf32, #tpu.memory_space<vmem>>) target(%dma_start3A_63 : memref<128x128xf32, #tpu.memory_space<hbm>>) target_semaphore(%arg15 : memref<!tpu.dma_semaphore, #tpu.memory_space<semaphore_mem>>)
      } else {
      }
      %mul3A_39 = arith.constant 2 : i32
      %mul3A_40 = arith.muli %mul3A_39, %scan3A_29 : i32
      %add3A_41 = arith.constant 1 : i32
      %add3A_42 = arith.addi %mul3A_40, %add3A_41 : i32
      %mul3A_43 = arith.constant 32 : i32
      %mul3A_44 = arith.muli %add3A_42, %mul3A_43 : i32
      %add3A_45 = arith.addi %add3A, %mul3A_44 : i32
      %lt3A_46 = arith.constant 625 : i32
      %lt3A_47 = arith.cmpi slt, %add3A_45, %lt3A_46 : i32
      %convert_element_type3A_48 = arith.extui %lt3A_47 : i1 to i32
      %cond3A_49 = arith.constant 0 : i32
      %cond3A_50 = arith.cmpi ne, %convert_element_type3A_48, %cond3A_49 : i32
      scf.if %cond3A_50 {
        %mul3A_51 = arith.constant 128 : i32
        %mul3A_52 = arith.muli %add3A_45, %mul3A_51 : i32
        %multiple_of3A = tpu.assume_multiple %mul3A_52, 8 : i32
        %gt3A = arith.constant 0 : i32
        %gt3A_53 = arith.cmpi sgt, %scan3A_29, %gt3A : i32
        %convert_element_type3A_54 = arith.extui %gt3A_53 : i1 to i32
        %cond3A_55 = arith.constant 0 : i32
        %cond3A_56 = arith.cmpi ne, %convert_element_type3A_54, %cond3A_55 : i32
        scf.if %cond3A_56 {
          %dma_wait3A_64 = arith.constant 0 : i32
          %dma_wait3A_65 = arith.constant 0 : i32
          %dma_wait3A_66 = tpu.memref_slice %arg5[%dma_wait3A_64, %dma_wait3A_65] : memref<80000x128xf32, #tpu.memory_space<hbm>> -> memref<128x128xf32, #tpu.memory_space<hbm>>
          %dma_wait3A_67 = arith.constant 0 : i32
          %dma_wait3A_68 = arith.constant 0 : i32
          %dma_wait3A_69 = tpu.memref_slice %arg5[%dma_wait3A_67, %dma_wait3A_68] : memref<80000x128xf32, #tpu.memory_space<hbm>> -> memref<128x128xf32, #tpu.memory_space<hbm>>
          tpu.wait_dma2 semaphore(%arg16 : memref<!tpu.dma_semaphore, #tpu.memory_space<semaphore_mem>>) src(%arg13 : memref<128x128xf32, #tpu.memory_space<vmem>>) dst(%dma_wait3A_69 : memref<128x128xf32, #tpu.memory_space<hbm>>)
          %dma_wait3A_70 = arith.constant 0 : i32
          %dma_wait3A_71 = arith.constant 0 : i32
          %dma_wait3A_72 = tpu.memref_slice %arg6[%dma_wait3A_70, %dma_wait3A_71] : memref<80000x128xf32, #tpu.memory_space<hbm>> -> memref<128x128xf32, #tpu.memory_space<hbm>>
          %dma_wait3A_73 = arith.constant 0 : i32
          %dma_wait3A_74 = arith.constant 0 : i32
          %dma_wait3A_75 = tpu.memref_slice %arg6[%dma_wait3A_73, %dma_wait3A_74] : memref<80000x128xf32, #tpu.memory_space<hbm>> -> memref<128x128xf32, #tpu.memory_space<hbm>>
          tpu.wait_dma2 semaphore(%arg16 : memref<!tpu.dma_semaphore, #tpu.memory_space<semaphore_mem>>) src(%arg14 : memref<128x128xf32, #tpu.memory_space<vmem>>) dst(%dma_wait3A_75 : memref<128x128xf32, #tpu.memory_space<hbm>>)
        } else {
        }
        "tpu.region"() ({
          %run_scoped3A = tpu.sem_alloc : memref<!tpu.dma_semaphore, #tpu.memory_space<semaphore_mem>>
          %dma_start3A_64 = tpu.memref_slice %arg3[%multiple_of3A] : memref<80000xi32, #tpu.memory_space<hbm>> -> memref<128xi32, #tpu.memory_space<hbm>>
          %dma_start3A_65 = tpu.memref_slice %arg3[%multiple_of3A] : memref<80000xi32, #tpu.memory_space<hbm>> -> memref<128xi32, #tpu.memory_space<hbm>>
          tpu.enqueue_dma source(%dma_start3A_65 : memref<128xi32, #tpu.memory_space<hbm>>) target(%arg11 : memref<128xi32, #tpu.memory_space<vmem>>) target_semaphore(%run_scoped3A : memref<!tpu.dma_semaphore, #tpu.memory_space<semaphore_mem>>)
          %dma_wait3A_66 = tpu.memref_slice %arg3[%multiple_of3A] : memref<80000xi32, #tpu.memory_space<hbm>> -> memref<128xi32, #tpu.memory_space<hbm>>
          %dma_wait3A_67 = tpu.memref_slice %arg3[%multiple_of3A] : memref<80000xi32, #tpu.memory_space<hbm>> -> memref<128xi32, #tpu.memory_space<hbm>>
          tpu.wait_dma2 semaphore(%run_scoped3A : memref<!tpu.dma_semaphore, #tpu.memory_space<semaphore_mem>>) src(%dma_wait3A_67 : memref<128xi32, #tpu.memory_space<hbm>>) dst(%arg11 : memref<128xi32, #tpu.memory_space<vmem>>)
          tpu.yield
        }) : () -> ()
        "tpu.region"() ({
          %run_scoped3A = tpu.sem_alloc : memref<!tpu.dma_semaphore, #tpu.memory_space<semaphore_mem>>
          %dma_start3A_64 = tpu.memref_slice %arg4[%multiple_of3A] : memref<80000xi32, #tpu.memory_space<hbm>> -> memref<128xi32, #tpu.memory_space<hbm>>
          %dma_start3A_65 = tpu.memref_slice %arg4[%multiple_of3A] : memref<80000xi32, #tpu.memory_space<hbm>> -> memref<128xi32, #tpu.memory_space<hbm>>
          tpu.enqueue_dma source(%dma_start3A_65 : memref<128xi32, #tpu.memory_space<hbm>>) target(%arg12 : memref<128xi32, #tpu.memory_space<vmem>>) target_semaphore(%run_scoped3A : memref<!tpu.dma_semaphore, #tpu.memory_space<semaphore_mem>>)
          %dma_wait3A_66 = tpu.memref_slice %arg4[%multiple_of3A] : memref<80000xi32, #tpu.memory_space<hbm>> -> memref<128xi32, #tpu.memory_space<hbm>>
          %dma_wait3A_67 = tpu.memref_slice %arg4[%multiple_of3A] : memref<80000xi32, #tpu.memory_space<hbm>> -> memref<128xi32, #tpu.memory_space<hbm>>
          tpu.wait_dma2 semaphore(%run_scoped3A : memref<!tpu.dma_semaphore, #tpu.memory_space<semaphore_mem>>) src(%dma_wait3A_67 : memref<128xi32, #tpu.memory_space<hbm>>) dst(%arg12 : memref<128xi32, #tpu.memory_space<vmem>>)
          tpu.yield
        }) : () -> ()
        "tpu.region"() ({
          %run_scoped3A = tpu.sem_alloc : memref<!tpu.dma_semaphore, #tpu.memory_space<semaphore_mem>>
          %dma_start3A_64 = arith.constant 0 : i32
          %dma_start3A_65 = arith.constant 0 : i32
          %dma_start3A_66 = tpu.memref_slice %arg2[%dma_start3A_64, %dma_start3A_65] : memref<10000x128xf32, #tpu.memory_space<hbm>> -> memref<10000x128xf32, #tpu.memory_space<hbm>>
          tpu.enqueue_indirect_dma source(%dma_start3A_66 : memref<10000x128xf32, #tpu.memory_space<hbm>>) target(%arg13 : memref<128x128xf32, #tpu.memory_space<vmem>>) offsets(%arg11 : memref<128xi32, #tpu.memory_space<vmem>>) semaphore(%run_scoped3A : memref<!tpu.dma_semaphore, #tpu.memory_space<semaphore_mem>>)
          %dma_wait3A_67 = arith.constant 0 : i32
          %dma_wait3A_68 = arith.constant 0 : i32
          %dma_wait3A_69 = tpu.memref_slice %arg2[%dma_wait3A_67, %dma_wait3A_68] : memref<10000x128xf32, #tpu.memory_space<hbm>> -> memref<10000x128xf32, #tpu.memory_space<hbm>>
          tpu.wait_indirect_dma semaphore(%run_scoped3A : memref<!tpu.dma_semaphore, #tpu.memory_space<semaphore_mem>>) src(%dma_wait3A_69 : memref<10000x128xf32, #tpu.memory_space<hbm>>) dst(%arg13 : memref<128x128xf32, #tpu.memory_space<vmem>>)
          tpu.yield
        }) : () -> ()
        "tpu.region"() ({
          %run_scoped3A = tpu.sem_alloc : memref<!tpu.dma_semaphore, #tpu.memory_space<semaphore_mem>>
          %dma_start3A_64 = arith.constant 0 : i32
          %dma_start3A_65 = arith.constant 0 : i32
          %dma_start3A_66 = tpu.memref_slice %arg2[%dma_start3A_64, %dma_start3A_65] : memref<10000x128xf32, #tpu.memory_space<hbm>> -> memref<10000x128xf32, #tpu.memory_space<hbm>>
          tpu.enqueue_indirect_dma source(%dma_start3A_66 : memref<10000x128xf32, #tpu.memory_space<hbm>>) target(%arg14 : memref<128x128xf32, #tpu.memory_space<vmem>>) offsets(%arg12 : memref<128xi32, #tpu.memory_space<vmem>>) semaphore(%run_scoped3A : memref<!tpu.dma_semaphore, #tpu.memory_space<semaphore_mem>>)
          %dma_wait3A_67 = arith.constant 0 : i32
          %dma_wait3A_68 = arith.constant 0 : i32
          %dma_wait3A_69 = tpu.memref_slice %arg2[%dma_wait3A_67, %dma_wait3A_68] : memref<10000x128xf32, #tpu.memory_space<hbm>> -> memref<10000x128xf32, #tpu.memory_space<hbm>>
          tpu.wait_indirect_dma semaphore(%run_scoped3A : memref<!tpu.dma_semaphore, #tpu.memory_space<semaphore_mem>>) src(%dma_wait3A_69 : memref<10000x128xf32, #tpu.memory_space<hbm>>) dst(%arg14 : memref<128x128xf32, #tpu.memory_space<vmem>>)
          tpu.yield
        }) : () -> ()
        %dma_start3A = arith.constant 0 : i32
        %dma_start3A_57 = tpu.memref_slice %arg5[%multiple_of3A, %dma_start3A] : memref<80000x128xf32, #tpu.memory_space<hbm>> -> memref<128x128xf32, #tpu.memory_space<hbm>>
        %dma_start3A_58 = arith.constant 0 : i32
        %dma_start3A_59 = tpu.memref_slice %arg5[%multiple_of3A, %dma_start3A_58] : memref<80000x128xf32, #tpu.memory_space<hbm>> -> memref<128x128xf32, #tpu.memory_space<hbm>>
        tpu.enqueue_dma source(%arg13 : memref<128x128xf32, #tpu.memory_space<vmem>>) target(%dma_start3A_59 : memref<128x128xf32, #tpu.memory_space<hbm>>) target_semaphore(%arg16 : memref<!tpu.dma_semaphore, #tpu.memory_space<semaphore_mem>>)
        %dma_start3A_60 = arith.constant 0 : i32
        %dma_start3A_61 = tpu.memref_slice %arg6[%multiple_of3A, %dma_start3A_60] : memref<80000x128xf32, #tpu.memory_space<hbm>> -> memref<128x128xf32, #tpu.memory_space<hbm>>
        %dma_start3A_62 = arith.constant 0 : i32
        %dma_start3A_63 = tpu.memref_slice %arg6[%multiple_of3A, %dma_start3A_62] : memref<80000x128xf32, #tpu.memory_space<hbm>> -> memref<128x128xf32, #tpu.memory_space<hbm>>
        tpu.enqueue_dma source(%arg14 : memref<128x128xf32, #tpu.memory_space<vmem>>) target(%dma_start3A_63 : memref<128x128xf32, #tpu.memory_space<hbm>>) target_semaphore(%arg16 : memref<!tpu.dma_semaphore, #tpu.memory_space<semaphore_mem>>)
      } else {
      }
    }
    %scan3A_5 = arith.constant 10 : i32
    %dma_wait3A = arith.constant 0 : i32
    %dma_wait3A_6 = arith.constant 0 : i32
    %dma_wait3A_7 = tpu.memref_slice %arg5[%dma_wait3A, %dma_wait3A_6] : memref<80000x128xf32, #tpu.memory_space<hbm>> -> memref<128x128xf32, #tpu.memory_space<hbm>>
    %dma_wait3A_8 = arith.constant 0 : i32
    %dma_wait3A_9 = arith.constant 0 : i32
    %dma_wait3A_10 = tpu.memref_slice %arg5[%dma_wait3A_8, %dma_wait3A_9] : memref<80000x128xf32, #tpu.memory_space<hbm>> -> memref<128x128xf32, #tpu.memory_space<hbm>>
    tpu.wait_dma2 semaphore(%arg15 : memref<!tpu.dma_semaphore, #tpu.memory_space<semaphore_mem>>) src(%arg9 : memref<128x128xf32, #tpu.memory_space<vmem>>) dst(%dma_wait3A_10 : memref<128x128xf32, #tpu.memory_space<hbm>>)
    %dma_wait3A_11 = arith.constant 0 : i32
    %dma_wait3A_12 = arith.constant 0 : i32
    %dma_wait3A_13 = tpu.memref_slice %arg6[%dma_wait3A_11, %dma_wait3A_12] : memref<80000x128xf32, #tpu.memory_space<hbm>> -> memref<128x128xf32, #tpu.memory_space<hbm>>
    %dma_wait3A_14 = arith.constant 0 : i32
    %dma_wait3A_15 = arith.constant 0 : i32
    %dma_wait3A_16 = tpu.memref_slice %arg6[%dma_wait3A_14, %dma_wait3A_15] : memref<80000x128xf32, #tpu.memory_space<hbm>> -> memref<128x128xf32, #tpu.memory_space<hbm>>
    tpu.wait_dma2 semaphore(%arg15 : memref<!tpu.dma_semaphore, #tpu.memory_space<semaphore_mem>>) src(%arg10 : memref<128x128xf32, #tpu.memory_space<vmem>>) dst(%dma_wait3A_16 : memref<128x128xf32, #tpu.memory_space<hbm>>)
    %dma_wait3A_17 = arith.constant 0 : i32
    %dma_wait3A_18 = arith.constant 0 : i32
    %dma_wait3A_19 = tpu.memref_slice %arg5[%dma_wait3A_17, %dma_wait3A_18] : memref<80000x128xf32, #tpu.memory_space<hbm>> -> memref<128x128xf32, #tpu.memory_space<hbm>>
    %dma_wait3A_20 = arith.constant 0 : i32
    %dma_wait3A_21 = arith.constant 0 : i32
    %dma_wait3A_22 = tpu.memref_slice %arg5[%dma_wait3A_20, %dma_wait3A_21] : memref<80000x128xf32, #tpu.memory_space<hbm>> -> memref<128x128xf32, #tpu.memory_space<hbm>>
    tpu.wait_dma2 semaphore(%arg16 : memref<!tpu.dma_semaphore, #tpu.memory_space<semaphore_mem>>) src(%arg13 : memref<128x128xf32, #tpu.memory_space<vmem>>) dst(%dma_wait3A_22 : memref<128x128xf32, #tpu.memory_space<hbm>>)
    %dma_wait3A_23 = arith.constant 0 : i32
    %dma_wait3A_24 = arith.constant 0 : i32
    %dma_wait3A_25 = tpu.memref_slice %arg6[%dma_wait3A_23, %dma_wait3A_24] : memref<80000x128xf32, #tpu.memory_space<hbm>> -> memref<128x128xf32, #tpu.memory_space<hbm>>
    %dma_wait3A_26 = arith.constant 0 : i32
    %dma_wait3A_27 = arith.constant 0 : i32
    %dma_wait3A_28 = tpu.memref_slice %arg6[%dma_wait3A_26, %dma_wait3A_27] : memref<80000x128xf32, #tpu.memory_space<hbm>> -> memref<128x128xf32, #tpu.memory_space<hbm>>
    tpu.wait_dma2 semaphore(%arg16 : memref<!tpu.dma_semaphore, #tpu.memory_space<semaphore_mem>>) src(%arg14 : memref<128x128xf32, #tpu.memory_space<vmem>>) dst(%dma_wait3A_28 : memref<128x128xf32, #tpu.memory_space<hbm>>)
    return
  }
}

#map = affine_map<(d0, d1) -> (0, 0)>
#map1 = affine_map<(d0, d1) -> (0)>
module attributes {stable_mosaic.version = 14 : i64} {
  func.func @_gather_body(%arg0: i32, %arg1: i32, %arg2: memref<10000x128xf32, #tpu.memory_space<hbm>>, %arg3: memref<80000xi32, #tpu.memory_space<hbm>>, %arg4: memref<80000xi32, #tpu.memory_space<hbm>>, %arg5: memref<80000x128xf32, #tpu.memory_space<hbm>>, %arg6: memref<80000x128xf32, #tpu.memory_space<hbm>>, %arg7: memref<128xi32, #tpu.memory_space<vmem>>, %arg8: memref<128xi32, #tpu.memory_space<vmem>>, %arg9: memref<128x128xf32, #tpu.memory_space<vmem>>, %arg10: memref<128x128xf32, #tpu.memory_space<vmem>>, %arg11: memref<128xi32, #tpu.memory_space<vmem>>, %arg12: memref<128xi32, #tpu.memory_space<vmem>>, %arg13: memref<128x128xf32, #tpu.memory_space<vmem>>, %arg14: memref<128x128xf32, #tpu.memory_space<vmem>>, %arg15: memref<!tpu.dma_semaphore, #tpu.memory_space<semaphore_mem>>, %arg16: memref<!tpu.dma_semaphore, #tpu.memory_space<semaphore_mem>>) attributes {dimension_semantics = [#tpu.dimension_semantics<core_parallel>, #tpu.dimension_semantics<subcore_parallel>], iteration_bounds = array<i64: 2, 16>, scalar_prefetch = 0 : i64, scratch_operands = 10 : i64, tpu.core_type = #tpu.core_type<sc_vector_subcore>, window_params = [{transform_indices = #map}, {transform_indices = #map1}, {transform_indices = #map1}, {transform_indices = #map}, {transform_indices = #map}]} {
    %mul3A = arith.constant 16 : i32
    %mul3A_0 = arith.muli %arg0, %mul3A : i32
    %add3A = arith.addi %mul3A_0, %arg1 : i32
    %scan3A = arith.constant 0 : i32
    %scan3A_1 = arith.constant 0 : i32
    %scan3A_2 = arith.constant 10 : i32
    %scan3A_3 = arith.addi %scan3A_1, %scan3A_2 : i32
    %scan3A_4 = arith.constant 1 : i32
    scf.for %scan3A_29 = %scan3A_1 to %scan3A_3 step %scan3A_4  : i32 {
      %mul3A_30 = arith.constant 2 : i32
      %mul3A_31 = arith.muli %mul3A_30, %scan3A_29 : i32
      %add3A_32 = arith.constant 0 : i32
      %add3A_33 = arith.addi %mul3A_31, %add3A_32 : i32
      %mul3A_34 = arith.constant 32 : i32
      %mul3A_35 = arith.muli %add3A_33, %mul3A_34 : i32
      %add3A_36 = arith.addi %add3A, %mul3A_35 : i32
      %lt3A = arith.constant 625 : i32
      %lt3A_37 = arith.cmpi slt, %add3A_36, %lt3A : i32
      %convert_element_type3A = arith.extui %lt3A_37 : i1 to i32
      %cond3A = arith.constant 0 : i32
      %cond3A_38 = arith.cmpi ne, %convert_element_type3A, %cond3A : i32
      scf.if %cond3A_38 {
        %mul3A_51 = arith.constant 128 : i32
        %mul3A_52 = arith.muli %add3A_36, %mul3A_51 : i32
        %multiple_of3A = tpu.assume_multiple %mul3A_52, 8 : i32
        %gt3A = arith.constant 0 : i32
        %gt3A_53 = arith.cmpi sgt, %scan3A_29, %gt3A : i32
        %convert_element_type3A_54 = arith.extui %gt3A_53 : i1 to i32
        %cond3A_55 = arith.constant 0 : i32
        %cond3A_56 = arith.cmpi ne, %convert_element_type3A_54, %cond3A_55 : i32
        scf.if %cond3A_56 {
          %dma_wait3A_64 = arith.constant 0 : i32
          %dma_wait3A_65 = arith.constant 0 : i32
          %dma_wait3A_66 = tpu.memref_slice %arg5[%dma_wait3A_64, %dma_wait3A_65] : memref<80000x128xf32, #tpu.memory_space<hbm>> -> memref<128x128xf32, #tpu.memory_space<hbm>>
          %dma_wait3A_67 = arith.constant 0 : i32
          %dma_wait3A_68 = arith.constant 0 : i32
          %dma_wait3A_69 = tpu.memref_slice %arg5[%dma_wait3A_67, %dma_wait3A_68] : memref<80000x128xf32, #tpu.memory_space<hbm>> -> memref<128x128xf32, #tpu.memory_space<hbm>>
          tpu.wait_dma2 semaphore(%arg15 : memref<!tpu.dma_semaphore, #tpu.memory_space<semaphore_mem>>) src(%arg9 : memref<128x128xf32, #tpu.memory_space<vmem>>) dst(%dma_wait3A_69 : memref<128x128xf32, #tpu.memory_space<hbm>>)
          %dma_wait3A_70 = arith.constant 0 : i32
          %dma_wait3A_71 = arith.constant 0 : i32
          %dma_wait3A_72 = tpu.memref_slice %arg6[%dma_wait3A_70, %dma_wait3A_71] : memref<80000x128xf32, #tpu.memory_space<hbm>> -> memref<128x128xf32, #tpu.memory_space<hbm>>
          %dma_wait3A_73 = arith.constant 0 : i32
          %dma_wait3A_74 = arith.constant 0 : i32
          %dma_wait3A_75 = tpu.memref_slice %arg6[%dma_wait3A_73, %dma_wait3A_74] : memref<80000x128xf32, #tpu.memory_space<hbm>> -> memref<128x128xf32, #tpu.memory_space<hbm>>
          tpu.wait_dma2 semaphore(%arg15 : memref<!tpu.dma_semaphore, #tpu.memory_space<semaphore_mem>>) src(%arg10 : memref<128x128xf32, #tpu.memory_space<vmem>>) dst(%dma_wait3A_75 : memref<128x128xf32, #tpu.memory_space<hbm>>)
        } else {
        }
        "tpu.region"() ({
          %run_scoped3A = tpu.sem_alloc : memref<!tpu.dma_semaphore, #tpu.memory_space<semaphore_mem>>
          %dma_start3A_64 = tpu.memref_slice %arg3[%multiple_of3A] : memref<80000xi32, #tpu.memory_space<hbm>> -> memref<128xi32, #tpu.memory_space<hbm>>
          %dma_start3A_65 = tpu.memref_slice %arg3[%multiple_of3A] : memref<80000xi32, #tpu.memory_space<hbm>> -> memref<128xi32, #tpu.memory_space<hbm>>
          tpu.enqueue_dma source(%dma_start3A_65 : memref<128xi32, #tpu.memory_space<hbm>>) target(%arg7 : memref<128xi32, #tpu.memory_space<vmem>>) target_semaphore(%run_scoped3A : memref<!tpu.dma_semaphore, #tpu.memory_space<semaphore_mem>>)
          %dma_wait3A_66 = tpu.memref_slice %arg3[%multiple_of3A] : memref<80000xi32, #tpu.memory_space<hbm>> -> memref<128xi32, #tpu.memory_space<hbm>>
          %dma_wait3A_67 = tpu.memref_slice %arg3[%multiple_of3A] : memref<80000xi32, #tpu.memory_space<hbm>> -> memref<128xi32, #tpu.memory_space<hbm>>
          tpu.wait_dma2 semaphore(%run_scoped3A : memref<!tpu.dma_semaphore, #tpu.memory_space<semaphore_mem>>) src(%dma_wait3A_67 : memref<128xi32, #tpu.memory_space<hbm>>) dst(%arg7 : memref<128xi32, #tpu.memory_space<vmem>>)
          tpu.yield
        }) : () -> ()
        "tpu.region"() ({
          %run_scoped3A = tpu.sem_alloc : memref<!tpu.dma_semaphore, #tpu.memory_space<semaphore_mem>>
          %dma_start3A_64 = tpu.memref_slice %arg4[%multiple_of3A] : memref<80000xi32, #tpu.memory_space<hbm>> -> memref<128xi32, #tpu.memory_space<hbm>>
          %dma_start3A_65 = tpu.memref_slice %arg4[%multiple_of3A] : memref<80000xi32, #tpu.memory_space<hbm>> -> memref<128xi32, #tpu.memory_space<hbm>>
          tpu.enqueue_dma source(%dma_start3A_65 : memref<128xi32, #tpu.memory_space<hbm>>) target(%arg8 : memref<128xi32, #tpu.memory_space<vmem>>) target_semaphore(%run_scoped3A : memref<!tpu.dma_semaphore, #tpu.memory_space<semaphore_mem>>)
          %dma_wait3A_66 = tpu.memref_slice %arg4[%multiple_of3A] : memref<80000xi32, #tpu.memory_space<hbm>> -> memref<128xi32, #tpu.memory_space<hbm>>
          %dma_wait3A_67 = tpu.memref_slice %arg4[%multiple_of3A] : memref<80000xi32, #tpu.memory_space<hbm>> -> memref<128xi32, #tpu.memory_space<hbm>>
          tpu.wait_dma2 semaphore(%run_scoped3A : memref<!tpu.dma_semaphore, #tpu.memory_space<semaphore_mem>>) src(%dma_wait3A_67 : memref<128xi32, #tpu.memory_space<hbm>>) dst(%arg8 : memref<128xi32, #tpu.memory_space<vmem>>)
          tpu.yield
        }) : () -> ()
        "tpu.region"() ({
          %run_scoped3A = tpu.sem_alloc : memref<!tpu.dma_semaphore, #tpu.memory_space<semaphore_mem>>
          %dma_start3A_64 = arith.constant 0 : i32
          %dma_start3A_65 = arith.constant 0 : i32
          %dma_start3A_66 = tpu.memref_slice %arg2[%dma_start3A_64, %dma_start3A_65] : memref<10000x128xf32, #tpu.memory_space<hbm>> -> memref<10000x128xf32, #tpu.memory_space<hbm>>
          tpu.enqueue_indirect_dma source(%dma_start3A_66 : memref<10000x128xf32, #tpu.memory_space<hbm>>) target(%arg9 : memref<128x128xf32, #tpu.memory_space<vmem>>) offsets(%arg7 : memref<128xi32, #tpu.memory_space<vmem>>) semaphore(%run_scoped3A : memref<!tpu.dma_semaphore, #tpu.memory_space<semaphore_mem>>)
          %dma_wait3A_67 = arith.constant 0 : i32
          %dma_wait3A_68 = arith.constant 0 : i32
          %dma_wait3A_69 = tpu.memref_slice %arg2[%dma_wait3A_67, %dma_wait3A_68] : memref<10000x128xf32, #tpu.memory_space<hbm>> -> memref<10000x128xf32, #tpu.memory_space<hbm>>
          tpu.wait_indirect_dma semaphore(%run_scoped3A : memref<!tpu.dma_semaphore, #tpu.memory_space<semaphore_mem>>) src(%dma_wait3A_69 : memref<10000x128xf32, #tpu.memory_space<hbm>>) dst(%arg9 : memref<128x128xf32, #tpu.memory_space<vmem>>)
          tpu.yield
        }) : () -> ()
        "tpu.region"() ({
          %run_scoped3A = tpu.sem_alloc : memref<!tpu.dma_semaphore, #tpu.memory_space<semaphore_mem>>
          %dma_start3A_64 = arith.constant 0 : i32
          %dma_start3A_65 = arith.constant 0 : i32
          %dma_start3A_66 = tpu.memref_slice %arg2[%dma_start3A_64, %dma_start3A_65] : memref<10000x128xf32, #tpu.memory_space<hbm>> -> memref<10000x128xf32, #tpu.memory_space<hbm>>
          tpu.enqueue_indirect_dma source(%dma_start3A_66 : memref<10000x128xf32, #tpu.memory_space<hbm>>) target(%arg10 : memref<128x128xf32, #tpu.memory_space<vmem>>) offsets(%arg8 : memref<128xi32, #tpu.memory_space<vmem>>) semaphore(%run_scoped3A : memref<!tpu.dma_semaphore, #tpu.memory_space<semaphore_mem>>)
          %dma_wait3A_67 = arith.constant 0 : i32
          %dma_wait3A_68 = arith.constant 0 : i32
          %dma_wait3A_69 = tpu.memref_slice %arg2[%dma_wait3A_67, %dma_wait3A_68] : memref<10000x128xf32, #tpu.memory_space<hbm>> -> memref<10000x128xf32, #tpu.memory_space<hbm>>
          tpu.wait_indirect_dma semaphore(%run_scoped3A : memref<!tpu.dma_semaphore, #tpu.memory_space<semaphore_mem>>) src(%dma_wait3A_69 : memref<10000x128xf32, #tpu.memory_space<hbm>>) dst(%arg10 : memref<128x128xf32, #tpu.memory_space<vmem>>)
          tpu.yield
        }) : () -> ()
        %dma_start3A = arith.constant 0 : i32
        %dma_start3A_57 = tpu.memref_slice %arg5[%multiple_of3A, %dma_start3A] : memref<80000x128xf32, #tpu.memory_space<hbm>> -> memref<128x128xf32, #tpu.memory_space<hbm>>
        %dma_start3A_58 = arith.constant 0 : i32
        %dma_start3A_59 = tpu.memref_slice %arg5[%multiple_of3A, %dma_start3A_58] : memref<80000x128xf32, #tpu.memory_space<hbm>> -> memref<128x128xf32, #tpu.memory_space<hbm>>
        tpu.enqueue_dma source(%arg9 : memref<128x128xf32, #tpu.memory_space<vmem>>) target(%dma_start3A_59 : memref<128x128xf32, #tpu.memory_space<hbm>>) target_semaphore(%arg15 : memref<!tpu.dma_semaphore, #tpu.memory_space<semaphore_mem>>)
        %dma_start3A_60 = arith.constant 0 : i32
        %dma_start3A_61 = tpu.memref_slice %arg6[%multiple_of3A, %dma_start3A_60] : memref<80000x128xf32, #tpu.memory_space<hbm>> -> memref<128x128xf32, #tpu.memory_space<hbm>>
        %dma_start3A_62 = arith.constant 0 : i32
        %dma_start3A_63 = tpu.memref_slice %arg6[%multiple_of3A, %dma_start3A_62] : memref<80000x128xf32, #tpu.memory_space<hbm>> -> memref<128x128xf32, #tpu.memory_space<hbm>>
        tpu.enqueue_dma source(%arg10 : memref<128x128xf32, #tpu.memory_space<vmem>>) target(%dma_start3A_63 : memref<128x128xf32, #tpu.memory_space<hbm>>) target_semaphore(%arg15 : memref<!tpu.dma_semaphore, #tpu.memory_space<semaphore_mem>>)
      } else {
      }
      %mul3A_39 = arith.constant 2 : i32
      %mul3A_40 = arith.muli %mul3A_39, %scan3A_29 : i32
      %add3A_41 = arith.constant 1 : i32
      %add3A_42 = arith.addi %mul3A_40, %add3A_41 : i32
      %mul3A_43 = arith.constant 32 : i32
      %mul3A_44 = arith.muli %add3A_42, %mul3A_43 : i32
      %add3A_45 = arith.addi %add3A, %mul3A_44 : i32
      %lt3A_46 = arith.constant 625 : i32
      %lt3A_47 = arith.cmpi slt, %add3A_45, %lt3A_46 : i32
      %convert_element_type3A_48 = arith.extui %lt3A_47 : i1 to i32
      %cond3A_49 = arith.constant 0 : i32
      %cond3A_50 = arith.cmpi ne, %convert_element_type3A_48, %cond3A_49 : i32
      scf.if %cond3A_50 {
        %mul3A_51 = arith.constant 128 : i32
        %mul3A_52 = arith.muli %add3A_45, %mul3A_51 : i32
        %multiple_of3A = tpu.assume_multiple %mul3A_52, 8 : i32
        %gt3A = arith.constant 0 : i32
        %gt3A_53 = arith.cmpi sgt, %scan3A_29, %gt3A : i32
        %convert_element_type3A_54 = arith.extui %gt3A_53 : i1 to i32
        %cond3A_55 = arith.constant 0 : i32
        %cond3A_56 = arith.cmpi ne, %convert_element_type3A_54, %cond3A_55 : i32
        scf.if %cond3A_56 {
          %dma_wait3A_64 = arith.constant 0 : i32
          %dma_wait3A_65 = arith.constant 0 : i32
          %dma_wait3A_66 = tpu.memref_slice %arg5[%dma_wait3A_64, %dma_wait3A_65] : memref<80000x128xf32, #tpu.memory_space<hbm>> -> memref<128x128xf32, #tpu.memory_space<hbm>>
          %dma_wait3A_67 = arith.constant 0 : i32
          %dma_wait3A_68 = arith.constant 0 : i32
          %dma_wait3A_69 = tpu.memref_slice %arg5[%dma_wait3A_67, %dma_wait3A_68] : memref<80000x128xf32, #tpu.memory_space<hbm>> -> memref<128x128xf32, #tpu.memory_space<hbm>>
          tpu.wait_dma2 semaphore(%arg16 : memref<!tpu.dma_semaphore, #tpu.memory_space<semaphore_mem>>) src(%arg13 : memref<128x128xf32, #tpu.memory_space<vmem>>) dst(%dma_wait3A_69 : memref<128x128xf32, #tpu.memory_space<hbm>>)
          %dma_wait3A_70 = arith.constant 0 : i32
          %dma_wait3A_71 = arith.constant 0 : i32
          %dma_wait3A_72 = tpu.memref_slice %arg6[%dma_wait3A_70, %dma_wait3A_71] : memref<80000x128xf32, #tpu.memory_space<hbm>> -> memref<128x128xf32, #tpu.memory_space<hbm>>
          %dma_wait3A_73 = arith.constant 0 : i32
          %dma_wait3A_74 = arith.constant 0 : i32
          %dma_wait3A_75 = tpu.memref_slice %arg6[%dma_wait3A_73, %dma_wait3A_74] : memref<80000x128xf32, #tpu.memory_space<hbm>> -> memref<128x128xf32, #tpu.memory_space<hbm>>
          tpu.wait_dma2 semaphore(%arg16 : memref<!tpu.dma_semaphore, #tpu.memory_space<semaphore_mem>>) src(%arg14 : memref<128x128xf32, #tpu.memory_space<vmem>>) dst(%dma_wait3A_75 : memref<128x128xf32, #tpu.memory_space<hbm>>)
        } else {
        }
        "tpu.region"() ({
          %run_scoped3A = tpu.sem_alloc : memref<!tpu.dma_semaphore, #tpu.memory_space<semaphore_mem>>
          %dma_start3A_64 = tpu.memref_slice %arg3[%multiple_of3A] : memref<80000xi32, #tpu.memory_space<hbm>> -> memref<128xi32, #tpu.memory_space<hbm>>
          %dma_start3A_65 = tpu.memref_slice %arg3[%multiple_of3A] : memref<80000xi32, #tpu.memory_space<hbm>> -> memref<128xi32, #tpu.memory_space<hbm>>
          tpu.enqueue_dma source(%dma_start3A_65 : memref<128xi32, #tpu.memory_space<hbm>>) target(%arg11 : memref<128xi32, #tpu.memory_space<vmem>>) target_semaphore(%run_scoped3A : memref<!tpu.dma_semaphore, #tpu.memory_space<semaphore_mem>>)
          %dma_wait3A_66 = tpu.memref_slice %arg3[%multiple_of3A] : memref<80000xi32, #tpu.memory_space<hbm>> -> memref<128xi32, #tpu.memory_space<hbm>>
          %dma_wait3A_67 = tpu.memref_slice %arg3[%multiple_of3A] : memref<80000xi32, #tpu.memory_space<hbm>> -> memref<128xi32, #tpu.memory_space<hbm>>
          tpu.wait_dma2 semaphore(%run_scoped3A : memref<!tpu.dma_semaphore, #tpu.memory_space<semaphore_mem>>) src(%dma_wait3A_67 : memref<128xi32, #tpu.memory_space<hbm>>) dst(%arg11 : memref<128xi32, #tpu.memory_space<vmem>>)
          tpu.yield
        }) : () -> ()
        "tpu.region"() ({
          %run_scoped3A = tpu.sem_alloc : memref<!tpu.dma_semaphore, #tpu.memory_space<semaphore_mem>>
          %dma_start3A_64 = tpu.memref_slice %arg4[%multiple_of3A] : memref<80000xi32, #tpu.memory_space<hbm>> -> memref<128xi32, #tpu.memory_space<hbm>>
          %dma_start3A_65 = tpu.memref_slice %arg4[%multiple_of3A] : memref<80000xi32, #tpu.memory_space<hbm>> -> memref<128xi32, #tpu.memory_space<hbm>>
          tpu.enqueue_dma source(%dma_start3A_65 : memref<128xi32, #tpu.memory_space<hbm>>) target(%arg12 : memref<128xi32, #tpu.memory_space<vmem>>) target_semaphore(%run_scoped3A : memref<!tpu.dma_semaphore, #tpu.memory_space<semaphore_mem>>)
          %dma_wait3A_66 = tpu.memref_slice %arg4[%multiple_of3A] : memref<80000xi32, #tpu.memory_space<hbm>> -> memref<128xi32, #tpu.memory_space<hbm>>
          %dma_wait3A_67 = tpu.memref_slice %arg4[%multiple_of3A] : memref<80000xi32, #tpu.memory_space<hbm>> -> memref<128xi32, #tpu.memory_space<hbm>>
          tpu.wait_dma2 semaphore(%run_scoped3A : memref<!tpu.dma_semaphore, #tpu.memory_space<semaphore_mem>>) src(%dma_wait3A_67 : memref<128xi32, #tpu.memory_space<hbm>>) dst(%arg12 : memref<128xi32, #tpu.memory_space<vmem>>)
          tpu.yield
        }) : () -> ()
        "tpu.region"() ({
          %run_scoped3A = tpu.sem_alloc : memref<!tpu.dma_semaphore, #tpu.memory_space<semaphore_mem>>
          %dma_start3A_64 = arith.constant 0 : i32
          %dma_start3A_65 = arith.constant 0 : i32
          %dma_start3A_66 = tpu.memref_slice %arg2[%dma_start3A_64, %dma_start3A_65] : memref<10000x128xf32, #tpu.memory_space<hbm>> -> memref<10000x128xf32, #tpu.memory_space<hbm>>
          tpu.enqueue_indirect_dma source(%dma_start3A_66 : memref<10000x128xf32, #tpu.memory_space<hbm>>) target(%arg13 : memref<128x128xf32, #tpu.memory_space<vmem>>) offsets(%arg11 : memref<128xi32, #tpu.memory_space<vmem>>) semaphore(%run_scoped3A : memref<!tpu.dma_semaphore, #tpu.memory_space<semaphore_mem>>)
          %dma_wait3A_67 = arith.constant 0 : i32
          %dma_wait3A_68 = arith.constant 0 : i32
          %dma_wait3A_69 = tpu.memref_slice %arg2[%dma_wait3A_67, %dma_wait3A_68] : memref<10000x128xf32, #tpu.memory_space<hbm>> -> memref<10000x128xf32, #tpu.memory_space<hbm>>
          tpu.wait_indirect_dma semaphore(%run_scoped3A : memref<!tpu.dma_semaphore, #tpu.memory_space<semaphore_mem>>) src(%dma_wait3A_69 : memref<10000x128xf32, #tpu.memory_space<hbm>>) dst(%arg13 : memref<128x128xf32, #tpu.memory_space<vmem>>)
          tpu.yield
        }) : () -> ()
        "tpu.region"() ({
          %run_scoped3A = tpu.sem_alloc : memref<!tpu.dma_semaphore, #tpu.memory_space<semaphore_mem>>
          %dma_start3A_64 = arith.constant 0 : i32
          %dma_start3A_65 = arith.constant 0 : i32
          %dma_start3A_66 = tpu.memref_slice %arg2[%dma_start3A_64, %dma_start3A_65] : memref<10000x128xf32, #tpu.memory_space<hbm>> -> memref<10000x128xf32, #tpu.memory_space<hbm>>
          tpu.enqueue_indirect_dma source(%dma_start3A_66 : memref<10000x128xf32, #tpu.memory_space<hbm>>) target(%arg14 : memref<128x128xf32, #tpu.memory_space<vmem>>) offsets(%arg12 : memref<128xi32, #tpu.memory_space<vmem>>) semaphore(%run_scoped3A : memref<!tpu.dma_semaphore, #tpu.memory_space<semaphore_mem>>)
          %dma_wait3A_67 = arith.constant 0 : i32
          %dma_wait3A_68 = arith.constant 0 : i32
          %dma_wait3A_69 = tpu.memref_slice %arg2[%dma_wait3A_67, %dma_wait3A_68] : memref<10000x128xf32, #tpu.memory_space<hbm>> -> memref<10000x128xf32, #tpu.memory_space<hbm>>
          tpu.wait_indirect_dma semaphore(%run_scoped3A : memref<!tpu.dma_semaphore, #tpu.memory_space<semaphore_mem>>) src(%dma_wait3A_69 : memref<10000x128xf32, #tpu.memory_space<hbm>>) dst(%arg14 : memref<128x128xf32, #tpu.memory_space<vmem>>)
          tpu.yield
        }) : () -> ()
        %dma_start3A = arith.constant 0 : i32
        %dma_start3A_57 = tpu.memref_slice %arg5[%multiple_of3A, %dma_start3A] : memref<80000x128xf32, #tpu.memory_space<hbm>> -> memref<128x128xf32, #tpu.memory_space<hbm>>
        %dma_start3A_58 = arith.constant 0 : i32
        %dma_start3A_59 = tpu.memref_slice %arg5[%multiple_of3A, %dma_start3A_58] : memref<80000x128xf32, #tpu.memory_space<hbm>> -> memref<128x128xf32, #tpu.memory_space<hbm>>
        tpu.enqueue_dma source(%arg13 : memref<128x128xf32, #tpu.memory_space<vmem>>) target(%dma_start3A_59 : memref<128x128xf32, #tpu.memory_space<hbm>>) target_semaphore(%arg16 : memref<!tpu.dma_semaphore, #tpu.memory_space<semaphore_mem>>)
        %dma_start3A_60 = arith.constant 0 : i32
        %dma_start3A_61 = tpu.memref_slice %arg6[%multiple_of3A, %dma_start3A_60] : memref<80000x128xf32, #tpu.memory_space<hbm>> -> memref<128x128xf32, #tpu.memory_space<hbm>>
        %dma_start3A_62 = arith.constant 0 : i32
        %dma_start3A_63 = tpu.memref_slice %arg6[%multiple_of3A, %dma_start3A_62] : memref<80000x128xf32, #tpu.memory_space<hbm>> -> memref<128x128xf32, #tpu.memory_space<hbm>>
        tpu.enqueue_dma source(%arg14 : memref<128x128xf32, #tpu.memory_space<vmem>>) target(%dma_start3A_63 : memref<128x128xf32, #tpu.memory_space<hbm>>) target_semaphore(%arg16 : memref<!tpu.dma_semaphore, #tpu.memory_space<semaphore_mem>>)
      } else {
      }
    }
    %scan3A_5 = arith.constant 10 : i32
    %dma_wait3A = arith.constant 0 : i32
    %dma_wait3A_6 = arith.constant 0 : i32
    %dma_wait3A_7 = tpu.memref_slice %arg5[%dma_wait3A, %dma_wait3A_6] : memref<80000x128xf32, #tpu.memory_space<hbm>> -> memref<128x128xf32, #tpu.memory_space<hbm>>
    %dma_wait3A_8 = arith.constant 0 : i32
    %dma_wait3A_9 = arith.constant 0 : i32
    %dma_wait3A_10 = tpu.memref_slice %arg5[%dma_wait3A_8, %dma_wait3A_9] : memref<80000x128xf32, #tpu.memory_space<hbm>> -> memref<128x128xf32, #tpu.memory_space<hbm>>
    tpu.wait_dma2 semaphore(%arg15 : memref<!tpu.dma_semaphore, #tpu.memory_space<semaphore_mem>>) src(%arg9 : memref<128x128xf32, #tpu.memory_space<vmem>>) dst(%dma_wait3A_10 : memref<128x128xf32, #tpu.memory_space<hbm>>)
    %dma_wait3A_11 = arith.constant 0 : i32
    %dma_wait3A_12 = arith.constant 0 : i32
    %dma_wait3A_13 = tpu.memref_slice %arg6[%dma_wait3A_11, %dma_wait3A_12] : memref<80000x128xf32, #tpu.memory_space<hbm>> -> memref<128x128xf32, #tpu.memory_space<hbm>>
    %dma_wait3A_14 = arith.constant 0 : i32
    %dma_wait3A_15 = arith.constant 0 : i32
    %dma_wait3A_16 = tpu.memref_slice %arg6[%dma_wait3A_14, %dma_wait3A_15] : memref<80000x128xf32, #tpu.memory_space<hbm>> -> memref<128x128xf32, #tpu.memory_space<hbm>>
    tpu.wait_dma2 semaphore(%arg15 : memref<!tpu.dma_semaphore, #tpu.memory_space<semaphore_mem>>) src(%arg10 : memref<128x128xf32, #tpu.memory_space<vmem>>) dst(%dma_wait3A_16 : memref<128x128xf32, #tpu.memory_space<hbm>>)
    %dma_wait3A_17 = arith.constant 0 : i32
    %dma_wait3A_18 = arith.constant 0 : i32
    %dma_wait3A_19 = tpu.memref_slice %arg5[%dma_wait3A_17, %dma_wait3A_18] : memref<80000x128xf32, #tpu.memory_space<hbm>> -> memref<128x128xf32, #tpu.memory_space<hbm>>
    %dma_wait3A_20 = arith.constant 0 : i32
    %dma_wait3A_21 = arith.constant 0 : i32
    %dma_wait3A_22 = tpu.memref_slice %arg5[%dma_wait3A_20, %dma_wait3A_21] : memref<80000x128xf32, #tpu.memory_space<hbm>> -> memref<128x128xf32, #tpu.memory_space<hbm>>
    tpu.wait_dma2 semaphore(%arg16 : memref<!tpu.dma_semaphore, #tpu.memory_space<semaphore_mem>>) src(%arg13 : memref<128x128xf32, #tpu.memory_space<vmem>>) dst(%dma_wait3A_22 : memref<128x128xf32, #tpu.memory_space<hbm>>)
    %dma_wait3A_23 = arith.constant 0 : i32
    %dma_wait3A_24 = arith.constant 0 : i32
    %dma_wait3A_25 = tpu.memref_slice %arg6[%dma_wait3A_23, %dma_wait3A_24] : memref<80000x128xf32, #tpu.memory_space<hbm>> -> memref<128x128xf32, #tpu.memory_space<hbm>>
    %dma_wait3A_26 = arith.constant 0 : i32
    %dma_wait3A_27 = arith.constant 0 : i32
    %dma_wait3A_28 = tpu.memref_slice %arg6[%dma_wait3A_26, %dma_wait3A_27] : memref<80000x128xf32, #tpu.memory_space<hbm>> -> memref<128x128xf32, #tpu.memory_space<hbm>>
    tpu.wait_dma2 semaphore(%arg16 : memref<!tpu.dma_semaphore, #tpu.memory_space<semaphore_mem>>) src(%arg14 : memref<128x128xf32, #tpu.memory_space<vmem>>) dst(%dma_wait3A_28 : memref<128x128xf32, #tpu.memory_space<hbm>>)
    return
  }
}

#map = affine_map<(d0, d1) -> (0, 0)>
#map1 = affine_map<(d0, d1) -> (0)>
module attributes {stable_mosaic.version = 14 : i64} {
  func.func @_gather_body(%arg0: i32, %arg1: i32, %arg2: memref<10000x128xf32, #tpu.memory_space<hbm>>, %arg3: memref<80000xi32, #tpu.memory_space<hbm>>, %arg4: memref<80000xi32, #tpu.memory_space<hbm>>, %arg5: memref<80000x128xf32, #tpu.memory_space<hbm>>, %arg6: memref<80000x128xf32, #tpu.memory_space<hbm>>, %arg7: memref<128xi32, #tpu.memory_space<vmem>>, %arg8: memref<128xi32, #tpu.memory_space<vmem>>, %arg9: memref<128x128xf32, #tpu.memory_space<vmem>>, %arg10: memref<128x128xf32, #tpu.memory_space<vmem>>, %arg11: memref<128xi32, #tpu.memory_space<vmem>>, %arg12: memref<128xi32, #tpu.memory_space<vmem>>, %arg13: memref<128x128xf32, #tpu.memory_space<vmem>>, %arg14: memref<128x128xf32, #tpu.memory_space<vmem>>, %arg15: memref<!tpu.dma_semaphore, #tpu.memory_space<semaphore_mem>>, %arg16: memref<!tpu.dma_semaphore, #tpu.memory_space<semaphore_mem>>) attributes {dimension_semantics = [#tpu.dimension_semantics<core_parallel>, #tpu.dimension_semantics<subcore_parallel>], iteration_bounds = array<i64: 2, 16>, scalar_prefetch = 0 : i64, scratch_operands = 10 : i64, tpu.core_type = #tpu.core_type<sc_vector_subcore>, window_params = [{transform_indices = #map}, {transform_indices = #map1}, {transform_indices = #map1}, {transform_indices = #map}, {transform_indices = #map}]} {
    %mul3A = arith.constant 16 : i32
    %mul3A_0 = arith.muli %arg0, %mul3A : i32
    %add3A = arith.addi %mul3A_0, %arg1 : i32
    %scan3A = arith.constant 0 : i32
    %scan3A_1 = arith.constant 0 : i32
    %scan3A_2 = arith.constant 10 : i32
    %scan3A_3 = arith.addi %scan3A_1, %scan3A_2 : i32
    %scan3A_4 = arith.constant 1 : i32
    scf.for %scan3A_29 = %scan3A_1 to %scan3A_3 step %scan3A_4  : i32 {
      %mul3A_30 = arith.constant 2 : i32
      %mul3A_31 = arith.muli %mul3A_30, %scan3A_29 : i32
      %add3A_32 = arith.constant 0 : i32
      %add3A_33 = arith.addi %mul3A_31, %add3A_32 : i32
      %mul3A_34 = arith.constant 32 : i32
      %mul3A_35 = arith.muli %add3A_33, %mul3A_34 : i32
      %add3A_36 = arith.addi %add3A, %mul3A_35 : i32
      %lt3A = arith.constant 625 : i32
      %lt3A_37 = arith.cmpi slt, %add3A_36, %lt3A : i32
      %convert_element_type3A = arith.extui %lt3A_37 : i1 to i32
      %cond3A = arith.constant 0 : i32
      %cond3A_38 = arith.cmpi ne, %convert_element_type3A, %cond3A : i32
      scf.if %cond3A_38 {
        %mul3A_51 = arith.constant 128 : i32
        %mul3A_52 = arith.muli %add3A_36, %mul3A_51 : i32
        %multiple_of3A = tpu.assume_multiple %mul3A_52, 8 : i32
        %gt3A = arith.constant 0 : i32
        %gt3A_53 = arith.cmpi sgt, %scan3A_29, %gt3A : i32
        %convert_element_type3A_54 = arith.extui %gt3A_53 : i1 to i32
        %cond3A_55 = arith.constant 0 : i32
        %cond3A_56 = arith.cmpi ne, %convert_element_type3A_54, %cond3A_55 : i32
        scf.if %cond3A_56 {
          %dma_wait3A_64 = arith.constant 0 : i32
          %dma_wait3A_65 = arith.constant 0 : i32
          %dma_wait3A_66 = tpu.memref_slice %arg5[%dma_wait3A_64, %dma_wait3A_65] : memref<80000x128xf32, #tpu.memory_space<hbm>> -> memref<128x128xf32, #tpu.memory_space<hbm>>
          %dma_wait3A_67 = arith.constant 0 : i32
          %dma_wait3A_68 = arith.constant 0 : i32
          %dma_wait3A_69 = tpu.memref_slice %arg5[%dma_wait3A_67, %dma_wait3A_68] : memref<80000x128xf32, #tpu.memory_space<hbm>> -> memref<128x128xf32, #tpu.memory_space<hbm>>
          tpu.wait_dma2 semaphore(%arg15 : memref<!tpu.dma_semaphore, #tpu.memory_space<semaphore_mem>>) src(%arg9 : memref<128x128xf32, #tpu.memory_space<vmem>>) dst(%dma_wait3A_69 : memref<128x128xf32, #tpu.memory_space<hbm>>)
          %dma_wait3A_70 = arith.constant 0 : i32
          %dma_wait3A_71 = arith.constant 0 : i32
          %dma_wait3A_72 = tpu.memref_slice %arg6[%dma_wait3A_70, %dma_wait3A_71] : memref<80000x128xf32, #tpu.memory_space<hbm>> -> memref<128x128xf32, #tpu.memory_space<hbm>>
          %dma_wait3A_73 = arith.constant 0 : i32
          %dma_wait3A_74 = arith.constant 0 : i32
          %dma_wait3A_75 = tpu.memref_slice %arg6[%dma_wait3A_73, %dma_wait3A_74] : memref<80000x128xf32, #tpu.memory_space<hbm>> -> memref<128x128xf32, #tpu.memory_space<hbm>>
          tpu.wait_dma2 semaphore(%arg15 : memref<!tpu.dma_semaphore, #tpu.memory_space<semaphore_mem>>) src(%arg10 : memref<128x128xf32, #tpu.memory_space<vmem>>) dst(%dma_wait3A_75 : memref<128x128xf32, #tpu.memory_space<hbm>>)
        } else {
        }
        "tpu.region"() ({
          %run_scoped3A = tpu.sem_alloc : memref<!tpu.dma_semaphore, #tpu.memory_space<semaphore_mem>>
          %dma_start3A_64 = tpu.memref_slice %arg3[%multiple_of3A] : memref<80000xi32, #tpu.memory_space<hbm>> -> memref<128xi32, #tpu.memory_space<hbm>>
          %dma_start3A_65 = tpu.memref_slice %arg3[%multiple_of3A] : memref<80000xi32, #tpu.memory_space<hbm>> -> memref<128xi32, #tpu.memory_space<hbm>>
          tpu.enqueue_dma source(%dma_start3A_65 : memref<128xi32, #tpu.memory_space<hbm>>) target(%arg7 : memref<128xi32, #tpu.memory_space<vmem>>) target_semaphore(%run_scoped3A : memref<!tpu.dma_semaphore, #tpu.memory_space<semaphore_mem>>)
          %dma_wait3A_66 = tpu.memref_slice %arg3[%multiple_of3A] : memref<80000xi32, #tpu.memory_space<hbm>> -> memref<128xi32, #tpu.memory_space<hbm>>
          %dma_wait3A_67 = tpu.memref_slice %arg3[%multiple_of3A] : memref<80000xi32, #tpu.memory_space<hbm>> -> memref<128xi32, #tpu.memory_space<hbm>>
          tpu.wait_dma2 semaphore(%run_scoped3A : memref<!tpu.dma_semaphore, #tpu.memory_space<semaphore_mem>>) src(%dma_wait3A_67 : memref<128xi32, #tpu.memory_space<hbm>>) dst(%arg7 : memref<128xi32, #tpu.memory_space<vmem>>)
          tpu.yield
        }) : () -> ()
        "tpu.region"() ({
          %run_scoped3A = tpu.sem_alloc : memref<!tpu.dma_semaphore, #tpu.memory_space<semaphore_mem>>
          %dma_start3A_64 = tpu.memref_slice %arg4[%multiple_of3A] : memref<80000xi32, #tpu.memory_space<hbm>> -> memref<128xi32, #tpu.memory_space<hbm>>
          %dma_start3A_65 = tpu.memref_slice %arg4[%multiple_of3A] : memref<80000xi32, #tpu.memory_space<hbm>> -> memref<128xi32, #tpu.memory_space<hbm>>
          tpu.enqueue_dma source(%dma_start3A_65 : memref<128xi32, #tpu.memory_space<hbm>>) target(%arg8 : memref<128xi32, #tpu.memory_space<vmem>>) target_semaphore(%run_scoped3A : memref<!tpu.dma_semaphore, #tpu.memory_space<semaphore_mem>>)
          %dma_wait3A_66 = tpu.memref_slice %arg4[%multiple_of3A] : memref<80000xi32, #tpu.memory_space<hbm>> -> memref<128xi32, #tpu.memory_space<hbm>>
          %dma_wait3A_67 = tpu.memref_slice %arg4[%multiple_of3A] : memref<80000xi32, #tpu.memory_space<hbm>> -> memref<128xi32, #tpu.memory_space<hbm>>
          tpu.wait_dma2 semaphore(%run_scoped3A : memref<!tpu.dma_semaphore, #tpu.memory_space<semaphore_mem>>) src(%dma_wait3A_67 : memref<128xi32, #tpu.memory_space<hbm>>) dst(%arg8 : memref<128xi32, #tpu.memory_space<vmem>>)
          tpu.yield
        }) : () -> ()
        "tpu.region"() ({
          %run_scoped3A = tpu.sem_alloc : memref<!tpu.dma_semaphore, #tpu.memory_space<semaphore_mem>>
          %dma_start3A_64 = arith.constant 0 : i32
          %dma_start3A_65 = arith.constant 0 : i32
          %dma_start3A_66 = tpu.memref_slice %arg2[%dma_start3A_64, %dma_start3A_65] : memref<10000x128xf32, #tpu.memory_space<hbm>> -> memref<10000x128xf32, #tpu.memory_space<hbm>>
          tpu.enqueue_indirect_dma source(%dma_start3A_66 : memref<10000x128xf32, #tpu.memory_space<hbm>>) target(%arg9 : memref<128x128xf32, #tpu.memory_space<vmem>>) offsets(%arg7 : memref<128xi32, #tpu.memory_space<vmem>>) semaphore(%run_scoped3A : memref<!tpu.dma_semaphore, #tpu.memory_space<semaphore_mem>>)
          %dma_wait3A_67 = arith.constant 0 : i32
          %dma_wait3A_68 = arith.constant 0 : i32
          %dma_wait3A_69 = tpu.memref_slice %arg2[%dma_wait3A_67, %dma_wait3A_68] : memref<10000x128xf32, #tpu.memory_space<hbm>> -> memref<10000x128xf32, #tpu.memory_space<hbm>>
          tpu.wait_indirect_dma semaphore(%run_scoped3A : memref<!tpu.dma_semaphore, #tpu.memory_space<semaphore_mem>>) src(%dma_wait3A_69 : memref<10000x128xf32, #tpu.memory_space<hbm>>) dst(%arg9 : memref<128x128xf32, #tpu.memory_space<vmem>>)
          tpu.yield
        }) : () -> ()
        "tpu.region"() ({
          %run_scoped3A = tpu.sem_alloc : memref<!tpu.dma_semaphore, #tpu.memory_space<semaphore_mem>>
          %dma_start3A_64 = arith.constant 0 : i32
          %dma_start3A_65 = arith.constant 0 : i32
          %dma_start3A_66 = tpu.memref_slice %arg2[%dma_start3A_64, %dma_start3A_65] : memref<10000x128xf32, #tpu.memory_space<hbm>> -> memref<10000x128xf32, #tpu.memory_space<hbm>>
          tpu.enqueue_indirect_dma source(%dma_start3A_66 : memref<10000x128xf32, #tpu.memory_space<hbm>>) target(%arg10 : memref<128x128xf32, #tpu.memory_space<vmem>>) offsets(%arg8 : memref<128xi32, #tpu.memory_space<vmem>>) semaphore(%run_scoped3A : memref<!tpu.dma_semaphore, #tpu.memory_space<semaphore_mem>>)
          %dma_wait3A_67 = arith.constant 0 : i32
          %dma_wait3A_68 = arith.constant 0 : i32
          %dma_wait3A_69 = tpu.memref_slice %arg2[%dma_wait3A_67, %dma_wait3A_68] : memref<10000x128xf32, #tpu.memory_space<hbm>> -> memref<10000x128xf32, #tpu.memory_space<hbm>>
          tpu.wait_indirect_dma semaphore(%run_scoped3A : memref<!tpu.dma_semaphore, #tpu.memory_space<semaphore_mem>>) src(%dma_wait3A_69 : memref<10000x128xf32, #tpu.memory_space<hbm>>) dst(%arg10 : memref<128x128xf32, #tpu.memory_space<vmem>>)
          tpu.yield
        }) : () -> ()
        %dma_start3A = arith.constant 0 : i32
        %dma_start3A_57 = tpu.memref_slice %arg5[%multiple_of3A, %dma_start3A] : memref<80000x128xf32, #tpu.memory_space<hbm>> -> memref<128x128xf32, #tpu.memory_space<hbm>>
        %dma_start3A_58 = arith.constant 0 : i32
        %dma_start3A_59 = tpu.memref_slice %arg5[%multiple_of3A, %dma_start3A_58] : memref<80000x128xf32, #tpu.memory_space<hbm>> -> memref<128x128xf32, #tpu.memory_space<hbm>>
        tpu.enqueue_dma source(%arg9 : memref<128x128xf32, #tpu.memory_space<vmem>>) target(%dma_start3A_59 : memref<128x128xf32, #tpu.memory_space<hbm>>) target_semaphore(%arg15 : memref<!tpu.dma_semaphore, #tpu.memory_space<semaphore_mem>>)
        %dma_start3A_60 = arith.constant 0 : i32
        %dma_start3A_61 = tpu.memref_slice %arg6[%multiple_of3A, %dma_start3A_60] : memref<80000x128xf32, #tpu.memory_space<hbm>> -> memref<128x128xf32, #tpu.memory_space<hbm>>
        %dma_start3A_62 = arith.constant 0 : i32
        %dma_start3A_63 = tpu.memref_slice %arg6[%multiple_of3A, %dma_start3A_62] : memref<80000x128xf32, #tpu.memory_space<hbm>> -> memref<128x128xf32, #tpu.memory_space<hbm>>
        tpu.enqueue_dma source(%arg10 : memref<128x128xf32, #tpu.memory_space<vmem>>) target(%dma_start3A_63 : memref<128x128xf32, #tpu.memory_space<hbm>>) target_semaphore(%arg15 : memref<!tpu.dma_semaphore, #tpu.memory_space<semaphore_mem>>)
      } else {
      }
      %mul3A_39 = arith.constant 2 : i32
      %mul3A_40 = arith.muli %mul3A_39, %scan3A_29 : i32
      %add3A_41 = arith.constant 1 : i32
      %add3A_42 = arith.addi %mul3A_40, %add3A_41 : i32
      %mul3A_43 = arith.constant 32 : i32
      %mul3A_44 = arith.muli %add3A_42, %mul3A_43 : i32
      %add3A_45 = arith.addi %add3A, %mul3A_44 : i32
      %lt3A_46 = arith.constant 625 : i32
      %lt3A_47 = arith.cmpi slt, %add3A_45, %lt3A_46 : i32
      %convert_element_type3A_48 = arith.extui %lt3A_47 : i1 to i32
      %cond3A_49 = arith.constant 0 : i32
      %cond3A_50 = arith.cmpi ne, %convert_element_type3A_48, %cond3A_49 : i32
      scf.if %cond3A_50 {
        %mul3A_51 = arith.constant 128 : i32
        %mul3A_52 = arith.muli %add3A_45, %mul3A_51 : i32
        %multiple_of3A = tpu.assume_multiple %mul3A_52, 8 : i32
        %gt3A = arith.constant 0 : i32
        %gt3A_53 = arith.cmpi sgt, %scan3A_29, %gt3A : i32
        %convert_element_type3A_54 = arith.extui %gt3A_53 : i1 to i32
        %cond3A_55 = arith.constant 0 : i32
        %cond3A_56 = arith.cmpi ne, %convert_element_type3A_54, %cond3A_55 : i32
        scf.if %cond3A_56 {
          %dma_wait3A_64 = arith.constant 0 : i32
          %dma_wait3A_65 = arith.constant 0 : i32
          %dma_wait3A_66 = tpu.memref_slice %arg5[%dma_wait3A_64, %dma_wait3A_65] : memref<80000x128xf32, #tpu.memory_space<hbm>> -> memref<128x128xf32, #tpu.memory_space<hbm>>
          %dma_wait3A_67 = arith.constant 0 : i32
          %dma_wait3A_68 = arith.constant 0 : i32
          %dma_wait3A_69 = tpu.memref_slice %arg5[%dma_wait3A_67, %dma_wait3A_68] : memref<80000x128xf32, #tpu.memory_space<hbm>> -> memref<128x128xf32, #tpu.memory_space<hbm>>
          tpu.wait_dma2 semaphore(%arg16 : memref<!tpu.dma_semaphore, #tpu.memory_space<semaphore_mem>>) src(%arg13 : memref<128x128xf32, #tpu.memory_space<vmem>>) dst(%dma_wait3A_69 : memref<128x128xf32, #tpu.memory_space<hbm>>)
          %dma_wait3A_70 = arith.constant 0 : i32
          %dma_wait3A_71 = arith.constant 0 : i32
          %dma_wait3A_72 = tpu.memref_slice %arg6[%dma_wait3A_70, %dma_wait3A_71] : memref<80000x128xf32, #tpu.memory_space<hbm>> -> memref<128x128xf32, #tpu.memory_space<hbm>>
          %dma_wait3A_73 = arith.constant 0 : i32
          %dma_wait3A_74 = arith.constant 0 : i32
          %dma_wait3A_75 = tpu.memref_slice %arg6[%dma_wait3A_73, %dma_wait3A_74] : memref<80000x128xf32, #tpu.memory_space<hbm>> -> memref<128x128xf32, #tpu.memory_space<hbm>>
          tpu.wait_dma2 semaphore(%arg16 : memref<!tpu.dma_semaphore, #tpu.memory_space<semaphore_mem>>) src(%arg14 : memref<128x128xf32, #tpu.memory_space<vmem>>) dst(%dma_wait3A_75 : memref<128x128xf32, #tpu.memory_space<hbm>>)
        } else {
        }
        "tpu.region"() ({
          %run_scoped3A = tpu.sem_alloc : memref<!tpu.dma_semaphore, #tpu.memory_space<semaphore_mem>>
          %dma_start3A_64 = tpu.memref_slice %arg3[%multiple_of3A] : memref<80000xi32, #tpu.memory_space<hbm>> -> memref<128xi32, #tpu.memory_space<hbm>>
          %dma_start3A_65 = tpu.memref_slice %arg3[%multiple_of3A] : memref<80000xi32, #tpu.memory_space<hbm>> -> memref<128xi32, #tpu.memory_space<hbm>>
          tpu.enqueue_dma source(%dma_start3A_65 : memref<128xi32, #tpu.memory_space<hbm>>) target(%arg11 : memref<128xi32, #tpu.memory_space<vmem>>) target_semaphore(%run_scoped3A : memref<!tpu.dma_semaphore, #tpu.memory_space<semaphore_mem>>)
          %dma_wait3A_66 = tpu.memref_slice %arg3[%multiple_of3A] : memref<80000xi32, #tpu.memory_space<hbm>> -> memref<128xi32, #tpu.memory_space<hbm>>
          %dma_wait3A_67 = tpu.memref_slice %arg3[%multiple_of3A] : memref<80000xi32, #tpu.memory_space<hbm>> -> memref<128xi32, #tpu.memory_space<hbm>>
          tpu.wait_dma2 semaphore(%run_scoped3A : memref<!tpu.dma_semaphore, #tpu.memory_space<semaphore_mem>>) src(%dma_wait3A_67 : memref<128xi32, #tpu.memory_space<hbm>>) dst(%arg11 : memref<128xi32, #tpu.memory_space<vmem>>)
          tpu.yield
        }) : () -> ()
        "tpu.region"() ({
          %run_scoped3A = tpu.sem_alloc : memref<!tpu.dma_semaphore, #tpu.memory_space<semaphore_mem>>
          %dma_start3A_64 = tpu.memref_slice %arg4[%multiple_of3A] : memref<80000xi32, #tpu.memory_space<hbm>> -> memref<128xi32, #tpu.memory_space<hbm>>
          %dma_start3A_65 = tpu.memref_slice %arg4[%multiple_of3A] : memref<80000xi32, #tpu.memory_space<hbm>> -> memref<128xi32, #tpu.memory_space<hbm>>
          tpu.enqueue_dma source(%dma_start3A_65 : memref<128xi32, #tpu.memory_space<hbm>>) target(%arg12 : memref<128xi32, #tpu.memory_space<vmem>>) target_semaphore(%run_scoped3A : memref<!tpu.dma_semaphore, #tpu.memory_space<semaphore_mem>>)
          %dma_wait3A_66 = tpu.memref_slice %arg4[%multiple_of3A] : memref<80000xi32, #tpu.memory_space<hbm>> -> memref<128xi32, #tpu.memory_space<hbm>>
          %dma_wait3A_67 = tpu.memref_slice %arg4[%multiple_of3A] : memref<80000xi32, #tpu.memory_space<hbm>> -> memref<128xi32, #tpu.memory_space<hbm>>
          tpu.wait_dma2 semaphore(%run_scoped3A : memref<!tpu.dma_semaphore, #tpu.memory_space<semaphore_mem>>) src(%dma_wait3A_67 : memref<128xi32, #tpu.memory_space<hbm>>) dst(%arg12 : memref<128xi32, #tpu.memory_space<vmem>>)
          tpu.yield
        }) : () -> ()
        "tpu.region"() ({
          %run_scoped3A = tpu.sem_alloc : memref<!tpu.dma_semaphore, #tpu.memory_space<semaphore_mem>>
          %dma_start3A_64 = arith.constant 0 : i32
          %dma_start3A_65 = arith.constant 0 : i32
          %dma_start3A_66 = tpu.memref_slice %arg2[%dma_start3A_64, %dma_start3A_65] : memref<10000x128xf32, #tpu.memory_space<hbm>> -> memref<10000x128xf32, #tpu.memory_space<hbm>>
          tpu.enqueue_indirect_dma source(%dma_start3A_66 : memref<10000x128xf32, #tpu.memory_space<hbm>>) target(%arg13 : memref<128x128xf32, #tpu.memory_space<vmem>>) offsets(%arg11 : memref<128xi32, #tpu.memory_space<vmem>>) semaphore(%run_scoped3A : memref<!tpu.dma_semaphore, #tpu.memory_space<semaphore_mem>>)
          %dma_wait3A_67 = arith.constant 0 : i32
          %dma_wait3A_68 = arith.constant 0 : i32
          %dma_wait3A_69 = tpu.memref_slice %arg2[%dma_wait3A_67, %dma_wait3A_68] : memref<10000x128xf32, #tpu.memory_space<hbm>> -> memref<10000x128xf32, #tpu.memory_space<hbm>>
          tpu.wait_indirect_dma semaphore(%run_scoped3A : memref<!tpu.dma_semaphore, #tpu.memory_space<semaphore_mem>>) src(%dma_wait3A_69 : memref<10000x128xf32, #tpu.memory_space<hbm>>) dst(%arg13 : memref<128x128xf32, #tpu.memory_space<vmem>>)
          tpu.yield
        }) : () -> ()
        "tpu.region"() ({
          %run_scoped3A = tpu.sem_alloc : memref<!tpu.dma_semaphore, #tpu.memory_space<semaphore_mem>>
          %dma_start3A_64 = arith.constant 0 : i32
          %dma_start3A_65 = arith.constant 0 : i32
          %dma_start3A_66 = tpu.memref_slice %arg2[%dma_start3A_64, %dma_start3A_65] : memref<10000x128xf32, #tpu.memory_space<hbm>> -> memref<10000x128xf32, #tpu.memory_space<hbm>>
          tpu.enqueue_indirect_dma source(%dma_start3A_66 : memref<10000x128xf32, #tpu.memory_space<hbm>>) target(%arg14 : memref<128x128xf32, #tpu.memory_space<vmem>>) offsets(%arg12 : memref<128xi32, #tpu.memory_space<vmem>>) semaphore(%run_scoped3A : memref<!tpu.dma_semaphore, #tpu.memory_space<semaphore_mem>>)
          %dma_wait3A_67 = arith.constant 0 : i32
          %dma_wait3A_68 = arith.constant 0 : i32
          %dma_wait3A_69 = tpu.memref_slice %arg2[%dma_wait3A_67, %dma_wait3A_68] : memref<10000x128xf32, #tpu.memory_space<hbm>> -> memref<10000x128xf32, #tpu.memory_space<hbm>>
          tpu.wait_indirect_dma semaphore(%run_scoped3A : memref<!tpu.dma_semaphore, #tpu.memory_space<semaphore_mem>>) src(%dma_wait3A_69 : memref<10000x128xf32, #tpu.memory_space<hbm>>) dst(%arg14 : memref<128x128xf32, #tpu.memory_space<vmem>>)
          tpu.yield
        }) : () -> ()
        %dma_start3A = arith.constant 0 : i32
        %dma_start3A_57 = tpu.memref_slice %arg5[%multiple_of3A, %dma_start3A] : memref<80000x128xf32, #tpu.memory_space<hbm>> -> memref<128x128xf32, #tpu.memory_space<hbm>>
        %dma_start3A_58 = arith.constant 0 : i32
        %dma_start3A_59 = tpu.memref_slice %arg5[%multiple_of3A, %dma_start3A_58] : memref<80000x128xf32, #tpu.memory_space<hbm>> -> memref<128x128xf32, #tpu.memory_space<hbm>>
        tpu.enqueue_dma source(%arg13 : memref<128x128xf32, #tpu.memory_space<vmem>>) target(%dma_start3A_59 : memref<128x128xf32, #tpu.memory_space<hbm>>) target_semaphore(%arg16 : memref<!tpu.dma_semaphore, #tpu.memory_space<semaphore_mem>>)
        %dma_start3A_60 = arith.constant 0 : i32
        %dma_start3A_61 = tpu.memref_slice %arg6[%multiple_of3A, %dma_start3A_60] : memref<80000x128xf32, #tpu.memory_space<hbm>> -> memref<128x128xf32, #tpu.memory_space<hbm>>
        %dma_start3A_62 = arith.constant 0 : i32
        %dma_start3A_63 = tpu.memref_slice %arg6[%multiple_of3A, %dma_start3A_62] : memref<80000x128xf32, #tpu.memory_space<hbm>> -> memref<128x128xf32, #tpu.memory_space<hbm>>
        tpu.enqueue_dma source(%arg14 : memref<128x128xf32, #tpu.memory_space<vmem>>) target(%dma_start3A_63 : memref<128x128xf32, #tpu.memory_space<hbm>>) target_semaphore(%arg16 : memref<!tpu.dma_semaphore, #tpu.memory_space<semaphore_mem>>)
      } else {
      }
    }
    %scan3A_5 = arith.constant 10 : i32
    %dma_wait3A = arith.constant 0 : i32
    %dma_wait3A_6 = arith.constant 0 : i32
    %dma_wait3A_7 = tpu.memref_slice %arg5[%dma_wait3A, %dma_wait3A_6] : memref<80000x128xf32, #tpu.memory_space<hbm>> -> memref<128x128xf32, #tpu.memory_space<hbm>>
    %dma_wait3A_8 = arith.constant 0 : i32
    %dma_wait3A_9 = arith.constant 0 : i32
    %dma_wait3A_10 = tpu.memref_slice %arg5[%dma_wait3A_8, %dma_wait3A_9] : memref<80000x128xf32, #tpu.memory_space<hbm>> -> memref<128x128xf32, #tpu.memory_space<hbm>>
    tpu.wait_dma2 semaphore(%arg15 : memref<!tpu.dma_semaphore, #tpu.memory_space<semaphore_mem>>) src(%arg9 : memref<128x128xf32, #tpu.memory_space<vmem>>) dst(%dma_wait3A_10 : memref<128x128xf32, #tpu.memory_space<hbm>>)
    %dma_wait3A_11 = arith.constant 0 : i32
    %dma_wait3A_12 = arith.constant 0 : i32
    %dma_wait3A_13 = tpu.memref_slice %arg6[%dma_wait3A_11, %dma_wait3A_12] : memref<80000x128xf32, #tpu.memory_space<hbm>> -> memref<128x128xf32, #tpu.memory_space<hbm>>
    %dma_wait3A_14 = arith.constant 0 : i32
    %dma_wait3A_15 = arith.constant 0 : i32
    %dma_wait3A_16 = tpu.memref_slice %arg6[%dma_wait3A_14, %dma_wait3A_15] : memref<80000x128xf32, #tpu.memory_space<hbm>> -> memref<128x128xf32, #tpu.memory_space<hbm>>
    tpu.wait_dma2 semaphore(%arg15 : memref<!tpu.dma_semaphore, #tpu.memory_space<semaphore_mem>>) src(%arg10 : memref<128x128xf32, #tpu.memory_space<vmem>>) dst(%dma_wait3A_16 : memref<128x128xf32, #tpu.memory_space<hbm>>)
    %dma_wait3A_17 = arith.constant 0 : i32
    %dma_wait3A_18 = arith.constant 0 : i32
    %dma_wait3A_19 = tpu.memref_slice %arg5[%dma_wait3A_17, %dma_wait3A_18] : memref<80000x128xf32, #tpu.memory_space<hbm>> -> memref<128x128xf32, #tpu.memory_space<hbm>>
    %dma_wait3A_20 = arith.constant 0 : i32
    %dma_wait3A_21 = arith.constant 0 : i32
    %dma_wait3A_22 = tpu.memref_slice %arg5[%dma_wait3A_20, %dma_wait3A_21] : memref<80000x128xf32, #tpu.memory_space<hbm>> -> memref<128x128xf32, #tpu.memory_space<hbm>>
    tpu.wait_dma2 semaphore(%arg16 : memref<!tpu.dma_semaphore, #tpu.memory_space<semaphore_mem>>) src(%arg13 : memref<128x128xf32, #tpu.memory_space<vmem>>) dst(%dma_wait3A_22 : memref<128x128xf32, #tpu.memory_space<hbm>>)
    %dma_wait3A_23 = arith.constant 0 : i32
    %dma_wait3A_24 = arith.constant 0 : i32
    %dma_wait3A_25 = tpu.memref_slice %arg6[%dma_wait3A_23, %dma_wait3A_24] : memref<80000x128xf32, #tpu.memory_space<hbm>> -> memref<128x128xf32, #tpu.memory_space<hbm>>
    %dma_wait3A_26 = arith.constant 0 : i32
    %dma_wait3A_27 = arith.constant 0 : i32
    %dma_wait3A_28 = tpu.memref_slice %arg6[%dma_wait3A_26, %dma_wait3A_27] : memref<80000x128xf32, #tpu.memory_space<hbm>> -> memref<128x128xf32, #tpu.memory_space<hbm>>
    tpu.wait_dma2 semaphore(%arg16 : memref<!tpu.dma_semaphore, #tpu.memory_space<semaphore_mem>>) src(%arg14 : memref<128x128xf32, #tpu.memory_space<vmem>>) dst(%dma_wait3A_28 : memref<128x128xf32, #tpu.memory_space<hbm>>)
    return
  }
}

#map = affine_map<(d0, d1) -> (0, 0)>
#map1 = affine_map<(d0, d1) -> (0)>
module attributes {stable_mosaic.version = 14 : i64} {
  func.func @_gather_body(%arg0: i32, %arg1: i32, %arg2: memref<10000x128xf32, #tpu.memory_space<hbm>>, %arg3: memref<80000xi32, #tpu.memory_space<hbm>>, %arg4: memref<80000xi32, #tpu.memory_space<hbm>>, %arg5: memref<80000x128xf32, #tpu.memory_space<hbm>>, %arg6: memref<80000x128xf32, #tpu.memory_space<hbm>>, %arg7: memref<128xi32, #tpu.memory_space<vmem>>, %arg8: memref<128xi32, #tpu.memory_space<vmem>>, %arg9: memref<128x128xf32, #tpu.memory_space<vmem>>, %arg10: memref<128x128xf32, #tpu.memory_space<vmem>>, %arg11: memref<128xi32, #tpu.memory_space<vmem>>, %arg12: memref<128xi32, #tpu.memory_space<vmem>>, %arg13: memref<128x128xf32, #tpu.memory_space<vmem>>, %arg14: memref<128x128xf32, #tpu.memory_space<vmem>>, %arg15: memref<!tpu.dma_semaphore, #tpu.memory_space<semaphore_mem>>, %arg16: memref<!tpu.dma_semaphore, #tpu.memory_space<semaphore_mem>>) attributes {dimension_semantics = [#tpu.dimension_semantics<core_parallel>, #tpu.dimension_semantics<subcore_parallel>], iteration_bounds = array<i64: 2, 16>, scalar_prefetch = 0 : i64, scratch_operands = 10 : i64, tpu.core_type = #tpu.core_type<sc_vector_subcore>, window_params = [{transform_indices = #map}, {transform_indices = #map1}, {transform_indices = #map1}, {transform_indices = #map}, {transform_indices = #map}]} {
    %mul3A = arith.constant 16 : i32
    %mul3A_0 = arith.muli %arg0, %mul3A : i32
    %add3A = arith.addi %mul3A_0, %arg1 : i32
    %scan3A = arith.constant 0 : i32
    %scan3A_1 = arith.constant 0 : i32
    %scan3A_2 = arith.constant 10 : i32
    %scan3A_3 = arith.addi %scan3A_1, %scan3A_2 : i32
    %scan3A_4 = arith.constant 1 : i32
    scf.for %scan3A_29 = %scan3A_1 to %scan3A_3 step %scan3A_4  : i32 {
      %mul3A_30 = arith.constant 2 : i32
      %mul3A_31 = arith.muli %mul3A_30, %scan3A_29 : i32
      %add3A_32 = arith.constant 0 : i32
      %add3A_33 = arith.addi %mul3A_31, %add3A_32 : i32
      %mul3A_34 = arith.constant 32 : i32
      %mul3A_35 = arith.muli %add3A_33, %mul3A_34 : i32
      %add3A_36 = arith.addi %add3A, %mul3A_35 : i32
      %lt3A = arith.constant 625 : i32
      %lt3A_37 = arith.cmpi slt, %add3A_36, %lt3A : i32
      %convert_element_type3A = arith.extui %lt3A_37 : i1 to i32
      %cond3A = arith.constant 0 : i32
      %cond3A_38 = arith.cmpi ne, %convert_element_type3A, %cond3A : i32
      scf.if %cond3A_38 {
        %mul3A_51 = arith.constant 128 : i32
        %mul3A_52 = arith.muli %add3A_36, %mul3A_51 : i32
        %multiple_of3A = tpu.assume_multiple %mul3A_52, 8 : i32
        %gt3A = arith.constant 0 : i32
        %gt3A_53 = arith.cmpi sgt, %scan3A_29, %gt3A : i32
        %convert_element_type3A_54 = arith.extui %gt3A_53 : i1 to i32
        %cond3A_55 = arith.constant 0 : i32
        %cond3A_56 = arith.cmpi ne, %convert_element_type3A_54, %cond3A_55 : i32
        scf.if %cond3A_56 {
          %dma_wait3A_64 = arith.constant 0 : i32
          %dma_wait3A_65 = arith.constant 0 : i32
          %dma_wait3A_66 = tpu.memref_slice %arg5[%dma_wait3A_64, %dma_wait3A_65] : memref<80000x128xf32, #tpu.memory_space<hbm>> -> memref<128x128xf32, #tpu.memory_space<hbm>>
          %dma_wait3A_67 = arith.constant 0 : i32
          %dma_wait3A_68 = arith.constant 0 : i32
          %dma_wait3A_69 = tpu.memref_slice %arg5[%dma_wait3A_67, %dma_wait3A_68] : memref<80000x128xf32, #tpu.memory_space<hbm>> -> memref<128x128xf32, #tpu.memory_space<hbm>>
          tpu.wait_dma2 semaphore(%arg15 : memref<!tpu.dma_semaphore, #tpu.memory_space<semaphore_mem>>) src(%arg9 : memref<128x128xf32, #tpu.memory_space<vmem>>) dst(%dma_wait3A_69 : memref<128x128xf32, #tpu.memory_space<hbm>>)
          %dma_wait3A_70 = arith.constant 0 : i32
          %dma_wait3A_71 = arith.constant 0 : i32
          %dma_wait3A_72 = tpu.memref_slice %arg6[%dma_wait3A_70, %dma_wait3A_71] : memref<80000x128xf32, #tpu.memory_space<hbm>> -> memref<128x128xf32, #tpu.memory_space<hbm>>
          %dma_wait3A_73 = arith.constant 0 : i32
          %dma_wait3A_74 = arith.constant 0 : i32
          %dma_wait3A_75 = tpu.memref_slice %arg6[%dma_wait3A_73, %dma_wait3A_74] : memref<80000x128xf32, #tpu.memory_space<hbm>> -> memref<128x128xf32, #tpu.memory_space<hbm>>
          tpu.wait_dma2 semaphore(%arg15 : memref<!tpu.dma_semaphore, #tpu.memory_space<semaphore_mem>>) src(%arg10 : memref<128x128xf32, #tpu.memory_space<vmem>>) dst(%dma_wait3A_75 : memref<128x128xf32, #tpu.memory_space<hbm>>)
        } else {
        }
        "tpu.region"() ({
          %run_scoped3A = tpu.sem_alloc : memref<!tpu.dma_semaphore, #tpu.memory_space<semaphore_mem>>
          %dma_start3A_64 = tpu.memref_slice %arg3[%multiple_of3A] : memref<80000xi32, #tpu.memory_space<hbm>> -> memref<128xi32, #tpu.memory_space<hbm>>
          %dma_start3A_65 = tpu.memref_slice %arg3[%multiple_of3A] : memref<80000xi32, #tpu.memory_space<hbm>> -> memref<128xi32, #tpu.memory_space<hbm>>
          tpu.enqueue_dma source(%dma_start3A_65 : memref<128xi32, #tpu.memory_space<hbm>>) target(%arg7 : memref<128xi32, #tpu.memory_space<vmem>>) target_semaphore(%run_scoped3A : memref<!tpu.dma_semaphore, #tpu.memory_space<semaphore_mem>>)
          %dma_wait3A_66 = tpu.memref_slice %arg3[%multiple_of3A] : memref<80000xi32, #tpu.memory_space<hbm>> -> memref<128xi32, #tpu.memory_space<hbm>>
          %dma_wait3A_67 = tpu.memref_slice %arg3[%multiple_of3A] : memref<80000xi32, #tpu.memory_space<hbm>> -> memref<128xi32, #tpu.memory_space<hbm>>
          tpu.wait_dma2 semaphore(%run_scoped3A : memref<!tpu.dma_semaphore, #tpu.memory_space<semaphore_mem>>) src(%dma_wait3A_67 : memref<128xi32, #tpu.memory_space<hbm>>) dst(%arg7 : memref<128xi32, #tpu.memory_space<vmem>>)
          tpu.yield
        }) : () -> ()
        "tpu.region"() ({
          %run_scoped3A = tpu.sem_alloc : memref<!tpu.dma_semaphore, #tpu.memory_space<semaphore_mem>>
          %dma_start3A_64 = tpu.memref_slice %arg4[%multiple_of3A] : memref<80000xi32, #tpu.memory_space<hbm>> -> memref<128xi32, #tpu.memory_space<hbm>>
          %dma_start3A_65 = tpu.memref_slice %arg4[%multiple_of3A] : memref<80000xi32, #tpu.memory_space<hbm>> -> memref<128xi32, #tpu.memory_space<hbm>>
          tpu.enqueue_dma source(%dma_start3A_65 : memref<128xi32, #tpu.memory_space<hbm>>) target(%arg8 : memref<128xi32, #tpu.memory_space<vmem>>) target_semaphore(%run_scoped3A : memref<!tpu.dma_semaphore, #tpu.memory_space<semaphore_mem>>)
          %dma_wait3A_66 = tpu.memref_slice %arg4[%multiple_of3A] : memref<80000xi32, #tpu.memory_space<hbm>> -> memref<128xi32, #tpu.memory_space<hbm>>
          %dma_wait3A_67 = tpu.memref_slice %arg4[%multiple_of3A] : memref<80000xi32, #tpu.memory_space<hbm>> -> memref<128xi32, #tpu.memory_space<hbm>>
          tpu.wait_dma2 semaphore(%run_scoped3A : memref<!tpu.dma_semaphore, #tpu.memory_space<semaphore_mem>>) src(%dma_wait3A_67 : memref<128xi32, #tpu.memory_space<hbm>>) dst(%arg8 : memref<128xi32, #tpu.memory_space<vmem>>)
          tpu.yield
        }) : () -> ()
        "tpu.region"() ({
          %run_scoped3A = tpu.sem_alloc : memref<!tpu.dma_semaphore, #tpu.memory_space<semaphore_mem>>
          %dma_start3A_64 = arith.constant 0 : i32
          %dma_start3A_65 = arith.constant 0 : i32
          %dma_start3A_66 = tpu.memref_slice %arg2[%dma_start3A_64, %dma_start3A_65] : memref<10000x128xf32, #tpu.memory_space<hbm>> -> memref<10000x128xf32, #tpu.memory_space<hbm>>
          tpu.enqueue_indirect_dma source(%dma_start3A_66 : memref<10000x128xf32, #tpu.memory_space<hbm>>) target(%arg9 : memref<128x128xf32, #tpu.memory_space<vmem>>) offsets(%arg7 : memref<128xi32, #tpu.memory_space<vmem>>) semaphore(%run_scoped3A : memref<!tpu.dma_semaphore, #tpu.memory_space<semaphore_mem>>)
          %dma_wait3A_67 = arith.constant 0 : i32
          %dma_wait3A_68 = arith.constant 0 : i32
          %dma_wait3A_69 = tpu.memref_slice %arg2[%dma_wait3A_67, %dma_wait3A_68] : memref<10000x128xf32, #tpu.memory_space<hbm>> -> memref<10000x128xf32, #tpu.memory_space<hbm>>
          tpu.wait_indirect_dma semaphore(%run_scoped3A : memref<!tpu.dma_semaphore, #tpu.memory_space<semaphore_mem>>) src(%dma_wait3A_69 : memref<10000x128xf32, #tpu.memory_space<hbm>>) dst(%arg9 : memref<128x128xf32, #tpu.memory_space<vmem>>)
          tpu.yield
        }) : () -> ()
        "tpu.region"() ({
          %run_scoped3A = tpu.sem_alloc : memref<!tpu.dma_semaphore, #tpu.memory_space<semaphore_mem>>
          %dma_start3A_64 = arith.constant 0 : i32
          %dma_start3A_65 = arith.constant 0 : i32
          %dma_start3A_66 = tpu.memref_slice %arg2[%dma_start3A_64, %dma_start3A_65] : memref<10000x128xf32, #tpu.memory_space<hbm>> -> memref<10000x128xf32, #tpu.memory_space<hbm>>
          tpu.enqueue_indirect_dma source(%dma_start3A_66 : memref<10000x128xf32, #tpu.memory_space<hbm>>) target(%arg10 : memref<128x128xf32, #tpu.memory_space<vmem>>) offsets(%arg8 : memref<128xi32, #tpu.memory_space<vmem>>) semaphore(%run_scoped3A : memref<!tpu.dma_semaphore, #tpu.memory_space<semaphore_mem>>)
          %dma_wait3A_67 = arith.constant 0 : i32
          %dma_wait3A_68 = arith.constant 0 : i32
          %dma_wait3A_69 = tpu.memref_slice %arg2[%dma_wait3A_67, %dma_wait3A_68] : memref<10000x128xf32, #tpu.memory_space<hbm>> -> memref<10000x128xf32, #tpu.memory_space<hbm>>
          tpu.wait_indirect_dma semaphore(%run_scoped3A : memref<!tpu.dma_semaphore, #tpu.memory_space<semaphore_mem>>) src(%dma_wait3A_69 : memref<10000x128xf32, #tpu.memory_space<hbm>>) dst(%arg10 : memref<128x128xf32, #tpu.memory_space<vmem>>)
          tpu.yield
        }) : () -> ()
        %dma_start3A = arith.constant 0 : i32
        %dma_start3A_57 = tpu.memref_slice %arg5[%multiple_of3A, %dma_start3A] : memref<80000x128xf32, #tpu.memory_space<hbm>> -> memref<128x128xf32, #tpu.memory_space<hbm>>
        %dma_start3A_58 = arith.constant 0 : i32
        %dma_start3A_59 = tpu.memref_slice %arg5[%multiple_of3A, %dma_start3A_58] : memref<80000x128xf32, #tpu.memory_space<hbm>> -> memref<128x128xf32, #tpu.memory_space<hbm>>
        tpu.enqueue_dma source(%arg9 : memref<128x128xf32, #tpu.memory_space<vmem>>) target(%dma_start3A_59 : memref<128x128xf32, #tpu.memory_space<hbm>>) target_semaphore(%arg15 : memref<!tpu.dma_semaphore, #tpu.memory_space<semaphore_mem>>)
        %dma_start3A_60 = arith.constant 0 : i32
        %dma_start3A_61 = tpu.memref_slice %arg6[%multiple_of3A, %dma_start3A_60] : memref<80000x128xf32, #tpu.memory_space<hbm>> -> memref<128x128xf32, #tpu.memory_space<hbm>>
        %dma_start3A_62 = arith.constant 0 : i32
        %dma_start3A_63 = tpu.memref_slice %arg6[%multiple_of3A, %dma_start3A_62] : memref<80000x128xf32, #tpu.memory_space<hbm>> -> memref<128x128xf32, #tpu.memory_space<hbm>>
        tpu.enqueue_dma source(%arg10 : memref<128x128xf32, #tpu.memory_space<vmem>>) target(%dma_start3A_63 : memref<128x128xf32, #tpu.memory_space<hbm>>) target_semaphore(%arg15 : memref<!tpu.dma_semaphore, #tpu.memory_space<semaphore_mem>>)
      } else {
      }
      %mul3A_39 = arith.constant 2 : i32
      %mul3A_40 = arith.muli %mul3A_39, %scan3A_29 : i32
      %add3A_41 = arith.constant 1 : i32
      %add3A_42 = arith.addi %mul3A_40, %add3A_41 : i32
      %mul3A_43 = arith.constant 32 : i32
      %mul3A_44 = arith.muli %add3A_42, %mul3A_43 : i32
      %add3A_45 = arith.addi %add3A, %mul3A_44 : i32
      %lt3A_46 = arith.constant 625 : i32
      %lt3A_47 = arith.cmpi slt, %add3A_45, %lt3A_46 : i32
      %convert_element_type3A_48 = arith.extui %lt3A_47 : i1 to i32
      %cond3A_49 = arith.constant 0 : i32
      %cond3A_50 = arith.cmpi ne, %convert_element_type3A_48, %cond3A_49 : i32
      scf.if %cond3A_50 {
        %mul3A_51 = arith.constant 128 : i32
        %mul3A_52 = arith.muli %add3A_45, %mul3A_51 : i32
        %multiple_of3A = tpu.assume_multiple %mul3A_52, 8 : i32
        %gt3A = arith.constant 0 : i32
        %gt3A_53 = arith.cmpi sgt, %scan3A_29, %gt3A : i32
        %convert_element_type3A_54 = arith.extui %gt3A_53 : i1 to i32
        %cond3A_55 = arith.constant 0 : i32
        %cond3A_56 = arith.cmpi ne, %convert_element_type3A_54, %cond3A_55 : i32
        scf.if %cond3A_56 {
          %dma_wait3A_64 = arith.constant 0 : i32
          %dma_wait3A_65 = arith.constant 0 : i32
          %dma_wait3A_66 = tpu.memref_slice %arg5[%dma_wait3A_64, %dma_wait3A_65] : memref<80000x128xf32, #tpu.memory_space<hbm>> -> memref<128x128xf32, #tpu.memory_space<hbm>>
          %dma_wait3A_67 = arith.constant 0 : i32
          %dma_wait3A_68 = arith.constant 0 : i32
          %dma_wait3A_69 = tpu.memref_slice %arg5[%dma_wait3A_67, %dma_wait3A_68] : memref<80000x128xf32, #tpu.memory_space<hbm>> -> memref<128x128xf32, #tpu.memory_space<hbm>>
          tpu.wait_dma2 semaphore(%arg16 : memref<!tpu.dma_semaphore, #tpu.memory_space<semaphore_mem>>) src(%arg13 : memref<128x128xf32, #tpu.memory_space<vmem>>) dst(%dma_wait3A_69 : memref<128x128xf32, #tpu.memory_space<hbm>>)
          %dma_wait3A_70 = arith.constant 0 : i32
          %dma_wait3A_71 = arith.constant 0 : i32
          %dma_wait3A_72 = tpu.memref_slice %arg6[%dma_wait3A_70, %dma_wait3A_71] : memref<80000x128xf32, #tpu.memory_space<hbm>> -> memref<128x128xf32, #tpu.memory_space<hbm>>
          %dma_wait3A_73 = arith.constant 0 : i32
          %dma_wait3A_74 = arith.constant 0 : i32
          %dma_wait3A_75 = tpu.memref_slice %arg6[%dma_wait3A_73, %dma_wait3A_74] : memref<80000x128xf32, #tpu.memory_space<hbm>> -> memref<128x128xf32, #tpu.memory_space<hbm>>
          tpu.wait_dma2 semaphore(%arg16 : memref<!tpu.dma_semaphore, #tpu.memory_space<semaphore_mem>>) src(%arg14 : memref<128x128xf32, #tpu.memory_space<vmem>>) dst(%dma_wait3A_75 : memref<128x128xf32, #tpu.memory_space<hbm>>)
        } else {
        }
        "tpu.region"() ({
          %run_scoped3A = tpu.sem_alloc : memref<!tpu.dma_semaphore, #tpu.memory_space<semaphore_mem>>
          %dma_start3A_64 = tpu.memref_slice %arg3[%multiple_of3A] : memref<80000xi32, #tpu.memory_space<hbm>> -> memref<128xi32, #tpu.memory_space<hbm>>
          %dma_start3A_65 = tpu.memref_slice %arg3[%multiple_of3A] : memref<80000xi32, #tpu.memory_space<hbm>> -> memref<128xi32, #tpu.memory_space<hbm>>
          tpu.enqueue_dma source(%dma_start3A_65 : memref<128xi32, #tpu.memory_space<hbm>>) target(%arg11 : memref<128xi32, #tpu.memory_space<vmem>>) target_semaphore(%run_scoped3A : memref<!tpu.dma_semaphore, #tpu.memory_space<semaphore_mem>>)
          %dma_wait3A_66 = tpu.memref_slice %arg3[%multiple_of3A] : memref<80000xi32, #tpu.memory_space<hbm>> -> memref<128xi32, #tpu.memory_space<hbm>>
          %dma_wait3A_67 = tpu.memref_slice %arg3[%multiple_of3A] : memref<80000xi32, #tpu.memory_space<hbm>> -> memref<128xi32, #tpu.memory_space<hbm>>
          tpu.wait_dma2 semaphore(%run_scoped3A : memref<!tpu.dma_semaphore, #tpu.memory_space<semaphore_mem>>) src(%dma_wait3A_67 : memref<128xi32, #tpu.memory_space<hbm>>) dst(%arg11 : memref<128xi32, #tpu.memory_space<vmem>>)
          tpu.yield
        }) : () -> ()
        "tpu.region"() ({
          %run_scoped3A = tpu.sem_alloc : memref<!tpu.dma_semaphore, #tpu.memory_space<semaphore_mem>>
          %dma_start3A_64 = tpu.memref_slice %arg4[%multiple_of3A] : memref<80000xi32, #tpu.memory_space<hbm>> -> memref<128xi32, #tpu.memory_space<hbm>>
          %dma_start3A_65 = tpu.memref_slice %arg4[%multiple_of3A] : memref<80000xi32, #tpu.memory_space<hbm>> -> memref<128xi32, #tpu.memory_space<hbm>>
          tpu.enqueue_dma source(%dma_start3A_65 : memref<128xi32, #tpu.memory_space<hbm>>) target(%arg12 : memref<128xi32, #tpu.memory_space<vmem>>) target_semaphore(%run_scoped3A : memref<!tpu.dma_semaphore, #tpu.memory_space<semaphore_mem>>)
          %dma_wait3A_66 = tpu.memref_slice %arg4[%multiple_of3A] : memref<80000xi32, #tpu.memory_space<hbm>> -> memref<128xi32, #tpu.memory_space<hbm>>
          %dma_wait3A_67 = tpu.memref_slice %arg4[%multiple_of3A] : memref<80000xi32, #tpu.memory_space<hbm>> -> memref<128xi32, #tpu.memory_space<hbm>>
          tpu.wait_dma2 semaphore(%run_scoped3A : memref<!tpu.dma_semaphore, #tpu.memory_space<semaphore_mem>>) src(%dma_wait3A_67 : memref<128xi32, #tpu.memory_space<hbm>>) dst(%arg12 : memref<128xi32, #tpu.memory_space<vmem>>)
          tpu.yield
        }) : () -> ()
        "tpu.region"() ({
          %run_scoped3A = tpu.sem_alloc : memref<!tpu.dma_semaphore, #tpu.memory_space<semaphore_mem>>
          %dma_start3A_64 = arith.constant 0 : i32
          %dma_start3A_65 = arith.constant 0 : i32
          %dma_start3A_66 = tpu.memref_slice %arg2[%dma_start3A_64, %dma_start3A_65] : memref<10000x128xf32, #tpu.memory_space<hbm>> -> memref<10000x128xf32, #tpu.memory_space<hbm>>
          tpu.enqueue_indirect_dma source(%dma_start3A_66 : memref<10000x128xf32, #tpu.memory_space<hbm>>) target(%arg13 : memref<128x128xf32, #tpu.memory_space<vmem>>) offsets(%arg11 : memref<128xi32, #tpu.memory_space<vmem>>) semaphore(%run_scoped3A : memref<!tpu.dma_semaphore, #tpu.memory_space<semaphore_mem>>)
          %dma_wait3A_67 = arith.constant 0 : i32
          %dma_wait3A_68 = arith.constant 0 : i32
          %dma_wait3A_69 = tpu.memref_slice %arg2[%dma_wait3A_67, %dma_wait3A_68] : memref<10000x128xf32, #tpu.memory_space<hbm>> -> memref<10000x128xf32, #tpu.memory_space<hbm>>
          tpu.wait_indirect_dma semaphore(%run_scoped3A : memref<!tpu.dma_semaphore, #tpu.memory_space<semaphore_mem>>) src(%dma_wait3A_69 : memref<10000x128xf32, #tpu.memory_space<hbm>>) dst(%arg13 : memref<128x128xf32, #tpu.memory_space<vmem>>)
          tpu.yield
        }) : () -> ()
        "tpu.region"() ({
          %run_scoped3A = tpu.sem_alloc : memref<!tpu.dma_semaphore, #tpu.memory_space<semaphore_mem>>
          %dma_start3A_64 = arith.constant 0 : i32
          %dma_start3A_65 = arith.constant 0 : i32
          %dma_start3A_66 = tpu.memref_slice %arg2[%dma_start3A_64, %dma_start3A_65] : memref<10000x128xf32, #tpu.memory_space<hbm>> -> memref<10000x128xf32, #tpu.memory_space<hbm>>
          tpu.enqueue_indirect_dma source(%dma_start3A_66 : memref<10000x128xf32, #tpu.memory_space<hbm>>) target(%arg14 : memref<128x128xf32, #tpu.memory_space<vmem>>) offsets(%arg12 : memref<128xi32, #tpu.memory_space<vmem>>) semaphore(%run_scoped3A : memref<!tpu.dma_semaphore, #tpu.memory_space<semaphore_mem>>)
          %dma_wait3A_67 = arith.constant 0 : i32
          %dma_wait3A_68 = arith.constant 0 : i32
          %dma_wait3A_69 = tpu.memref_slice %arg2[%dma_wait3A_67, %dma_wait3A_68] : memref<10000x128xf32, #tpu.memory_space<hbm>> -> memref<10000x128xf32, #tpu.memory_space<hbm>>
          tpu.wait_indirect_dma semaphore(%run_scoped3A : memref<!tpu.dma_semaphore, #tpu.memory_space<semaphore_mem>>) src(%dma_wait3A_69 : memref<10000x128xf32, #tpu.memory_space<hbm>>) dst(%arg14 : memref<128x128xf32, #tpu.memory_space<vmem>>)
          tpu.yield
        }) : () -> ()
        %dma_start3A = arith.constant 0 : i32
        %dma_start3A_57 = tpu.memref_slice %arg5[%multiple_of3A, %dma_start3A] : memref<80000x128xf32, #tpu.memory_space<hbm>> -> memref<128x128xf32, #tpu.memory_space<hbm>>
        %dma_start3A_58 = arith.constant 0 : i32
        %dma_start3A_59 = tpu.memref_slice %arg5[%multiple_of3A, %dma_start3A_58] : memref<80000x128xf32, #tpu.memory_space<hbm>> -> memref<128x128xf32, #tpu.memory_space<hbm>>
        tpu.enqueue_dma source(%arg13 : memref<128x128xf32, #tpu.memory_space<vmem>>) target(%dma_start3A_59 : memref<128x128xf32, #tpu.memory_space<hbm>>) target_semaphore(%arg16 : memref<!tpu.dma_semaphore, #tpu.memory_space<semaphore_mem>>)
        %dma_start3A_60 = arith.constant 0 : i32
        %dma_start3A_61 = tpu.memref_slice %arg6[%multiple_of3A, %dma_start3A_60] : memref<80000x128xf32, #tpu.memory_space<hbm>> -> memref<128x128xf32, #tpu.memory_space<hbm>>
        %dma_start3A_62 = arith.constant 0 : i32
        %dma_start3A_63 = tpu.memref_slice %arg6[%multiple_of3A, %dma_start3A_62] : memref<80000x128xf32, #tpu.memory_space<hbm>> -> memref<128x128xf32, #tpu.memory_space<hbm>>
        tpu.enqueue_dma source(%arg14 : memref<128x128xf32, #tpu.memory_space<vmem>>) target(%dma_start3A_63 : memref<128x128xf32, #tpu.memory_space<hbm>>) target_semaphore(%arg16 : memref<!tpu.dma_semaphore, #tpu.memory_space<semaphore_mem>>)
      } else {
      }
    }
    %scan3A_5 = arith.constant 10 : i32
    %dma_wait3A = arith.constant 0 : i32
    %dma_wait3A_6 = arith.constant 0 : i32
    %dma_wait3A_7 = tpu.memref_slice %arg5[%dma_wait3A, %dma_wait3A_6] : memref<80000x128xf32, #tpu.memory_space<hbm>> -> memref<128x128xf32, #tpu.memory_space<hbm>>
    %dma_wait3A_8 = arith.constant 0 : i32
    %dma_wait3A_9 = arith.constant 0 : i32
    %dma_wait3A_10 = tpu.memref_slice %arg5[%dma_wait3A_8, %dma_wait3A_9] : memref<80000x128xf32, #tpu.memory_space<hbm>> -> memref<128x128xf32, #tpu.memory_space<hbm>>
    tpu.wait_dma2 semaphore(%arg15 : memref<!tpu.dma_semaphore, #tpu.memory_space<semaphore_mem>>) src(%arg9 : memref<128x128xf32, #tpu.memory_space<vmem>>) dst(%dma_wait3A_10 : memref<128x128xf32, #tpu.memory_space<hbm>>)
    %dma_wait3A_11 = arith.constant 0 : i32
    %dma_wait3A_12 = arith.constant 0 : i32
    %dma_wait3A_13 = tpu.memref_slice %arg6[%dma_wait3A_11, %dma_wait3A_12] : memref<80000x128xf32, #tpu.memory_space<hbm>> -> memref<128x128xf32, #tpu.memory_space<hbm>>
    %dma_wait3A_14 = arith.constant 0 : i32
    %dma_wait3A_15 = arith.constant 0 : i32
    %dma_wait3A_16 = tpu.memref_slice %arg6[%dma_wait3A_14, %dma_wait3A_15] : memref<80000x128xf32, #tpu.memory_space<hbm>> -> memref<128x128xf32, #tpu.memory_space<hbm>>
    tpu.wait_dma2 semaphore(%arg15 : memref<!tpu.dma_semaphore, #tpu.memory_space<semaphore_mem>>) src(%arg10 : memref<128x128xf32, #tpu.memory_space<vmem>>) dst(%dma_wait3A_16 : memref<128x128xf32, #tpu.memory_space<hbm>>)
    %dma_wait3A_17 = arith.constant 0 : i32
    %dma_wait3A_18 = arith.constant 0 : i32
    %dma_wait3A_19 = tpu.memref_slice %arg5[%dma_wait3A_17, %dma_wait3A_18] : memref<80000x128xf32, #tpu.memory_space<hbm>> -> memref<128x128xf32, #tpu.memory_space<hbm>>
    %dma_wait3A_20 = arith.constant 0 : i32
    %dma_wait3A_21 = arith.constant 0 : i32
    %dma_wait3A_22 = tpu.memref_slice %arg5[%dma_wait3A_20, %dma_wait3A_21] : memref<80000x128xf32, #tpu.memory_space<hbm>> -> memref<128x128xf32, #tpu.memory_space<hbm>>
    tpu.wait_dma2 semaphore(%arg16 : memref<!tpu.dma_semaphore, #tpu.memory_space<semaphore_mem>>) src(%arg13 : memref<128x128xf32, #tpu.memory_space<vmem>>) dst(%dma_wait3A_22 : memref<128x128xf32, #tpu.memory_space<hbm>>)
    %dma_wait3A_23 = arith.constant 0 : i32
    %dma_wait3A_24 = arith.constant 0 : i32
    %dma_wait3A_25 = tpu.memref_slice %arg6[%dma_wait3A_23, %dma_wait3A_24] : memref<80000x128xf32, #tpu.memory_space<hbm>> -> memref<128x128xf32, #tpu.memory_space<hbm>>
    %dma_wait3A_26 = arith.constant 0 : i32
    %dma_wait3A_27 = arith.constant 0 : i32
    %dma_wait3A_28 = tpu.memref_slice %arg6[%dma_wait3A_26, %dma_wait3A_27] : memref<80000x128xf32, #tpu.memory_space<hbm>> -> memref<128x128xf32, #tpu.memory_space<hbm>>
    tpu.wait_dma2 semaphore(%arg16 : memref<!tpu.dma_semaphore, #tpu.memory_space<semaphore_mem>>) src(%arg14 : memref<128x128xf32, #tpu.memory_space<vmem>>) dst(%dma_wait3A_28 : memref<128x128xf32, #tpu.memory_space<hbm>>)
    return
  }
}

#map = affine_map<(d0, d1) -> (0, 0)>
#map1 = affine_map<(d0, d1) -> (0)>
module attributes {stable_mosaic.version = 14 : i64} {
  func.func @_scatter_body(%arg0: i32, %arg1: i32, %arg2: memref<80000x128xf32, #tpu.memory_space<hbm>>, %arg3: memref<80000xi32, #tpu.memory_space<hbm>>, %arg4: memref<10000x128xf32, #tpu.memory_space<hbm>>, %arg5: memref<10000x128xf32, #tpu.memory_space<hbm>>, %arg6: memref<128xi32, #tpu.memory_space<vmem>>, %arg7: memref<128x128xf32, #tpu.memory_space<vmem>>, %arg8: memref<128xi32, #tpu.memory_space<vmem>>, %arg9: memref<128x128xf32, #tpu.memory_space<vmem>>, %arg10: memref<40x128xf32, #tpu.memory_space<vmem>>, %arg11: memref<10000x128xf32, #tpu.memory_space<vmem_shared>>, %arg12: memref<!tpu.dma_semaphore, #tpu.memory_space<semaphore_mem>>, %arg13: memref<!tpu.dma_semaphore, #tpu.memory_space<semaphore_mem>>) attributes {dimension_semantics = [#tpu.dimension_semantics<core_parallel>, #tpu.dimension_semantics<subcore_parallel>], iteration_bounds = array<i64: 2, 16>, scalar_prefetch = 0 : i64, scratch_operands = 8 : i64, tpu.core_type = #tpu.core_type<sc_vector_subcore>, window_params = [{transform_indices = #map}, {transform_indices = #map1}, {transform_indices = #map}, {transform_indices = #map}]} {
    %mul3A = arith.constant 16 : i32
    %mul3A_0 = arith.muli %arg0, %mul3A : i32
    %add3A = arith.addi %mul3A_0, %arg1 : i32
    %broadcast_in_dim3A = arith.constant 0.000000e+00 : f32
    %broadcast_in_dim3A_1 = vector.broadcast %broadcast_in_dim3A : f32 to vector<16xf32>
    %scan3A = arith.constant 0 : i32
    %scan3A_2 = arith.constant 0 : i32
    %scan3A_3 = arith.constant 40 : i32
    %scan3A_4 = arith.addi %scan3A_2, %scan3A_3 : i32
    %scan3A_5 = arith.constant 1 : i32
    scf.for %scan3A_37 = %scan3A_2 to %scan3A_4 step %scan3A_5  : i32 {
      %swap3A = arith.index_cast %scan3A_37 : i32 to index
      %swap3A_38 = arith.constant 0 : index
      %swap3A_39 = tpu.vector_load %arg10[%swap3A, %swap3A_38] {strides = array<i32>} : memref<40x128xf32, #tpu.memory_space<vmem>>, vector<1x16xf32>,
      %swap3A_40 = vector.shape_cast %swap3A_39 : vector<1x16xf32> to vector<16xf32>
      %swap3A_41 = vector.shape_cast %broadcast_in_dim3A_1 : vector<16xf32> to vector<1x16xf32>
      tpu.vector_store %arg10[%swap3A, %swap3A_38], %swap3A_41 {strides = array<i32>} : memref<40x128xf32, #tpu.memory_space<vmem>>, vector<1x16xf32>,
      %swap3A_42 = arith.index_cast %scan3A_37 : i32 to index
      %swap3A_43 = arith.constant 16 : index
      %swap3A_44 = tpu.vector_load %arg10[%swap3A_42, %swap3A_43] {strides = array<i32>} : memref<40x128xf32, #tpu.memory_space<vmem>>, vector<1x16xf32>,
      %swap3A_45 = vector.shape_cast %swap3A_44 : vector<1x16xf32> to vector<16xf32>
      %swap3A_46 = vector.shape_cast %broadcast_in_dim3A_1 : vector<16xf32> to vector<1x16xf32>
      tpu.vector_store %arg10[%swap3A_42, %swap3A_43], %swap3A_46 {strides = array<i32>} : memref<40x128xf32, #tpu.memory_space<vmem>>, vector<1x16xf32>,
      %swap3A_47 = arith.index_cast %scan3A_37 : i32 to index
      %swap3A_48 = arith.constant 32 : index
      %swap3A_49 = tpu.vector_load %arg10[%swap3A_47, %swap3A_48] {strides = array<i32>} : memref<40x128xf32, #tpu.memory_space<vmem>>, vector<1x16xf32>,
      %swap3A_50 = vector.shape_cast %swap3A_49 : vector<1x16xf32> to vector<16xf32>
      %swap3A_51 = vector.shape_cast %broadcast_in_dim3A_1 : vector<16xf32> to vector<1x16xf32>
      tpu.vector_store %arg10[%swap3A_47, %swap3A_48], %swap3A_51 {strides = array<i32>} : memref<40x128xf32, #tpu.memory_space<vmem>>, vector<1x16xf32>,
      %swap3A_52 = arith.index_cast %scan3A_37 : i32 to index
      %swap3A_53 = arith.constant 48 : index
      %swap3A_54 = tpu.vector_load %arg10[%swap3A_52, %swap3A_53] {strides = array<i32>} : memref<40x128xf32, #tpu.memory_space<vmem>>, vector<1x16xf32>,
      %swap3A_55 = vector.shape_cast %swap3A_54 : vector<1x16xf32> to vector<16xf32>
      %swap3A_56 = vector.shape_cast %broadcast_in_dim3A_1 : vector<16xf32> to vector<1x16xf32>
      tpu.vector_store %arg10[%swap3A_52, %swap3A_53], %swap3A_56 {strides = array<i32>} : memref<40x128xf32, #tpu.memory_space<vmem>>, vector<1x16xf32>,
      %swap3A_57 = arith.index_cast %scan3A_37 : i32 to index
      %swap3A_58 = arith.constant 64 : index
      %swap3A_59 = tpu.vector_load %arg10[%swap3A_57, %swap3A_58] {strides = array<i32>} : memref<40x128xf32, #tpu.memory_space<vmem>>, vector<1x16xf32>,
      %swap3A_60 = vector.shape_cast %swap3A_59 : vector<1x16xf32> to vector<16xf32>
      %swap3A_61 = vector.shape_cast %broadcast_in_dim3A_1 : vector<16xf32> to vector<1x16xf32>
      tpu.vector_store %arg10[%swap3A_57, %swap3A_58], %swap3A_61 {strides = array<i32>} : memref<40x128xf32, #tpu.memory_space<vmem>>, vector<1x16xf32>,
      %swap3A_62 = arith.index_cast %scan3A_37 : i32 to index
      %swap3A_63 = arith.constant 80 : index
      %swap3A_64 = tpu.vector_load %arg10[%swap3A_62, %swap3A_63] {strides = array<i32>} : memref<40x128xf32, #tpu.memory_space<vmem>>, vector<1x16xf32>,
      %swap3A_65 = vector.shape_cast %swap3A_64 : vector<1x16xf32> to vector<16xf32>
      %swap3A_66 = vector.shape_cast %broadcast_in_dim3A_1 : vector<16xf32> to vector<1x16xf32>
      tpu.vector_store %arg10[%swap3A_62, %swap3A_63], %swap3A_66 {strides = array<i32>} : memref<40x128xf32, #tpu.memory_space<vmem>>, vector<1x16xf32>,
      %swap3A_67 = arith.index_cast %scan3A_37 : i32 to index
      %swap3A_68 = arith.constant 96 : index
      %swap3A_69 = tpu.vector_load %arg10[%swap3A_67, %swap3A_68] {strides = array<i32>} : memref<40x128xf32, #tpu.memory_space<vmem>>, vector<1x16xf32>,
      %swap3A_70 = vector.shape_cast %swap3A_69 : vector<1x16xf32> to vector<16xf32>
      %swap3A_71 = vector.shape_cast %broadcast_in_dim3A_1 : vector<16xf32> to vector<1x16xf32>
      tpu.vector_store %arg10[%swap3A_67, %swap3A_68], %swap3A_71 {strides = array<i32>} : memref<40x128xf32, #tpu.memory_space<vmem>>, vector<1x16xf32>,
      %swap3A_72 = arith.index_cast %scan3A_37 : i32 to index
      %swap3A_73 = arith.constant 112 : index
      %swap3A_74 = tpu.vector_load %arg10[%swap3A_72, %swap3A_73] {strides = array<i32>} : memref<40x128xf32, #tpu.memory_space<vmem>>, vector<1x16xf32>,
      %swap3A_75 = vector.shape_cast %swap3A_74 : vector<1x16xf32> to vector<16xf32>
      %swap3A_76 = vector.shape_cast %broadcast_in_dim3A_1 : vector<16xf32> to vector<1x16xf32>
      tpu.vector_store %arg10[%swap3A_72, %swap3A_73], %swap3A_76 {strides = array<i32>} : memref<40x128xf32, #tpu.memory_space<vmem>>, vector<1x16xf32>,
    }
    %scan3A_6 = arith.constant 40 : i32
    %scan3A_7 = arith.constant 0 : i32
    %scan3A_8 = arith.constant 0 : i32
    %scan3A_9 = arith.constant 16 : i32
    %scan3A_10 = arith.addi %scan3A_8, %scan3A_9 : i32
    %scan3A_11 = arith.constant 1 : i32
    scf.for %scan3A_37 = %scan3A_8 to %scan3A_10 step %scan3A_11  : i32 {
      %mul3A_38 = arith.constant 16 : i32
      %mul3A_39 = arith.muli %scan3A_37, %mul3A_38 : i32
      %add3A_40 = arith.addi %arg1, %mul3A_39 : i32
      %lt3A = arith.constant 250 : i32
      %lt3A_41 = arith.cmpi slt, %add3A_40, %lt3A : i32
      %convert_element_type3A = arith.extui %lt3A_41 : i1 to i32
      %cond3A = arith.constant 0 : i32
      %cond3A_42 = arith.cmpi ne, %convert_element_type3A, %cond3A : i32
      scf.if %cond3A_42 {
        %mul3A_43 = arith.constant 40 : i32
        %mul3A_44 = arith.muli %add3A_40, %mul3A_43 : i32
        %multiple_of3A = tpu.assume_multiple %mul3A_44, 8 : i32
        "tpu.region"() ({
          %run_scoped3A = tpu.sem_alloc : memref<!tpu.dma_semaphore, #tpu.memory_space<semaphore_mem>>
          %dma_start3A = arith.constant 0 : i32
          %dma_start3A_45 = tpu.memref_slice %arg11[%multiple_of3A, %dma_start3A] : memref<10000x128xf32, #tpu.memory_space<vmem_shared>> -> memref<40x128xf32, #tpu.memory_space<vmem_shared>>
          %dma_start3A_46 = arith.constant 0 : i32
          %dma_start3A_47 = tpu.memref_slice %arg11[%multiple_of3A, %dma_start3A_46] : memref<10000x128xf32, #tpu.memory_space<vmem_shared>> -> memref<40x128xf32, #tpu.memory_space<vmem_shared>>
          tpu.enqueue_dma source(%arg10 : memref<40x128xf32, #tpu.memory_space<vmem>>) target(%dma_start3A_47 : memref<40x128xf32, #tpu.memory_space<vmem_shared>>) target_semaphore(%run_scoped3A : memref<!tpu.dma_semaphore, #tpu.memory_space<semaphore_mem>>)
          %dma_wait3A_48 = arith.constant 0 : i32
          %dma_wait3A_49 = tpu.memref_slice %arg11[%multiple_of3A, %dma_wait3A_48] : memref<10000x128xf32, #tpu.memory_space<vmem_shared>> -> memref<40x128xf32, #tpu.memory_space<vmem_shared>>
          %dma_wait3A_50 = arith.constant 0 : i32
          %dma_wait3A_51 = tpu.memref_slice %arg11[%multiple_of3A, %dma_wait3A_50] : memref<10000x128xf32, #tpu.memory_space<vmem_shared>> -> memref<40x128xf32, #tpu.memory_space<vmem_shared>>
          tpu.wait_dma2 semaphore(%run_scoped3A : memref<!tpu.dma_semaphore, #tpu.memory_space<semaphore_mem>>) src(%arg10 : memref<40x128xf32, #tpu.memory_space<vmem>>) dst(%dma_wait3A_51 : memref<40x128xf32, #tpu.memory_space<vmem_shared>>)
          tpu.yield
        }) : () -> ()
      } else {
      }
    }
    %scan3A_12 = arith.constant 16 : i32
    %barrier3A = arith.constant 0 : index
    tpu.barrier barrier_id(%barrier3A)
    %scan3A_13 = arith.constant 0 : i32
    %scan3A_14 = arith.constant 0 : i32
    %scan3A_15 = arith.constant 10 : i32
    %scan3A_16 = arith.addi %scan3A_14, %scan3A_15 : i32
    %scan3A_17 = arith.constant 1 : i32
    scf.for %scan3A_37 = %scan3A_14 to %scan3A_16 step %scan3A_17  : i32 {
      %mul3A_38 = arith.constant 2 : i32
      %mul3A_39 = arith.muli %mul3A_38, %scan3A_37 : i32
      %add3A_40 = arith.constant 0 : i32
      %add3A_41 = arith.addi %mul3A_39, %add3A_40 : i32
      %mul3A_42 = arith.constant 32 : i32
      %mul3A_43 = arith.muli %add3A_41, %mul3A_42 : i32
      %add3A_44 = arith.addi %add3A, %mul3A_43 : i32
      %lt3A = arith.constant 625 : i32
      %lt3A_45 = arith.cmpi slt, %add3A_44, %lt3A : i32
      %convert_element_type3A = arith.extui %lt3A_45 : i1 to i32
      %cond3A = arith.constant 0 : i32
      %cond3A_46 = arith.cmpi ne, %convert_element_type3A, %cond3A : i32
      scf.if %cond3A_46 {
        %mul3A_59 = arith.constant 128 : i32
        %mul3A_60 = arith.muli %add3A_44, %mul3A_59 : i32
        %multiple_of3A = tpu.assume_multiple %mul3A_60, 8 : i32
        %gt3A = arith.constant 0 : i32
        %gt3A_61 = arith.cmpi sgt, %scan3A_37, %gt3A : i32
        %convert_element_type3A_62 = arith.extui %gt3A_61 : i1 to i32
        %cond3A_63 = arith.constant 0 : i32
        %cond3A_64 = arith.cmpi ne, %convert_element_type3A_62, %cond3A_63 : i32
        scf.if %cond3A_64 {
          %dma_wait3A_67 = arith.constant 0 : i32
          %dma_wait3A_68 = arith.constant 0 : i32
          %dma_wait3A_69 = tpu.memref_slice %arg11[%dma_wait3A_67, %dma_wait3A_68] : memref<10000x128xf32, #tpu.memory_space<vmem_shared>> -> memref<128x128xf32, #tpu.memory_space<vmem_shared>>
          %dma_wait3A_70 = arith.constant 0 : i32
          %dma_wait3A_71 = arith.constant 0 : i32
          %dma_wait3A_72 = tpu.memref_slice %arg11[%dma_wait3A_70, %dma_wait3A_71] : memref<10000x128xf32, #tpu.memory_space<vmem_shared>> -> memref<128x128xf32, #tpu.memory_space<vmem_shared>>
          tpu.wait_dma2 semaphore(%arg12 : memref<!tpu.dma_semaphore, #tpu.memory_space<semaphore_mem>>) src(%arg7 : memref<128x128xf32, #tpu.memory_space<vmem>>) dst(%dma_wait3A_72 : memref<128x128xf32, #tpu.memory_space<vmem_shared>>)
        } else {
        }
        "tpu.region"() ({
          %run_scoped3A = tpu.sem_alloc : memref<!tpu.dma_semaphore, #tpu.memory_space<semaphore_mem>>
          %dma_start3A_67 = tpu.memref_slice %arg3[%multiple_of3A] : memref<80000xi32, #tpu.memory_space<hbm>> -> memref<128xi32, #tpu.memory_space<hbm>>
          %dma_start3A_68 = tpu.memref_slice %arg3[%multiple_of3A] : memref<80000xi32, #tpu.memory_space<hbm>> -> memref<128xi32, #tpu.memory_space<hbm>>
          tpu.enqueue_dma source(%dma_start3A_68 : memref<128xi32, #tpu.memory_space<hbm>>) target(%arg6 : memref<128xi32, #tpu.memory_space<vmem>>) target_semaphore(%run_scoped3A : memref<!tpu.dma_semaphore, #tpu.memory_space<semaphore_mem>>)
          %dma_wait3A_69 = tpu.memref_slice %arg3[%multiple_of3A] : memref<80000xi32, #tpu.memory_space<hbm>> -> memref<128xi32, #tpu.memory_space<hbm>>
          %dma_wait3A_70 = tpu.memref_slice %arg3[%multiple_of3A] : memref<80000xi32, #tpu.memory_space<hbm>> -> memref<128xi32, #tpu.memory_space<hbm>>
          tpu.wait_dma2 semaphore(%run_scoped3A : memref<!tpu.dma_semaphore, #tpu.memory_space<semaphore_mem>>) src(%dma_wait3A_70 : memref<128xi32, #tpu.memory_space<hbm>>) dst(%arg6 : memref<128xi32, #tpu.memory_space<vmem>>)
          tpu.yield
        }) : () -> ()
        "tpu.region"() ({
          %run_scoped3A = tpu.sem_alloc : memref<!tpu.dma_semaphore, #tpu.memory_space<semaphore_mem>>
          %dma_start3A_67 = arith.constant 0 : i32
          %dma_start3A_68 = tpu.memref_slice %arg2[%multiple_of3A, %dma_start3A_67] : memref<80000x128xf32, #tpu.memory_space<hbm>> -> memref<128x128xf32, #tpu.memory_space<hbm>>
          %dma_start3A_69 = arith.constant 0 : i32
          %dma_start3A_70 = tpu.memref_slice %arg2[%multiple_of3A, %dma_start3A_69] : memref<80000x128xf32, #tpu.memory_space<hbm>> -> memref<128x128xf32, #tpu.memory_space<hbm>>
          tpu.enqueue_dma source(%dma_start3A_70 : memref<128x128xf32, #tpu.memory_space<hbm>>) target(%arg7 : memref<128x128xf32, #tpu.memory_space<vmem>>) target_semaphore(%run_scoped3A : memref<!tpu.dma_semaphore, #tpu.memory_space<semaphore_mem>>)
          %dma_wait3A_71 = arith.constant 0 : i32
          %dma_wait3A_72 = tpu.memref_slice %arg2[%multiple_of3A, %dma_wait3A_71] : memref<80000x128xf32, #tpu.memory_space<hbm>> -> memref<128x128xf32, #tpu.memory_space<hbm>>
          %dma_wait3A_73 = arith.constant 0 : i32
          %dma_wait3A_74 = tpu.memref_slice %arg2[%multiple_of3A, %dma_wait3A_73] : memref<80000x128xf32, #tpu.memory_space<hbm>> -> memref<128x128xf32, #tpu.memory_space<hbm>>
          tpu.wait_dma2 semaphore(%run_scoped3A : memref<!tpu.dma_semaphore, #tpu.memory_space<semaphore_mem>>) src(%dma_wait3A_74 : memref<128x128xf32, #tpu.memory_space<hbm>>) dst(%arg7 : memref<128x128xf32, #tpu.memory_space<vmem>>)
          tpu.yield
        }) : () -> ()
        %dma_start3A = arith.constant 0 : i32
        %dma_start3A_65 = arith.constant 0 : i32
        %dma_start3A_66 = tpu.memref_slice %arg11[%dma_start3A, %dma_start3A_65] : memref<10000x128xf32, #tpu.memory_space<vmem_shared>> -> memref<10000x128xf32, #tpu.memory_space<vmem_shared>>
        tpu.enqueue_indirect_dma source(%arg7 : memref<128x128xf32, #tpu.memory_space<vmem>>) target(%dma_start3A_66 : memref<10000x128xf32, #tpu.memory_space<vmem_shared>>) offsets(%arg6 : memref<128xi32, #tpu.memory_space<vmem>>) semaphore(%arg12 : memref<!tpu.dma_semaphore, #tpu.memory_space<semaphore_mem>>) {add = true}
      } else {
      }
      %mul3A_47 = arith.constant 2 : i32
      %mul3A_48 = arith.muli %mul3A_47, %scan3A_37 : i32
      %add3A_49 = arith.constant 1 : i32
      %add3A_50 = arith.addi %mul3A_48, %add3A_49 : i32
      %mul3A_51 = arith.constant 32 : i32
      %mul3A_52 = arith.muli %add3A_50, %mul3A_51 : i32
      %add3A_53 = arith.addi %add3A, %mul3A_52 : i32
      %lt3A_54 = arith.constant 625 : i32
      %lt3A_55 = arith.cmpi slt, %add3A_53, %lt3A_54 : i32
      %convert_element_type3A_56 = arith.extui %lt3A_55 : i1 to i32
      %cond3A_57 = arith.constant 0 : i32
      %cond3A_58 = arith.cmpi ne, %convert_element_type3A_56, %cond3A_57 : i32
      scf.if %cond3A_58 {
        %mul3A_59 = arith.constant 128 : i32
        %mul3A_60 = arith.muli %add3A_53, %mul3A_59 : i32
        %multiple_of3A = tpu.assume_multiple %mul3A_60, 8 : i32
        %gt3A = arith.constant 0 : i32
        %gt3A_61 = arith.cmpi sgt, %scan3A_37, %gt3A : i32
        %convert_element_type3A_62 = arith.extui %gt3A_61 : i1 to i32
        %cond3A_63 = arith.constant 0 : i32
        %cond3A_64 = arith.cmpi ne, %convert_element_type3A_62, %cond3A_63 : i32
        scf.if %cond3A_64 {
          %dma_wait3A_67 = arith.constant 0 : i32
          %dma_wait3A_68 = arith.constant 0 : i32
          %dma_wait3A_69 = tpu.memref_slice %arg11[%dma_wait3A_67, %dma_wait3A_68] : memref<10000x128xf32, #tpu.memory_space<vmem_shared>> -> memref<128x128xf32, #tpu.memory_space<vmem_shared>>
          %dma_wait3A_70 = arith.constant 0 : i32
          %dma_wait3A_71 = arith.constant 0 : i32
          %dma_wait3A_72 = tpu.memref_slice %arg11[%dma_wait3A_70, %dma_wait3A_71] : memref<10000x128xf32, #tpu.memory_space<vmem_shared>> -> memref<128x128xf32, #tpu.memory_space<vmem_shared>>
          tpu.wait_dma2 semaphore(%arg13 : memref<!tpu.dma_semaphore, #tpu.memory_space<semaphore_mem>>) src(%arg9 : memref<128x128xf32, #tpu.memory_space<vmem>>) dst(%dma_wait3A_72 : memref<128x128xf32, #tpu.memory_space<vmem_shared>>)
        } else {
        }
        "tpu.region"() ({
          %run_scoped3A = tpu.sem_alloc : memref<!tpu.dma_semaphore, #tpu.memory_space<semaphore_mem>>
          %dma_start3A_67 = tpu.memref_slice %arg3[%multiple_of3A] : memref<80000xi32, #tpu.memory_space<hbm>> -> memref<128xi32, #tpu.memory_space<hbm>>
          %dma_start3A_68 = tpu.memref_slice %arg3[%multiple_of3A] : memref<80000xi32, #tpu.memory_space<hbm>> -> memref<128xi32, #tpu.memory_space<hbm>>
          tpu.enqueue_dma source(%dma_start3A_68 : memref<128xi32, #tpu.memory_space<hbm>>) target(%arg8 : memref<128xi32, #tpu.memory_space<vmem>>) target_semaphore(%run_scoped3A : memref<!tpu.dma_semaphore, #tpu.memory_space<semaphore_mem>>)
          %dma_wait3A_69 = tpu.memref_slice %arg3[%multiple_of3A] : memref<80000xi32, #tpu.memory_space<hbm>> -> memref<128xi32, #tpu.memory_space<hbm>>
          %dma_wait3A_70 = tpu.memref_slice %arg3[%multiple_of3A] : memref<80000xi32, #tpu.memory_space<hbm>> -> memref<128xi32, #tpu.memory_space<hbm>>
          tpu.wait_dma2 semaphore(%run_scoped3A : memref<!tpu.dma_semaphore, #tpu.memory_space<semaphore_mem>>) src(%dma_wait3A_70 : memref<128xi32, #tpu.memory_space<hbm>>) dst(%arg8 : memref<128xi32, #tpu.memory_space<vmem>>)
          tpu.yield
        }) : () -> ()
        "tpu.region"() ({
          %run_scoped3A = tpu.sem_alloc : memref<!tpu.dma_semaphore, #tpu.memory_space<semaphore_mem>>
          %dma_start3A_67 = arith.constant 0 : i32
          %dma_start3A_68 = tpu.memref_slice %arg2[%multiple_of3A, %dma_start3A_67] : memref<80000x128xf32, #tpu.memory_space<hbm>> -> memref<128x128xf32, #tpu.memory_space<hbm>>
          %dma_start3A_69 = arith.constant 0 : i32
          %dma_start3A_70 = tpu.memref_slice %arg2[%multiple_of3A, %dma_start3A_69] : memref<80000x128xf32, #tpu.memory_space<hbm>> -> memref<128x128xf32, #tpu.memory_space<hbm>>
          tpu.enqueue_dma source(%dma_start3A_70 : memref<128x128xf32, #tpu.memory_space<hbm>>) target(%arg9 : memref<128x128xf32, #tpu.memory_space<vmem>>) target_semaphore(%run_scoped3A : memref<!tpu.dma_semaphore, #tpu.memory_space<semaphore_mem>>)
          %dma_wait3A_71 = arith.constant 0 : i32
          %dma_wait3A_72 = tpu.memref_slice %arg2[%multiple_of3A, %dma_wait3A_71] : memref<80000x128xf32, #tpu.memory_space<hbm>> -> memref<128x128xf32, #tpu.memory_space<hbm>>
          %dma_wait3A_73 = arith.constant 0 : i32
          %dma_wait3A_74 = tpu.memref_slice %arg2[%multiple_of3A, %dma_wait3A_73] : memref<80000x128xf32, #tpu.memory_space<hbm>> -> memref<128x128xf32, #tpu.memory_space<hbm>>
          tpu.wait_dma2 semaphore(%run_scoped3A : memref<!tpu.dma_semaphore, #tpu.memory_space<semaphore_mem>>) src(%dma_wait3A_74 : memref<128x128xf32, #tpu.memory_space<hbm>>) dst(%arg9 : memref<128x128xf32, #tpu.memory_space<vmem>>)
          tpu.yield
        }) : () -> ()
        %dma_start3A = arith.constant 0 : i32
        %dma_start3A_65 = arith.constant 0 : i32
        %dma_start3A_66 = tpu.memref_slice %arg11[%dma_start3A, %dma_start3A_65] : memref<10000x128xf32, #tpu.memory_space<vmem_shared>> -> memref<10000x128xf32, #tpu.memory_space<vmem_shared>>
        tpu.enqueue_indirect_dma source(%arg9 : memref<128x128xf32, #tpu.memory_space<vmem>>) target(%dma_start3A_66 : memref<10000x128xf32, #tpu.memory_space<vmem_shared>>) offsets(%arg8 : memref<128xi32, #tpu.memory_space<vmem>>) semaphore(%arg13 : memref<!tpu.dma_semaphore, #tpu.memory_space<semaphore_mem>>) {add = true}
      } else {
      }
    }
    %scan3A_18 = arith.constant 10 : i32
    %dma_wait3A = arith.constant 0 : i32
    %dma_wait3A_19 = arith.constant 0 : i32
    %dma_wait3A_20 = tpu.memref_slice %arg11[%dma_wait3A, %dma_wait3A_19] : memref<10000x128xf32, #tpu.memory_space<vmem_shared>> -> memref<128x128xf32, #tpu.memory_space<vmem_shared>>
    %dma_wait3A_21 = arith.constant 0 : i32
    %dma_wait3A_22 = arith.constant 0 : i32
    %dma_wait3A_23 = tpu.memref_slice %arg11[%dma_wait3A_21, %dma_wait3A_22] : memref<10000x128xf32, #tpu.memory_space<vmem_shared>> -> memref<128x128xf32, #tpu.memory_space<vmem_shared>>
    tpu.wait_dma2 semaphore(%arg12 : memref<!tpu.dma_semaphore, #tpu.memory_space<semaphore_mem>>) src(%arg7 : memref<128x128xf32, #tpu.memory_space<vmem>>) dst(%dma_wait3A_23 : memref<128x128xf32, #tpu.memory_space<vmem_shared>>)
    %dma_wait3A_24 = arith.constant 0 : i32
    %dma_wait3A_25 = arith.constant 0 : i32
    %dma_wait3A_26 = tpu.memref_slice %arg11[%dma_wait3A_24, %dma_wait3A_25] : memref<10000x128xf32, #tpu.memory_space<vmem_shared>> -> memref<128x128xf32, #tpu.memory_space<vmem_shared>>
    %dma_wait3A_27 = arith.constant 0 : i32
    %dma_wait3A_28 = arith.constant 0 : i32
    %dma_wait3A_29 = tpu.memref_slice %arg11[%dma_wait3A_27, %dma_wait3A_28] : memref<10000x128xf32, #tpu.memory_space<vmem_shared>> -> memref<128x128xf32, #tpu.memory_space<vmem_shared>>
    tpu.wait_dma2 semaphore(%arg13 : memref<!tpu.dma_semaphore, #tpu.memory_space<semaphore_mem>>) src(%arg9 : memref<128x128xf32, #tpu.memory_space<vmem>>) dst(%dma_wait3A_29 : memref<128x128xf32, #tpu.memory_space<vmem_shared>>)
    %barrier3A_30 = arith.constant 0 : index
    tpu.barrier barrier_id(%barrier3A_30)
    %scan3A_31 = arith.constant 0 : i32
    %scan3A_32 = arith.constant 0 : i32
    %scan3A_33 = arith.constant 16 : i32
    %scan3A_34 = arith.addi %scan3A_32, %scan3A_33 : i32
    %scan3A_35 = arith.constant 1 : i32
    scf.for %scan3A_37 = %scan3A_32 to %scan3A_34 step %scan3A_35  : i32 {
      %mul3A_38 = arith.constant 16 : i32
      %mul3A_39 = arith.muli %scan3A_37, %mul3A_38 : i32
      %add3A_40 = arith.addi %arg1, %mul3A_39 : i32
      %lt3A = arith.constant 250 : i32
      %lt3A_41 = arith.cmpi slt, %add3A_40, %lt3A : i32
      %convert_element_type3A = arith.extui %lt3A_41 : i1 to i32
      %cond3A = arith.constant 0 : i32
      %cond3A_42 = arith.cmpi ne, %convert_element_type3A, %cond3A : i32
      scf.if %cond3A_42 {
        %mul3A_43 = arith.constant 40 : i32
        %mul3A_44 = arith.muli %add3A_40, %mul3A_43 : i32
        %multiple_of3A = tpu.assume_multiple %mul3A_44, 8 : i32
        "tpu.region"() ({
          %run_scoped3A = tpu.sem_alloc : memref<!tpu.dma_semaphore, #tpu.memory_space<semaphore_mem>>
          %dma_start3A = arith.constant 0 : i32
          %dma_start3A_54 = tpu.memref_slice %arg11[%multiple_of3A, %dma_start3A] : memref<10000x128xf32, #tpu.memory_space<vmem_shared>> -> memref<40x128xf32, #tpu.memory_space<vmem_shared>>
          %dma_start3A_55 = arith.constant 0 : i32
          %dma_start3A_56 = tpu.memref_slice %arg11[%multiple_of3A, %dma_start3A_55] : memref<10000x128xf32, #tpu.memory_space<vmem_shared>> -> memref<40x128xf32, #tpu.memory_space<vmem_shared>>
          tpu.enqueue_dma source(%dma_start3A_56 : memref<40x128xf32, #tpu.memory_space<vmem_shared>>) target(%arg10 : memref<40x128xf32, #tpu.memory_space<vmem>>) target_semaphore(%run_scoped3A : memref<!tpu.dma_semaphore, #tpu.memory_space<semaphore_mem>>)
          %dma_wait3A_57 = arith.constant 0 : i32
          %dma_wait3A_58 = tpu.memref_slice %arg11[%multiple_of3A, %dma_wait3A_57] : memref<10000x128xf32, #tpu.memory_space<vmem_shared>> -> memref<40x128xf32, #tpu.memory_space<vmem_shared>>
          %dma_wait3A_59 = arith.constant 0 : i32
          %dma_wait3A_60 = tpu.memref_slice %arg11[%multiple_of3A, %dma_wait3A_59] : memref<10000x128xf32, #tpu.memory_space<vmem_shared>> -> memref<40x128xf32, #tpu.memory_space<vmem_shared>>
          tpu.wait_dma2 semaphore(%run_scoped3A : memref<!tpu.dma_semaphore, #tpu.memory_space<semaphore_mem>>) src(%dma_wait3A_60 : memref<40x128xf32, #tpu.memory_space<vmem_shared>>) dst(%arg10 : memref<40x128xf32, #tpu.memory_space<vmem>>)
          tpu.yield
        }) : () -> ()
        %eq3A = arith.constant 0 : i32
        %eq3A_45 = arith.cmpi eq, %arg0, %eq3A : i32
        %convert_element_type3A_46 = arith.extui %eq3A_45 : i1 to i32
        %cond3A_47 = arith.constant 0 : i32
        %cond3A_48 = arith.cmpi ne, %convert_element_type3A_46, %cond3A_47 : i32
        scf.if %cond3A_48 {
          "tpu.region"() ({
            %run_scoped3A = tpu.sem_alloc : memref<!tpu.dma_semaphore, #tpu.memory_space<semaphore_mem>>
            %dma_start3A = arith.constant 0 : i32
            %dma_start3A_54 = tpu.memref_slice %arg4[%multiple_of3A, %dma_start3A] : memref<10000x128xf32, #tpu.memory_space<hbm>> -> memref<40x128xf32, #tpu.memory_space<hbm>>
            %dma_start3A_55 = arith.constant 0 : i32
            %dma_start3A_56 = tpu.memref_slice %arg4[%multiple_of3A, %dma_start3A_55] : memref<10000x128xf32, #tpu.memory_space<hbm>> -> memref<40x128xf32, #tpu.memory_space<hbm>>
            tpu.enqueue_dma source(%arg10 : memref<40x128xf32, #tpu.memory_space<vmem>>) target(%dma_start3A_56 : memref<40x128xf32, #tpu.memory_space<hbm>>) target_semaphore(%run_scoped3A : memref<!tpu.dma_semaphore, #tpu.memory_space<semaphore_mem>>)
            %dma_wait3A_57 = arith.constant 0 : i32
            %dma_wait3A_58 = tpu.memref_slice %arg4[%multiple_of3A, %dma_wait3A_57] : memref<10000x128xf32, #tpu.memory_space<hbm>> -> memref<40x128xf32, #tpu.memory_space<hbm>>
            %dma_wait3A_59 = arith.constant 0 : i32
            %dma_wait3A_60 = tpu.memref_slice %arg4[%multiple_of3A, %dma_wait3A_59] : memref<10000x128xf32, #tpu.memory_space<hbm>> -> memref<40x128xf32, #tpu.memory_space<hbm>>
            tpu.wait_dma2 semaphore(%run_scoped3A : memref<!tpu.dma_semaphore, #tpu.memory_space<semaphore_mem>>) src(%arg10 : memref<40x128xf32, #tpu.memory_space<vmem>>) dst(%dma_wait3A_60 : memref<40x128xf32, #tpu.memory_space<hbm>>)
            tpu.yield
          }) : () -> ()
        } else {
        }
        %eq3A_49 = arith.constant 1 : i32
        %eq3A_50 = arith.cmpi eq, %arg0, %eq3A_49 : i32
        %convert_element_type3A_51 = arith.extui %eq3A_50 : i1 to i32
        %cond3A_52 = arith.constant 0 : i32
        %cond3A_53 = arith.cmpi ne, %convert_element_type3A_51, %cond3A_52 : i32
        scf.if %cond3A_53 {
          "tpu.region"() ({
            %run_scoped3A = tpu.sem_alloc : memref<!tpu.dma_semaphore, #tpu.memory_space<semaphore_mem>>
            %dma_start3A = arith.constant 0 : i32
            %dma_start3A_54 = tpu.memref_slice %arg5[%multiple_of3A, %dma_start3A] : memref<10000x128xf32, #tpu.memory_space<hbm>> -> memref<40x128xf32, #tpu.memory_space<hbm>>
            %dma_start3A_55 = arith.constant 0 : i32
            %dma_start3A_56 = tpu.memref_slice %arg5[%multiple_of3A, %dma_start3A_55] : memref<10000x128xf32, #tpu.memory_space<hbm>> -> memref<40x128xf32, #tpu.memory_space<hbm>>
            tpu.enqueue_dma source(%arg10 : memref<40x128xf32, #tpu.memory_space<vmem>>) target(%dma_start3A_56 : memref<40x128xf32, #tpu.memory_space<hbm>>) target_semaphore(%run_scoped3A : memref<!tpu.dma_semaphore, #tpu.memory_space<semaphore_mem>>)
            %dma_wait3A_57 = arith.constant 0 : i32
            %dma_wait3A_58 = tpu.memref_slice %arg5[%multiple_of3A, %dma_wait3A_57] : memref<10000x128xf32, #tpu.memory_space<hbm>> -> memref<40x128xf32, #tpu.memory_space<hbm>>
            %dma_wait3A_59 = arith.constant 0 : i32
            %dma_wait3A_60 = tpu.memref_slice %arg5[%multiple_of3A, %dma_wait3A_59] : memref<10000x128xf32, #tpu.memory_space<hbm>> -> memref<40x128xf32, #tpu.memory_space<hbm>>
            tpu.wait_dma2 semaphore(%run_scoped3A : memref<!tpu.dma_semaphore, #tpu.memory_space<semaphore_mem>>) src(%arg10 : memref<40x128xf32, #tpu.memory_space<vmem>>) dst(%dma_wait3A_60 : memref<40x128xf32, #tpu.memory_space<hbm>>)
            tpu.yield
          }) : () -> ()
        } else {
        }
      } else {
      }
    }
    %scan3A_36 = arith.constant 16 : i32
    return
  }
}

#map = affine_map<(d0, d1) -> (0, 0)>
#map1 = affine_map<(d0, d1) -> (0)>
module attributes {stable_mosaic.version = 14 : i64} {
  func.func @_scatter_body(%arg0: i32, %arg1: i32, %arg2: memref<80000x128xf32, #tpu.memory_space<hbm>>, %arg3: memref<80000xi32, #tpu.memory_space<hbm>>, %arg4: memref<10000x128xf32, #tpu.memory_space<hbm>>, %arg5: memref<10000x128xf32, #tpu.memory_space<hbm>>, %arg6: memref<128xi32, #tpu.memory_space<vmem>>, %arg7: memref<128x128xf32, #tpu.memory_space<vmem>>, %arg8: memref<128xi32, #tpu.memory_space<vmem>>, %arg9: memref<128x128xf32, #tpu.memory_space<vmem>>, %arg10: memref<40x128xf32, #tpu.memory_space<vmem>>, %arg11: memref<10000x128xf32, #tpu.memory_space<vmem_shared>>, %arg12: memref<!tpu.dma_semaphore, #tpu.memory_space<semaphore_mem>>, %arg13: memref<!tpu.dma_semaphore, #tpu.memory_space<semaphore_mem>>) attributes {dimension_semantics = [#tpu.dimension_semantics<core_parallel>, #tpu.dimension_semantics<subcore_parallel>], iteration_bounds = array<i64: 2, 16>, scalar_prefetch = 0 : i64, scratch_operands = 8 : i64, tpu.core_type = #tpu.core_type<sc_vector_subcore>, window_params = [{transform_indices = #map}, {transform_indices = #map1}, {transform_indices = #map}, {transform_indices = #map}]} {
    %mul3A = arith.constant 16 : i32
    %mul3A_0 = arith.muli %arg0, %mul3A : i32
    %add3A = arith.addi %mul3A_0, %arg1 : i32
    %broadcast_in_dim3A = arith.constant 0.000000e+00 : f32
    %broadcast_in_dim3A_1 = vector.broadcast %broadcast_in_dim3A : f32 to vector<16xf32>
    %scan3A = arith.constant 0 : i32
    %scan3A_2 = arith.constant 0 : i32
    %scan3A_3 = arith.constant 40 : i32
    %scan3A_4 = arith.addi %scan3A_2, %scan3A_3 : i32
    %scan3A_5 = arith.constant 1 : i32
    scf.for %scan3A_37 = %scan3A_2 to %scan3A_4 step %scan3A_5  : i32 {
      %swap3A = arith.index_cast %scan3A_37 : i32 to index
      %swap3A_38 = arith.constant 0 : index
      %swap3A_39 = tpu.vector_load %arg10[%swap3A, %swap3A_38] {strides = array<i32>} : memref<40x128xf32, #tpu.memory_space<vmem>>, vector<1x16xf32>,
      %swap3A_40 = vector.shape_cast %swap3A_39 : vector<1x16xf32> to vector<16xf32>
      %swap3A_41 = vector.shape_cast %broadcast_in_dim3A_1 : vector<16xf32> to vector<1x16xf32>
      tpu.vector_store %arg10[%swap3A, %swap3A_38], %swap3A_41 {strides = array<i32>} : memref<40x128xf32, #tpu.memory_space<vmem>>, vector<1x16xf32>,
      %swap3A_42 = arith.index_cast %scan3A_37 : i32 to index
      %swap3A_43 = arith.constant 16 : index
      %swap3A_44 = tpu.vector_load %arg10[%swap3A_42, %swap3A_43] {strides = array<i32>} : memref<40x128xf32, #tpu.memory_space<vmem>>, vector<1x16xf32>,
      %swap3A_45 = vector.shape_cast %swap3A_44 : vector<1x16xf32> to vector<16xf32>
      %swap3A_46 = vector.shape_cast %broadcast_in_dim3A_1 : vector<16xf32> to vector<1x16xf32>
      tpu.vector_store %arg10[%swap3A_42, %swap3A_43], %swap3A_46 {strides = array<i32>} : memref<40x128xf32, #tpu.memory_space<vmem>>, vector<1x16xf32>,
      %swap3A_47 = arith.index_cast %scan3A_37 : i32 to index
      %swap3A_48 = arith.constant 32 : index
      %swap3A_49 = tpu.vector_load %arg10[%swap3A_47, %swap3A_48] {strides = array<i32>} : memref<40x128xf32, #tpu.memory_space<vmem>>, vector<1x16xf32>,
      %swap3A_50 = vector.shape_cast %swap3A_49 : vector<1x16xf32> to vector<16xf32>
      %swap3A_51 = vector.shape_cast %broadcast_in_dim3A_1 : vector<16xf32> to vector<1x16xf32>
      tpu.vector_store %arg10[%swap3A_47, %swap3A_48], %swap3A_51 {strides = array<i32>} : memref<40x128xf32, #tpu.memory_space<vmem>>, vector<1x16xf32>,
      %swap3A_52 = arith.index_cast %scan3A_37 : i32 to index
      %swap3A_53 = arith.constant 48 : index
      %swap3A_54 = tpu.vector_load %arg10[%swap3A_52, %swap3A_53] {strides = array<i32>} : memref<40x128xf32, #tpu.memory_space<vmem>>, vector<1x16xf32>,
      %swap3A_55 = vector.shape_cast %swap3A_54 : vector<1x16xf32> to vector<16xf32>
      %swap3A_56 = vector.shape_cast %broadcast_in_dim3A_1 : vector<16xf32> to vector<1x16xf32>
      tpu.vector_store %arg10[%swap3A_52, %swap3A_53], %swap3A_56 {strides = array<i32>} : memref<40x128xf32, #tpu.memory_space<vmem>>, vector<1x16xf32>,
      %swap3A_57 = arith.index_cast %scan3A_37 : i32 to index
      %swap3A_58 = arith.constant 64 : index
      %swap3A_59 = tpu.vector_load %arg10[%swap3A_57, %swap3A_58] {strides = array<i32>} : memref<40x128xf32, #tpu.memory_space<vmem>>, vector<1x16xf32>,
      %swap3A_60 = vector.shape_cast %swap3A_59 : vector<1x16xf32> to vector<16xf32>
      %swap3A_61 = vector.shape_cast %broadcast_in_dim3A_1 : vector<16xf32> to vector<1x16xf32>
      tpu.vector_store %arg10[%swap3A_57, %swap3A_58], %swap3A_61 {strides = array<i32>} : memref<40x128xf32, #tpu.memory_space<vmem>>, vector<1x16xf32>,
      %swap3A_62 = arith.index_cast %scan3A_37 : i32 to index
      %swap3A_63 = arith.constant 80 : index
      %swap3A_64 = tpu.vector_load %arg10[%swap3A_62, %swap3A_63] {strides = array<i32>} : memref<40x128xf32, #tpu.memory_space<vmem>>, vector<1x16xf32>,
      %swap3A_65 = vector.shape_cast %swap3A_64 : vector<1x16xf32> to vector<16xf32>
      %swap3A_66 = vector.shape_cast %broadcast_in_dim3A_1 : vector<16xf32> to vector<1x16xf32>
      tpu.vector_store %arg10[%swap3A_62, %swap3A_63], %swap3A_66 {strides = array<i32>} : memref<40x128xf32, #tpu.memory_space<vmem>>, vector<1x16xf32>,
      %swap3A_67 = arith.index_cast %scan3A_37 : i32 to index
      %swap3A_68 = arith.constant 96 : index
      %swap3A_69 = tpu.vector_load %arg10[%swap3A_67, %swap3A_68] {strides = array<i32>} : memref<40x128xf32, #tpu.memory_space<vmem>>, vector<1x16xf32>,
      %swap3A_70 = vector.shape_cast %swap3A_69 : vector<1x16xf32> to vector<16xf32>
      %swap3A_71 = vector.shape_cast %broadcast_in_dim3A_1 : vector<16xf32> to vector<1x16xf32>
      tpu.vector_store %arg10[%swap3A_67, %swap3A_68], %swap3A_71 {strides = array<i32>} : memref<40x128xf32, #tpu.memory_space<vmem>>, vector<1x16xf32>,
      %swap3A_72 = arith.index_cast %scan3A_37 : i32 to index
      %swap3A_73 = arith.constant 112 : index
      %swap3A_74 = tpu.vector_load %arg10[%swap3A_72, %swap3A_73] {strides = array<i32>} : memref<40x128xf32, #tpu.memory_space<vmem>>, vector<1x16xf32>,
      %swap3A_75 = vector.shape_cast %swap3A_74 : vector<1x16xf32> to vector<16xf32>
      %swap3A_76 = vector.shape_cast %broadcast_in_dim3A_1 : vector<16xf32> to vector<1x16xf32>
      tpu.vector_store %arg10[%swap3A_72, %swap3A_73], %swap3A_76 {strides = array<i32>} : memref<40x128xf32, #tpu.memory_space<vmem>>, vector<1x16xf32>,
    }
    %scan3A_6 = arith.constant 40 : i32
    %scan3A_7 = arith.constant 0 : i32
    %scan3A_8 = arith.constant 0 : i32
    %scan3A_9 = arith.constant 16 : i32
    %scan3A_10 = arith.addi %scan3A_8, %scan3A_9 : i32
    %scan3A_11 = arith.constant 1 : i32
    scf.for %scan3A_37 = %scan3A_8 to %scan3A_10 step %scan3A_11  : i32 {
      %mul3A_38 = arith.constant 16 : i32
      %mul3A_39 = arith.muli %scan3A_37, %mul3A_38 : i32
      %add3A_40 = arith.addi %arg1, %mul3A_39 : i32
      %lt3A = arith.constant 250 : i32
      %lt3A_41 = arith.cmpi slt, %add3A_40, %lt3A : i32
      %convert_element_type3A = arith.extui %lt3A_41 : i1 to i32
      %cond3A = arith.constant 0 : i32
      %cond3A_42 = arith.cmpi ne, %convert_element_type3A, %cond3A : i32
      scf.if %cond3A_42 {
        %mul3A_43 = arith.constant 40 : i32
        %mul3A_44 = arith.muli %add3A_40, %mul3A_43 : i32
        %multiple_of3A = tpu.assume_multiple %mul3A_44, 8 : i32
        "tpu.region"() ({
          %run_scoped3A = tpu.sem_alloc : memref<!tpu.dma_semaphore, #tpu.memory_space<semaphore_mem>>
          %dma_start3A = arith.constant 0 : i32
          %dma_start3A_45 = tpu.memref_slice %arg11[%multiple_of3A, %dma_start3A] : memref<10000x128xf32, #tpu.memory_space<vmem_shared>> -> memref<40x128xf32, #tpu.memory_space<vmem_shared>>
          %dma_start3A_46 = arith.constant 0 : i32
          %dma_start3A_47 = tpu.memref_slice %arg11[%multiple_of3A, %dma_start3A_46] : memref<10000x128xf32, #tpu.memory_space<vmem_shared>> -> memref<40x128xf32, #tpu.memory_space<vmem_shared>>
          tpu.enqueue_dma source(%arg10 : memref<40x128xf32, #tpu.memory_space<vmem>>) target(%dma_start3A_47 : memref<40x128xf32, #tpu.memory_space<vmem_shared>>) target_semaphore(%run_scoped3A : memref<!tpu.dma_semaphore, #tpu.memory_space<semaphore_mem>>)
          %dma_wait3A_48 = arith.constant 0 : i32
          %dma_wait3A_49 = tpu.memref_slice %arg11[%multiple_of3A, %dma_wait3A_48] : memref<10000x128xf32, #tpu.memory_space<vmem_shared>> -> memref<40x128xf32, #tpu.memory_space<vmem_shared>>
          %dma_wait3A_50 = arith.constant 0 : i32
          %dma_wait3A_51 = tpu.memref_slice %arg11[%multiple_of3A, %dma_wait3A_50] : memref<10000x128xf32, #tpu.memory_space<vmem_shared>> -> memref<40x128xf32, #tpu.memory_space<vmem_shared>>
          tpu.wait_dma2 semaphore(%run_scoped3A : memref<!tpu.dma_semaphore, #tpu.memory_space<semaphore_mem>>) src(%arg10 : memref<40x128xf32, #tpu.memory_space<vmem>>) dst(%dma_wait3A_51 : memref<40x128xf32, #tpu.memory_space<vmem_shared>>)
          tpu.yield
        }) : () -> ()
      } else {
      }
    }
    %scan3A_12 = arith.constant 16 : i32
    %barrier3A = arith.constant 0 : index
    tpu.barrier barrier_id(%barrier3A)
    %scan3A_13 = arith.constant 0 : i32
    %scan3A_14 = arith.constant 0 : i32
    %scan3A_15 = arith.constant 10 : i32
    %scan3A_16 = arith.addi %scan3A_14, %scan3A_15 : i32
    %scan3A_17 = arith.constant 1 : i32
    scf.for %scan3A_37 = %scan3A_14 to %scan3A_16 step %scan3A_17  : i32 {
      %mul3A_38 = arith.constant 2 : i32
      %mul3A_39 = arith.muli %mul3A_38, %scan3A_37 : i32
      %add3A_40 = arith.constant 0 : i32
      %add3A_41 = arith.addi %mul3A_39, %add3A_40 : i32
      %mul3A_42 = arith.constant 32 : i32
      %mul3A_43 = arith.muli %add3A_41, %mul3A_42 : i32
      %add3A_44 = arith.addi %add3A, %mul3A_43 : i32
      %lt3A = arith.constant 625 : i32
      %lt3A_45 = arith.cmpi slt, %add3A_44, %lt3A : i32
      %convert_element_type3A = arith.extui %lt3A_45 : i1 to i32
      %cond3A = arith.constant 0 : i32
      %cond3A_46 = arith.cmpi ne, %convert_element_type3A, %cond3A : i32
      scf.if %cond3A_46 {
        %mul3A_59 = arith.constant 128 : i32
        %mul3A_60 = arith.muli %add3A_44, %mul3A_59 : i32
        %multiple_of3A = tpu.assume_multiple %mul3A_60, 8 : i32
        %gt3A = arith.constant 0 : i32
        %gt3A_61 = arith.cmpi sgt, %scan3A_37, %gt3A : i32
        %convert_element_type3A_62 = arith.extui %gt3A_61 : i1 to i32
        %cond3A_63 = arith.constant 0 : i32
        %cond3A_64 = arith.cmpi ne, %convert_element_type3A_62, %cond3A_63 : i32
        scf.if %cond3A_64 {
          %dma_wait3A_67 = arith.constant 0 : i32
          %dma_wait3A_68 = arith.constant 0 : i32
          %dma_wait3A_69 = tpu.memref_slice %arg11[%dma_wait3A_67, %dma_wait3A_68] : memref<10000x128xf32, #tpu.memory_space<vmem_shared>> -> memref<128x128xf32, #tpu.memory_space<vmem_shared>>
          %dma_wait3A_70 = arith.constant 0 : i32
          %dma_wait3A_71 = arith.constant 0 : i32
          %dma_wait3A_72 = tpu.memref_slice %arg11[%dma_wait3A_70, %dma_wait3A_71] : memref<10000x128xf32, #tpu.memory_space<vmem_shared>> -> memref<128x128xf32, #tpu.memory_space<vmem_shared>>
          tpu.wait_dma2 semaphore(%arg12 : memref<!tpu.dma_semaphore, #tpu.memory_space<semaphore_mem>>) src(%arg7 : memref<128x128xf32, #tpu.memory_space<vmem>>) dst(%dma_wait3A_72 : memref<128x128xf32, #tpu.memory_space<vmem_shared>>)
        } else {
        }
        "tpu.region"() ({
          %run_scoped3A = tpu.sem_alloc : memref<!tpu.dma_semaphore, #tpu.memory_space<semaphore_mem>>
          %dma_start3A_67 = tpu.memref_slice %arg3[%multiple_of3A] : memref<80000xi32, #tpu.memory_space<hbm>> -> memref<128xi32, #tpu.memory_space<hbm>>
          %dma_start3A_68 = tpu.memref_slice %arg3[%multiple_of3A] : memref<80000xi32, #tpu.memory_space<hbm>> -> memref<128xi32, #tpu.memory_space<hbm>>
          tpu.enqueue_dma source(%dma_start3A_68 : memref<128xi32, #tpu.memory_space<hbm>>) target(%arg6 : memref<128xi32, #tpu.memory_space<vmem>>) target_semaphore(%run_scoped3A : memref<!tpu.dma_semaphore, #tpu.memory_space<semaphore_mem>>)
          %dma_wait3A_69 = tpu.memref_slice %arg3[%multiple_of3A] : memref<80000xi32, #tpu.memory_space<hbm>> -> memref<128xi32, #tpu.memory_space<hbm>>
          %dma_wait3A_70 = tpu.memref_slice %arg3[%multiple_of3A] : memref<80000xi32, #tpu.memory_space<hbm>> -> memref<128xi32, #tpu.memory_space<hbm>>
          tpu.wait_dma2 semaphore(%run_scoped3A : memref<!tpu.dma_semaphore, #tpu.memory_space<semaphore_mem>>) src(%dma_wait3A_70 : memref<128xi32, #tpu.memory_space<hbm>>) dst(%arg6 : memref<128xi32, #tpu.memory_space<vmem>>)
          tpu.yield
        }) : () -> ()
        "tpu.region"() ({
          %run_scoped3A = tpu.sem_alloc : memref<!tpu.dma_semaphore, #tpu.memory_space<semaphore_mem>>
          %dma_start3A_67 = arith.constant 0 : i32
          %dma_start3A_68 = tpu.memref_slice %arg2[%multiple_of3A, %dma_start3A_67] : memref<80000x128xf32, #tpu.memory_space<hbm>> -> memref<128x128xf32, #tpu.memory_space<hbm>>
          %dma_start3A_69 = arith.constant 0 : i32
          %dma_start3A_70 = tpu.memref_slice %arg2[%multiple_of3A, %dma_start3A_69] : memref<80000x128xf32, #tpu.memory_space<hbm>> -> memref<128x128xf32, #tpu.memory_space<hbm>>
          tpu.enqueue_dma source(%dma_start3A_70 : memref<128x128xf32, #tpu.memory_space<hbm>>) target(%arg7 : memref<128x128xf32, #tpu.memory_space<vmem>>) target_semaphore(%run_scoped3A : memref<!tpu.dma_semaphore, #tpu.memory_space<semaphore_mem>>)
          %dma_wait3A_71 = arith.constant 0 : i32
          %dma_wait3A_72 = tpu.memref_slice %arg2[%multiple_of3A, %dma_wait3A_71] : memref<80000x128xf32, #tpu.memory_space<hbm>> -> memref<128x128xf32, #tpu.memory_space<hbm>>
          %dma_wait3A_73 = arith.constant 0 : i32
          %dma_wait3A_74 = tpu.memref_slice %arg2[%multiple_of3A, %dma_wait3A_73] : memref<80000x128xf32, #tpu.memory_space<hbm>> -> memref<128x128xf32, #tpu.memory_space<hbm>>
          tpu.wait_dma2 semaphore(%run_scoped3A : memref<!tpu.dma_semaphore, #tpu.memory_space<semaphore_mem>>) src(%dma_wait3A_74 : memref<128x128xf32, #tpu.memory_space<hbm>>) dst(%arg7 : memref<128x128xf32, #tpu.memory_space<vmem>>)
          tpu.yield
        }) : () -> ()
        %dma_start3A = arith.constant 0 : i32
        %dma_start3A_65 = arith.constant 0 : i32
        %dma_start3A_66 = tpu.memref_slice %arg11[%dma_start3A, %dma_start3A_65] : memref<10000x128xf32, #tpu.memory_space<vmem_shared>> -> memref<10000x128xf32, #tpu.memory_space<vmem_shared>>
        tpu.enqueue_indirect_dma source(%arg7 : memref<128x128xf32, #tpu.memory_space<vmem>>) target(%dma_start3A_66 : memref<10000x128xf32, #tpu.memory_space<vmem_shared>>) offsets(%arg6 : memref<128xi32, #tpu.memory_space<vmem>>) semaphore(%arg12 : memref<!tpu.dma_semaphore, #tpu.memory_space<semaphore_mem>>) {add = true}
      } else {
      }
      %mul3A_47 = arith.constant 2 : i32
      %mul3A_48 = arith.muli %mul3A_47, %scan3A_37 : i32
      %add3A_49 = arith.constant 1 : i32
      %add3A_50 = arith.addi %mul3A_48, %add3A_49 : i32
      %mul3A_51 = arith.constant 32 : i32
      %mul3A_52 = arith.muli %add3A_50, %mul3A_51 : i32
      %add3A_53 = arith.addi %add3A, %mul3A_52 : i32
      %lt3A_54 = arith.constant 625 : i32
      %lt3A_55 = arith.cmpi slt, %add3A_53, %lt3A_54 : i32
      %convert_element_type3A_56 = arith.extui %lt3A_55 : i1 to i32
      %cond3A_57 = arith.constant 0 : i32
      %cond3A_58 = arith.cmpi ne, %convert_element_type3A_56, %cond3A_57 : i32
      scf.if %cond3A_58 {
        %mul3A_59 = arith.constant 128 : i32
        %mul3A_60 = arith.muli %add3A_53, %mul3A_59 : i32
        %multiple_of3A = tpu.assume_multiple %mul3A_60, 8 : i32
        %gt3A = arith.constant 0 : i32
        %gt3A_61 = arith.cmpi sgt, %scan3A_37, %gt3A : i32
        %convert_element_type3A_62 = arith.extui %gt3A_61 : i1 to i32
        %cond3A_63 = arith.constant 0 : i32
        %cond3A_64 = arith.cmpi ne, %convert_element_type3A_62, %cond3A_63 : i32
        scf.if %cond3A_64 {
          %dma_wait3A_67 = arith.constant 0 : i32
          %dma_wait3A_68 = arith.constant 0 : i32
          %dma_wait3A_69 = tpu.memref_slice %arg11[%dma_wait3A_67, %dma_wait3A_68] : memref<10000x128xf32, #tpu.memory_space<vmem_shared>> -> memref<128x128xf32, #tpu.memory_space<vmem_shared>>
          %dma_wait3A_70 = arith.constant 0 : i32
          %dma_wait3A_71 = arith.constant 0 : i32
          %dma_wait3A_72 = tpu.memref_slice %arg11[%dma_wait3A_70, %dma_wait3A_71] : memref<10000x128xf32, #tpu.memory_space<vmem_shared>> -> memref<128x128xf32, #tpu.memory_space<vmem_shared>>
          tpu.wait_dma2 semaphore(%arg13 : memref<!tpu.dma_semaphore, #tpu.memory_space<semaphore_mem>>) src(%arg9 : memref<128x128xf32, #tpu.memory_space<vmem>>) dst(%dma_wait3A_72 : memref<128x128xf32, #tpu.memory_space<vmem_shared>>)
        } else {
        }
        "tpu.region"() ({
          %run_scoped3A = tpu.sem_alloc : memref<!tpu.dma_semaphore, #tpu.memory_space<semaphore_mem>>
          %dma_start3A_67 = tpu.memref_slice %arg3[%multiple_of3A] : memref<80000xi32, #tpu.memory_space<hbm>> -> memref<128xi32, #tpu.memory_space<hbm>>
          %dma_start3A_68 = tpu.memref_slice %arg3[%multiple_of3A] : memref<80000xi32, #tpu.memory_space<hbm>> -> memref<128xi32, #tpu.memory_space<hbm>>
          tpu.enqueue_dma source(%dma_start3A_68 : memref<128xi32, #tpu.memory_space<hbm>>) target(%arg8 : memref<128xi32, #tpu.memory_space<vmem>>) target_semaphore(%run_scoped3A : memref<!tpu.dma_semaphore, #tpu.memory_space<semaphore_mem>>)
          %dma_wait3A_69 = tpu.memref_slice %arg3[%multiple_of3A] : memref<80000xi32, #tpu.memory_space<hbm>> -> memref<128xi32, #tpu.memory_space<hbm>>
          %dma_wait3A_70 = tpu.memref_slice %arg3[%multiple_of3A] : memref<80000xi32, #tpu.memory_space<hbm>> -> memref<128xi32, #tpu.memory_space<hbm>>
          tpu.wait_dma2 semaphore(%run_scoped3A : memref<!tpu.dma_semaphore, #tpu.memory_space<semaphore_mem>>) src(%dma_wait3A_70 : memref<128xi32, #tpu.memory_space<hbm>>) dst(%arg8 : memref<128xi32, #tpu.memory_space<vmem>>)
          tpu.yield
        }) : () -> ()
        "tpu.region"() ({
          %run_scoped3A = tpu.sem_alloc : memref<!tpu.dma_semaphore, #tpu.memory_space<semaphore_mem>>
          %dma_start3A_67 = arith.constant 0 : i32
          %dma_start3A_68 = tpu.memref_slice %arg2[%multiple_of3A, %dma_start3A_67] : memref<80000x128xf32, #tpu.memory_space<hbm>> -> memref<128x128xf32, #tpu.memory_space<hbm>>
          %dma_start3A_69 = arith.constant 0 : i32
          %dma_start3A_70 = tpu.memref_slice %arg2[%multiple_of3A, %dma_start3A_69] : memref<80000x128xf32, #tpu.memory_space<hbm>> -> memref<128x128xf32, #tpu.memory_space<hbm>>
          tpu.enqueue_dma source(%dma_start3A_70 : memref<128x128xf32, #tpu.memory_space<hbm>>) target(%arg9 : memref<128x128xf32, #tpu.memory_space<vmem>>) target_semaphore(%run_scoped3A : memref<!tpu.dma_semaphore, #tpu.memory_space<semaphore_mem>>)
          %dma_wait3A_71 = arith.constant 0 : i32
          %dma_wait3A_72 = tpu.memref_slice %arg2[%multiple_of3A, %dma_wait3A_71] : memref<80000x128xf32, #tpu.memory_space<hbm>> -> memref<128x128xf32, #tpu.memory_space<hbm>>
          %dma_wait3A_73 = arith.constant 0 : i32
          %dma_wait3A_74 = tpu.memref_slice %arg2[%multiple_of3A, %dma_wait3A_73] : memref<80000x128xf32, #tpu.memory_space<hbm>> -> memref<128x128xf32, #tpu.memory_space<hbm>>
          tpu.wait_dma2 semaphore(%run_scoped3A : memref<!tpu.dma_semaphore, #tpu.memory_space<semaphore_mem>>) src(%dma_wait3A_74 : memref<128x128xf32, #tpu.memory_space<hbm>>) dst(%arg9 : memref<128x128xf32, #tpu.memory_space<vmem>>)
          tpu.yield
        }) : () -> ()
        %dma_start3A = arith.constant 0 : i32
        %dma_start3A_65 = arith.constant 0 : i32
        %dma_start3A_66 = tpu.memref_slice %arg11[%dma_start3A, %dma_start3A_65] : memref<10000x128xf32, #tpu.memory_space<vmem_shared>> -> memref<10000x128xf32, #tpu.memory_space<vmem_shared>>
        tpu.enqueue_indirect_dma source(%arg9 : memref<128x128xf32, #tpu.memory_space<vmem>>) target(%dma_start3A_66 : memref<10000x128xf32, #tpu.memory_space<vmem_shared>>) offsets(%arg8 : memref<128xi32, #tpu.memory_space<vmem>>) semaphore(%arg13 : memref<!tpu.dma_semaphore, #tpu.memory_space<semaphore_mem>>) {add = true}
      } else {
      }
    }
    %scan3A_18 = arith.constant 10 : i32
    %dma_wait3A = arith.constant 0 : i32
    %dma_wait3A_19 = arith.constant 0 : i32
    %dma_wait3A_20 = tpu.memref_slice %arg11[%dma_wait3A, %dma_wait3A_19] : memref<10000x128xf32, #tpu.memory_space<vmem_shared>> -> memref<128x128xf32, #tpu.memory_space<vmem_shared>>
    %dma_wait3A_21 = arith.constant 0 : i32
    %dma_wait3A_22 = arith.constant 0 : i32
    %dma_wait3A_23 = tpu.memref_slice %arg11[%dma_wait3A_21, %dma_wait3A_22] : memref<10000x128xf32, #tpu.memory_space<vmem_shared>> -> memref<128x128xf32, #tpu.memory_space<vmem_shared>>
    tpu.wait_dma2 semaphore(%arg12 : memref<!tpu.dma_semaphore, #tpu.memory_space<semaphore_mem>>) src(%arg7 : memref<128x128xf32, #tpu.memory_space<vmem>>) dst(%dma_wait3A_23 : memref<128x128xf32, #tpu.memory_space<vmem_shared>>)
    %dma_wait3A_24 = arith.constant 0 : i32
    %dma_wait3A_25 = arith.constant 0 : i32
    %dma_wait3A_26 = tpu.memref_slice %arg11[%dma_wait3A_24, %dma_wait3A_25] : memref<10000x128xf32, #tpu.memory_space<vmem_shared>> -> memref<128x128xf32, #tpu.memory_space<vmem_shared>>
    %dma_wait3A_27 = arith.constant 0 : i32
    %dma_wait3A_28 = arith.constant 0 : i32
    %dma_wait3A_29 = tpu.memref_slice %arg11[%dma_wait3A_27, %dma_wait3A_28] : memref<10000x128xf32, #tpu.memory_space<vmem_shared>> -> memref<128x128xf32, #tpu.memory_space<vmem_shared>>
    tpu.wait_dma2 semaphore(%arg13 : memref<!tpu.dma_semaphore, #tpu.memory_space<semaphore_mem>>) src(%arg9 : memref<128x128xf32, #tpu.memory_space<vmem>>) dst(%dma_wait3A_29 : memref<128x128xf32, #tpu.memory_space<vmem_shared>>)
    %barrier3A_30 = arith.constant 0 : index
    tpu.barrier barrier_id(%barrier3A_30)
    %scan3A_31 = arith.constant 0 : i32
    %scan3A_32 = arith.constant 0 : i32
    %scan3A_33 = arith.constant 16 : i32
    %scan3A_34 = arith.addi %scan3A_32, %scan3A_33 : i32
    %scan3A_35 = arith.constant 1 : i32
    scf.for %scan3A_37 = %scan3A_32 to %scan3A_34 step %scan3A_35  : i32 {
      %mul3A_38 = arith.constant 16 : i32
      %mul3A_39 = arith.muli %scan3A_37, %mul3A_38 : i32
      %add3A_40 = arith.addi %arg1, %mul3A_39 : i32
      %lt3A = arith.constant 250 : i32
      %lt3A_41 = arith.cmpi slt, %add3A_40, %lt3A : i32
      %convert_element_type3A = arith.extui %lt3A_41 : i1 to i32
      %cond3A = arith.constant 0 : i32
      %cond3A_42 = arith.cmpi ne, %convert_element_type3A, %cond3A : i32
      scf.if %cond3A_42 {
        %mul3A_43 = arith.constant 40 : i32
        %mul3A_44 = arith.muli %add3A_40, %mul3A_43 : i32
        %multiple_of3A = tpu.assume_multiple %mul3A_44, 8 : i32
        "tpu.region"() ({
          %run_scoped3A = tpu.sem_alloc : memref<!tpu.dma_semaphore, #tpu.memory_space<semaphore_mem>>
          %dma_start3A = arith.constant 0 : i32
          %dma_start3A_54 = tpu.memref_slice %arg11[%multiple_of3A, %dma_start3A] : memref<10000x128xf32, #tpu.memory_space<vmem_shared>> -> memref<40x128xf32, #tpu.memory_space<vmem_shared>>
          %dma_start3A_55 = arith.constant 0 : i32
          %dma_start3A_56 = tpu.memref_slice %arg11[%multiple_of3A, %dma_start3A_55] : memref<10000x128xf32, #tpu.memory_space<vmem_shared>> -> memref<40x128xf32, #tpu.memory_space<vmem_shared>>
          tpu.enqueue_dma source(%dma_start3A_56 : memref<40x128xf32, #tpu.memory_space<vmem_shared>>) target(%arg10 : memref<40x128xf32, #tpu.memory_space<vmem>>) target_semaphore(%run_scoped3A : memref<!tpu.dma_semaphore, #tpu.memory_space<semaphore_mem>>)
          %dma_wait3A_57 = arith.constant 0 : i32
          %dma_wait3A_58 = tpu.memref_slice %arg11[%multiple_of3A, %dma_wait3A_57] : memref<10000x128xf32, #tpu.memory_space<vmem_shared>> -> memref<40x128xf32, #tpu.memory_space<vmem_shared>>
          %dma_wait3A_59 = arith.constant 0 : i32
          %dma_wait3A_60 = tpu.memref_slice %arg11[%multiple_of3A, %dma_wait3A_59] : memref<10000x128xf32, #tpu.memory_space<vmem_shared>> -> memref<40x128xf32, #tpu.memory_space<vmem_shared>>
          tpu.wait_dma2 semaphore(%run_scoped3A : memref<!tpu.dma_semaphore, #tpu.memory_space<semaphore_mem>>) src(%dma_wait3A_60 : memref<40x128xf32, #tpu.memory_space<vmem_shared>>) dst(%arg10 : memref<40x128xf32, #tpu.memory_space<vmem>>)
          tpu.yield
        }) : () -> ()
        %eq3A = arith.constant 0 : i32
        %eq3A_45 = arith.cmpi eq, %arg0, %eq3A : i32
        %convert_element_type3A_46 = arith.extui %eq3A_45 : i1 to i32
        %cond3A_47 = arith.constant 0 : i32
        %cond3A_48 = arith.cmpi ne, %convert_element_type3A_46, %cond3A_47 : i32
        scf.if %cond3A_48 {
          "tpu.region"() ({
            %run_scoped3A = tpu.sem_alloc : memref<!tpu.dma_semaphore, #tpu.memory_space<semaphore_mem>>
            %dma_start3A = arith.constant 0 : i32
            %dma_start3A_54 = tpu.memref_slice %arg4[%multiple_of3A, %dma_start3A] : memref<10000x128xf32, #tpu.memory_space<hbm>> -> memref<40x128xf32, #tpu.memory_space<hbm>>
            %dma_start3A_55 = arith.constant 0 : i32
            %dma_start3A_56 = tpu.memref_slice %arg4[%multiple_of3A, %dma_start3A_55] : memref<10000x128xf32, #tpu.memory_space<hbm>> -> memref<40x128xf32, #tpu.memory_space<hbm>>
            tpu.enqueue_dma source(%arg10 : memref<40x128xf32, #tpu.memory_space<vmem>>) target(%dma_start3A_56 : memref<40x128xf32, #tpu.memory_space<hbm>>) target_semaphore(%run_scoped3A : memref<!tpu.dma_semaphore, #tpu.memory_space<semaphore_mem>>)
            %dma_wait3A_57 = arith.constant 0 : i32
            %dma_wait3A_58 = tpu.memref_slice %arg4[%multiple_of3A, %dma_wait3A_57] : memref<10000x128xf32, #tpu.memory_space<hbm>> -> memref<40x128xf32, #tpu.memory_space<hbm>>
            %dma_wait3A_59 = arith.constant 0 : i32
            %dma_wait3A_60 = tpu.memref_slice %arg4[%multiple_of3A, %dma_wait3A_59] : memref<10000x128xf32, #tpu.memory_space<hbm>> -> memref<40x128xf32, #tpu.memory_space<hbm>>
            tpu.wait_dma2 semaphore(%run_scoped3A : memref<!tpu.dma_semaphore, #tpu.memory_space<semaphore_mem>>) src(%arg10 : memref<40x128xf32, #tpu.memory_space<vmem>>) dst(%dma_wait3A_60 : memref<40x128xf32, #tpu.memory_space<hbm>>)
            tpu.yield
          }) : () -> ()
        } else {
        }
        %eq3A_49 = arith.constant 1 : i32
        %eq3A_50 = arith.cmpi eq, %arg0, %eq3A_49 : i32
        %convert_element_type3A_51 = arith.extui %eq3A_50 : i1 to i32
        %cond3A_52 = arith.constant 0 : i32
        %cond3A_53 = arith.cmpi ne, %convert_element_type3A_51, %cond3A_52 : i32
        scf.if %cond3A_53 {
          "tpu.region"() ({
            %run_scoped3A = tpu.sem_alloc : memref<!tpu.dma_semaphore, #tpu.memory_space<semaphore_mem>>
            %dma_start3A = arith.constant 0 : i32
            %dma_start3A_54 = tpu.memref_slice %arg5[%multiple_of3A, %dma_start3A] : memref<10000x128xf32, #tpu.memory_space<hbm>> -> memref<40x128xf32, #tpu.memory_space<hbm>>
            %dma_start3A_55 = arith.constant 0 : i32
            %dma_start3A_56 = tpu.memref_slice %arg5[%multiple_of3A, %dma_start3A_55] : memref<10000x128xf32, #tpu.memory_space<hbm>> -> memref<40x128xf32, #tpu.memory_space<hbm>>
            tpu.enqueue_dma source(%arg10 : memref<40x128xf32, #tpu.memory_space<vmem>>) target(%dma_start3A_56 : memref<40x128xf32, #tpu.memory_space<hbm>>) target_semaphore(%run_scoped3A : memref<!tpu.dma_semaphore, #tpu.memory_space<semaphore_mem>>)
            %dma_wait3A_57 = arith.constant 0 : i32
            %dma_wait3A_58 = tpu.memref_slice %arg5[%multiple_of3A, %dma_wait3A_57] : memref<10000x128xf32, #tpu.memory_space<hbm>> -> memref<40x128xf32, #tpu.memory_space<hbm>>
            %dma_wait3A_59 = arith.constant 0 : i32
            %dma_wait3A_60 = tpu.memref_slice %arg5[%multiple_of3A, %dma_wait3A_59] : memref<10000x128xf32, #tpu.memory_space<hbm>> -> memref<40x128xf32, #tpu.memory_space<hbm>>
            tpu.wait_dma2 semaphore(%run_scoped3A : memref<!tpu.dma_semaphore, #tpu.memory_space<semaphore_mem>>) src(%arg10 : memref<40x128xf32, #tpu.memory_space<vmem>>) dst(%dma_wait3A_60 : memref<40x128xf32, #tpu.memory_space<hbm>>)
            tpu.yield
          }) : () -> ()
        } else {
        }
      } else {
      }
    }
    %scan3A_36 = arith.constant 16 : i32
    return
  }
}

#map = affine_map<(d0, d1) -> (0, 0)>
#map1 = affine_map<(d0, d1) -> (0)>
module attributes {stable_mosaic.version = 14 : i64} {
  func.func @_scatter_body(%arg0: i32, %arg1: i32, %arg2: memref<80000x128xf32, #tpu.memory_space<hbm>>, %arg3: memref<80000xi32, #tpu.memory_space<hbm>>, %arg4: memref<10000x128xf32, #tpu.memory_space<hbm>>, %arg5: memref<10000x128xf32, #tpu.memory_space<hbm>>, %arg6: memref<128xi32, #tpu.memory_space<vmem>>, %arg7: memref<128x128xf32, #tpu.memory_space<vmem>>, %arg8: memref<128xi32, #tpu.memory_space<vmem>>, %arg9: memref<128x128xf32, #tpu.memory_space<vmem>>, %arg10: memref<40x128xf32, #tpu.memory_space<vmem>>, %arg11: memref<10000x128xf32, #tpu.memory_space<vmem_shared>>, %arg12: memref<!tpu.dma_semaphore, #tpu.memory_space<semaphore_mem>>, %arg13: memref<!tpu.dma_semaphore, #tpu.memory_space<semaphore_mem>>) attributes {dimension_semantics = [#tpu.dimension_semantics<core_parallel>, #tpu.dimension_semantics<subcore_parallel>], iteration_bounds = array<i64: 2, 16>, scalar_prefetch = 0 : i64, scratch_operands = 8 : i64, tpu.core_type = #tpu.core_type<sc_vector_subcore>, window_params = [{transform_indices = #map}, {transform_indices = #map1}, {transform_indices = #map}, {transform_indices = #map}]} {
    %mul3A = arith.constant 16 : i32
    %mul3A_0 = arith.muli %arg0, %mul3A : i32
    %add3A = arith.addi %mul3A_0, %arg1 : i32
    %broadcast_in_dim3A = arith.constant 0.000000e+00 : f32
    %broadcast_in_dim3A_1 = vector.broadcast %broadcast_in_dim3A : f32 to vector<16xf32>
    %scan3A = arith.constant 0 : i32
    %scan3A_2 = arith.constant 0 : i32
    %scan3A_3 = arith.constant 40 : i32
    %scan3A_4 = arith.addi %scan3A_2, %scan3A_3 : i32
    %scan3A_5 = arith.constant 1 : i32
    scf.for %scan3A_37 = %scan3A_2 to %scan3A_4 step %scan3A_5  : i32 {
      %swap3A = arith.index_cast %scan3A_37 : i32 to index
      %swap3A_38 = arith.constant 0 : index
      %swap3A_39 = tpu.vector_load %arg10[%swap3A, %swap3A_38] {strides = array<i32>} : memref<40x128xf32, #tpu.memory_space<vmem>>, vector<1x16xf32>,
      %swap3A_40 = vector.shape_cast %swap3A_39 : vector<1x16xf32> to vector<16xf32>
      %swap3A_41 = vector.shape_cast %broadcast_in_dim3A_1 : vector<16xf32> to vector<1x16xf32>
      tpu.vector_store %arg10[%swap3A, %swap3A_38], %swap3A_41 {strides = array<i32>} : memref<40x128xf32, #tpu.memory_space<vmem>>, vector<1x16xf32>,
      %swap3A_42 = arith.index_cast %scan3A_37 : i32 to index
      %swap3A_43 = arith.constant 16 : index
      %swap3A_44 = tpu.vector_load %arg10[%swap3A_42, %swap3A_43] {strides = array<i32>} : memref<40x128xf32, #tpu.memory_space<vmem>>, vector<1x16xf32>,
      %swap3A_45 = vector.shape_cast %swap3A_44 : vector<1x16xf32> to vector<16xf32>
      %swap3A_46 = vector.shape_cast %broadcast_in_dim3A_1 : vector<16xf32> to vector<1x16xf32>
      tpu.vector_store %arg10[%swap3A_42, %swap3A_43], %swap3A_46 {strides = array<i32>} : memref<40x128xf32, #tpu.memory_space<vmem>>, vector<1x16xf32>,
      %swap3A_47 = arith.index_cast %scan3A_37 : i32 to index
      %swap3A_48 = arith.constant 32 : index
      %swap3A_49 = tpu.vector_load %arg10[%swap3A_47, %swap3A_48] {strides = array<i32>} : memref<40x128xf32, #tpu.memory_space<vmem>>, vector<1x16xf32>,
      %swap3A_50 = vector.shape_cast %swap3A_49 : vector<1x16xf32> to vector<16xf32>
      %swap3A_51 = vector.shape_cast %broadcast_in_dim3A_1 : vector<16xf32> to vector<1x16xf32>
      tpu.vector_store %arg10[%swap3A_47, %swap3A_48], %swap3A_51 {strides = array<i32>} : memref<40x128xf32, #tpu.memory_space<vmem>>, vector<1x16xf32>,
      %swap3A_52 = arith.index_cast %scan3A_37 : i32 to index
      %swap3A_53 = arith.constant 48 : index
      %swap3A_54 = tpu.vector_load %arg10[%swap3A_52, %swap3A_53] {strides = array<i32>} : memref<40x128xf32, #tpu.memory_space<vmem>>, vector<1x16xf32>,
      %swap3A_55 = vector.shape_cast %swap3A_54 : vector<1x16xf32> to vector<16xf32>
      %swap3A_56 = vector.shape_cast %broadcast_in_dim3A_1 : vector<16xf32> to vector<1x16xf32>
      tpu.vector_store %arg10[%swap3A_52, %swap3A_53], %swap3A_56 {strides = array<i32>} : memref<40x128xf32, #tpu.memory_space<vmem>>, vector<1x16xf32>,
      %swap3A_57 = arith.index_cast %scan3A_37 : i32 to index
      %swap3A_58 = arith.constant 64 : index
      %swap3A_59 = tpu.vector_load %arg10[%swap3A_57, %swap3A_58] {strides = array<i32>} : memref<40x128xf32, #tpu.memory_space<vmem>>, vector<1x16xf32>,
      %swap3A_60 = vector.shape_cast %swap3A_59 : vector<1x16xf32> to vector<16xf32>
      %swap3A_61 = vector.shape_cast %broadcast_in_dim3A_1 : vector<16xf32> to vector<1x16xf32>
      tpu.vector_store %arg10[%swap3A_57, %swap3A_58], %swap3A_61 {strides = array<i32>} : memref<40x128xf32, #tpu.memory_space<vmem>>, vector<1x16xf32>,
      %swap3A_62 = arith.index_cast %scan3A_37 : i32 to index
      %swap3A_63 = arith.constant 80 : index
      %swap3A_64 = tpu.vector_load %arg10[%swap3A_62, %swap3A_63] {strides = array<i32>} : memref<40x128xf32, #tpu.memory_space<vmem>>, vector<1x16xf32>,
      %swap3A_65 = vector.shape_cast %swap3A_64 : vector<1x16xf32> to vector<16xf32>
      %swap3A_66 = vector.shape_cast %broadcast_in_dim3A_1 : vector<16xf32> to vector<1x16xf32>
      tpu.vector_store %arg10[%swap3A_62, %swap3A_63], %swap3A_66 {strides = array<i32>} : memref<40x128xf32, #tpu.memory_space<vmem>>, vector<1x16xf32>,
      %swap3A_67 = arith.index_cast %scan3A_37 : i32 to index
      %swap3A_68 = arith.constant 96 : index
      %swap3A_69 = tpu.vector_load %arg10[%swap3A_67, %swap3A_68] {strides = array<i32>} : memref<40x128xf32, #tpu.memory_space<vmem>>, vector<1x16xf32>,
      %swap3A_70 = vector.shape_cast %swap3A_69 : vector<1x16xf32> to vector<16xf32>
      %swap3A_71 = vector.shape_cast %broadcast_in_dim3A_1 : vector<16xf32> to vector<1x16xf32>
      tpu.vector_store %arg10[%swap3A_67, %swap3A_68], %swap3A_71 {strides = array<i32>} : memref<40x128xf32, #tpu.memory_space<vmem>>, vector<1x16xf32>,
      %swap3A_72 = arith.index_cast %scan3A_37 : i32 to index
      %swap3A_73 = arith.constant 112 : index
      %swap3A_74 = tpu.vector_load %arg10[%swap3A_72, %swap3A_73] {strides = array<i32>} : memref<40x128xf32, #tpu.memory_space<vmem>>, vector<1x16xf32>,
      %swap3A_75 = vector.shape_cast %swap3A_74 : vector<1x16xf32> to vector<16xf32>
      %swap3A_76 = vector.shape_cast %broadcast_in_dim3A_1 : vector<16xf32> to vector<1x16xf32>
      tpu.vector_store %arg10[%swap3A_72, %swap3A_73], %swap3A_76 {strides = array<i32>} : memref<40x128xf32, #tpu.memory_space<vmem>>, vector<1x16xf32>,
    }
    %scan3A_6 = arith.constant 40 : i32
    %scan3A_7 = arith.constant 0 : i32
    %scan3A_8 = arith.constant 0 : i32
    %scan3A_9 = arith.constant 16 : i32
    %scan3A_10 = arith.addi %scan3A_8, %scan3A_9 : i32
    %scan3A_11 = arith.constant 1 : i32
    scf.for %scan3A_37 = %scan3A_8 to %scan3A_10 step %scan3A_11  : i32 {
      %mul3A_38 = arith.constant 16 : i32
      %mul3A_39 = arith.muli %scan3A_37, %mul3A_38 : i32
      %add3A_40 = arith.addi %arg1, %mul3A_39 : i32
      %lt3A = arith.constant 250 : i32
      %lt3A_41 = arith.cmpi slt, %add3A_40, %lt3A : i32
      %convert_element_type3A = arith.extui %lt3A_41 : i1 to i32
      %cond3A = arith.constant 0 : i32
      %cond3A_42 = arith.cmpi ne, %convert_element_type3A, %cond3A : i32
      scf.if %cond3A_42 {
        %mul3A_43 = arith.constant 40 : i32
        %mul3A_44 = arith.muli %add3A_40, %mul3A_43 : i32
        %multiple_of3A = tpu.assume_multiple %mul3A_44, 8 : i32
        "tpu.region"() ({
          %run_scoped3A = tpu.sem_alloc : memref<!tpu.dma_semaphore, #tpu.memory_space<semaphore_mem>>
          %dma_start3A = arith.constant 0 : i32
          %dma_start3A_45 = tpu.memref_slice %arg11[%multiple_of3A, %dma_start3A] : memref<10000x128xf32, #tpu.memory_space<vmem_shared>> -> memref<40x128xf32, #tpu.memory_space<vmem_shared>>
          %dma_start3A_46 = arith.constant 0 : i32
          %dma_start3A_47 = tpu.memref_slice %arg11[%multiple_of3A, %dma_start3A_46] : memref<10000x128xf32, #tpu.memory_space<vmem_shared>> -> memref<40x128xf32, #tpu.memory_space<vmem_shared>>
          tpu.enqueue_dma source(%arg10 : memref<40x128xf32, #tpu.memory_space<vmem>>) target(%dma_start3A_47 : memref<40x128xf32, #tpu.memory_space<vmem_shared>>) target_semaphore(%run_scoped3A : memref<!tpu.dma_semaphore, #tpu.memory_space<semaphore_mem>>)
          %dma_wait3A_48 = arith.constant 0 : i32
          %dma_wait3A_49 = tpu.memref_slice %arg11[%multiple_of3A, %dma_wait3A_48] : memref<10000x128xf32, #tpu.memory_space<vmem_shared>> -> memref<40x128xf32, #tpu.memory_space<vmem_shared>>
          %dma_wait3A_50 = arith.constant 0 : i32
          %dma_wait3A_51 = tpu.memref_slice %arg11[%multiple_of3A, %dma_wait3A_50] : memref<10000x128xf32, #tpu.memory_space<vmem_shared>> -> memref<40x128xf32, #tpu.memory_space<vmem_shared>>
          tpu.wait_dma2 semaphore(%run_scoped3A : memref<!tpu.dma_semaphore, #tpu.memory_space<semaphore_mem>>) src(%arg10 : memref<40x128xf32, #tpu.memory_space<vmem>>) dst(%dma_wait3A_51 : memref<40x128xf32, #tpu.memory_space<vmem_shared>>)
          tpu.yield
        }) : () -> ()
      } else {
      }
    }
    %scan3A_12 = arith.constant 16 : i32
    %barrier3A = arith.constant 0 : index
    tpu.barrier barrier_id(%barrier3A)
    %scan3A_13 = arith.constant 0 : i32
    %scan3A_14 = arith.constant 0 : i32
    %scan3A_15 = arith.constant 10 : i32
    %scan3A_16 = arith.addi %scan3A_14, %scan3A_15 : i32
    %scan3A_17 = arith.constant 1 : i32
    scf.for %scan3A_37 = %scan3A_14 to %scan3A_16 step %scan3A_17  : i32 {
      %mul3A_38 = arith.constant 2 : i32
      %mul3A_39 = arith.muli %mul3A_38, %scan3A_37 : i32
      %add3A_40 = arith.constant 0 : i32
      %add3A_41 = arith.addi %mul3A_39, %add3A_40 : i32
      %mul3A_42 = arith.constant 32 : i32
      %mul3A_43 = arith.muli %add3A_41, %mul3A_42 : i32
      %add3A_44 = arith.addi %add3A, %mul3A_43 : i32
      %lt3A = arith.constant 625 : i32
      %lt3A_45 = arith.cmpi slt, %add3A_44, %lt3A : i32
      %convert_element_type3A = arith.extui %lt3A_45 : i1 to i32
      %cond3A = arith.constant 0 : i32
      %cond3A_46 = arith.cmpi ne, %convert_element_type3A, %cond3A : i32
      scf.if %cond3A_46 {
        %mul3A_59 = arith.constant 128 : i32
        %mul3A_60 = arith.muli %add3A_44, %mul3A_59 : i32
        %multiple_of3A = tpu.assume_multiple %mul3A_60, 8 : i32
        %gt3A = arith.constant 0 : i32
        %gt3A_61 = arith.cmpi sgt, %scan3A_37, %gt3A : i32
        %convert_element_type3A_62 = arith.extui %gt3A_61 : i1 to i32
        %cond3A_63 = arith.constant 0 : i32
        %cond3A_64 = arith.cmpi ne, %convert_element_type3A_62, %cond3A_63 : i32
        scf.if %cond3A_64 {
          %dma_wait3A_67 = arith.constant 0 : i32
          %dma_wait3A_68 = arith.constant 0 : i32
          %dma_wait3A_69 = tpu.memref_slice %arg11[%dma_wait3A_67, %dma_wait3A_68] : memref<10000x128xf32, #tpu.memory_space<vmem_shared>> -> memref<128x128xf32, #tpu.memory_space<vmem_shared>>
          %dma_wait3A_70 = arith.constant 0 : i32
          %dma_wait3A_71 = arith.constant 0 : i32
          %dma_wait3A_72 = tpu.memref_slice %arg11[%dma_wait3A_70, %dma_wait3A_71] : memref<10000x128xf32, #tpu.memory_space<vmem_shared>> -> memref<128x128xf32, #tpu.memory_space<vmem_shared>>
          tpu.wait_dma2 semaphore(%arg12 : memref<!tpu.dma_semaphore, #tpu.memory_space<semaphore_mem>>) src(%arg7 : memref<128x128xf32, #tpu.memory_space<vmem>>) dst(%dma_wait3A_72 : memref<128x128xf32, #tpu.memory_space<vmem_shared>>)
        } else {
        }
        "tpu.region"() ({
          %run_scoped3A = tpu.sem_alloc : memref<!tpu.dma_semaphore, #tpu.memory_space<semaphore_mem>>
          %dma_start3A_67 = tpu.memref_slice %arg3[%multiple_of3A] : memref<80000xi32, #tpu.memory_space<hbm>> -> memref<128xi32, #tpu.memory_space<hbm>>
          %dma_start3A_68 = tpu.memref_slice %arg3[%multiple_of3A] : memref<80000xi32, #tpu.memory_space<hbm>> -> memref<128xi32, #tpu.memory_space<hbm>>
          tpu.enqueue_dma source(%dma_start3A_68 : memref<128xi32, #tpu.memory_space<hbm>>) target(%arg6 : memref<128xi32, #tpu.memory_space<vmem>>) target_semaphore(%run_scoped3A : memref<!tpu.dma_semaphore, #tpu.memory_space<semaphore_mem>>)
          %dma_wait3A_69 = tpu.memref_slice %arg3[%multiple_of3A] : memref<80000xi32, #tpu.memory_space<hbm>> -> memref<128xi32, #tpu.memory_space<hbm>>
          %dma_wait3A_70 = tpu.memref_slice %arg3[%multiple_of3A] : memref<80000xi32, #tpu.memory_space<hbm>> -> memref<128xi32, #tpu.memory_space<hbm>>
          tpu.wait_dma2 semaphore(%run_scoped3A : memref<!tpu.dma_semaphore, #tpu.memory_space<semaphore_mem>>) src(%dma_wait3A_70 : memref<128xi32, #tpu.memory_space<hbm>>) dst(%arg6 : memref<128xi32, #tpu.memory_space<vmem>>)
          tpu.yield
        }) : () -> ()
        "tpu.region"() ({
          %run_scoped3A = tpu.sem_alloc : memref<!tpu.dma_semaphore, #tpu.memory_space<semaphore_mem>>
          %dma_start3A_67 = arith.constant 0 : i32
          %dma_start3A_68 = tpu.memref_slice %arg2[%multiple_of3A, %dma_start3A_67] : memref<80000x128xf32, #tpu.memory_space<hbm>> -> memref<128x128xf32, #tpu.memory_space<hbm>>
          %dma_start3A_69 = arith.constant 0 : i32
          %dma_start3A_70 = tpu.memref_slice %arg2[%multiple_of3A, %dma_start3A_69] : memref<80000x128xf32, #tpu.memory_space<hbm>> -> memref<128x128xf32, #tpu.memory_space<hbm>>
          tpu.enqueue_dma source(%dma_start3A_70 : memref<128x128xf32, #tpu.memory_space<hbm>>) target(%arg7 : memref<128x128xf32, #tpu.memory_space<vmem>>) target_semaphore(%run_scoped3A : memref<!tpu.dma_semaphore, #tpu.memory_space<semaphore_mem>>)
          %dma_wait3A_71 = arith.constant 0 : i32
          %dma_wait3A_72 = tpu.memref_slice %arg2[%multiple_of3A, %dma_wait3A_71] : memref<80000x128xf32, #tpu.memory_space<hbm>> -> memref<128x128xf32, #tpu.memory_space<hbm>>
          %dma_wait3A_73 = arith.constant 0 : i32
          %dma_wait3A_74 = tpu.memref_slice %arg2[%multiple_of3A, %dma_wait3A_73] : memref<80000x128xf32, #tpu.memory_space<hbm>> -> memref<128x128xf32, #tpu.memory_space<hbm>>
          tpu.wait_dma2 semaphore(%run_scoped3A : memref<!tpu.dma_semaphore, #tpu.memory_space<semaphore_mem>>) src(%dma_wait3A_74 : memref<128x128xf32, #tpu.memory_space<hbm>>) dst(%arg7 : memref<128x128xf32, #tpu.memory_space<vmem>>)
          tpu.yield
        }) : () -> ()
        %dma_start3A = arith.constant 0 : i32
        %dma_start3A_65 = arith.constant 0 : i32
        %dma_start3A_66 = tpu.memref_slice %arg11[%dma_start3A, %dma_start3A_65] : memref<10000x128xf32, #tpu.memory_space<vmem_shared>> -> memref<10000x128xf32, #tpu.memory_space<vmem_shared>>
        tpu.enqueue_indirect_dma source(%arg7 : memref<128x128xf32, #tpu.memory_space<vmem>>) target(%dma_start3A_66 : memref<10000x128xf32, #tpu.memory_space<vmem_shared>>) offsets(%arg6 : memref<128xi32, #tpu.memory_space<vmem>>) semaphore(%arg12 : memref<!tpu.dma_semaphore, #tpu.memory_space<semaphore_mem>>) {add = true}
      } else {
      }
      %mul3A_47 = arith.constant 2 : i32
      %mul3A_48 = arith.muli %mul3A_47, %scan3A_37 : i32
      %add3A_49 = arith.constant 1 : i32
      %add3A_50 = arith.addi %mul3A_48, %add3A_49 : i32
      %mul3A_51 = arith.constant 32 : i32
      %mul3A_52 = arith.muli %add3A_50, %mul3A_51 : i32
      %add3A_53 = arith.addi %add3A, %mul3A_52 : i32
      %lt3A_54 = arith.constant 625 : i32
      %lt3A_55 = arith.cmpi slt, %add3A_53, %lt3A_54 : i32
      %convert_element_type3A_56 = arith.extui %lt3A_55 : i1 to i32
      %cond3A_57 = arith.constant 0 : i32
      %cond3A_58 = arith.cmpi ne, %convert_element_type3A_56, %cond3A_57 : i32
      scf.if %cond3A_58 {
        %mul3A_59 = arith.constant 128 : i32
        %mul3A_60 = arith.muli %add3A_53, %mul3A_59 : i32
        %multiple_of3A = tpu.assume_multiple %mul3A_60, 8 : i32
        %gt3A = arith.constant 0 : i32
        %gt3A_61 = arith.cmpi sgt, %scan3A_37, %gt3A : i32
        %convert_element_type3A_62 = arith.extui %gt3A_61 : i1 to i32
        %cond3A_63 = arith.constant 0 : i32
        %cond3A_64 = arith.cmpi ne, %convert_element_type3A_62, %cond3A_63 : i32
        scf.if %cond3A_64 {
          %dma_wait3A_67 = arith.constant 0 : i32
          %dma_wait3A_68 = arith.constant 0 : i32
          %dma_wait3A_69 = tpu.memref_slice %arg11[%dma_wait3A_67, %dma_wait3A_68] : memref<10000x128xf32, #tpu.memory_space<vmem_shared>> -> memref<128x128xf32, #tpu.memory_space<vmem_shared>>
          %dma_wait3A_70 = arith.constant 0 : i32
          %dma_wait3A_71 = arith.constant 0 : i32
          %dma_wait3A_72 = tpu.memref_slice %arg11[%dma_wait3A_70, %dma_wait3A_71] : memref<10000x128xf32, #tpu.memory_space<vmem_shared>> -> memref<128x128xf32, #tpu.memory_space<vmem_shared>>
          tpu.wait_dma2 semaphore(%arg13 : memref<!tpu.dma_semaphore, #tpu.memory_space<semaphore_mem>>) src(%arg9 : memref<128x128xf32, #tpu.memory_space<vmem>>) dst(%dma_wait3A_72 : memref<128x128xf32, #tpu.memory_space<vmem_shared>>)
        } else {
        }
        "tpu.region"() ({
          %run_scoped3A = tpu.sem_alloc : memref<!tpu.dma_semaphore, #tpu.memory_space<semaphore_mem>>
          %dma_start3A_67 = tpu.memref_slice %arg3[%multiple_of3A] : memref<80000xi32, #tpu.memory_space<hbm>> -> memref<128xi32, #tpu.memory_space<hbm>>
          %dma_start3A_68 = tpu.memref_slice %arg3[%multiple_of3A] : memref<80000xi32, #tpu.memory_space<hbm>> -> memref<128xi32, #tpu.memory_space<hbm>>
          tpu.enqueue_dma source(%dma_start3A_68 : memref<128xi32, #tpu.memory_space<hbm>>) target(%arg8 : memref<128xi32, #tpu.memory_space<vmem>>) target_semaphore(%run_scoped3A : memref<!tpu.dma_semaphore, #tpu.memory_space<semaphore_mem>>)
          %dma_wait3A_69 = tpu.memref_slice %arg3[%multiple_of3A] : memref<80000xi32, #tpu.memory_space<hbm>> -> memref<128xi32, #tpu.memory_space<hbm>>
          %dma_wait3A_70 = tpu.memref_slice %arg3[%multiple_of3A] : memref<80000xi32, #tpu.memory_space<hbm>> -> memref<128xi32, #tpu.memory_space<hbm>>
          tpu.wait_dma2 semaphore(%run_scoped3A : memref<!tpu.dma_semaphore, #tpu.memory_space<semaphore_mem>>) src(%dma_wait3A_70 : memref<128xi32, #tpu.memory_space<hbm>>) dst(%arg8 : memref<128xi32, #tpu.memory_space<vmem>>)
          tpu.yield
        }) : () -> ()
        "tpu.region"() ({
          %run_scoped3A = tpu.sem_alloc : memref<!tpu.dma_semaphore, #tpu.memory_space<semaphore_mem>>
          %dma_start3A_67 = arith.constant 0 : i32
          %dma_start3A_68 = tpu.memref_slice %arg2[%multiple_of3A, %dma_start3A_67] : memref<80000x128xf32, #tpu.memory_space<hbm>> -> memref<128x128xf32, #tpu.memory_space<hbm>>
          %dma_start3A_69 = arith.constant 0 : i32
          %dma_start3A_70 = tpu.memref_slice %arg2[%multiple_of3A, %dma_start3A_69] : memref<80000x128xf32, #tpu.memory_space<hbm>> -> memref<128x128xf32, #tpu.memory_space<hbm>>
          tpu.enqueue_dma source(%dma_start3A_70 : memref<128x128xf32, #tpu.memory_space<hbm>>) target(%arg9 : memref<128x128xf32, #tpu.memory_space<vmem>>) target_semaphore(%run_scoped3A : memref<!tpu.dma_semaphore, #tpu.memory_space<semaphore_mem>>)
          %dma_wait3A_71 = arith.constant 0 : i32
          %dma_wait3A_72 = tpu.memref_slice %arg2[%multiple_of3A, %dma_wait3A_71] : memref<80000x128xf32, #tpu.memory_space<hbm>> -> memref<128x128xf32, #tpu.memory_space<hbm>>
          %dma_wait3A_73 = arith.constant 0 : i32
          %dma_wait3A_74 = tpu.memref_slice %arg2[%multiple_of3A, %dma_wait3A_73] : memref<80000x128xf32, #tpu.memory_space<hbm>> -> memref<128x128xf32, #tpu.memory_space<hbm>>
          tpu.wait_dma2 semaphore(%run_scoped3A : memref<!tpu.dma_semaphore, #tpu.memory_space<semaphore_mem>>) src(%dma_wait3A_74 : memref<128x128xf32, #tpu.memory_space<hbm>>) dst(%arg9 : memref<128x128xf32, #tpu.memory_space<vmem>>)
          tpu.yield
        }) : () -> ()
        %dma_start3A = arith.constant 0 : i32
        %dma_start3A_65 = arith.constant 0 : i32
        %dma_start3A_66 = tpu.memref_slice %arg11[%dma_start3A, %dma_start3A_65] : memref<10000x128xf32, #tpu.memory_space<vmem_shared>> -> memref<10000x128xf32, #tpu.memory_space<vmem_shared>>
        tpu.enqueue_indirect_dma source(%arg9 : memref<128x128xf32, #tpu.memory_space<vmem>>) target(%dma_start3A_66 : memref<10000x128xf32, #tpu.memory_space<vmem_shared>>) offsets(%arg8 : memref<128xi32, #tpu.memory_space<vmem>>) semaphore(%arg13 : memref<!tpu.dma_semaphore, #tpu.memory_space<semaphore_mem>>) {add = true}
      } else {
      }
    }
    %scan3A_18 = arith.constant 10 : i32
    %dma_wait3A = arith.constant 0 : i32
    %dma_wait3A_19 = arith.constant 0 : i32
    %dma_wait3A_20 = tpu.memref_slice %arg11[%dma_wait3A, %dma_wait3A_19] : memref<10000x128xf32, #tpu.memory_space<vmem_shared>> -> memref<128x128xf32, #tpu.memory_space<vmem_shared>>
    %dma_wait3A_21 = arith.constant 0 : i32
    %dma_wait3A_22 = arith.constant 0 : i32
    %dma_wait3A_23 = tpu.memref_slice %arg11[%dma_wait3A_21, %dma_wait3A_22] : memref<10000x128xf32, #tpu.memory_space<vmem_shared>> -> memref<128x128xf32, #tpu.memory_space<vmem_shared>>
    tpu.wait_dma2 semaphore(%arg12 : memref<!tpu.dma_semaphore, #tpu.memory_space<semaphore_mem>>) src(%arg7 : memref<128x128xf32, #tpu.memory_space<vmem>>) dst(%dma_wait3A_23 : memref<128x128xf32, #tpu.memory_space<vmem_shared>>)
    %dma_wait3A_24 = arith.constant 0 : i32
    %dma_wait3A_25 = arith.constant 0 : i32
    %dma_wait3A_26 = tpu.memref_slice %arg11[%dma_wait3A_24, %dma_wait3A_25] : memref<10000x128xf32, #tpu.memory_space<vmem_shared>> -> memref<128x128xf32, #tpu.memory_space<vmem_shared>>
    %dma_wait3A_27 = arith.constant 0 : i32
    %dma_wait3A_28 = arith.constant 0 : i32
    %dma_wait3A_29 = tpu.memref_slice %arg11[%dma_wait3A_27, %dma_wait3A_28] : memref<10000x128xf32, #tpu.memory_space<vmem_shared>> -> memref<128x128xf32, #tpu.memory_space<vmem_shared>>
    tpu.wait_dma2 semaphore(%arg13 : memref<!tpu.dma_semaphore, #tpu.memory_space<semaphore_mem>>) src(%arg9 : memref<128x128xf32, #tpu.memory_space<vmem>>) dst(%dma_wait3A_29 : memref<128x128xf32, #tpu.memory_space<vmem_shared>>)
    %barrier3A_30 = arith.constant 0 : index
    tpu.barrier barrier_id(%barrier3A_30)
    %scan3A_31 = arith.constant 0 : i32
    %scan3A_32 = arith.constant 0 : i32
    %scan3A_33 = arith.constant 16 : i32
    %scan3A_34 = arith.addi %scan3A_32, %scan3A_33 : i32
    %scan3A_35 = arith.constant 1 : i32
    scf.for %scan3A_37 = %scan3A_32 to %scan3A_34 step %scan3A_35  : i32 {
      %mul3A_38 = arith.constant 16 : i32
      %mul3A_39 = arith.muli %scan3A_37, %mul3A_38 : i32
      %add3A_40 = arith.addi %arg1, %mul3A_39 : i32
      %lt3A = arith.constant 250 : i32
      %lt3A_41 = arith.cmpi slt, %add3A_40, %lt3A : i32
      %convert_element_type3A = arith.extui %lt3A_41 : i1 to i32
      %cond3A = arith.constant 0 : i32
      %cond3A_42 = arith.cmpi ne, %convert_element_type3A, %cond3A : i32
      scf.if %cond3A_42 {
        %mul3A_43 = arith.constant 40 : i32
        %mul3A_44 = arith.muli %add3A_40, %mul3A_43 : i32
        %multiple_of3A = tpu.assume_multiple %mul3A_44, 8 : i32
        "tpu.region"() ({
          %run_scoped3A = tpu.sem_alloc : memref<!tpu.dma_semaphore, #tpu.memory_space<semaphore_mem>>
          %dma_start3A = arith.constant 0 : i32
          %dma_start3A_54 = tpu.memref_slice %arg11[%multiple_of3A, %dma_start3A] : memref<10000x128xf32, #tpu.memory_space<vmem_shared>> -> memref<40x128xf32, #tpu.memory_space<vmem_shared>>
          %dma_start3A_55 = arith.constant 0 : i32
          %dma_start3A_56 = tpu.memref_slice %arg11[%multiple_of3A, %dma_start3A_55] : memref<10000x128xf32, #tpu.memory_space<vmem_shared>> -> memref<40x128xf32, #tpu.memory_space<vmem_shared>>
          tpu.enqueue_dma source(%dma_start3A_56 : memref<40x128xf32, #tpu.memory_space<vmem_shared>>) target(%arg10 : memref<40x128xf32, #tpu.memory_space<vmem>>) target_semaphore(%run_scoped3A : memref<!tpu.dma_semaphore, #tpu.memory_space<semaphore_mem>>)
          %dma_wait3A_57 = arith.constant 0 : i32
          %dma_wait3A_58 = tpu.memref_slice %arg11[%multiple_of3A, %dma_wait3A_57] : memref<10000x128xf32, #tpu.memory_space<vmem_shared>> -> memref<40x128xf32, #tpu.memory_space<vmem_shared>>
          %dma_wait3A_59 = arith.constant 0 : i32
          %dma_wait3A_60 = tpu.memref_slice %arg11[%multiple_of3A, %dma_wait3A_59] : memref<10000x128xf32, #tpu.memory_space<vmem_shared>> -> memref<40x128xf32, #tpu.memory_space<vmem_shared>>
          tpu.wait_dma2 semaphore(%run_scoped3A : memref<!tpu.dma_semaphore, #tpu.memory_space<semaphore_mem>>) src(%dma_wait3A_60 : memref<40x128xf32, #tpu.memory_space<vmem_shared>>) dst(%arg10 : memref<40x128xf32, #tpu.memory_space<vmem>>)
          tpu.yield
        }) : () -> ()
        %eq3A = arith.constant 0 : i32
        %eq3A_45 = arith.cmpi eq, %arg0, %eq3A : i32
        %convert_element_type3A_46 = arith.extui %eq3A_45 : i1 to i32
        %cond3A_47 = arith.constant 0 : i32
        %cond3A_48 = arith.cmpi ne, %convert_element_type3A_46, %cond3A_47 : i32
        scf.if %cond3A_48 {
          "tpu.region"() ({
            %run_scoped3A = tpu.sem_alloc : memref<!tpu.dma_semaphore, #tpu.memory_space<semaphore_mem>>
            %dma_start3A = arith.constant 0 : i32
            %dma_start3A_54 = tpu.memref_slice %arg4[%multiple_of3A, %dma_start3A] : memref<10000x128xf32, #tpu.memory_space<hbm>> -> memref<40x128xf32, #tpu.memory_space<hbm>>
            %dma_start3A_55 = arith.constant 0 : i32
            %dma_start3A_56 = tpu.memref_slice %arg4[%multiple_of3A, %dma_start3A_55] : memref<10000x128xf32, #tpu.memory_space<hbm>> -> memref<40x128xf32, #tpu.memory_space<hbm>>
            tpu.enqueue_dma source(%arg10 : memref<40x128xf32, #tpu.memory_space<vmem>>) target(%dma_start3A_56 : memref<40x128xf32, #tpu.memory_space<hbm>>) target_semaphore(%run_scoped3A : memref<!tpu.dma_semaphore, #tpu.memory_space<semaphore_mem>>)
            %dma_wait3A_57 = arith.constant 0 : i32
            %dma_wait3A_58 = tpu.memref_slice %arg4[%multiple_of3A, %dma_wait3A_57] : memref<10000x128xf32, #tpu.memory_space<hbm>> -> memref<40x128xf32, #tpu.memory_space<hbm>>
            %dma_wait3A_59 = arith.constant 0 : i32
            %dma_wait3A_60 = tpu.memref_slice %arg4[%multiple_of3A, %dma_wait3A_59] : memref<10000x128xf32, #tpu.memory_space<hbm>> -> memref<40x128xf32, #tpu.memory_space<hbm>>
            tpu.wait_dma2 semaphore(%run_scoped3A : memref<!tpu.dma_semaphore, #tpu.memory_space<semaphore_mem>>) src(%arg10 : memref<40x128xf32, #tpu.memory_space<vmem>>) dst(%dma_wait3A_60 : memref<40x128xf32, #tpu.memory_space<hbm>>)
            tpu.yield
          }) : () -> ()
        } else {
        }
        %eq3A_49 = arith.constant 1 : i32
        %eq3A_50 = arith.cmpi eq, %arg0, %eq3A_49 : i32
        %convert_element_type3A_51 = arith.extui %eq3A_50 : i1 to i32
        %cond3A_52 = arith.constant 0 : i32
        %cond3A_53 = arith.cmpi ne, %convert_element_type3A_51, %cond3A_52 : i32
        scf.if %cond3A_53 {
          "tpu.region"() ({
            %run_scoped3A = tpu.sem_alloc : memref<!tpu.dma_semaphore, #tpu.memory_space<semaphore_mem>>
            %dma_start3A = arith.constant 0 : i32
            %dma_start3A_54 = tpu.memref_slice %arg5[%multiple_of3A, %dma_start3A] : memref<10000x128xf32, #tpu.memory_space<hbm>> -> memref<40x128xf32, #tpu.memory_space<hbm>>
            %dma_start3A_55 = arith.constant 0 : i32
            %dma_start3A_56 = tpu.memref_slice %arg5[%multiple_of3A, %dma_start3A_55] : memref<10000x128xf32, #tpu.memory_space<hbm>> -> memref<40x128xf32, #tpu.memory_space<hbm>>
            tpu.enqueue_dma source(%arg10 : memref<40x128xf32, #tpu.memory_space<vmem>>) target(%dma_start3A_56 : memref<40x128xf32, #tpu.memory_space<hbm>>) target_semaphore(%run_scoped3A : memref<!tpu.dma_semaphore, #tpu.memory_space<semaphore_mem>>)
            %dma_wait3A_57 = arith.constant 0 : i32
            %dma_wait3A_58 = tpu.memref_slice %arg5[%multiple_of3A, %dma_wait3A_57] : memref<10000x128xf32, #tpu.memory_space<hbm>> -> memref<40x128xf32, #tpu.memory_space<hbm>>
            %dma_wait3A_59 = arith.constant 0 : i32
            %dma_wait3A_60 = tpu.memref_slice %arg5[%multiple_of3A, %dma_wait3A_59] : memref<10000x128xf32, #tpu.memory_space<hbm>> -> memref<40x128xf32, #tpu.memory_space<hbm>>
            tpu.wait_dma2 semaphore(%run_scoped3A : memref<!tpu.dma_semaphore, #tpu.memory_space<semaphore_mem>>) src(%arg10 : memref<40x128xf32, #tpu.memory_space<vmem>>) dst(%dma_wait3A_60 : memref<40x128xf32, #tpu.memory_space<hbm>>)
            tpu.yield
          }) : () -> ()
        } else {
        }
      } else {
      }
    }
    %scan3A_36 = arith.constant 16 : i32
    return
  }
}

#map = affine_map<(d0, d1) -> (0, 0)>
#map1 = affine_map<(d0, d1) -> (0)>
module attributes {stable_mosaic.version = 14 : i64} {
  func.func @_scatter_body(%arg0: i32, %arg1: i32, %arg2: memref<80000x128xf32, #tpu.memory_space<hbm>>, %arg3: memref<80000xi32, #tpu.memory_space<hbm>>, %arg4: memref<10000x128xf32, #tpu.memory_space<hbm>>, %arg5: memref<10000x128xf32, #tpu.memory_space<hbm>>, %arg6: memref<128xi32, #tpu.memory_space<vmem>>, %arg7: memref<128x128xf32, #tpu.memory_space<vmem>>, %arg8: memref<128xi32, #tpu.memory_space<vmem>>, %arg9: memref<128x128xf32, #tpu.memory_space<vmem>>, %arg10: memref<40x128xf32, #tpu.memory_space<vmem>>, %arg11: memref<10000x128xf32, #tpu.memory_space<vmem_shared>>, %arg12: memref<!tpu.dma_semaphore, #tpu.memory_space<semaphore_mem>>, %arg13: memref<!tpu.dma_semaphore, #tpu.memory_space<semaphore_mem>>) attributes {dimension_semantics = [#tpu.dimension_semantics<core_parallel>, #tpu.dimension_semantics<subcore_parallel>], iteration_bounds = array<i64: 2, 16>, scalar_prefetch = 0 : i64, scratch_operands = 8 : i64, tpu.core_type = #tpu.core_type<sc_vector_subcore>, window_params = [{transform_indices = #map}, {transform_indices = #map1}, {transform_indices = #map}, {transform_indices = #map}]} {
    %mul3A = arith.constant 16 : i32
    %mul3A_0 = arith.muli %arg0, %mul3A : i32
    %add3A = arith.addi %mul3A_0, %arg1 : i32
    %broadcast_in_dim3A = arith.constant 0.000000e+00 : f32
    %broadcast_in_dim3A_1 = vector.broadcast %broadcast_in_dim3A : f32 to vector<16xf32>
    %scan3A = arith.constant 0 : i32
    %scan3A_2 = arith.constant 0 : i32
    %scan3A_3 = arith.constant 40 : i32
    %scan3A_4 = arith.addi %scan3A_2, %scan3A_3 : i32
    %scan3A_5 = arith.constant 1 : i32
    scf.for %scan3A_37 = %scan3A_2 to %scan3A_4 step %scan3A_5  : i32 {
      %swap3A = arith.index_cast %scan3A_37 : i32 to index
      %swap3A_38 = arith.constant 0 : index
      %swap3A_39 = tpu.vector_load %arg10[%swap3A, %swap3A_38] {strides = array<i32>} : memref<40x128xf32, #tpu.memory_space<vmem>>, vector<1x16xf32>,
      %swap3A_40 = vector.shape_cast %swap3A_39 : vector<1x16xf32> to vector<16xf32>
      %swap3A_41 = vector.shape_cast %broadcast_in_dim3A_1 : vector<16xf32> to vector<1x16xf32>
      tpu.vector_store %arg10[%swap3A, %swap3A_38], %swap3A_41 {strides = array<i32>} : memref<40x128xf32, #tpu.memory_space<vmem>>, vector<1x16xf32>,
      %swap3A_42 = arith.index_cast %scan3A_37 : i32 to index
      %swap3A_43 = arith.constant 16 : index
      %swap3A_44 = tpu.vector_load %arg10[%swap3A_42, %swap3A_43] {strides = array<i32>} : memref<40x128xf32, #tpu.memory_space<vmem>>, vector<1x16xf32>,
      %swap3A_45 = vector.shape_cast %swap3A_44 : vector<1x16xf32> to vector<16xf32>
      %swap3A_46 = vector.shape_cast %broadcast_in_dim3A_1 : vector<16xf32> to vector<1x16xf32>
      tpu.vector_store %arg10[%swap3A_42, %swap3A_43], %swap3A_46 {strides = array<i32>} : memref<40x128xf32, #tpu.memory_space<vmem>>, vector<1x16xf32>,
      %swap3A_47 = arith.index_cast %scan3A_37 : i32 to index
      %swap3A_48 = arith.constant 32 : index
      %swap3A_49 = tpu.vector_load %arg10[%swap3A_47, %swap3A_48] {strides = array<i32>} : memref<40x128xf32, #tpu.memory_space<vmem>>, vector<1x16xf32>,
      %swap3A_50 = vector.shape_cast %swap3A_49 : vector<1x16xf32> to vector<16xf32>
      %swap3A_51 = vector.shape_cast %broadcast_in_dim3A_1 : vector<16xf32> to vector<1x16xf32>
      tpu.vector_store %arg10[%swap3A_47, %swap3A_48], %swap3A_51 {strides = array<i32>} : memref<40x128xf32, #tpu.memory_space<vmem>>, vector<1x16xf32>,
      %swap3A_52 = arith.index_cast %scan3A_37 : i32 to index
      %swap3A_53 = arith.constant 48 : index
      %swap3A_54 = tpu.vector_load %arg10[%swap3A_52, %swap3A_53] {strides = array<i32>} : memref<40x128xf32, #tpu.memory_space<vmem>>, vector<1x16xf32>,
      %swap3A_55 = vector.shape_cast %swap3A_54 : vector<1x16xf32> to vector<16xf32>
      %swap3A_56 = vector.shape_cast %broadcast_in_dim3A_1 : vector<16xf32> to vector<1x16xf32>
      tpu.vector_store %arg10[%swap3A_52, %swap3A_53], %swap3A_56 {strides = array<i32>} : memref<40x128xf32, #tpu.memory_space<vmem>>, vector<1x16xf32>,
      %swap3A_57 = arith.index_cast %scan3A_37 : i32 to index
      %swap3A_58 = arith.constant 64 : index
      %swap3A_59 = tpu.vector_load %arg10[%swap3A_57, %swap3A_58] {strides = array<i32>} : memref<40x128xf32, #tpu.memory_space<vmem>>, vector<1x16xf32>,
      %swap3A_60 = vector.shape_cast %swap3A_59 : vector<1x16xf32> to vector<16xf32>
      %swap3A_61 = vector.shape_cast %broadcast_in_dim3A_1 : vector<16xf32> to vector<1x16xf32>
      tpu.vector_store %arg10[%swap3A_57, %swap3A_58], %swap3A_61 {strides = array<i32>} : memref<40x128xf32, #tpu.memory_space<vmem>>, vector<1x16xf32>,
      %swap3A_62 = arith.index_cast %scan3A_37 : i32 to index
      %swap3A_63 = arith.constant 80 : index
      %swap3A_64 = tpu.vector_load %arg10[%swap3A_62, %swap3A_63] {strides = array<i32>} : memref<40x128xf32, #tpu.memory_space<vmem>>, vector<1x16xf32>,
      %swap3A_65 = vector.shape_cast %swap3A_64 : vector<1x16xf32> to vector<16xf32>
      %swap3A_66 = vector.shape_cast %broadcast_in_dim3A_1 : vector<16xf32> to vector<1x16xf32>
      tpu.vector_store %arg10[%swap3A_62, %swap3A_63], %swap3A_66 {strides = array<i32>} : memref<40x128xf32, #tpu.memory_space<vmem>>, vector<1x16xf32>,
      %swap3A_67 = arith.index_cast %scan3A_37 : i32 to index
      %swap3A_68 = arith.constant 96 : index
      %swap3A_69 = tpu.vector_load %arg10[%swap3A_67, %swap3A_68] {strides = array<i32>} : memref<40x128xf32, #tpu.memory_space<vmem>>, vector<1x16xf32>,
      %swap3A_70 = vector.shape_cast %swap3A_69 : vector<1x16xf32> to vector<16xf32>
      %swap3A_71 = vector.shape_cast %broadcast_in_dim3A_1 : vector<16xf32> to vector<1x16xf32>
      tpu.vector_store %arg10[%swap3A_67, %swap3A_68], %swap3A_71 {strides = array<i32>} : memref<40x128xf32, #tpu.memory_space<vmem>>, vector<1x16xf32>,
      %swap3A_72 = arith.index_cast %scan3A_37 : i32 to index
      %swap3A_73 = arith.constant 112 : index
      %swap3A_74 = tpu.vector_load %arg10[%swap3A_72, %swap3A_73] {strides = array<i32>} : memref<40x128xf32, #tpu.memory_space<vmem>>, vector<1x16xf32>,
      %swap3A_75 = vector.shape_cast %swap3A_74 : vector<1x16xf32> to vector<16xf32>
      %swap3A_76 = vector.shape_cast %broadcast_in_dim3A_1 : vector<16xf32> to vector<1x16xf32>
      tpu.vector_store %arg10[%swap3A_72, %swap3A_73], %swap3A_76 {strides = array<i32>} : memref<40x128xf32, #tpu.memory_space<vmem>>, vector<1x16xf32>,
    }
    %scan3A_6 = arith.constant 40 : i32
    %scan3A_7 = arith.constant 0 : i32
    %scan3A_8 = arith.constant 0 : i32
    %scan3A_9 = arith.constant 16 : i32
    %scan3A_10 = arith.addi %scan3A_8, %scan3A_9 : i32
    %scan3A_11 = arith.constant 1 : i32
    scf.for %scan3A_37 = %scan3A_8 to %scan3A_10 step %scan3A_11  : i32 {
      %mul3A_38 = arith.constant 16 : i32
      %mul3A_39 = arith.muli %scan3A_37, %mul3A_38 : i32
      %add3A_40 = arith.addi %arg1, %mul3A_39 : i32
      %lt3A = arith.constant 250 : i32
      %lt3A_41 = arith.cmpi slt, %add3A_40, %lt3A : i32
      %convert_element_type3A = arith.extui %lt3A_41 : i1 to i32
      %cond3A = arith.constant 0 : i32
      %cond3A_42 = arith.cmpi ne, %convert_element_type3A, %cond3A : i32
      scf.if %cond3A_42 {
        %mul3A_43 = arith.constant 40 : i32
        %mul3A_44 = arith.muli %add3A_40, %mul3A_43 : i32
        %multiple_of3A = tpu.assume_multiple %mul3A_44, 8 : i32
        "tpu.region"() ({
          %run_scoped3A = tpu.sem_alloc : memref<!tpu.dma_semaphore, #tpu.memory_space<semaphore_mem>>
          %dma_start3A = arith.constant 0 : i32
          %dma_start3A_45 = tpu.memref_slice %arg11[%multiple_of3A, %dma_start3A] : memref<10000x128xf32, #tpu.memory_space<vmem_shared>> -> memref<40x128xf32, #tpu.memory_space<vmem_shared>>
          %dma_start3A_46 = arith.constant 0 : i32
          %dma_start3A_47 = tpu.memref_slice %arg11[%multiple_of3A, %dma_start3A_46] : memref<10000x128xf32, #tpu.memory_space<vmem_shared>> -> memref<40x128xf32, #tpu.memory_space<vmem_shared>>
          tpu.enqueue_dma source(%arg10 : memref<40x128xf32, #tpu.memory_space<vmem>>) target(%dma_start3A_47 : memref<40x128xf32, #tpu.memory_space<vmem_shared>>) target_semaphore(%run_scoped3A : memref<!tpu.dma_semaphore, #tpu.memory_space<semaphore_mem>>)
          %dma_wait3A_48 = arith.constant 0 : i32
          %dma_wait3A_49 = tpu.memref_slice %arg11[%multiple_of3A, %dma_wait3A_48] : memref<10000x128xf32, #tpu.memory_space<vmem_shared>> -> memref<40x128xf32, #tpu.memory_space<vmem_shared>>
          %dma_wait3A_50 = arith.constant 0 : i32
          %dma_wait3A_51 = tpu.memref_slice %arg11[%multiple_of3A, %dma_wait3A_50] : memref<10000x128xf32, #tpu.memory_space<vmem_shared>> -> memref<40x128xf32, #tpu.memory_space<vmem_shared>>
          tpu.wait_dma2 semaphore(%run_scoped3A : memref<!tpu.dma_semaphore, #tpu.memory_space<semaphore_mem>>) src(%arg10 : memref<40x128xf32, #tpu.memory_space<vmem>>) dst(%dma_wait3A_51 : memref<40x128xf32, #tpu.memory_space<vmem_shared>>)
          tpu.yield
        }) : () -> ()
      } else {
      }
    }
    %scan3A_12 = arith.constant 16 : i32
    %barrier3A = arith.constant 0 : index
    tpu.barrier barrier_id(%barrier3A)
    %scan3A_13 = arith.constant 0 : i32
    %scan3A_14 = arith.constant 0 : i32
    %scan3A_15 = arith.constant 10 : i32
    %scan3A_16 = arith.addi %scan3A_14, %scan3A_15 : i32
    %scan3A_17 = arith.constant 1 : i32
    scf.for %scan3A_37 = %scan3A_14 to %scan3A_16 step %scan3A_17  : i32 {
      %mul3A_38 = arith.constant 2 : i32
      %mul3A_39 = arith.muli %mul3A_38, %scan3A_37 : i32
      %add3A_40 = arith.constant 0 : i32
      %add3A_41 = arith.addi %mul3A_39, %add3A_40 : i32
      %mul3A_42 = arith.constant 32 : i32
      %mul3A_43 = arith.muli %add3A_41, %mul3A_42 : i32
      %add3A_44 = arith.addi %add3A, %mul3A_43 : i32
      %lt3A = arith.constant 625 : i32
      %lt3A_45 = arith.cmpi slt, %add3A_44, %lt3A : i32
      %convert_element_type3A = arith.extui %lt3A_45 : i1 to i32
      %cond3A = arith.constant 0 : i32
      %cond3A_46 = arith.cmpi ne, %convert_element_type3A, %cond3A : i32
      scf.if %cond3A_46 {
        %mul3A_59 = arith.constant 128 : i32
        %mul3A_60 = arith.muli %add3A_44, %mul3A_59 : i32
        %multiple_of3A = tpu.assume_multiple %mul3A_60, 8 : i32
        %gt3A = arith.constant 0 : i32
        %gt3A_61 = arith.cmpi sgt, %scan3A_37, %gt3A : i32
        %convert_element_type3A_62 = arith.extui %gt3A_61 : i1 to i32
        %cond3A_63 = arith.constant 0 : i32
        %cond3A_64 = arith.cmpi ne, %convert_element_type3A_62, %cond3A_63 : i32
        scf.if %cond3A_64 {
          %dma_wait3A_67 = arith.constant 0 : i32
          %dma_wait3A_68 = arith.constant 0 : i32
          %dma_wait3A_69 = tpu.memref_slice %arg11[%dma_wait3A_67, %dma_wait3A_68] : memref<10000x128xf32, #tpu.memory_space<vmem_shared>> -> memref<128x128xf32, #tpu.memory_space<vmem_shared>>
          %dma_wait3A_70 = arith.constant 0 : i32
          %dma_wait3A_71 = arith.constant 0 : i32
          %dma_wait3A_72 = tpu.memref_slice %arg11[%dma_wait3A_70, %dma_wait3A_71] : memref<10000x128xf32, #tpu.memory_space<vmem_shared>> -> memref<128x128xf32, #tpu.memory_space<vmem_shared>>
          tpu.wait_dma2 semaphore(%arg12 : memref<!tpu.dma_semaphore, #tpu.memory_space<semaphore_mem>>) src(%arg7 : memref<128x128xf32, #tpu.memory_space<vmem>>) dst(%dma_wait3A_72 : memref<128x128xf32, #tpu.memory_space<vmem_shared>>)
        } else {
        }
        "tpu.region"() ({
          %run_scoped3A = tpu.sem_alloc : memref<!tpu.dma_semaphore, #tpu.memory_space<semaphore_mem>>
          %dma_start3A_67 = tpu.memref_slice %arg3[%multiple_of3A] : memref<80000xi32, #tpu.memory_space<hbm>> -> memref<128xi32, #tpu.memory_space<hbm>>
          %dma_start3A_68 = tpu.memref_slice %arg3[%multiple_of3A] : memref<80000xi32, #tpu.memory_space<hbm>> -> memref<128xi32, #tpu.memory_space<hbm>>
          tpu.enqueue_dma source(%dma_start3A_68 : memref<128xi32, #tpu.memory_space<hbm>>) target(%arg6 : memref<128xi32, #tpu.memory_space<vmem>>) target_semaphore(%run_scoped3A : memref<!tpu.dma_semaphore, #tpu.memory_space<semaphore_mem>>)
          %dma_wait3A_69 = tpu.memref_slice %arg3[%multiple_of3A] : memref<80000xi32, #tpu.memory_space<hbm>> -> memref<128xi32, #tpu.memory_space<hbm>>
          %dma_wait3A_70 = tpu.memref_slice %arg3[%multiple_of3A] : memref<80000xi32, #tpu.memory_space<hbm>> -> memref<128xi32, #tpu.memory_space<hbm>>
          tpu.wait_dma2 semaphore(%run_scoped3A : memref<!tpu.dma_semaphore, #tpu.memory_space<semaphore_mem>>) src(%dma_wait3A_70 : memref<128xi32, #tpu.memory_space<hbm>>) dst(%arg6 : memref<128xi32, #tpu.memory_space<vmem>>)
          tpu.yield
        }) : () -> ()
        "tpu.region"() ({
          %run_scoped3A = tpu.sem_alloc : memref<!tpu.dma_semaphore, #tpu.memory_space<semaphore_mem>>
          %dma_start3A_67 = arith.constant 0 : i32
          %dma_start3A_68 = tpu.memref_slice %arg2[%multiple_of3A, %dma_start3A_67] : memref<80000x128xf32, #tpu.memory_space<hbm>> -> memref<128x128xf32, #tpu.memory_space<hbm>>
          %dma_start3A_69 = arith.constant 0 : i32
          %dma_start3A_70 = tpu.memref_slice %arg2[%multiple_of3A, %dma_start3A_69] : memref<80000x128xf32, #tpu.memory_space<hbm>> -> memref<128x128xf32, #tpu.memory_space<hbm>>
          tpu.enqueue_dma source(%dma_start3A_70 : memref<128x128xf32, #tpu.memory_space<hbm>>) target(%arg7 : memref<128x128xf32, #tpu.memory_space<vmem>>) target_semaphore(%run_scoped3A : memref<!tpu.dma_semaphore, #tpu.memory_space<semaphore_mem>>)
          %dma_wait3A_71 = arith.constant 0 : i32
          %dma_wait3A_72 = tpu.memref_slice %arg2[%multiple_of3A, %dma_wait3A_71] : memref<80000x128xf32, #tpu.memory_space<hbm>> -> memref<128x128xf32, #tpu.memory_space<hbm>>
          %dma_wait3A_73 = arith.constant 0 : i32
          %dma_wait3A_74 = tpu.memref_slice %arg2[%multiple_of3A, %dma_wait3A_73] : memref<80000x128xf32, #tpu.memory_space<hbm>> -> memref<128x128xf32, #tpu.memory_space<hbm>>
          tpu.wait_dma2 semaphore(%run_scoped3A : memref<!tpu.dma_semaphore, #tpu.memory_space<semaphore_mem>>) src(%dma_wait3A_74 : memref<128x128xf32, #tpu.memory_space<hbm>>) dst(%arg7 : memref<128x128xf32, #tpu.memory_space<vmem>>)
          tpu.yield
        }) : () -> ()
        %dma_start3A = arith.constant 0 : i32
        %dma_start3A_65 = arith.constant 0 : i32
        %dma_start3A_66 = tpu.memref_slice %arg11[%dma_start3A, %dma_start3A_65] : memref<10000x128xf32, #tpu.memory_space<vmem_shared>> -> memref<10000x128xf32, #tpu.memory_space<vmem_shared>>
        tpu.enqueue_indirect_dma source(%arg7 : memref<128x128xf32, #tpu.memory_space<vmem>>) target(%dma_start3A_66 : memref<10000x128xf32, #tpu.memory_space<vmem_shared>>) offsets(%arg6 : memref<128xi32, #tpu.memory_space<vmem>>) semaphore(%arg12 : memref<!tpu.dma_semaphore, #tpu.memory_space<semaphore_mem>>) {add = true}
      } else {
      }
      %mul3A_47 = arith.constant 2 : i32
      %mul3A_48 = arith.muli %mul3A_47, %scan3A_37 : i32
      %add3A_49 = arith.constant 1 : i32
      %add3A_50 = arith.addi %mul3A_48, %add3A_49 : i32
      %mul3A_51 = arith.constant 32 : i32
      %mul3A_52 = arith.muli %add3A_50, %mul3A_51 : i32
      %add3A_53 = arith.addi %add3A, %mul3A_52 : i32
      %lt3A_54 = arith.constant 625 : i32
      %lt3A_55 = arith.cmpi slt, %add3A_53, %lt3A_54 : i32
      %convert_element_type3A_56 = arith.extui %lt3A_55 : i1 to i32
      %cond3A_57 = arith.constant 0 : i32
      %cond3A_58 = arith.cmpi ne, %convert_element_type3A_56, %cond3A_57 : i32
      scf.if %cond3A_58 {
        %mul3A_59 = arith.constant 128 : i32
        %mul3A_60 = arith.muli %add3A_53, %mul3A_59 : i32
        %multiple_of3A = tpu.assume_multiple %mul3A_60, 8 : i32
        %gt3A = arith.constant 0 : i32
        %gt3A_61 = arith.cmpi sgt, %scan3A_37, %gt3A : i32
        %convert_element_type3A_62 = arith.extui %gt3A_61 : i1 to i32
        %cond3A_63 = arith.constant 0 : i32
        %cond3A_64 = arith.cmpi ne, %convert_element_type3A_62, %cond3A_63 : i32
        scf.if %cond3A_64 {
          %dma_wait3A_67 = arith.constant 0 : i32
          %dma_wait3A_68 = arith.constant 0 : i32
          %dma_wait3A_69 = tpu.memref_slice %arg11[%dma_wait3A_67, %dma_wait3A_68] : memref<10000x128xf32, #tpu.memory_space<vmem_shared>> -> memref<128x128xf32, #tpu.memory_space<vmem_shared>>
          %dma_wait3A_70 = arith.constant 0 : i32
          %dma_wait3A_71 = arith.constant 0 : i32
          %dma_wait3A_72 = tpu.memref_slice %arg11[%dma_wait3A_70, %dma_wait3A_71] : memref<10000x128xf32, #tpu.memory_space<vmem_shared>> -> memref<128x128xf32, #tpu.memory_space<vmem_shared>>
          tpu.wait_dma2 semaphore(%arg13 : memref<!tpu.dma_semaphore, #tpu.memory_space<semaphore_mem>>) src(%arg9 : memref<128x128xf32, #tpu.memory_space<vmem>>) dst(%dma_wait3A_72 : memref<128x128xf32, #tpu.memory_space<vmem_shared>>)
        } else {
        }
        "tpu.region"() ({
          %run_scoped3A = tpu.sem_alloc : memref<!tpu.dma_semaphore, #tpu.memory_space<semaphore_mem>>
          %dma_start3A_67 = tpu.memref_slice %arg3[%multiple_of3A] : memref<80000xi32, #tpu.memory_space<hbm>> -> memref<128xi32, #tpu.memory_space<hbm>>
          %dma_start3A_68 = tpu.memref_slice %arg3[%multiple_of3A] : memref<80000xi32, #tpu.memory_space<hbm>> -> memref<128xi32, #tpu.memory_space<hbm>>
          tpu.enqueue_dma source(%dma_start3A_68 : memref<128xi32, #tpu.memory_space<hbm>>) target(%arg8 : memref<128xi32, #tpu.memory_space<vmem>>) target_semaphore(%run_scoped3A : memref<!tpu.dma_semaphore, #tpu.memory_space<semaphore_mem>>)
          %dma_wait3A_69 = tpu.memref_slice %arg3[%multiple_of3A] : memref<80000xi32, #tpu.memory_space<hbm>> -> memref<128xi32, #tpu.memory_space<hbm>>
          %dma_wait3A_70 = tpu.memref_slice %arg3[%multiple_of3A] : memref<80000xi32, #tpu.memory_space<hbm>> -> memref<128xi32, #tpu.memory_space<hbm>>
          tpu.wait_dma2 semaphore(%run_scoped3A : memref<!tpu.dma_semaphore, #tpu.memory_space<semaphore_mem>>) src(%dma_wait3A_70 : memref<128xi32, #tpu.memory_space<hbm>>) dst(%arg8 : memref<128xi32, #tpu.memory_space<vmem>>)
          tpu.yield
        }) : () -> ()
        "tpu.region"() ({
          %run_scoped3A = tpu.sem_alloc : memref<!tpu.dma_semaphore, #tpu.memory_space<semaphore_mem>>
          %dma_start3A_67 = arith.constant 0 : i32
          %dma_start3A_68 = tpu.memref_slice %arg2[%multiple_of3A, %dma_start3A_67] : memref<80000x128xf32, #tpu.memory_space<hbm>> -> memref<128x128xf32, #tpu.memory_space<hbm>>
          %dma_start3A_69 = arith.constant 0 : i32
          %dma_start3A_70 = tpu.memref_slice %arg2[%multiple_of3A, %dma_start3A_69] : memref<80000x128xf32, #tpu.memory_space<hbm>> -> memref<128x128xf32, #tpu.memory_space<hbm>>
          tpu.enqueue_dma source(%dma_start3A_70 : memref<128x128xf32, #tpu.memory_space<hbm>>) target(%arg9 : memref<128x128xf32, #tpu.memory_space<vmem>>) target_semaphore(%run_scoped3A : memref<!tpu.dma_semaphore, #tpu.memory_space<semaphore_mem>>)
          %dma_wait3A_71 = arith.constant 0 : i32
          %dma_wait3A_72 = tpu.memref_slice %arg2[%multiple_of3A, %dma_wait3A_71] : memref<80000x128xf32, #tpu.memory_space<hbm>> -> memref<128x128xf32, #tpu.memory_space<hbm>>
          %dma_wait3A_73 = arith.constant 0 : i32
          %dma_wait3A_74 = tpu.memref_slice %arg2[%multiple_of3A, %dma_wait3A_73] : memref<80000x128xf32, #tpu.memory_space<hbm>> -> memref<128x128xf32, #tpu.memory_space<hbm>>
          tpu.wait_dma2 semaphore(%run_scoped3A : memref<!tpu.dma_semaphore, #tpu.memory_space<semaphore_mem>>) src(%dma_wait3A_74 : memref<128x128xf32, #tpu.memory_space<hbm>>) dst(%arg9 : memref<128x128xf32, #tpu.memory_space<vmem>>)
          tpu.yield
        }) : () -> ()
        %dma_start3A = arith.constant 0 : i32
        %dma_start3A_65 = arith.constant 0 : i32
        %dma_start3A_66 = tpu.memref_slice %arg11[%dma_start3A, %dma_start3A_65] : memref<10000x128xf32, #tpu.memory_space<vmem_shared>> -> memref<10000x128xf32, #tpu.memory_space<vmem_shared>>
        tpu.enqueue_indirect_dma source(%arg9 : memref<128x128xf32, #tpu.memory_space<vmem>>) target(%dma_start3A_66 : memref<10000x128xf32, #tpu.memory_space<vmem_shared>>) offsets(%arg8 : memref<128xi32, #tpu.memory_space<vmem>>) semaphore(%arg13 : memref<!tpu.dma_semaphore, #tpu.memory_space<semaphore_mem>>) {add = true}
      } else {
      }
    }
    %scan3A_18 = arith.constant 10 : i32
    %dma_wait3A = arith.constant 0 : i32
    %dma_wait3A_19 = arith.constant 0 : i32
    %dma_wait3A_20 = tpu.memref_slice %arg11[%dma_wait3A, %dma_wait3A_19] : memref<10000x128xf32, #tpu.memory_space<vmem_shared>> -> memref<128x128xf32, #tpu.memory_space<vmem_shared>>
    %dma_wait3A_21 = arith.constant 0 : i32
    %dma_wait3A_22 = arith.constant 0 : i32
    %dma_wait3A_23 = tpu.memref_slice %arg11[%dma_wait3A_21, %dma_wait3A_22] : memref<10000x128xf32, #tpu.memory_space<vmem_shared>> -> memref<128x128xf32, #tpu.memory_space<vmem_shared>>
    tpu.wait_dma2 semaphore(%arg12 : memref<!tpu.dma_semaphore, #tpu.memory_space<semaphore_mem>>) src(%arg7 : memref<128x128xf32, #tpu.memory_space<vmem>>) dst(%dma_wait3A_23 : memref<128x128xf32, #tpu.memory_space<vmem_shared>>)
    %dma_wait3A_24 = arith.constant 0 : i32
    %dma_wait3A_25 = arith.constant 0 : i32
    %dma_wait3A_26 = tpu.memref_slice %arg11[%dma_wait3A_24, %dma_wait3A_25] : memref<10000x128xf32, #tpu.memory_space<vmem_shared>> -> memref<128x128xf32, #tpu.memory_space<vmem_shared>>
    %dma_wait3A_27 = arith.constant 0 : i32
    %dma_wait3A_28 = arith.constant 0 : i32
    %dma_wait3A_29 = tpu.memref_slice %arg11[%dma_wait3A_27, %dma_wait3A_28] : memref<10000x128xf32, #tpu.memory_space<vmem_shared>> -> memref<128x128xf32, #tpu.memory_space<vmem_shared>>
    tpu.wait_dma2 semaphore(%arg13 : memref<!tpu.dma_semaphore, #tpu.memory_space<semaphore_mem>>) src(%arg9 : memref<128x128xf32, #tpu.memory_space<vmem>>) dst(%dma_wait3A_29 : memref<128x128xf32, #tpu.memory_space<vmem_shared>>)
    %barrier3A_30 = arith.constant 0 : index
    tpu.barrier barrier_id(%barrier3A_30)
    %scan3A_31 = arith.constant 0 : i32
    %scan3A_32 = arith.constant 0 : i32
    %scan3A_33 = arith.constant 16 : i32
    %scan3A_34 = arith.addi %scan3A_32, %scan3A_33 : i32
    %scan3A_35 = arith.constant 1 : i32
    scf.for %scan3A_37 = %scan3A_32 to %scan3A_34 step %scan3A_35  : i32 {
      %mul3A_38 = arith.constant 16 : i32
      %mul3A_39 = arith.muli %scan3A_37, %mul3A_38 : i32
      %add3A_40 = arith.addi %arg1, %mul3A_39 : i32
      %lt3A = arith.constant 250 : i32
      %lt3A_41 = arith.cmpi slt, %add3A_40, %lt3A : i32
      %convert_element_type3A = arith.extui %lt3A_41 : i1 to i32
      %cond3A = arith.constant 0 : i32
      %cond3A_42 = arith.cmpi ne, %convert_element_type3A, %cond3A : i32
      scf.if %cond3A_42 {
        %mul3A_43 = arith.constant 40 : i32
        %mul3A_44 = arith.muli %add3A_40, %mul3A_43 : i32
        %multiple_of3A = tpu.assume_multiple %mul3A_44, 8 : i32
        "tpu.region"() ({
          %run_scoped3A = tpu.sem_alloc : memref<!tpu.dma_semaphore, #tpu.memory_space<semaphore_mem>>
          %dma_start3A = arith.constant 0 : i32
          %dma_start3A_54 = tpu.memref_slice %arg11[%multiple_of3A, %dma_start3A] : memref<10000x128xf32, #tpu.memory_space<vmem_shared>> -> memref<40x128xf32, #tpu.memory_space<vmem_shared>>
          %dma_start3A_55 = arith.constant 0 : i32
          %dma_start3A_56 = tpu.memref_slice %arg11[%multiple_of3A, %dma_start3A_55] : memref<10000x128xf32, #tpu.memory_space<vmem_shared>> -> memref<40x128xf32, #tpu.memory_space<vmem_shared>>
          tpu.enqueue_dma source(%dma_start3A_56 : memref<40x128xf32, #tpu.memory_space<vmem_shared>>) target(%arg10 : memref<40x128xf32, #tpu.memory_space<vmem>>) target_semaphore(%run_scoped3A : memref<!tpu.dma_semaphore, #tpu.memory_space<semaphore_mem>>)
          %dma_wait3A_57 = arith.constant 0 : i32
          %dma_wait3A_58 = tpu.memref_slice %arg11[%multiple_of3A, %dma_wait3A_57] : memref<10000x128xf32, #tpu.memory_space<vmem_shared>> -> memref<40x128xf32, #tpu.memory_space<vmem_shared>>
          %dma_wait3A_59 = arith.constant 0 : i32
          %dma_wait3A_60 = tpu.memref_slice %arg11[%multiple_of3A, %dma_wait3A_59] : memref<10000x128xf32, #tpu.memory_space<vmem_shared>> -> memref<40x128xf32, #tpu.memory_space<vmem_shared>>
          tpu.wait_dma2 semaphore(%run_scoped3A : memref<!tpu.dma_semaphore, #tpu.memory_space<semaphore_mem>>) src(%dma_wait3A_60 : memref<40x128xf32, #tpu.memory_space<vmem_shared>>) dst(%arg10 : memref<40x128xf32, #tpu.memory_space<vmem>>)
          tpu.yield
        }) : () -> ()
        %eq3A = arith.constant 0 : i32
        %eq3A_45 = arith.cmpi eq, %arg0, %eq3A : i32
        %convert_element_type3A_46 = arith.extui %eq3A_45 : i1 to i32
        %cond3A_47 = arith.constant 0 : i32
        %cond3A_48 = arith.cmpi ne, %convert_element_type3A_46, %cond3A_47 : i32
        scf.if %cond3A_48 {
          "tpu.region"() ({
            %run_scoped3A = tpu.sem_alloc : memref<!tpu.dma_semaphore, #tpu.memory_space<semaphore_mem>>
            %dma_start3A = arith.constant 0 : i32
            %dma_start3A_54 = tpu.memref_slice %arg4[%multiple_of3A, %dma_start3A] : memref<10000x128xf32, #tpu.memory_space<hbm>> -> memref<40x128xf32, #tpu.memory_space<hbm>>
            %dma_start3A_55 = arith.constant 0 : i32
            %dma_start3A_56 = tpu.memref_slice %arg4[%multiple_of3A, %dma_start3A_55] : memref<10000x128xf32, #tpu.memory_space<hbm>> -> memref<40x128xf32, #tpu.memory_space<hbm>>
            tpu.enqueue_dma source(%arg10 : memref<40x128xf32, #tpu.memory_space<vmem>>) target(%dma_start3A_56 : memref<40x128xf32, #tpu.memory_space<hbm>>) target_semaphore(%run_scoped3A : memref<!tpu.dma_semaphore, #tpu.memory_space<semaphore_mem>>)
            %dma_wait3A_57 = arith.constant 0 : i32
            %dma_wait3A_58 = tpu.memref_slice %arg4[%multiple_of3A, %dma_wait3A_57] : memref<10000x128xf32, #tpu.memory_space<hbm>> -> memref<40x128xf32, #tpu.memory_space<hbm>>
            %dma_wait3A_59 = arith.constant 0 : i32
            %dma_wait3A_60 = tpu.memref_slice %arg4[%multiple_of3A, %dma_wait3A_59] : memref<10000x128xf32, #tpu.memory_space<hbm>> -> memref<40x128xf32, #tpu.memory_space<hbm>>
            tpu.wait_dma2 semaphore(%run_scoped3A : memref<!tpu.dma_semaphore, #tpu.memory_space<semaphore_mem>>) src(%arg10 : memref<40x128xf32, #tpu.memory_space<vmem>>) dst(%dma_wait3A_60 : memref<40x128xf32, #tpu.memory_space<hbm>>)
            tpu.yield
          }) : () -> ()
        } else {
        }
        %eq3A_49 = arith.constant 1 : i32
        %eq3A_50 = arith.cmpi eq, %arg0, %eq3A_49 : i32
        %convert_element_type3A_51 = arith.extui %eq3A_50 : i1 to i32
        %cond3A_52 = arith.constant 0 : i32
        %cond3A_53 = arith.cmpi ne, %convert_element_type3A_51, %cond3A_52 : i32
        scf.if %cond3A_53 {
          "tpu.region"() ({
            %run_scoped3A = tpu.sem_alloc : memref<!tpu.dma_semaphore, #tpu.memory_space<semaphore_mem>>
            %dma_start3A = arith.constant 0 : i32
            %dma_start3A_54 = tpu.memref_slice %arg5[%multiple_of3A, %dma_start3A] : memref<10000x128xf32, #tpu.memory_space<hbm>> -> memref<40x128xf32, #tpu.memory_space<hbm>>
            %dma_start3A_55 = arith.constant 0 : i32
            %dma_start3A_56 = tpu.memref_slice %arg5[%multiple_of3A, %dma_start3A_55] : memref<10000x128xf32, #tpu.memory_space<hbm>> -> memref<40x128xf32, #tpu.memory_space<hbm>>
            tpu.enqueue_dma source(%arg10 : memref<40x128xf32, #tpu.memory_space<vmem>>) target(%dma_start3A_56 : memref<40x128xf32, #tpu.memory_space<hbm>>) target_semaphore(%run_scoped3A : memref<!tpu.dma_semaphore, #tpu.memory_space<semaphore_mem>>)
            %dma_wait3A_57 = arith.constant 0 : i32
            %dma_wait3A_58 = tpu.memref_slice %arg5[%multiple_of3A, %dma_wait3A_57] : memref<10000x128xf32, #tpu.memory_space<hbm>> -> memref<40x128xf32, #tpu.memory_space<hbm>>
            %dma_wait3A_59 = arith.constant 0 : i32
            %dma_wait3A_60 = tpu.memref_slice %arg5[%multiple_of3A, %dma_wait3A_59] : memref<10000x128xf32, #tpu.memory_space<hbm>> -> memref<40x128xf32, #tpu.memory_space<hbm>>
            tpu.wait_dma2 semaphore(%run_scoped3A : memref<!tpu.dma_semaphore, #tpu.memory_space<semaphore_mem>>) src(%arg10 : memref<40x128xf32, #tpu.memory_space<vmem>>) dst(%dma_wait3A_60 : memref<40x128xf32, #tpu.memory_space<hbm>>)
            tpu.yield
          }) : () -> ()
        } else {
        }
      } else {
      }
    }
    %scan3A_36 = arith.constant 16 : i32
    return
  }
}

module attributes {stable_mosaic.version = 14 : i64} {
  func.func @_proj_body(%arg0: memref<10000x128xf32, #tpu.memory_space<vmem>>, %arg1: memref<128x256xf32, #tpu.memory_space<vmem>>, %arg2: memref<1x256xf32, #tpu.memory_space<vmem>>, %arg3: memref<10000x128xf32, #tpu.memory_space<vmem>>) attributes {dimension_semantics = [], scalar_prefetch = 0 : i64, scratch_operands = 0 : i64, tpu.core_type = #tpu.core_type<tc>} {
    %get3A = arith.constant 0 : index
    %get3A_0 = arith.constant 0 : index
    %get3A_1 = vector.load %arg0[%get3A, %get3A_0] : memref<10000x128xf32, #tpu.memory_space<vmem>>, vector<10000x128xf32>
    %get3A_2 = arith.constant 0 : index
    %get3A_3 = arith.constant 0 : index
    %get3A_4 = vector.load %arg1[%get3A_2, %get3A_3] : memref<128x256xf32, #tpu.memory_space<vmem>>, vector<128x256xf32>
    %dot_general3A = arith.constant dense<0.000000e+00> : vector<10000x256xf32>
    %dot_general3A_5 = tpu.matmul %get3A_1, %get3A_4, %dot_general3A {dimension_numbers = #tpu.dot_dimension_numbers<[1], [0], [0], [1], [0, 0, 1, 1], [], []>, transpose_lhs_hint = false} : vector<10000x128xf32>, vector<128x256xf32>, vector<10000x256xf32> -> vector<10000x256xf32>
    %get3A_6 = arith.constant 0 : index
    %get3A_7 = arith.constant 0 : index
    %get3A_8 = vector.load %arg2[%get3A_6, %get3A_7] : memref<1x256xf32, #tpu.memory_space<vmem>>, vector<1x256xf32>
    %add3A = vector.broadcast %get3A_8 : vector<1x256xf32> to vector<10000x256xf32>
    %add3A_9 = arith.addf %dot_general3A_5, %add3A : vector<10000x256xf32>
    %slice3A = vector.extract_strided_slice %add3A_9 {offsets = [0, 0], sizes = [10000, 128], strides = [1, 1]} : vector<10000x256xf32> to vector<10000x128xf32>
    %slice3A_10 = vector.extract_strided_slice %add3A_9 {offsets = [0, 128], sizes = [10000, 128], strides = [1, 1]} : vector<10000x256xf32> to vector<10000x128xf32>
    %bitcast_convert_type3A = tpu.bitcast %slice3A : vector<10000x128xf32> -> vector<10000x128xi32>
    %bitcast_convert_type3A_11 = tpu.bitcast %slice3A_10 : vector<10000x128xf32> -> vector<10000x128xi32>
    %add3A_12 = arith.constant 32768 : i32
    %add3A_13 = vector.broadcast %add3A_12 : i32 to vector<10000x128xi32>
    %add3A_14 = arith.addi %bitcast_convert_type3A, %add3A_13 : vector<10000x128xi32>
    %shift_right_logical3A = arith.constant 16 : i32
    %shift_right_logical3A_15 = vector.broadcast %shift_right_logical3A : i32 to vector<10000x128xi32>
    %shift_right_logical3A_16 = arith.shrui %add3A_14, %shift_right_logical3A_15 : vector<10000x128xi32>
    %add3A_17 = arith.constant 32768 : i32
    %add3A_18 = vector.broadcast %add3A_17 : i32 to vector<10000x128xi32>
    %add3A_19 = arith.addi %bitcast_convert_type3A_11, %add3A_18 : vector<10000x128xi32>
    %and3A = arith.constant -65536 : i32
    %and3A_20 = vector.broadcast %and3A : i32 to vector<10000x128xi32>
    %and3A_21 = arith.andi %add3A_19, %and3A_20 : vector<10000x128xi32>
    %or3A = arith.ori %shift_right_logical3A_16, %and3A_21 : vector<10000x128xi32>
    %bitcast_convert_type3A_22 = tpu.bitcast %or3A : vector<10000x128xi32> -> vector<10000x128xf32>
    %swap3A = arith.constant 0 : index
    %swap3A_23 = arith.constant 0 : index
    %swap3A_24 = vector.load %arg3[%swap3A, %swap3A_23] : memref<10000x128xf32, #tpu.memory_space<vmem>>, vector<10000x128xf32>
    tpu.vector_store %arg3[%swap3A, %swap3A_23], %bitcast_convert_type3A_22 {strides = array<i32>} : memref<10000x128xf32, #tpu.memory_space<vmem>>, vector<10000x128xf32>,
    return
  }
}

module attributes {stable_mosaic.version = 14 : i64} {
  func.func @_edge_body(%arg0: i32, %arg1: memref<2000x128xf32, #tpu.memory_space<vmem>>, %arg2: memref<2000x128xf32, #tpu.memory_space<vmem>>, %arg3: memref<2000x16xf32, #tpu.memory_space<vmem>>, %arg4: memref<16x64xf32, #tpu.memory_space<vmem>>, %arg5: memref<1x64xf32, #tpu.memory_space<vmem>>, %arg6: memref<1x192xf32, #tpu.memory_space<vmem>>, %arg7: memref<1x192xf32, #tpu.memory_space<vmem>>, %arg8: memref<192x192xf32, #tpu.memory_space<vmem>>, %arg9: memref<1x192xf32, #tpu.memory_space<vmem>>, %arg10: memref<192x128xf32, #tpu.memory_space<vmem>>, %arg11: memref<1x128xf32, #tpu.memory_space<vmem>>, %arg12: memref<1x128xf32, #tpu.memory_space<vmem>>, %arg13: memref<1x128xf32, #tpu.memory_space<vmem>>, %arg14: memref<2000x128xf32, #tpu.memory_space<vmem>>) attributes {dimension_semantics = [#tpu.dimension_semantics<arbitrary>], iteration_bounds = array<i64: 40>, scalar_prefetch = 0 : i64, scratch_operands = 0 : i64, tpu.core_type = #tpu.core_type<tc>, window_params = [{transform_indices = @transform_0, window_bounds = array<i64: 2000, 128>}, {transform_indices = @transform_1, window_bounds = array<i64: 2000, 128>}, {transform_indices = @transform_2, window_bounds = array<i64: 2000, 16>}, {pipeline_mode = #tpu.pipeline_mode<synchronous>, transform_indices = @transform_3, window_bounds = array<i64: 16, 64>}, {pipeline_mode = #tpu.pipeline_mode<synchronous>, transform_indices = @transform_4, window_bounds = array<i64: 1, 64>}, {pipeline_mode = #tpu.pipeline_mode<synchronous>, transform_indices = @transform_5, window_bounds = array<i64: 1, 192>}, {pipeline_mode = #tpu.pipeline_mode<synchronous>, transform_indices = @transform_6, window_bounds = array<i64: 1, 192>}, {pipeline_mode = #tpu.pipeline_mode<synchronous>, transform_indices = @transform_7, window_bounds = array<i64: 192, 192>}, {pipeline_mode = #tpu.pipeline_mode<synchronous>, transform_indices = @transform_8, window_bounds = array<i64: 1, 192>}, {pipeline_mode = #tpu.pipeline_mode<synchronous>, transform_indices = @transform_9, window_bounds = array<i64: 192, 128>}, {pipeline_mode = #tpu.pipeline_mode<synchronous>, transform_indices = @transform_10, window_bounds = array<i64: 1, 128>}, {pipeline_mode = #tpu.pipeline_mode<synchronous>, transform_indices = @transform_11, window_bounds = array<i64: 1, 128>}, {pipeline_mode = #tpu.pipeline_mode<synchronous>, transform_indices = @transform_12, window_bounds = array<i64: 1, 128>}, {transform_indices = @transform_13, window_bounds = array<i64: 2000, 128>}]} {
    %get3A = arith.constant 0 : index
    %get3A_0 = arith.constant 0 : index
    %get3A_1 = vector.load %arg1[%get3A, %get3A_0] : memref<2000x128xf32, #tpu.memory_space<vmem>>, vector<2000x128xf32>
    %bitcast_convert_type3A = tpu.bitcast %get3A_1 : vector<2000x128xf32> -> vector<2000x128xi32>
    %get3A_2 = arith.constant 0 : index
    %get3A_3 = arith.constant 0 : index
    %get3A_4 = vector.load %arg2[%get3A_2, %get3A_3] : memref<2000x128xf32, #tpu.memory_space<vmem>>, vector<2000x128xf32>
    %bitcast_convert_type3A_5 = tpu.bitcast %get3A_4 : vector<2000x128xf32> -> vector<2000x128xi32>
    %shift_left3A = arith.constant 16 : i32
    %shift_left3A_6 = vector.broadcast %shift_left3A : i32 to vector<2000x128xi32>
    %shift_left3A_7 = arith.shli %bitcast_convert_type3A, %shift_left3A_6 : vector<2000x128xi32>
    %bitcast_convert_type3A_8 = tpu.bitcast %shift_left3A_7 : vector<2000x128xi32> -> vector<2000x128xf32>
    %and3A = arith.constant -65536 : i32
    %and3A_9 = vector.broadcast %and3A : i32 to vector<2000x128xi32>
    %and3A_10 = arith.andi %bitcast_convert_type3A, %and3A_9 : vector<2000x128xi32>
    %bitcast_convert_type3A_11 = tpu.bitcast %and3A_10 : vector<2000x128xi32> -> vector<2000x128xf32>
    %shift_left3A_12 = arith.constant 16 : i32
    %shift_left3A_13 = vector.broadcast %shift_left3A_12 : i32 to vector<2000x128xi32>
    %shift_left3A_14 = arith.shli %bitcast_convert_type3A_5, %shift_left3A_13 : vector<2000x128xi32>
    %bitcast_convert_type3A_15 = tpu.bitcast %shift_left3A_14 : vector<2000x128xi32> -> vector<2000x128xf32>
    %and3A_16 = arith.constant -65536 : i32
    %and3A_17 = vector.broadcast %and3A_16 : i32 to vector<2000x128xi32>
    %and3A_18 = arith.andi %bitcast_convert_type3A_5, %and3A_17 : vector<2000x128xi32>
    %bitcast_convert_type3A_19 = tpu.bitcast %and3A_18 : vector<2000x128xi32> -> vector<2000x128xf32>
    %slice3A = vector.extract_strided_slice %bitcast_convert_type3A_8 {offsets = [0, 0], sizes = [2000, 64], strides = [1, 1]} : vector<2000x128xf32> to vector<2000x64xf32>
    %slice3A_20 = vector.extract_strided_slice %bitcast_convert_type3A_8 {offsets = [0, 64], sizes = [2000, 64], strides = [1, 1]} : vector<2000x128xf32> to vector<2000x64xf32>
    %slice3A_21 = vector.extract_strided_slice %bitcast_convert_type3A_11 {offsets = [0, 0], sizes = [2000, 64], strides = [1, 1]} : vector<2000x128xf32> to vector<2000x64xf32>
    %slice3A_22 = vector.extract_strided_slice %bitcast_convert_type3A_15 {offsets = [0, 64], sizes = [2000, 64], strides = [1, 1]} : vector<2000x128xf32> to vector<2000x64xf32>
    %slice3A_23 = vector.extract_strided_slice %bitcast_convert_type3A_19 {offsets = [0, 0], sizes = [2000, 64], strides = [1, 1]} : vector<2000x128xf32> to vector<2000x64xf32>
    %get3A_24 = arith.constant 0 : index
    %get3A_25 = arith.constant 0 : index
    %get3A_26 = vector.load %arg3[%get3A_24, %get3A_25] : memref<2000x16xf32, #tpu.memory_space<vmem>>, vector<2000x16xf32>
    %get3A_27 = arith.constant 0 : index
    %get3A_28 = arith.constant 0 : index
    %get3A_29 = vector.load %arg4[%get3A_27, %get3A_28] : memref<16x64xf32, #tpu.memory_space<vmem>>, vector<16x64xf32>
    %dot_general3A = arith.constant dense<0.000000e+00> : vector<2000x64xf32>
    %dot_general3A_30 = tpu.matmul %get3A_26, %get3A_29, %dot_general3A {dimension_numbers = #tpu.dot_dimension_numbers<[1], [0], [0], [1], [0, 0, 1, 1], [], []>, transpose_lhs_hint = false} : vector<2000x16xf32>, vector<16x64xf32>, vector<2000x64xf32> -> vector<2000x64xf32>
    %get3A_31 = arith.constant 0 : index
    %get3A_32 = arith.constant 0 : index
    %get3A_33 = vector.load %arg5[%get3A_31, %get3A_32] : memref<1x64xf32, #tpu.memory_space<vmem>>, vector<1x64xf32>
    %add3A = vector.broadcast %get3A_33 : vector<1x64xf32> to vector<2000x64xf32>
    %add3A_34 = arith.addf %dot_general3A_30, %add3A : vector<2000x64xf32>
    %mul3A = arith.mulf %slice3A, %slice3A_20 : vector<2000x64xf32>
    %mul3A_35 = arith.mulf %slice3A, %slice3A_22 : vector<2000x64xf32>
    %mul3A_36 = arith.mulf %slice3A, %add3A_34 : vector<2000x64xf32>
    %concatenate3A = tpu.concatenate %mul3A, %mul3A_35, %mul3A_36 in 1 : vector<2000x64xf32>, vector<2000x64xf32>, vector<2000x64xf32> -> vector<2000x192xf32>
    %mul3A_37 = arith.constant 0.0721687824 : f32
    %mul3A_38 = vector.broadcast %mul3A_37 : f32 to vector<2000x192xf32>
    %mul3A_39 = arith.mulf %concatenate3A, %mul3A_38 : vector<2000x192xf32>
    %get3A_40 = arith.constant 0 : index
    %get3A_41 = arith.constant 0 : index
    %get3A_42 = vector.load %arg6[%get3A_40, %get3A_41] : memref<1x192xf32, #tpu.memory_space<vmem>>, vector<1x192xf32>
    %get3A_43 = arith.constant 0 : index
    %get3A_44 = arith.constant 0 : index
    %get3A_45 = vector.load %arg7[%get3A_43, %get3A_44] : memref<1x192xf32, #tpu.memory_space<vmem>>, vector<1x192xf32>
    %reduce_sum3A = arith.constant dense<0.000000e+00> : vector<2000xf32>
    %reduce_sum3A_46 = vector.multi_reduction <add>, %mul3A_39, %reduce_sum3A [1] : vector<2000x192xf32> to vector<2000xf32>
    %broadcast_in_dim3A = vector.shape_cast %reduce_sum3A_46 : vector<2000xf32> to vector<2000x1xf32>
    %div3A = arith.constant 1.920000e+02 : f32
    %div3A_47 = vector.broadcast %div3A : f32 to vector<2000x1xf32>
    %div3A_48 = arith.divf %broadcast_in_dim3A, %div3A_47 : vector<2000x1xf32>
    %sub3A = vector.broadcast %div3A_48 : vector<2000x1xf32> to vector<2000x192xf32>
    %sub3A_49 = arith.subf %mul3A_39, %sub3A : vector<2000x192xf32>
    %mul3A_50 = arith.mulf %sub3A_49, %sub3A_49 : vector<2000x192xf32>
    %reduce_sum3A_51 = arith.constant dense<0.000000e+00> : vector<2000xf32>
    %reduce_sum3A_52 = vector.multi_reduction <add>, %mul3A_50, %reduce_sum3A_51 [1] : vector<2000x192xf32> to vector<2000xf32>
    %broadcast_in_dim3A_53 = vector.shape_cast %reduce_sum3A_52 : vector<2000xf32> to vector<2000x1xf32>
    %div3A_54 = arith.constant 1.920000e+02 : f32
    %div3A_55 = vector.broadcast %div3A_54 : f32 to vector<2000x1xf32>
    %div3A_56 = arith.divf %broadcast_in_dim3A_53, %div3A_55 : vector<2000x1xf32>
    %add3A_57 = arith.constant 9.99999974E-6 : f32
    %add3A_58 = vector.broadcast %add3A_57 : f32 to vector<2000x1xf32>
    %add3A_59 = arith.addf %div3A_56, %add3A_58 : vector<2000x1xf32>
    %rsqrt3A = math.rsqrt %add3A_59 : vector<2000x1xf32>
    %mul3A_60 = vector.broadcast %rsqrt3A : vector<2000x1xf32> to vector<2000x192xf32>
    %mul3A_61 = arith.mulf %sub3A_49, %mul3A_60 : vector<2000x192xf32>
    %mul3A_62 = vector.broadcast %get3A_42 : vector<1x192xf32> to vector<2000x192xf32>
    %mul3A_63 = arith.mulf %mul3A_61, %mul3A_62 : vector<2000x192xf32>
    %add3A_64 = vector.broadcast %get3A_45 : vector<1x192xf32> to vector<2000x192xf32>
    %add3A_65 = arith.addf %mul3A_63, %add3A_64 : vector<2000x192xf32>
    %neg3A = arith.constant 0.000000e+00 : f32
    %neg3A_66 = vector.broadcast %neg3A : f32 to vector<2000x192xf32>
    %neg3A_67 = arith.subf %neg3A_66, %add3A_65 : vector<2000x192xf32>
    %exp3A = math.exp %neg3A_67 : vector<2000x192xf32>
    %add3A_68 = arith.constant 1.000000e+00 : f32
    %add3A_69 = vector.broadcast %add3A_68 : f32 to vector<2000x192xf32>
    %add3A_70 = arith.addf %add3A_69, %exp3A : vector<2000x192xf32>
    %div3A_71 = arith.constant 1.000000e+00 : f32
    %div3A_72 = vector.broadcast %div3A_71 : f32 to vector<2000x192xf32>
    %div3A_73 = arith.divf %div3A_72, %add3A_70 : vector<2000x192xf32>
    %concatenate3A_74 = tpu.concatenate %slice3A_21, %slice3A_23, %add3A_34 in 1 : vector<2000x64xf32>, vector<2000x64xf32>, vector<2000x64xf32> -> vector<2000x192xf32>
    %convert_element_type3A = arith.truncf %concatenate3A_74 : vector<2000x192xf32> to vector<2000x192xbf16>
    %get3A_75 = arith.constant 0 : index
    %get3A_76 = arith.constant 0 : index
    %get3A_77 = vector.load %arg8[%get3A_75, %get3A_76] : memref<192x192xf32, #tpu.memory_space<vmem>>, vector<192x192xf32>
    %convert_element_type3A_78 = arith.truncf %get3A_77 : vector<192x192xf32> to vector<192x192xbf16>
    %dot_general3A_79 = arith.constant dense<0.000000e+00> : vector<2000x192xf32>
    %dot_general3A_80 = tpu.matmul %convert_element_type3A, %convert_element_type3A_78, %dot_general3A_79 {dimension_numbers = #tpu.dot_dimension_numbers<[1], [0], [0], [1], [0, 0, 1, 1], [], []>, transpose_lhs_hint = false} : vector<2000x192xbf16>, vector<192x192xbf16>, vector<2000x192xf32> -> vector<2000x192xf32>
    %get3A_81 = arith.constant 0 : index
    %get3A_82 = arith.constant 0 : index
    %get3A_83 = vector.load %arg9[%get3A_81, %get3A_82] : memref<1x192xf32, #tpu.memory_space<vmem>>, vector<1x192xf32>
    %add3A_84 = vector.broadcast %get3A_83 : vector<1x192xf32> to vector<2000x192xf32>
    %add3A_85 = arith.addf %dot_general3A_80, %add3A_84 : vector<2000x192xf32>
    %mul3A_86 = arith.mulf %div3A_73, %add3A_85 : vector<2000x192xf32>
    %convert_element_type3A_87 = arith.truncf %mul3A_86 : vector<2000x192xf32> to vector<2000x192xbf16>
    %get3A_88 = arith.constant 0 : index
    %get3A_89 = arith.constant 0 : index
    %get3A_90 = vector.load %arg10[%get3A_88, %get3A_89] : memref<192x128xf32, #tpu.memory_space<vmem>>, vector<192x128xf32>
    %convert_element_type3A_91 = arith.truncf %get3A_90 : vector<192x128xf32> to vector<192x128xbf16>
    %dot_general3A_92 = arith.constant dense<0.000000e+00> : vector<2000x128xf32>
    %dot_general3A_93 = tpu.matmul %convert_element_type3A_87, %convert_element_type3A_91, %dot_general3A_92 {dimension_numbers = #tpu.dot_dimension_numbers<[1], [0], [0], [1], [0, 0, 1, 1], [], []>, transpose_lhs_hint = false} : vector<2000x192xbf16>, vector<192x128xbf16>, vector<2000x128xf32> -> vector<2000x128xf32>
    %get3A_94 = arith.constant 0 : index
    %get3A_95 = arith.constant 0 : index
    %get3A_96 = vector.load %arg11[%get3A_94, %get3A_95] : memref<1x128xf32, #tpu.memory_space<vmem>>, vector<1x128xf32>
    %add3A_97 = vector.broadcast %get3A_96 : vector<1x128xf32> to vector<2000x128xf32>
    %add3A_98 = arith.addf %dot_general3A_93, %add3A_97 : vector<2000x128xf32>
    %get3A_99 = arith.constant 0 : index
    %get3A_100 = arith.constant 0 : index
    %get3A_101 = vector.load %arg12[%get3A_99, %get3A_100] : memref<1x128xf32, #tpu.memory_space<vmem>>, vector<1x128xf32>
    %get3A_102 = arith.constant 0 : index
    %get3A_103 = arith.constant 0 : index
    %get3A_104 = vector.load %arg13[%get3A_102, %get3A_103] : memref<1x128xf32, #tpu.memory_space<vmem>>, vector<1x128xf32>
    %reduce_sum3A_105 = arith.constant dense<0.000000e+00> : vector<2000xf32>
    %reduce_sum3A_106 = vector.multi_reduction <add>, %add3A_98, %reduce_sum3A_105 [1] : vector<2000x128xf32> to vector<2000xf32>
    %broadcast_in_dim3A_107 = vector.shape_cast %reduce_sum3A_106 : vector<2000xf32> to vector<2000x1xf32>
    %div3A_108 = arith.constant 1.280000e+02 : f32
    %div3A_109 = vector.broadcast %div3A_108 : f32 to vector<2000x1xf32>
    %div3A_110 = arith.divf %broadcast_in_dim3A_107, %div3A_109 : vector<2000x1xf32>
    %sub3A_111 = vector.broadcast %div3A_110 : vector<2000x1xf32> to vector<2000x128xf32>
    %sub3A_112 = arith.subf %add3A_98, %sub3A_111 : vector<2000x128xf32>
    %mul3A_113 = arith.mulf %sub3A_112, %sub3A_112 : vector<2000x128xf32>
    %reduce_sum3A_114 = arith.constant dense<0.000000e+00> : vector<2000xf32>
    %reduce_sum3A_115 = vector.multi_reduction <add>, %mul3A_113, %reduce_sum3A_114 [1] : vector<2000x128xf32> to vector<2000xf32>
    %broadcast_in_dim3A_116 = vector.shape_cast %reduce_sum3A_115 : vector<2000xf32> to vector<2000x1xf32>
    %div3A_117 = arith.constant 1.280000e+02 : f32
    %div3A_118 = vector.broadcast %div3A_117 : f32 to vector<2000x1xf32>
    %div3A_119 = arith.divf %broadcast_in_dim3A_116, %div3A_118 : vector<2000x1xf32>
    %add3A_120 = arith.constant 9.99999974E-6 : f32
    %add3A_121 = vector.broadcast %add3A_120 : f32 to vector<2000x1xf32>
    %add3A_122 = arith.addf %div3A_119, %add3A_121 : vector<2000x1xf32>
    %rsqrt3A_123 = math.rsqrt %add3A_122 : vector<2000x1xf32>
    %mul3A_124 = vector.broadcast %rsqrt3A_123 : vector<2000x1xf32> to vector<2000x128xf32>
    %mul3A_125 = arith.mulf %sub3A_112, %mul3A_124 : vector<2000x128xf32>
    %mul3A_126 = vector.broadcast %get3A_101 : vector<1x128xf32> to vector<2000x128xf32>
    %mul3A_127 = arith.mulf %mul3A_125, %mul3A_126 : vector<2000x128xf32>
    %add3A_128 = vector.broadcast %get3A_104 : vector<1x128xf32> to vector<2000x128xf32>
    %add3A_129 = arith.addf %mul3A_127, %add3A_128 : vector<2000x128xf32>
    %swap3A = arith.constant 0 : index
    %swap3A_130 = arith.constant 0 : index
    %swap3A_131 = vector.load %arg14[%swap3A, %swap3A_130] : memref<2000x128xf32, #tpu.memory_space<vmem>>, vector<2000x128xf32>
    tpu.vector_store %arg14[%swap3A, %swap3A_130], %add3A_129 {strides = array<i32>} : memref<2000x128xf32, #tpu.memory_space<vmem>>, vector<2000x128xf32>,
    return
  }
  func.func @transform_0(%arg0: i32) -> (i32, i32) {
    %c0_i32 = arith.constant 0 : i32
    %c0_i32_0 = arith.constant 0 : i32
    return %arg0, %c0_i32 : i32, i32
  }
  func.func @transform_1(%arg0: i32) -> (i32, i32) {
    %c0_i32 = arith.constant 0 : i32
    %c0_i32_0 = arith.constant 0 : i32
    return %arg0, %c0_i32 : i32, i32
  }
  func.func @transform_2(%arg0: i32) -> (i32, i32) {
    %c0_i32 = arith.constant 0 : i32
    %c0_i32_0 = arith.constant 0 : i32
    return %arg0, %c0_i32 : i32, i32
  }
  func.func @transform_3(%arg0: i32) -> (i32, i32) {
    %c0_i32 = arith.constant 0 : i32
    %c0_i32_0 = arith.constant 0 : i32
    %c0_i32_1 = arith.constant 0 : i32
    return %c0_i32, %c0_i32_0 : i32, i32
  }
  func.func @transform_4(%arg0: i32) -> (i32, i32) {
    %c0_i32 = arith.constant 0 : i32
    %c0_i32_0 = arith.constant 0 : i32
    %c0_i32_1 = arith.constant 0 : i32
    return %c0_i32, %c0_i32_0 : i32, i32
  }
  func.func @transform_5(%arg0: i32) -> (i32, i32) {
    %c0_i32 = arith.constant 0 : i32
    %c0_i32_0 = arith.constant 0 : i32
    %c0_i32_1 = arith.constant 0 : i32
    return %c0_i32, %c0_i32_0 : i32, i32
  }
  func.func @transform_6(%arg0: i32) -> (i32, i32) {
    %c0_i32 = arith.constant 0 : i32
    %c0_i32_0 = arith.constant 0 : i32
    %c0_i32_1 = arith.constant 0 : i32
    return %c0_i32, %c0_i32_0 : i32, i32
  }
  func.func @transform_7(%arg0: i32) -> (i32, i32) {
    %c0_i32 = arith.constant 0 : i32
    %c0_i32_0 = arith.constant 0 : i32
    %c0_i32_1 = arith.constant 0 : i32
    return %c0_i32, %c0_i32_0 : i32, i32
  }
  func.func @transform_8(%arg0: i32) -> (i32, i32) {
    %c0_i32 = arith.constant 0 : i32
    %c0_i32_0 = arith.constant 0 : i32
    %c0_i32_1 = arith.constant 0 : i32
    return %c0_i32, %c0_i32_0 : i32, i32
  }
  func.func @transform_9(%arg0: i32) -> (i32, i32) {
    %c0_i32 = arith.constant 0 : i32
    %c0_i32_0 = arith.constant 0 : i32
    %c0_i32_1 = arith.constant 0 : i32
    return %c0_i32, %c0_i32_0 : i32, i32
  }
  func.func @transform_10(%arg0: i32) -> (i32, i32) {
    %c0_i32 = arith.constant 0 : i32
    %c0_i32_0 = arith.constant 0 : i32
    %c0_i32_1 = arith.constant 0 : i32
    return %c0_i32, %c0_i32_0 : i32, i32
  }
  func.func @transform_11(%arg0: i32) -> (i32, i32) {
    %c0_i32 = arith.constant 0 : i32
    %c0_i32_0 = arith.constant 0 : i32
    %c0_i32_1 = arith.constant 0 : i32
    return %c0_i32, %c0_i32_0 : i32, i32
  }
  func.func @transform_12(%arg0: i32) -> (i32, i32) {
    %c0_i32 = arith.constant 0 : i32
    %c0_i32_0 = arith.constant 0 : i32
    %c0_i32_1 = arith.constant 0 : i32
    return %c0_i32, %c0_i32_0 : i32, i32
  }
  func.func @transform_13(%arg0: i32) -> (i32, i32) {
    %c0_i32 = arith.constant 0 : i32
    %c0_i32_0 = arith.constant 0 : i32
    return %arg0, %c0_i32 : i32, i32
  }
}

module attributes {stable_mosaic.version = 14 : i64} {
  func.func @_add_body(%arg0: i32, %arg1: memref<2000x128xf32, #tpu.memory_space<vmem>>, %arg2: memref<2000x128xf32, #tpu.memory_space<vmem>>, %arg3: memref<2000x128xf32, #tpu.memory_space<vmem>>, %arg4: memref<2000x128xf32, #tpu.memory_space<vmem>>, %arg5: memref<2000x128xf32, #tpu.memory_space<vmem>>, %arg6: memref<2000x128xf32, #tpu.memory_space<vmem>>, %arg7: memref<2000x128xf32, #tpu.memory_space<vmem>>, %arg8: memref<2000x128xf32, #tpu.memory_space<vmem>>, %arg9: memref<2000x128xf32, #tpu.memory_space<vmem>>) attributes {dimension_semantics = [#tpu.dimension_semantics<arbitrary>], iteration_bounds = array<i64: 5>, scalar_prefetch = 0 : i64, scratch_operands = 0 : i64, tpu.core_type = #tpu.core_type<tc>, window_params = [{transform_indices = @transform_0, window_bounds = array<i64: 2000, 128>}, {transform_indices = @transform_1, window_bounds = array<i64: 2000, 128>}, {transform_indices = @transform_2, window_bounds = array<i64: 2000, 128>}, {transform_indices = @transform_3, window_bounds = array<i64: 2000, 128>}, {transform_indices = @transform_4, window_bounds = array<i64: 2000, 128>}, {transform_indices = @transform_5, window_bounds = array<i64: 2000, 128>}, {transform_indices = @transform_6, window_bounds = array<i64: 2000, 128>}, {transform_indices = @transform_7, window_bounds = array<i64: 2000, 128>}, {transform_indices = @transform_8, window_bounds = array<i64: 2000, 128>}]} {
    %get3A = arith.constant 0 : index
    %get3A_0 = arith.constant 0 : index
    %get3A_1 = vector.load %arg1[%get3A, %get3A_0] : memref<2000x128xf32, #tpu.memory_space<vmem>>, vector<2000x128xf32>
    %get3A_2 = arith.constant 0 : index
    %get3A_3 = arith.constant 0 : index
    %get3A_4 = vector.load %arg2[%get3A_2, %get3A_3] : memref<2000x128xf32, #tpu.memory_space<vmem>>, vector<2000x128xf32>
    %add3A = arith.addf %get3A_1, %get3A_4 : vector<2000x128xf32>
    %get3A_5 = arith.constant 0 : index
    %get3A_6 = arith.constant 0 : index
    %get3A_7 = vector.load %arg3[%get3A_5, %get3A_6] : memref<2000x128xf32, #tpu.memory_space<vmem>>, vector<2000x128xf32>
    %add3A_8 = arith.addf %add3A, %get3A_7 : vector<2000x128xf32>
    %get3A_9 = arith.constant 0 : index
    %get3A_10 = arith.constant 0 : index
    %get3A_11 = vector.load %arg4[%get3A_9, %get3A_10] : memref<2000x128xf32, #tpu.memory_space<vmem>>, vector<2000x128xf32>
    %add3A_12 = arith.addf %add3A_8, %get3A_11 : vector<2000x128xf32>
    %get3A_13 = arith.constant 0 : index
    %get3A_14 = arith.constant 0 : index
    %get3A_15 = vector.load %arg5[%get3A_13, %get3A_14] : memref<2000x128xf32, #tpu.memory_space<vmem>>, vector<2000x128xf32>
    %add3A_16 = arith.addf %add3A_12, %get3A_15 : vector<2000x128xf32>
    %get3A_17 = arith.constant 0 : index
    %get3A_18 = arith.constant 0 : index
    %get3A_19 = vector.load %arg6[%get3A_17, %get3A_18] : memref<2000x128xf32, #tpu.memory_space<vmem>>, vector<2000x128xf32>
    %add3A_20 = arith.addf %add3A_16, %get3A_19 : vector<2000x128xf32>
    %get3A_21 = arith.constant 0 : index
    %get3A_22 = arith.constant 0 : index
    %get3A_23 = vector.load %arg7[%get3A_21, %get3A_22] : memref<2000x128xf32, #tpu.memory_space<vmem>>, vector<2000x128xf32>
    %add3A_24 = arith.addf %add3A_20, %get3A_23 : vector<2000x128xf32>
    %get3A_25 = arith.constant 0 : index
    %get3A_26 = arith.constant 0 : index
    %get3A_27 = vector.load %arg8[%get3A_25, %get3A_26] : memref<2000x128xf32, #tpu.memory_space<vmem>>, vector<2000x128xf32>
    %add3A_28 = arith.addf %add3A_24, %get3A_27 : vector<2000x128xf32>
    %swap3A = arith.constant 0 : index
    %swap3A_29 = arith.constant 0 : index
    %swap3A_30 = vector.load %arg9[%swap3A, %swap3A_29] : memref<2000x128xf32, #tpu.memory_space<vmem>>, vector<2000x128xf32>
    tpu.vector_store %arg9[%swap3A, %swap3A_29], %add3A_28 {strides = array<i32>} : memref<2000x128xf32, #tpu.memory_space<vmem>>, vector<2000x128xf32>,
    return
  }
  func.func @transform_0(%arg0: i32) -> (i32, i32) {
    %c0_i32 = arith.constant 0 : i32
    %c0_i32_0 = arith.constant 0 : i32
    return %arg0, %c0_i32 : i32, i32
  }
  func.func @transform_1(%arg0: i32) -> (i32, i32) {
    %c0_i32 = arith.constant 0 : i32
    %c0_i32_0 = arith.constant 0 : i32
    return %arg0, %c0_i32 : i32, i32
  }
  func.func @transform_2(%arg0: i32) -> (i32, i32) {
    %c0_i32 = arith.constant 0 : i32
    %c0_i32_0 = arith.constant 0 : i32
    return %arg0, %c0_i32 : i32, i32
  }
  func.func @transform_3(%arg0: i32) -> (i32, i32) {
    %c0_i32 = arith.constant 0 : i32
    %c0_i32_0 = arith.constant 0 : i32
    return %arg0, %c0_i32 : i32, i32
  }
  func.func @transform_4(%arg0: i32) -> (i32, i32) {
    %c0_i32 = arith.constant 0 : i32
    %c0_i32_0 = arith.constant 0 : i32
    return %arg0, %c0_i32 : i32, i32
  }
  func.func @transform_5(%arg0: i32) -> (i32, i32) {
    %c0_i32 = arith.constant 0 : i32
    %c0_i32_0 = arith.constant 0 : i32
    return %arg0, %c0_i32 : i32, i32
  }
  func.func @transform_6(%arg0: i32) -> (i32, i32) {
    %c0_i32 = arith.constant 0 : i32
    %c0_i32_0 = arith.constant 0 : i32
    return %arg0, %c0_i32 : i32, i32
  }
  func.func @transform_7(%arg0: i32) -> (i32, i32) {
    %c0_i32 = arith.constant 0 : i32
    %c0_i32_0 = arith.constant 0 : i32
    return %arg0, %c0_i32 : i32, i32
  }
  func.func @transform_8(%arg0: i32) -> (i32, i32) {
    %c0_i32 = arith.constant 0 : i32
    %c0_i32_0 = arith.constant 0 : i32
    return %arg0, %c0_i32 : i32, i32
  }
}

</mosaic_0001>

<sc_bundles>
// kernel: kernel.16.cloned.1.call-start
scs
__scs_entry_jumppad:
0x0: {  	(pc) =	sbr.rel $0x88, $3  }
0x1: {  	(tag) =	ssettag $0x0;
	lr =	simm.s32 $0x1  }
0x2: {  	[smem:$0x3F8D] =	sst lr;
	_ =	strace $0xD0000000  }
0x3: {  	_ = 	snop  }
0x4: {  	_ = 	snop  }
0x5: {  	_ = 	snop  }
0x6: {  	_ = 	snop  }
0x7: {  	_ = 	snop  }
__scs_overlays_trampoline_lowered:
0x8: {  	[smem:$0x3F9C] =	sst s0  }
0x9: {  	[smem:$0x3F9D] =	sst s1  }
0xa: {  	[smem:$0x3F9E] =	sst s2  }
0xb: {  	[smem:$0x3F9F] =	sst s3  }
0xc: {  	[smem:$0x3FA0] =	sst s4  }
0xd: {  	[smem:$0x3FA1] =	sst s5  }
0xe: {  	[smem:$0x3FA2] =	sst s6  }
0xf: {  	[smem:$0x3FA3] =	sst s7  }
0x10: {  	[smem:$0x3FA4] =	sst s8  }
0x11: {  	[smem:$0x3FA5] =	sst s9;
	s0 =	simm.s32 @!p0 $0x0  }
0x12: {  	s1 =	sld [smem:$0x3F8B];
	s0 =	simm.s32 @p0 $0x1  }
0x13: {  	[smem:$0x3FA6] =	sst s0;
	s0 =	simm.s32 @!p1 $0x0  }
0x14: {  	s2 =	sld [smem:$0x3F8A];
	s0 =	simm.s32 @p1 $0x1  }
0x15: {  	[smem:$0x3FA7] =	sst s0;
	s0 =	simm.s32 @!p2 $0x0  }
0x16: {  	s3 =	sld [smem:$0x3FDB];
	s0 =	simm.s32 @p2 $0x1  }
0x17: {  	s4 =	simm.s32 $0x1BF5;
	[smem:$0x3FA9] =	sst s0  }
0x18: {  	s0 =	sld [smem:$0x3F8C];
	_ =	swait.ge [sflag:s4], $0x0  }
0x19: {  	s7 =	sld [smem:$0x3F8D]  }
0x1a: {  	s8 =	sadd.s32 $0xFFFFE003, lr  }
0x1b: {  	s9 =	sadd.s32 $0xFFFFFEF7, lr;
	s5 =	simm.s32 $0xFFFFFFFF;
	p2 =	slt.u32 s8, $0xFFFFF086  }
0x1c: {  	p1 =	slt.u32 s9, $0xF7A;
	s5 =	simm.s32 @!p2 $0x0  }
0x1d: {  	s5 =	simm.s32 @p1 $0x1;
	p0 =	seq.s32 s7, s2  }
0x1e: {  	s7 =	smul.u32 @!p0 $0xF7A, s2;
	p2 =	seq.s32 @!p0 s5, $0x0  }
0x1f: {  	s9 =	smul.u32 $0xF7A, s1;
	s8 =	simm.s32 @!p0 $0x1BF5;
	p2 =	por !p2, p0  }
0x20: {  	[sflag:s8] =	ssyncset.s32 @!p0 $0xFFFFF086;
	s6 =	sadd.s32 @!p0 s3, s7;
	s7 =	simm.s32 @!p0 $0x108  }
0x21: {  	s3 =	sadd.s32 s3, s9;
	s6 =	sadd.s32 @!p0 $0x88, s6;
	s7 =	simm.s32 @p2 $0x1082  }
0x22: {  	[simem:s7], [sflag:s8] =	dma.local @!p0 [hbm:s6], $0xF7A  }
0x23: {  	s9 =	sor.u32 $0xD0000000, s2;
	s6 =	simm.s32 $0x108;
	_ =	swait.ge @!p0 [sflag:s8], $0x0  }
0x24: {  	s3 =	sadd.s32 $0x88, s3;
	s6 =	simm.s32 @!p1 $0x1082;
	[sflag:s4] =	ssyncset.s32 $0xFFFFF086  }
0x25: {  	[simem:s6], [sflag:s4] =	dma.local [hbm:s3], $0xF7A  }
0x26: {  	[smem:$0x3F8D] =	sst s1;
	(tag) =	ssettag s2;
	_ =	strace s9  }
0x27: {  	s1 =	sld [smem:$0x3F9D]  }
0x28: {  	s2 =	sld [smem:$0x3F9E]  }
0x29: {  	s4 =	sld [smem:$0x3FA0]  }
0x2a: {  	p0 =	seq.s32 s5, $0x0;
	s5 =	sld [smem:$0x3FA1]  }
0x2b: {  	s6 =	sld [smem:$0x3FA2]  }
0x2c: {  	s7 =	sld [smem:$0x3FA3]  }
0x2d: {  	s3 =	simm.s32 $0x108;
	s8 =	sld [smem:$0x3FA4]  }
0x2e: {  	s3 =	simm.s32 @!p0 $0x1082;
	s9 =	sld [smem:$0x3FA5]  }
0x2f: {  	lr =	sadd.s32 s0, s3;
	s0 =	sld [smem:$0x3F9C]  }
0x30: {  	s3 =	sld [smem:$0x3F9F]  }
0x31: {  	[smem:$0x3FA8] =	sst s10  }
0x32: {  	s10 =	sld [smem:$0x3FA6];
	_ =	sdelay $0x3  }
0x33: {  	p0 =	seq.s32 s10, $0x1;
	s10 =	sld [smem:$0x3FA8];
	_ =	sdelay $0x3  }
0x34: {  	[smem:$0x3FA8] =	sst s10  }
0x35: {  	s10 =	sld [smem:$0x3FA7];
	_ =	sdelay $0x3  }
0x36: {  	p1 =	seq.s32 s10, $0x1;
	s10 =	sld [smem:$0x3FA8];
	_ =	sdelay $0x3  }
0x37: {  	[smem:$0x3FA8] =	sst s10  }
0x38: {  	s10 =	sld [smem:$0x3FA9]  }
0x39: {  	_ = 	snop;
	(pc) =	sbr.ind lr, $3  }
0x3a: {  	_ = 	snop  }
0x3b: {  	_ = 	snop  }
0x3c: {  	p2 =	seq.s32 s10, $0x1;
	s10 =	sld [smem:$0x3FA8]  }
0x3d: {  	_ =	shalt  }
0x3e: {  	_ =	shalt  }
0x3f: {  	_ =	shalt  }
0x40: {  	_ =	shalt  }
0x41: {  	_ =	shalt  }
0x42: {  	_ =	shalt  }
0x43: {  	_ =	shalt  }
0x44: {  	_ =	shalt  }
0x45: {  	_ =	shalt  }
0x46: {  	_ =	shalt  }
0x47: {  	_ =	shalt  }
0x48: {  	_ =	shalt  }
0x49: {  	_ =	shalt  }
0x4a: {  	_ =	shalt  }
0x4b: {  	_ =	shalt  }
0x4c: {  	_ =	shalt  }
0x4d: {  	_ =	shalt  }
0x4e: {  	_ =	shalt  }
0x4f: {  	_ =	shalt  }
0x50: {  	_ =	shalt  }
0x51: {  	_ =	shalt  }
0x52: {  	_ =	shalt  }
0x53: {  	_ =	shalt  }
0x54: {  	_ =	shalt  }
0x55: {  	_ =	shalt  }
0x56: {  	_ =	shalt  }
0x57: {  	_ =	shalt  }
0x58: {  	_ =	shalt  }
0x59: {  	_ =	shalt  }
0x5a: {  	_ =	shalt  }
0x5b: {  	_ =	shalt  }
0x5c: {  	_ =	shalt  }
0x5d: {  	_ =	shalt  }
0x5e: {  	_ =	shalt  }
0x5f: {  	_ =	shalt  }
0x60: {  	_ =	shalt  }
0x61: {  	_ =	shalt  }
0x62: {  	_ =	shalt  }
0x63: {  	_ =	shalt  }
0x64: {  	_ =	shalt  }
0x65: {  	_ =	shalt  }
0x66: {  	_ =	shalt  }
0x67: {  	_ =	shalt  }
0x68: {  	_ =	shalt  }
0x69: {  	_ =	shalt  }
0x6a: {  	_ =	shalt  }
0x6b: {  	_ =	shalt  }
0x6c: {  	_ =	shalt  }
0x6d: {  	_ =	shalt  }
0x6e: {  	_ =	shalt  }
0x6f: {  	_ =	shalt  }
0x70: {  	_ =	shalt  }
0x71: {  	_ =	shalt  }
0x72: {  	_ =	shalt  }
0x73: {  	_ =	shalt  }
0x74: {  	_ =	shalt  }
0x75: {  	_ =	shalt  }
0x76: {  	_ =	shalt  }
0x77: {  	_ =	shalt  }
0x78: {  	_ =	shalt  }
0x79: {  	_ =	shalt  }
0x7a: {  	_ =	shalt  }
0x7b: {  	_ =	shalt  }
0x7c: {  	_ =	shalt  }
0x7d: {  	_ =	shalt  }
0x7e: {  	_ =	shalt  }
0x7f: {  	_ =	shalt  }
0x80: {  	_ =	shalt  }
0x81: {  	_ =	shalt  }
0x82: {  	_ =	shalt  }
0x83: {  	_ =	shalt  }
0x84: {  	_ =	shalt  }
0x85: {  	_ =	shalt  }
0x86: {  	_ =	shalt  }
0x87: {  	_ =	shalt  }
.Lfunc_end0:
.L_simem_size_0:
called_computation_lowered:
.L_overlay_start_0:
0x88: {  	s2 =	sld [smem:$0x3FD9]  }
0x89: {  	s3 =	sld [smem:$0x3FFE];
	_ =	sdelay $0x1  }
0x8a: {  	s1 =	srdreg.scid  }
0x8b: {  	s0 =	sand.u32 $0x1, s1  }
0x8c: {  	s17 =	sshll.u32 s0, $0xA;
	s2 =	sadd.s32 s3, s2  }
0x8d: {  	s2 =	sadd.s32 s2, s17  }
0x8e: {  	[smem:$0x3FB4] =	sst s2  }
0x8f: {  	_ = 	snop  }
0x90: {  	s18 =	sld [smem:$0x3FD0];
	(tm) =	ssettm $0x1  }
0x91: {  	s19 =	sld [smem:$0x3FFB];
	_ =	sdelay $0x3  }
0x92: {  	_ =	strace s19  }
0x93: {  	s2 =	sld [smem:$0x3FFC];
	_ =	sdelay $0x3  }
0x94: {  	_ =	strace s2  }
0x95: {  	s2 =	sld [smem:$0x3FFD];
	_ =	sdelay $0x3  }
0x96: {  	_ =	strace s2  }
0x97: {  	_ =	strace $0x8FFFFFFF  }
0x98: {  	s20 =	sld [smem:$0x3FDB];
	_ =	sdelay $0x1  }
0x99: {  	s4 =	simm.s32 $_scs_section_size  }
0x9a: {  	s5 =	simm.s32 $_size__tile_overlayer_lowered;
	s6 =	simm.s32 $_tile_overlayer_lowered  }
0x9b: {  	s7 =	simm.s32 $0x1BFF;
	s21 =	sshll.u32 s6, $0x1;
	s4 =	sadd.s32 s4, s20  }
0x9c: {  	s22 =	simm.s32 $0x0;
	s5 =	sshll.u32 s5, $0x1;
	s6 =	sadd.s32 s21, s4  }
0x9d: {  	[timem:s22], [sflag:s7] =	dma.local [hbm:s6], s5  }
0x9e: {  	_ =	swait.ge [sflag:s7], s5  }
0x9f: {  	s5 =	ssub.s32 $0x0, s5;
	[sflag:s7] =	ssyncset.done $0x0  }
0xa0: {  	[sflag:s7] =	ssyncadd.s32 s5;
	_ =	sdelay $0x1  }
0xa1: {  	s23 =	simm.s32 $0x1B8B  }
0xa2: {  	_ =	swait.ge [sflag:s23], $0x1  }
0xa3: {  	[sflag:s23] =	ssyncset.done $0x0  }
0xa4: {  	[sflag:s23] =	ssyncadd.s32 $0xFFFFFFFF  }
0xa5: {  	s5 =	sld [smem:$0x0]  }
0xa6: {  	s6 =	sand.u32 $0xFFFFFFFE, s1  }
0xa7: {  	p0 =	sne.s32 s1, s6  }
0xa8: {  	s6 =	sshll.u32 @p0 s6, $0xE  }
0xa9: {  	s6 =	sadd.s32 @p0 $0x11B8D, s6;
	s7 =	sshll.u32 @p0 s5, $0x11  }
0xaa: {  	s6 =	sor.u32 @p0 s7, s6  }
0xab: {  	[sflag:s6] =	ssyncadd.remote.s32 @p0 $0x1;
	_ =	sdelay $0x1  }
0xac: {  	s6 =	simm.s32 @p0 $0x1B8D  }
0xad: {  	_ =	swait.eq @p0 [sflag:s6], $0x1  }
0xae: {  	[sflag:s6] =	ssyncadd.s32 @p0 $0xFFFFFFFF  }
0xaf: {  	s7 =	sshll.u32 @!p0 s1, $0xE  }
0xb0: {  	s7 =	sor.u32 @!p0 $0x4000, s7;
	s6 =	simm.s32 @!p0 $0x1B8D  }
0xb1: {  	s5 =	sshll.u32 @!p0 s5, $0x11;
	s7 =	sadd.s32 @!p0 $0x11B8D, s7;
	_ =	swait.eq @!p0 [sflag:s6], $0x1  }
0xb2: {  	s5 =	sor.u32 @!p0 s5, s7;
	[sflag:s6] =	ssyncadd.s32 @!p0 $0xFFFFFFFF  }
0xb3: {  	s25 =	simm.s32 $0x1B8E;
	s24 =	sld [smem:$0x3FFE];
	[sflag:s5] =	ssyncadd.remote.s32 @!p0 $0x1  }
0xb4: {  	s26 =	simm.s32 $execute0_lowered;
	[smem:$0x3FD2] =	sst s25  }
0xb5: {  	s6 =	sshll.u32 s26, $0x1;
	_ =	strace $0x8000004F;
	[dreg:$0x1] =	wrdreg $0xFFFFFFFF  }
0xb6: {  	s28 =	simm.s32 $_size_execute0_lowered;
	s4 =	sadd.s32 s4, s6;
	[dreg:$0x0] =	wrdreg $0x0  }
0xb7: {  	s6 =	sshll.u32 s28, $0x1;
	[dreg:$0x2] =	wrdreg s4  }
0xb8: {  	[dreg:$0x3] =	wrdreg s6  }
0xb9: {  	[dreg:$0x4] =	wrdreg $0xC0  }
0xba: {  	_ =	task [dreg:s22], $0x5FFFF  }
0xbb: {  	[dreg:$0x1] =	wrdreg $0xFFFFFFFF  }
0xbc: {  	[dreg:$0x0] =	wrdreg $0x60  }
0xbd: {  	[dreg:$0x2] =	wrdreg s18  }
0xbe: {  	[dreg:$0x3] =	wrdreg s24  }
0xbf: {  	[dreg:$0x4] =	wrdreg $0x9  }
0xc0: {  	_ =	task.clear_ibuf [dreg:s22], $0x5FFFF;
	_ =	strace $0x9000004F  }
0xc1: {  	s29 =	simm.s32 $0x9;
	_ =	strace $0x80000051  }
0xc2: {  	_ =	swait.ge [sflag:s29], $0x1  }
0xc3: {  	[sflag:s29] =	ssyncadd.s32 $0xFFFFFFFF  }
0xc4: {  	_ =	strace $0x90000051  }
0xc5: {  	_ =	sfence  }
0xc6: {  	s30 =	sld [smem:$0x0];
	_ =	sdelay $0x2  }
0xc7: {  	s31 =	sshll.u32 s1, $0xD;
	s1 =	sshrl.u32 s1, $0x2  }
0xc8: {  	s4 =	sand.u32 $0x4000, s31;
	s1 =	sadd.s32 s1, s30  }
0xc9: {  	s0 =	sor.u32 s4, s0;
	s1 =	sshll.u32 s1, $0x11  }
0xca: {  	s0 =	sor.u32 s1, s0  }
0xcb: {  	s0 =	sadd.s32 $0x8F2B, s0  }
0xcc: {  	[sflag:s0] =	ssyncadd.remote.s32 $0x1  }
0xcd: {  	_ =	sfence.sel $0xFFFF  }
0xce: {  	[dreg:$0x0] =	wrdreg $0xFFFFFFFF;
	(pc) =	sbr.abs _section_cstart, $3  }
0xcf: {  	[dreg:$0x1] =	wrdreg $0xFFFFFFFF  }
0xd0: {  	_ =	task.clear_ibuf [dreg:s22], $0x2FFFF;
	_ =	strace $0x9FFFFFFF  }
0xd1: {  	(tm) =	ssettm $0x7FFFFFFF  }
tec
execute0_lowered:
.L_overlay_start_1:
0x0: {  	(tag) =	ssettag $0x1  }
0x1: {  	s1 =	rddreg [dreg:$0x0]  }
0x2: {  	s0 =	rddreg [dreg:$0x1];
	s3 =	srdreg.scid;
	s2 =	simm.s32 $0x0  }
0x3: {  	s28 =	stileid.u32;
	s11 =	simm.s32 $0x3;
	s12 =	simm.s32 $0x80  }
0x4: {  	s13 =	simm.s32 $0x100;
	s14 =	simm.s32 $0x4100;
	s15 =	simm.s32 $0x1  }
0x5: {  	s16 =	simm.s32 $0x2;
	s17 =	simm.s32 $0x0;
	s4 =	sand.u32 $0x1, s3  }
0x6: {  	[smem:$0x7FF] =	sst s2;
	s8 =	sshll.u32 s28, $0x4;
	s3 =	sshll.u32 s4, $0x8  }
0x7: {  	_ =	strace $0x80000050;
	s6 =	sshll.u32 s4, $0xF;
	s7 =	ssub.s32 $0x2, s4  }
0x8: {  	s9 =	sshll.u32 s4, $0x4;
	s5 =	sadd.s32 s3, s0;
	s29 =	sshrl.u32 s7, $0x1  }
0x9: {  	s0 =	sadd.s32 s6, s0;
	s10 =	sor.u32 s9, s28;
	s6 =	ssub.s32 s7, s29  }
0xa: {  	s30 =	sadd.s32 s8, s5;
	s7 =	sshll.u32 s28, $0xB;
	s8 =	sadd.s32 $0x8A8800, s0  }
0xb: {  	s9 =	sadd.s32 $0x770000, s0;
	s10 =	sor.u32 $0x20, s10;
	s31 =	smax.u32 s6, $0x1  }
0xc: {  	s5 =	sadd.s32 $0x10800, s30;
	s6 =	sadd.s32 $0x1A800, s30;
	[dreg:$0x3] =	wrdreg s31  }
.LBB2_1:
0xd: {  	p0 =	por $0x1, $0x1  }
0xe: {  	s0 =	simm.s32 @!p0 $0x1  }
0xf: {  	_ =	swait.ge @!p0 [sflag:s0], $0x4000  }
0x10: {  	[sflag:s0] =	ssyncset.done @!p0 $0x0  }
0x11: {  	[sflag:s0] =	ssyncadd.s32 @!p0 $0xFFFFC000  }
0x12: {  	_ =	swait.ge @!p0 [sflag:s0], $0x4000  }
0x13: {  	[sflag:s0] =	ssyncset.done @!p0 $0x0  }
0x14: {  	s23 =	sadd.s32 $0x0, s6;
	[sflag:s0] =	ssyncadd.s32 @!p0 $0xFFFFC000  }
0x15: {  	[tilespmem:s2], [sflag:$0x3] =	stream.linear.gather [hbm4b:s23+s2], $0x80, $0x38;
	[tilespmem:$0x10200] =	vst v63  }
0x16: {  	_ =	swait.ge [sflag:s11], $0x80  }
0x17: {  	[sflag:s11] =	ssyncset.done $0x0  }
0x18: {  	s24 =	sadd.s32 $0x0, s5;
	[sflag:s11] =	ssyncadd.s32 $0xFFFFFF80  }
0x19: {  	[tilespmem:s12], [sflag:$0x3] =	stream.linear.gather [hbm4b:s24+s2], $0x80, $0x38;
	[tilespmem:$0x10200] =	vst v63  }
0x1a: {  	_ =	swait.ge [sflag:s11], $0x80  }
0x1b: {  	[sflag:s11] =	ssyncset.done $0x0  }
0x1c: {  	[sflag:s11] =	ssyncadd.s32 $0xFFFFFF80  }
0x1d: {  	[tilespmem:s13], [sflag:$0x3] =	stream.indirect.gather [hbm4b:s1+s12], $0x80, s2, s12, $0xb8;
	[tilespmem:$0x10200] =	vst v63  }
0x1e: {  	_ =	swait.ge [sflag:s11], $0x4000  }
0x1f: {  	[sflag:s11] =	ssyncset.done $0x0  }
0x20: {  	[sflag:s11] =	ssyncadd.s32 $0xFFFFC000  }
0x21: {  	[tilespmem:s14], [sflag:$0x3] =	stream.indirect.gather [hbm4b:s1+s12], $0x80, s12, s12, $0xb8;
	[tilespmem:$0x10200] =	vst v63  }
0x22: {  	p0 =	sgt.u32 s10, $0x270;
	_ =	swait.ge [sflag:s11], $0x4000  }
0x23: {  	p1 =	por @!p0 $0x1, $0x1;
	[sflag:s11] =	ssyncset.done $0x0  }
0x24: {  	s25 =	sadd.s32 s9, s7;
	p1 =	por p1, p0;
	[sflag:s11] =	ssyncadd.s32 $0xFFFFC000  }
0x25: {  	[hbm4b:s25+s2] =	stream.linear.scatter [tilespmem:s13], [sflag:$0x1], $0x4000, $0x38;
	[tilespmem:$0x10200] =	vst v63  }
0x26: {  	s26 =	sadd.s32 s8, s7;
	s18 =	simm.s32 @!p1 $0x2  }
0x27: {  	[hbm4b:s26+s2] =	stream.linear.scatter [tilespmem:s14], [sflag:$0x1], $0x4000, $0x38;
	[tilespmem:$0x10200] =	vst v63  }
0x28: {  	_ =	swait.ge @!p1 [sflag:s18], $0x4000  }
0x29: {  	[sflag:s18] =	ssyncset.done @!p1 $0x0  }
0x2a: {  	[sflag:s18] =	ssyncadd.s32 @!p1 $0xFFFFC000  }
0x2b: {  	s0 =	sadd.s32 @!p0 $0x0, s6;
	_ =	swait.ge @!p1 [sflag:s18], $0x4000  }
0x2c: {  	s23 =	simm.s32 @!p0 $0x0;
	s20 =	simm.s32 @!p0 $0x8100;
	[sflag:s18] =	ssyncset.done @!p1 $0x0  }
0x2d: {  	s0 =	sadd.s32 @!p0 $0x200, s0;
	s25 =	simm.s32 @!p0 $0x3;
	[sflag:s18] =	ssyncadd.s32 @!p1 $0xFFFFC000  }
0x2e: {  	[tilespmem:s20], [sflag:$0x3] =	stream.linear.gather @!p0 [hbm4b:s0+s23], $0x80, $0x38;
	[tilespmem:$0x10200] =	vst v63  }
0x2f: {  	s19 =	simm.s32 $0x400;
	_ =	swait.ge @!p0 [sflag:s25], $0x80  }
0x30: {  	s22 =	simm.s32 $0x800;
	s0 =	sadd.s32 @!p0 $0x0, s5;
	[sflag:s25] =	ssyncset.done @!p0 $0x0  }
0x31: {  	s28 =	simm.s32 @!p0 $0x8180;
	s0 =	sadd.s32 @!p0 $0x200, s0;
	[sflag:s25] =	ssyncadd.s32 @!p0 $0xFFFFFF80  }
0x32: {  	[tilespmem:s28], [sflag:$0x3] =	stream.linear.gather @!p0 [hbm4b:s0+s23], $0x80, $0x38;
	[tilespmem:$0x10200] =	vst v63  }
0x33: {  	s21 =	sadd.s32 $0x40, s10;
	s30 =	simm.s32 @!p0 $0x8200;
	_ =	swait.ge @!p0 [sflag:s25], $0x80  }
0x34: {  	s18 =	sadd.s32 @!p0 s8, s7;
	s0 =	sadd.s32 @!p0 s9, s7;
	[sflag:s25] =	ssyncset.done @!p0 $0x0  }
0x35: {  	s26 =	sadd.s32 @!p0 $0x10000, s0;
	s0 =	simm.s32 @!p0 $0x80;
	[sflag:s25] =	ssyncadd.s32 @!p0 $0xFFFFFF80  }
0x36: {  	[tilespmem:s30], [sflag:$0x3] =	stream.indirect.gather @!p0 [hbm4b:s1+s0], $0x80, s20, s0, $0xb8;
	[tilespmem:$0x10200] =	vst v63  }
0x37: {  	s31 =	simm.s32 @!p0 $0xC200;
	s29 =	sadd.s32 @!p0 $0x10000, s18;
	_ =	swait.ge @!p0 [sflag:s25], $0x4000  }
0x38: {  	s18 =	sadd.s32 $0x20000, s9;
	s20 =	smov.u32 s8;
	[sflag:s25] =	ssyncset.done @!p0 $0x0  }
.LBB2_2:
0x39: {  	[sflag:s25] =	ssyncadd.s32 @!p0 $0xFFFFC000  }
0x3a: {  	s20 =	sadd.s32 $0x20000, s20;
	s24 =	smov.u32 s22;
	s22 =	sadd.s32 $0x400, s22  }
0x3b: {  	[tilespmem:s31], [sflag:$0x3] =	stream.indirect.gather @!p0 [hbm4b:s1+s0], $0x80, s28, s0, $0xb8;
	[tilespmem:$0x10200] =	vst v63  }
0x3c: {  	p1 =	sne.s32 s22, $0x2800;
	_ =	swait.ge @!p0 [sflag:s25], $0x4000  }
0x3d: {  	[sflag:s25] =	ssyncset.done @!p0 $0x0  }
0x3e: {  	p2 =	seq.s32 s19, $0x0;
	[sflag:s25] =	ssyncadd.s32 @!p0 $0xFFFFC000  }
0x3f: {  	[hbm4b:s26+s23] =	stream.linear.scatter @!p0 [tilespmem:s30], [sflag:$0x2], $0x4000, $0x38;
	[tilespmem:$0x10200] =	vst v63  }
0x40: {  	s0 =	simm.s32 @!p2 $0x1  }
0x41: {  	[hbm4b:s29+s23] =	stream.linear.scatter @!p0 [tilespmem:s31], [sflag:$0x2], $0x4000, $0x38;
	[tilespmem:$0x10200] =	vst v63  }
0x42: {  	_ =	swait.ge @!p2 [sflag:s0], $0x4000  }
0x43: {  	[sflag:s0] =	ssyncset.done @!p2 $0x0  }
0x44: {  	[sflag:s0] =	ssyncadd.s32 @!p2 $0xFFFFC000  }
0x45: {  	_ =	swait.ge @!p2 [sflag:s0], $0x4000  }
0x46: {  	[sflag:s0] =	ssyncset.done @!p2 $0x0  }
0x47: {  	[sflag:s0] =	ssyncadd.s32 @!p2 $0xFFFFC000;
	s0 =	sadd.s32 s19, s6  }
0x48: {  	[tilespmem:s2], [sflag:$0x3] =	stream.linear.gather [hbm4b:s0+s2], $0x80, $0x38;
	[tilespmem:$0x10200] =	vst v63  }
0x49: {  	_ =	swait.ge [sflag:s11], $0x80  }
0x4a: {  	s0 =	sadd.s32 s19, s5;
	[sflag:s11] =	ssyncset.done $0x0  }
0x4b: {  	[sflag:s11] =	ssyncadd.s32 $0xFFFFFF80  }
0x4c: {  	[tilespmem:s12], [sflag:$0x3] =	stream.linear.gather [hbm4b:s0+s2], $0x80, $0x38;
	[tilespmem:$0x10200] =	vst v63  }
0x4d: {  	_ =	swait.ge [sflag:s11], $0x80  }
0x4e: {  	[sflag:s11] =	ssyncset.done $0x0  }
0x4f: {  	[sflag:s11] =	ssyncadd.s32 $0xFFFFFF80  }
0x50: {  	[tilespmem:s13], [sflag:$0x3] =	stream.indirect.gather [hbm4b:s1+s12], $0x80, s2, s12, $0xb8;
	[tilespmem:$0x10200] =	vst v63  }
0x51: {  	_ =	swait.ge [sflag:s11], $0x4000  }
0x52: {  	[sflag:s11] =	ssyncset.done $0x0  }
0x53: {  	[sflag:s11] =	ssyncadd.s32 $0xFFFFC000  }
0x54: {  	[tilespmem:s14], [sflag:$0x3] =	stream.indirect.gather [hbm4b:s1+s12], $0x80, s12, s12, $0xb8;
	[tilespmem:$0x10200] =	vst v63  }
0x55: {  	s0 =	sadd.s32 s20, s7;
	_ =	swait.ge [sflag:s11], $0x4000  }
0x56: {  	s23 =	sadd.s32 s18, s7;
	p0 =	sgt.u32 s21, $0x270;
	[sflag:s11] =	ssyncset.done $0x0  }
0x57: {  	s25 =	sadd.s32 @!p0 s19, s6;
	p2 =	seq.s32 @!p0 s19, $0x0;
	[sflag:s11] =	ssyncadd.s32 $0xFFFFC000  }
0x58: {  	s31 =	sadd.s32 @!p0 $0x200, s25;
	p2 =	por p2, p0;
	s19 =	sadd.s32 @!p0 s19, s5  }
0x59: {  	[hbm4b:s23+s2] =	stream.linear.scatter [tilespmem:s13], [sflag:$0x1], $0x4000, $0x38;
	[tilespmem:$0x10200] =	vst v63  }
0x5a: {  	s3 =	simm.s32 @!p0 $0x8100;
	s30 =	simm.s32 @!p2 $0x2;
	s23 =	simm.s32 @!p0 $0x0  }
0x5b: {  	[hbm4b:s0+s2] =	stream.linear.scatter [tilespmem:s14], [sflag:$0x1], $0x4000, $0x38;
	[tilespmem:$0x10200] =	vst v63  }
0x5c: {  	s4 =	sadd.s32 @!p0 $0x200, s19;
	s0 =	sadd.s32 @!p0 s18, s7;
	_ =	swait.ge @!p2 [sflag:s30], $0x4000  }
0x5d: {  	s28 =	simm.s32 @!p0 $0x8180;
	s26 =	sadd.s32 @!p0 $0x10000, s0;
	[sflag:s30] =	ssyncset.done @!p2 $0x0  }
0x5e: {  	s19 =	smov.u32 s24;
	s0 =	sadd.s32 @!p0 s20, s7;
	[sflag:s30] =	ssyncadd.s32 @!p2 $0xFFFFC000  }
0x5f: {  	s29 =	sadd.s32 @!p0 $0x10000, s0;
	_ =	swait.ge @!p2 [sflag:s30], $0x4000  }
0x60: {  	s25 =	simm.s32 @!p0 $0x3;
	[sflag:s30] =	ssyncset.done @!p2 $0x0  }
0x61: {  	s0 =	simm.s32 @!p0 $0x80;
	[sflag:s30] =	ssyncadd.s32 @!p2 $0xFFFFC000;
	s30 =	simm.s32 @!p0 $0x8200  }
0x62: {  	[tilespmem:s3], [sflag:$0x3] =	stream.linear.gather @!p0 [hbm4b:s31+s23], $0x80, $0x38;
	[tilespmem:$0x10200] =	vst v63  }
0x63: {  	_ =	swait.ge @!p0 [sflag:s25], $0x80  }
0x64: {  	[sflag:s25] =	ssyncset.done @!p0 $0x0  }
0x65: {  	s31 =	simm.s32 @!p0 $0xC200;
	[sflag:s25] =	ssyncadd.s32 @!p0 $0xFFFFFF80  }
0x66: {  	[tilespmem:s28], [sflag:$0x3] =	stream.linear.gather @!p0 [hbm4b:s4+s23], $0x80, $0x38;
	[tilespmem:$0x10200] =	vst v63  }
0x67: {  	_ =	swait.ge @!p0 [sflag:s25], $0x80  }
.Ltmp0:
0x68: {  	[sflag:s25] =	ssyncset.done @!p0 $0x0;
	(pc) =	sbr.rel @p1 .LBB2_2-.Ltmp0, $4  }
0x69: {  	[sflag:s25] =	ssyncadd.s32 @!p0 $0xFFFFFF80  }
0x6a: {  	[tilespmem:s30], [sflag:$0x3] =	stream.indirect.gather @!p0 [hbm4b:s1+s0], $0x80, s3, s0, $0xb8;
	[tilespmem:$0x10200] =	vst v63  }
0x6b: {  	_ =	swait.ge @!p0 [sflag:s25], $0x4000  }
0x6c: {  	s21 =	sadd.s32 $0x40, s21;
	s18 =	sadd.s32 $0x20000, s18;
	[sflag:s25] =	ssyncset.done @!p0 $0x0  }
0x6d: {  	[sflag:s25] =	ssyncadd.s32 @!p0 $0xFFFFC000  }
0x6e: {  	[tilespmem:s31], [sflag:$0x3] =	stream.indirect.gather @!p0 [hbm4b:s1+s0], $0x80, s28, s0, $0xb8;
	[tilespmem:$0x10200] =	vst v63  }
0x6f: {  	_ =	swait.ge @!p0 [sflag:s25], $0x4000  }
0x70: {  	[sflag:s25] =	ssyncset.done @!p0 $0x0  }
0x71: {  	p1 =	seq.s32 s19, $0x0;
	[sflag:s25] =	ssyncadd.s32 @!p0 $0xFFFFC000  }
0x72: {  	[hbm4b:s26+s23] =	stream.linear.scatter @!p0 [tilespmem:s30], [sflag:$0x2], $0x4000, $0x38;
	[tilespmem:$0x10200] =	vst v63  }
0x73: {  	s0 =	simm.s32 @!p1 $0x1  }
0x74: {  	[hbm4b:s29+s23] =	stream.linear.scatter @!p0 [tilespmem:s31], [sflag:$0x2], $0x4000, $0x38;
	[tilespmem:$0x10200] =	vst v63  }
0x75: {  	_ =	swait.ge @!p1 [sflag:s0], $0x4000  }
0x76: {  	[sflag:s0] =	ssyncset.done @!p1 $0x0  }
0x77: {  	[sflag:s0] =	ssyncadd.s32 @!p1 $0xFFFFC000  }
0x78: {  	_ =	swait.ge @!p1 [sflag:s0], $0x4000  }
0x79: {  	[sflag:s0] =	ssyncset.done @!p1 $0x0  }
0x7a: {  	s28 =	sadd.s32 s19, s6;
	[sflag:s0] =	ssyncadd.s32 @!p1 $0xFFFFC000  }
0x7b: {  	[tilespmem:s2], [sflag:$0x3] =	stream.linear.gather [hbm4b:s28+s2], $0x80, $0x38;
	[tilespmem:$0x10200] =	vst v63  }
0x7c: {  	_ =	swait.ge [sflag:s11], $0x80  }
0x7d: {  	[sflag:s11] =	ssyncset.done $0x0  }
0x7e: {  	s29 =	sadd.s32 s19, s5;
	[sflag:s11] =	ssyncadd.s32 $0xFFFFFF80  }
0x7f: {  	[tilespmem:s12], [sflag:$0x3] =	stream.linear.gather [hbm4b:s29+s2], $0x80, $0x38;
	[tilespmem:$0x10200] =	vst v63  }
0x80: {  	_ =	swait.ge [sflag:s11], $0x80  }
0x81: {  	[sflag:s11] =	ssyncset.done $0x0  }
0x82: {  	[sflag:s11] =	ssyncadd.s32 $0xFFFFFF80  }
0x83: {  	[tilespmem:s13], [sflag:$0x3] =	stream.indirect.gather [hbm4b:s1+s12], $0x80, s2, s12, $0xb8;
	[tilespmem:$0x10200] =	vst v63  }
0x84: {  	_ =	swait.ge [sflag:s11], $0x4000  }
0x85: {  	[sflag:s11] =	ssyncset.done $0x0  }
0x86: {  	[sflag:s11] =	ssyncadd.s32 $0xFFFFC000  }
0x87: {  	[tilespmem:s14], [sflag:$0x3] =	stream.indirect.gather [hbm4b:s1+s12], $0x80, s12, s12, $0xb8;
	[tilespmem:$0x10200] =	vst v63  }
0x88: {  	p0 =	sgt.u32 s21, $0x270;
	_ =	swait.ge [sflag:s11], $0x4000  }
0x89: {  	s3 =	sadd.s32 s18, s7;
	p1 =	seq.s32 @!p0 s19, $0x0;
	[sflag:s11] =	ssyncset.done $0x0  }
0x8a: {  	s0 =	sadd.s32 $0x20000, s20;
	p1 =	por p1, p0;
	[sflag:s11] =	ssyncadd.s32 $0xFFFFC000  }
0x8b: {  	[hbm4b:s3+s2] =	stream.linear.scatter [tilespmem:s13], [sflag:$0x1], $0x4000, $0x38;
	[tilespmem:$0x10200] =	vst v63  }
0x8c: {  	s30 =	sadd.s32 s0, s7;
	s4 =	simm.s32 @!p1 $0x2  }
0x8d: {  	[hbm4b:s30+s2] =	stream.linear.scatter [tilespmem:s14], [sflag:$0x1], $0x4000, $0x38;
	[tilespmem:$0x10200] =	vst v63  }
0x8e: {  	_ =	swait.ge @!p1 [sflag:s4], $0x4000  }
0x8f: {  	[sflag:s4] =	ssyncset.done @!p1 $0x0  }
0x90: {  	[sflag:s4] =	ssyncadd.s32 @!p1 $0xFFFFC000  }
0x91: {  	s21 =	simm.s32 @!p0 $0x8100;
	_ =	swait.ge @!p1 [sflag:s4], $0x4000  }
0x92: {  	s22 =	simm.s32 @!p0 $0x3;
	s3 =	sadd.s32 @!p0 s19, s6;
	[sflag:s4] =	ssyncset.done @!p1 $0x0  }
0x93: {  	s20 =	simm.s32 @!p0 $0x0;
	s3 =	sadd.s32 @!p0 $0x200, s3;
	[sflag:s4] =	ssyncadd.s32 @!p1 $0xFFFFC000  }
0x94: {  	[tilespmem:s21], [sflag:$0x3] =	stream.linear.gather @!p0 [hbm4b:s3+s20], $0x80, $0x38;
	[tilespmem:$0x10200] =	vst v63  }
0x95: {  	_ =	swait.ge @!p0 [sflag:s22], $0x80  }
0x96: {  	s3 =	sadd.s32 @!p0 s19, s5;
	[sflag:s22] =	ssyncset.done @!p0 $0x0  }
0x97: {  	s4 =	simm.s32 @!p0 $0x8180;
	s3 =	sadd.s32 @!p0 $0x200, s3;
	[sflag:s22] =	ssyncadd.s32 @!p0 $0xFFFFFF80  }
0x98: {  	[tilespmem:s4], [sflag:$0x3] =	stream.linear.gather @!p0 [hbm4b:s3+s20], $0x80, $0x38;
	[tilespmem:$0x10200] =	vst v63  }
0x99: {  	_ =	swait.ge @!p0 [sflag:s22], $0x80  }
0x9a: {  	[sflag:s22] =	ssyncset.done @!p0 $0x0  }
0x9b: {  	s19 =	simm.s32 @!p0 $0x8200;
	s3 =	simm.s32 @!p0 $0x80;
	[sflag:s22] =	ssyncadd.s32 @!p0 $0xFFFFFF80  }
0x9c: {  	[tilespmem:s19], [sflag:$0x3] =	stream.indirect.gather @!p0 [hbm4b:s1+s3], $0x80, s21, s3, $0xb8;
	[tilespmem:$0x10200] =	vst v63  }
0x9d: {  	_ =	swait.ge @!p0 [sflag:s22], $0x4000  }
0x9e: {  	[sflag:s22] =	ssyncset.done @!p0 $0x0  }
0x9f: {  	s21 =	simm.s32 @!p0 $0xC200;
	[sflag:s22] =	ssyncadd.s32 @!p0 $0xFFFFC000  }
0xa0: {  	[tilespmem:s21], [sflag:$0x3] =	stream.indirect.gather @!p0 [hbm4b:s1+s3], $0x80, s4, s3, $0xb8;
	[tilespmem:$0x10200] =	vst v63  }
0xa1: {  	_ =	swait.ge @!p0 [sflag:s22], $0x4000  }
0xa2: {  	s3 =	sadd.s32 @!p0 s18, s7;
	[sflag:s22] =	ssyncset.done @!p0 $0x0  }
0xa3: {  	s0 =	sadd.s32 @!p0 s0, s7;
	s3 =	sadd.s32 @!p0 $0x10000, s3;
	[sflag:s22] =	ssyncadd.s32 @!p0 $0xFFFFC000  }
0xa4: {  	[hbm4b:s3+s20] =	stream.linear.scatter @!p0 [tilespmem:s19], [sflag:$0x2], $0x4000, $0x38;
	[tilespmem:$0x10200] =	vst v63  }
0xa5: {  	s0 =	sadd.s32 @!p0 $0x10000, s0  }
0xa6: {  	[hbm4b:s0+s20] =	stream.linear.scatter @!p0 [tilespmem:s21], [sflag:$0x2], $0x4000, $0x38;
	[tilespmem:$0x10200] =	vst v63  }
0xa7: {  	_ =	swait.ge [sflag:s15], $0x4000  }
0xa8: {  	[sflag:s15] =	ssyncset.done $0x0  }
0xa9: {  	[sflag:s15] =	ssyncadd.s32 $0xFFFFC000  }
0xaa: {  	_ =	swait.ge [sflag:s15], $0x4000  }
0xab: {  	[sflag:s15] =	ssyncset.done $0x0  }
0xac: {  	[sflag:s15] =	ssyncadd.s32 $0xFFFFC000  }
0xad: {  	_ =	swait.ge [sflag:s16], $0x4000  }
0xae: {  	[sflag:s16] =	ssyncset.done $0x0  }
0xaf: {  	[sflag:s16] =	ssyncadd.s32 $0xFFFFC000  }
0xb0: {  	_ =	swait.ge [sflag:s16], $0x4000  }
0xb1: {  	s17 =	sadd.s32 $0x1, s17;
	s31 =	rddreg [dreg:$0x3]  }
0xb2: {  	p0 =	sne.s32 s17, s31  }
.Ltmp1:
0xb3: {  	_ = 	snop;
	(pc) =	sbr.rel @p0 .LBB2_1-.Ltmp1, $3  }
0xb4: {  	_ =	sdelay $0x1  }
0xb5: {  	[sflag:s16] =	ssyncset.done $0x0  }
0xb6: {  	[sflag:s16] =	ssyncadd.s32 $0xFFFFC000  }
0xb7: {  	_ =	sfence.sel $0x180000  }
0xb8: {  	[bflag:$0x0] =	sbarrier.arrive $0xFFFF  }
0xb9: {  	_ =	strace $0x90000050  }
0xba: {  	s0 =	stileid.u32;
	[bflag:$0x2] =	sbarrier.arrive $0xFFFF  }
0xbb: {  	p0 =	sne.s32 s0, $0x0;
	s0 =	rddreg [dreg:$0x2]  }
0xbc: {  	s0 =	sadd.s32 @!p0 $0x100000, s0  }
0xbd: {  	[sflag:s0] =	ssyncadd.tile.s32 @!p0 $0x1;
	_ =	shalt  }
.Lfunc_end2:
_tile_overlayer_lowered:
.L_overlay_start_2:
0xbe: {  	(tag) =	ssettag $0x2  }
0xbf: {  	s0 =	rddreg [dreg:$0x0];
	s2 =	stileid.u32  }
0xc0: {  	s1 =	rddreg [dreg:$0x1];
	p0 =	sne.s32 s2, $0x0  }
0xc1: {  	s3 =	rddreg [dreg:$0x2];
	[bflag:$0x3] =	sbarrier.arrive $0xFFFF;
	s2 =	simm.s32 @!p0 $0x1C03  }
0xc2: {  	[timem:s3], [sflag:s2] =	dma.local @!p0 [hbm:s0], s1  }
0xc3: {  	s0 =	simm.s32 @!p0 $0x3  }
0xc4: {  	_ =	swait.ge @!p0 [sflag:s0], s1  }
0xc5: {  	s1 =	ssub.s32 @!p0 $0x0, s1;
	[sflag:s0] =	ssyncset.done @!p0 $0x0  }
0xc6: {  	[sflag:s0] =	ssyncadd.s32 @!p0 s1  }
0xc7: {  	[bflag:$0x3] =	sbarrier.arrive $0xFFFF  }
0xc8: {  	_ =	shalt  }

// kernel: kernel.19.cloned.1.call-start
scs
__scs_entry_jumppad:
0x0: {  	(pc) =	sbr.rel $0x88, $3  }
0x1: {  	(tag) =	ssettag $0x0;
	lr =	simm.s32 $0x1  }
0x2: {  	[smem:$0x3F8D] =	sst lr;
	_ =	strace $0xD0000000  }
0x3: {  	_ = 	snop  }
0x4: {  	_ = 	snop  }
0x5: {  	_ = 	snop  }
0x6: {  	_ = 	snop  }
0x7: {  	_ = 	snop  }
__scs_overlays_trampoline_lowered:
0x8: {  	[smem:$0x3F9C] =	sst s0  }
0x9: {  	[smem:$0x3F9D] =	sst s1  }
0xa: {  	[smem:$0x3F9E] =	sst s2  }
0xb: {  	[smem:$0x3F9F] =	sst s3  }
0xc: {  	[smem:$0x3FA0] =	sst s4  }
0xd: {  	[smem:$0x3FA1] =	sst s5  }
0xe: {  	[smem:$0x3FA2] =	sst s6  }
0xf: {  	[smem:$0x3FA3] =	sst s7  }
0x10: {  	[smem:$0x3FA4] =	sst s8  }
0x11: {  	[smem:$0x3FA5] =	sst s9;
	s0 =	simm.s32 @!p0 $0x0  }
0x12: {  	s1 =	sld [smem:$0x3F8B];
	s0 =	simm.s32 @p0 $0x1  }
0x13: {  	[smem:$0x3FA6] =	sst s0;
	s0 =	simm.s32 @!p1 $0x0  }
0x14: {  	s2 =	sld [smem:$0x3F8A];
	s0 =	simm.s32 @p1 $0x1  }
0x15: {  	[smem:$0x3FA7] =	sst s0;
	s0 =	simm.s32 @!p2 $0x0  }
0x16: {  	s3 =	sld [smem:$0x3FDB];
	s0 =	simm.s32 @p2 $0x1  }
0x17: {  	s4 =	simm.s32 $0x1BF5;
	[smem:$0x3FA9] =	sst s0  }
0x18: {  	s0 =	sld [smem:$0x3F8C];
	_ =	swait.ge [sflag:s4], $0x0  }
0x19: {  	s7 =	sld [smem:$0x3F8D]  }
0x1a: {  	s8 =	sadd.s32 $0xFFFFE003, lr  }
0x1b: {  	s9 =	sadd.s32 $0xFFFFFEF7, lr;
	s5 =	simm.s32 $0xFFFFFFFF;
	p2 =	slt.u32 s8, $0xFFFFF086  }
0x1c: {  	p1 =	slt.u32 s9, $0xF7A;
	s5 =	simm.s32 @!p2 $0x0  }
0x1d: {  	s5 =	simm.s32 @p1 $0x1;
	p0 =	seq.s32 s7, s2  }
0x1e: {  	s7 =	smul.u32 @!p0 $0xF7A, s2;
	p2 =	seq.s32 @!p0 s5, $0x0  }
0x1f: {  	s9 =	smul.u32 $0xF7A, s1;
	s8 =	simm.s32 @!p0 $0x1BF5;
	p2 =	por !p2, p0  }
0x20: {  	[sflag:s8] =	ssyncset.s32 @!p0 $0xFFFFF086;
	s6 =	sadd.s32 @!p0 s3, s7;
	s7 =	simm.s32 @!p0 $0x108  }
0x21: {  	s3 =	sadd.s32 s3, s9;
	s6 =	sadd.s32 @!p0 $0x88, s6;
	s7 =	simm.s32 @p2 $0x1082  }
0x22: {  	[simem:s7], [sflag:s8] =	dma.local @!p0 [hbm:s6], $0xF7A  }
0x23: {  	s9 =	sor.u32 $0xD0000000, s2;
	s6 =	simm.s32 $0x108;
	_ =	swait.ge @!p0 [sflag:s8], $0x0  }
0x24: {  	s3 =	sadd.s32 $0x88, s3;
	s6 =	simm.s32 @!p1 $0x1082;
	[sflag:s4] =	ssyncset.s32 $0xFFFFF086  }
0x25: {  	[simem:s6], [sflag:s4] =	dma.local [hbm:s3], $0xF7A  }
0x26: {  	[smem:$0x3F8D] =	sst s1;
	(tag) =	ssettag s2;
	_ =	strace s9  }
0x27: {  	s1 =	sld [smem:$0x3F9D]  }
0x28: {  	s2 =	sld [smem:$0x3F9E]  }
0x29: {  	s4 =	sld [smem:$0x3FA0]  }
0x2a: {  	p0 =	seq.s32 s5, $0x0;
	s5 =	sld [smem:$0x3FA1]  }
0x2b: {  	s6 =	sld [smem:$0x3FA2]  }
0x2c: {  	s7 =	sld [smem:$0x3FA3]  }
0x2d: {  	s3 =	simm.s32 $0x108;
	s8 =	sld [smem:$0x3FA4]  }
0x2e: {  	s3 =	simm.s32 @!p0 $0x1082;
	s9 =	sld [smem:$0x3FA5]  }
0x2f: {  	lr =	sadd.s32 s0, s3;
	s0 =	sld [smem:$0x3F9C]  }
0x30: {  	s3 =	sld [smem:$0x3F9F]  }
0x31: {  	[smem:$0x3FA8] =	sst s10  }
0x32: {  	s10 =	sld [smem:$0x3FA6];
	_ =	sdelay $0x3  }
0x33: {  	p0 =	seq.s32 s10, $0x1;
	s10 =	sld [smem:$0x3FA8];
	_ =	sdelay $0x3  }
0x34: {  	[smem:$0x3FA8] =	sst s10  }
0x35: {  	s10 =	sld [smem:$0x3FA7];
	_ =	sdelay $0x3  }
0x36: {  	p1 =	seq.s32 s10, $0x1;
	s10 =	sld [smem:$0x3FA8];
	_ =	sdelay $0x3  }
0x37: {  	[smem:$0x3FA8] =	sst s10  }
0x38: {  	s10 =	sld [smem:$0x3FA9]  }
0x39: {  	_ = 	snop;
	(pc) =	sbr.ind lr, $3  }
0x3a: {  	_ = 	snop  }
0x3b: {  	_ = 	snop  }
0x3c: {  	p2 =	seq.s32 s10, $0x1;
	s10 =	sld [smem:$0x3FA8]  }
0x3d: {  	_ =	shalt  }
0x3e: {  	_ =	shalt  }
0x3f: {  	_ =	shalt  }
0x40: {  	_ =	shalt  }
0x41: {  	_ =	shalt  }
0x42: {  	_ =	shalt  }
0x43: {  	_ =	shalt  }
0x44: {  	_ =	shalt  }
0x45: {  	_ =	shalt  }
0x46: {  	_ =	shalt  }
0x47: {  	_ =	shalt  }
0x48: {  	_ =	shalt  }
0x49: {  	_ =	shalt  }
0x4a: {  	_ =	shalt  }
0x4b: {  	_ =	shalt  }
0x4c: {  	_ =	shalt  }
0x4d: {  	_ =	shalt  }
0x4e: {  	_ =	shalt  }
0x4f: {  	_ =	shalt  }
0x50: {  	_ =	shalt  }
0x51: {  	_ =	shalt  }
0x52: {  	_ =	shalt  }
0x53: {  	_ =	shalt  }
0x54: {  	_ =	shalt  }
0x55: {  	_ =	shalt  }
0x56: {  	_ =	shalt  }
0x57: {  	_ =	shalt  }
0x58: {  	_ =	shalt  }
0x59: {  	_ =	shalt  }
0x5a: {  	_ =	shalt  }
0x5b: {  	_ =	shalt  }
0x5c: {  	_ =	shalt  }
0x5d: {  	_ =	shalt  }
0x5e: {  	_ =	shalt  }
0x5f: {  	_ =	shalt  }
0x60: {  	_ =	shalt  }
0x61: {  	_ =	shalt  }
0x62: {  	_ =	shalt  }
0x63: {  	_ =	shalt  }
0x64: {  	_ =	shalt  }
0x65: {  	_ =	shalt  }
0x66: {  	_ =	shalt  }
0x67: {  	_ =	shalt  }
0x68: {  	_ =	shalt  }
0x69: {  	_ =	shalt  }
0x6a: {  	_ =	shalt  }
0x6b: {  	_ =	shalt  }
0x6c: {  	_ =	shalt  }
0x6d: {  	_ =	shalt  }
0x6e: {  	_ =	shalt  }
0x6f: {  	_ =	shalt  }
0x70: {  	_ =	shalt  }
0x71: {  	_ =	shalt  }
0x72: {  	_ =	shalt  }
0x73: {  	_ =	shalt  }
0x74: {  	_ =	shalt  }
0x75: {  	_ =	shalt  }
0x76: {  	_ =	shalt  }
0x77: {  	_ =	shalt  }
0x78: {  	_ =	shalt  }
0x79: {  	_ =	shalt  }
0x7a: {  	_ =	shalt  }
0x7b: {  	_ =	shalt  }
0x7c: {  	_ =	shalt  }
0x7d: {  	_ =	shalt  }
0x7e: {  	_ =	shalt  }
0x7f: {  	_ =	shalt  }
0x80: {  	_ =	shalt  }
0x81: {  	_ =	shalt  }
0x82: {  	_ =	shalt  }
0x83: {  	_ =	shalt  }
0x84: {  	_ =	shalt  }
0x85: {  	_ =	shalt  }
0x86: {  	_ =	shalt  }
0x87: {  	_ =	shalt  }
.Lfunc_end0:
.L_simem_size_0:
called_computation.1_lowered:
.L_overlay_start_0:
0x88: {  	s2 =	sld [smem:$0x3FD9]  }
0x89: {  	s3 =	sld [smem:$0x3FFE];
	_ =	sdelay $0x1  }
0x8a: {  	s1 =	srdreg.scid  }
0x8b: {  	s0 =	sand.u32 $0x1, s1  }
0x8c: {  	s17 =	sshll.u32 s0, $0xA;
	s2 =	sadd.s32 s3, s2  }
0x8d: {  	s2 =	sadd.s32 s2, s17  }
0x8e: {  	[smem:$0x3FB4] =	sst s2  }
0x8f: {  	_ = 	snop  }
0x90: {  	s18 =	sld [smem:$0x3FD0];
	(tm) =	ssettm $0x1  }
0x91: {  	s19 =	sld [smem:$0x3FFB];
	_ =	sdelay $0x3  }
0x92: {  	_ =	strace s19  }
0x93: {  	s2 =	sld [smem:$0x3FFC];
	_ =	sdelay $0x3  }
0x94: {  	_ =	strace s2  }
0x95: {  	s2 =	sld [smem:$0x3FFD];
	_ =	sdelay $0x3  }
0x96: {  	_ =	strace s2  }
0x97: {  	_ =	strace $0x8FFFFFFF  }
0x98: {  	s20 =	sld [smem:$0x3FDB];
	_ =	sdelay $0x1  }
0x99: {  	s4 =	simm.s32 $_scs_section_size  }
0x9a: {  	s5 =	simm.s32 $_size__tile_overlayer_lowered;
	s6 =	simm.s32 $_tile_overlayer_lowered  }
0x9b: {  	s7 =	simm.s32 $0x1BFF;
	s21 =	sshll.u32 s6, $0x1;
	s4 =	sadd.s32 s4, s20  }
0x9c: {  	s22 =	simm.s32 $0x0;
	s5 =	sshll.u32 s5, $0x1;
	s6 =	sadd.s32 s21, s4  }
0x9d: {  	[timem:s22], [sflag:s7] =	dma.local [hbm:s6], s5  }
0x9e: {  	_ =	swait.ge [sflag:s7], s5  }
0x9f: {  	s5 =	ssub.s32 $0x0, s5;
	[sflag:s7] =	ssyncset.done $0x0  }
0xa0: {  	[sflag:s7] =	ssyncadd.s32 s5;
	_ =	sdelay $0x1  }
0xa1: {  	s23 =	simm.s32 $0x1B8B  }
0xa2: {  	_ =	swait.ge [sflag:s23], $0x1  }
0xa3: {  	[sflag:s23] =	ssyncset.done $0x0  }
0xa4: {  	[sflag:s23] =	ssyncadd.s32 $0xFFFFFFFF  }
0xa5: {  	s5 =	sld [smem:$0x0]  }
0xa6: {  	s6 =	sand.u32 $0xFFFFFFFE, s1  }
0xa7: {  	p0 =	sne.s32 s1, s6  }
0xa8: {  	s6 =	sshll.u32 @p0 s6, $0xE  }
0xa9: {  	s6 =	sadd.s32 @p0 $0x11B8D, s6;
	s7 =	sshll.u32 @p0 s5, $0x11  }
0xaa: {  	s6 =	sor.u32 @p0 s7, s6  }
0xab: {  	[sflag:s6] =	ssyncadd.remote.s32 @p0 $0x1;
	_ =	sdelay $0x1  }
0xac: {  	s6 =	simm.s32 @p0 $0x1B8D  }
0xad: {  	_ =	swait.eq @p0 [sflag:s6], $0x1  }
0xae: {  	[sflag:s6] =	ssyncadd.s32 @p0 $0xFFFFFFFF  }
0xaf: {  	s7 =	sshll.u32 @!p0 s1, $0xE  }
0xb0: {  	s7 =	sor.u32 @!p0 $0x4000, s7;
	s6 =	simm.s32 @!p0 $0x1B8D  }
0xb1: {  	s5 =	sshll.u32 @!p0 s5, $0x11;
	s7 =	sadd.s32 @!p0 $0x11B8D, s7;
	_ =	swait.eq @!p0 [sflag:s6], $0x1  }
0xb2: {  	s5 =	sor.u32 @!p0 s5, s7;
	[sflag:s6] =	ssyncadd.s32 @!p0 $0xFFFFFFFF  }
0xb3: {  	s25 =	simm.s32 $0x1B8E;
	s24 =	sld [smem:$0x3FFE];
	[sflag:s5] =	ssyncadd.remote.s32 @!p0 $0x1  }
0xb4: {  	s26 =	simm.s32 $execute0_lowered;
	[smem:$0x3FD2] =	sst s25  }
0xb5: {  	s6 =	sshll.u32 s26, $0x1;
	_ =	strace $0x8000005B;
	[dreg:$0x1] =	wrdreg $0xFFFFFFFF  }
0xb6: {  	s28 =	simm.s32 $_size_execute0_lowered;
	s4 =	sadd.s32 s4, s6;
	[dreg:$0x0] =	wrdreg $0x0  }
0xb7: {  	s6 =	sshll.u32 s28, $0x1;
	[dreg:$0x2] =	wrdreg s4  }
0xb8: {  	[dreg:$0x3] =	wrdreg s6  }
0xb9: {  	[dreg:$0x4] =	wrdreg $0xC0  }
0xba: {  	_ =	task [dreg:s22], $0x5FFFF  }
0xbb: {  	[dreg:$0x1] =	wrdreg $0xFFFFFFFF  }
0xbc: {  	[dreg:$0x0] =	wrdreg $0x60  }
0xbd: {  	[dreg:$0x2] =	wrdreg s24  }
0xbe: {  	[dreg:$0x3] =	wrdreg s18  }
0xbf: {  	[dreg:$0x4] =	wrdreg $0x95000  }
0xc0: {  	[dreg:$0x5] =	wrdreg $0x9  }
0xc1: {  	_ =	task.clear_ibuf [dreg:s22], $0x6FFFF;
	_ =	strace $0x9000005B  }
0xc2: {  	s29 =	simm.s32 $0x9;
	_ =	strace $0x8000005D  }
0xc3: {  	_ =	swait.ge [sflag:s29], $0x1  }
0xc4: {  	[sflag:s29] =	ssyncadd.s32 $0xFFFFFFFF  }
0xc5: {  	_ =	strace $0x9000005D  }
0xc6: {  	_ =	sfence  }
0xc7: {  	s30 =	sld [smem:$0x0];
	_ =	sdelay $0x2  }
0xc8: {  	s31 =	sshll.u32 s1, $0xD;
	s1 =	sshrl.u32 s1, $0x2  }
0xc9: {  	s4 =	sand.u32 $0x4000, s31;
	s1 =	sadd.s32 s1, s30  }
0xca: {  	s0 =	sor.u32 s4, s0;
	s1 =	sshll.u32 s1, $0x11  }
0xcb: {  	s0 =	sor.u32 s1, s0  }
0xcc: {  	s0 =	sadd.s32 $0x8F2B, s0  }
0xcd: {  	[sflag:s0] =	ssyncadd.remote.s32 $0x1  }
0xce: {  	_ =	sfence.sel $0xFFFF  }
0xcf: {  	[dreg:$0x0] =	wrdreg $0xFFFFFFFF;
	(pc) =	sbr.abs _section_cstart, $3  }
0xd0: {  	[dreg:$0x1] =	wrdreg $0xFFFFFFFF  }
0xd1: {  	_ =	task.clear_ibuf [dreg:s22], $0x2FFFF;
	_ =	strace $0x9FFFFFFF  }
0xd2: {  	(tm) =	ssettm $0x7FFFFFFF  }
0xd3: {  	_ =	shalt  }
tec
execute0_lowered:
.L_overlay_start_1:
0x0: {  	(tag) =	ssettag $0x1  }
0x1: {  	s3 =	rddreg [dreg:$0x0]  }
0x2: {  	s13 =	rddreg [dreg:$0x1]  }
0x3: {  	s1 =	rddreg [dreg:$0x2]  }
0x4: {  	s0 =	rddreg [dreg:$0x3]  }
0x5: {  	s2 =	simm.s32 $0x0;
	s4 =	srdreg.scid;
	s18 =	simm.s32 $0x1  }
0x6: {  	s19 =	simm.s32 $0x2;
	s20 =	simm.s32 $0x0;
	[smem:$0x7FF] =	sst s2  }
0x7: {  	s9 =	sadd.s32 $0x3C6800, s3;
	s10 =	sand.u32 $0x1, s4;
	s11 =	sadd.s32 $0x1A800, s3  }
0x8: {  	s12 =	sadd.s32 $0xA08200, s3;
	s3 =	stileid.u32;
	_ =	strace $0x8000005C  }
0x9: {  	s4 =	ssub.s32 $0x2, s10;
	s6 =	sshll.u32 s10, $0x4;
	p0 =	seq.s32 s10, $0x1  }
0xa: {  	s16 =	smul.u32 $0x5000, s3;
	s28 =	sshll.u32 s10, $0x8;
	s10 =	sshll.u32 s10, $0xF  }
0xb: {  	s29 =	sshll.u32 s3, $0xB;
	s30 =	sshll.u32 s3, $0x4;
	s17 =	smul.u32 $0x280, s3  }
0xc: {  	s5 =	sshrl.u32 s4, $0x1;
	s14 =	sor.u32 s3, s6;
	s13 =	smov.u32 @p0 s12  }
0xd: {  	s4 =	ssub.s32 s4, s5;
	s25 =	sshll.u32 s14, $0x4;
	s6 =	sshll.u32 s14, $0xB  }
0xe: {  	s7 =	sor.u32 $0x20, s14;
	s26 =	sshrl.u32 s16, $0x2;
	s12 =	sor.u32 $0x60, s14  }
0xf: {  	s13 =	sadd.s32 s17, s13;
	s14 =	simm.s32 $0x3;
	s16 =	simm.s32 $0x4080  }
0x10: {  	s17 =	simm.s32 $0x4100;
	s4 =	smax.u32 s4, $0x1;
	s5 =	sadd.s32 s11, s25  }
0x11: {  	s6 =	sadd.s32 s9, s6;
	s8 =	sshll.u32 s7, $0x4;
	s15 =	sshll.u32 s7, $0xB  }
0x12: {  	s7 =	sadd.s32 s11, s8;
	s8 =	sadd.s32 s9, s15;
	s9 =	sadd.s32 s10, s9  }
0x13: {  	s11 =	sadd.s32 s28, s11;
	s15 =	simm.s32 $0x80;
	s31 =	sadd.s32 s29, s9  }
0x14: {  	v0 =	vimm.f32 $0.0e+00;
	s9 =	sadd.s32 s26, s1;
	s10 =	sadd.s32 s30, s11;
	s11 =	sadd.s32 $0x30000, s31  }
.LBB2_1:
0x15: {  	s21 =	simm.s32 $0x0;
	s22 =	simm.s32 $0x200  }
.LBB2_2:
0x16: {  	p1 =	sne.s32 s22, $0x4E00;
	[tilespmem:s21+$0x8170] =	vst v0  }
0x17: {  	[tilespmem:s21+$0x8100] =	vst v0  }
0x18: {  	[tilespmem:s21+$0x8110] =	vst v0  }
.Ltmp0:
0x19: {  	[tilespmem:s21+$0x8120] =	vst v0;
	(pc) =	sbr.rel @p1 .LBB2_2-.Ltmp0, $4  }
0x1a: {  	[tilespmem:s21+$0x8130] =	vst v0  }
0x1b: {  	[tilespmem:s21+$0x8140] =	vst v0  }
0x1c: {  	[tilespmem:s21+$0x8150] =	vst v0  }
0x1d: {  	[tilespmem:s21+$0x8160] =	vst v0;
	s21 =	sshra.s32 s22, $0x2;
	s22 =	sadd.s32 $0x200, s22  }
0x1e: {  	[tilespmem:s21+$0x8170] =	vst v0  }
0x1f: {  	[tilespmem:s21+$0x8100] =	vst v0  }
0x20: {  	[tilespmem:s21+$0x8110] =	vst v0  }
0x21: {  	[tilespmem:s21+$0x8120] =	vst v0  }
0x22: {  	[tilespmem:s21+$0x8130] =	vst v0  }
0x23: {  	[tilespmem:s21+$0x8140] =	vst v0;
	s22 =	sadd.s32 $0x0, s3  }
0x24: {  	[tilespmem:s21+$0x8150] =	vst v0;
	p1 =	sgt.u32 s22, $0xF9  }
0x25: {  	[tilespmem:s21+$0x8160] =	vst v0;
	s21 =	simm.s32 @!p1 $0x8100;
	s24 =	simm.s32 @!p1 $0x3  }
0x26: {  	[spmem:s9] =	stream.linear.scatter @!p1 [tilespmem:s21], [sflag:$0x3], $0x1400, $0x38;
	[tilespmem:$0x1CD80] =	vst v63  }
0x27: {  	s23 =	simm.s32 $0x20;
	_ =	swait.ge @!p1 [sflag:s24], $0x1400  }
0x28: {  	s22 =	simm.s32 $0x10;
	s21 =	sadd.s32 $0x14000, s9;
	[sflag:s24] =	ssyncset.done @!p1 $0x0  }
.LBB2_4:
0x29: {  	s25 =	sadd.s32 s22, s3;
	s22 =	smov.u32 s23;
	s23 =	sadd.s32 $0x10, s23  }
0x2a: {  	[sflag:s24] =	ssyncadd.s32 @!p1 $0xFFFFEC00;
	p2 =	sne.s32 s23, $0x100  }
.Ltmp1:
0x2b: {  	p1 =	sgt.u32 s25, $0xF9;
	(pc) =	sbr.rel @p2 .LBB2_4-.Ltmp1, $4  }
0x2c: {  	s25 =	simm.s32 @!p1 $0x8100;
	s24 =	simm.s32 @!p1 $0x3  }
0x2d: {  	[spmem:s21] =	stream.linear.scatter @!p1 [tilespmem:s25], [sflag:$0x3], $0x1400, $0x38;
	[tilespmem:$0x1CD80] =	vst v63  }
0x2e: {  	_ =	swait.ge @!p1 [sflag:s24], $0x1400  }
0x2f: {  	s21 =	sadd.s32 $0x14000, s21;
	[sflag:s24] =	ssyncset.done @!p1 $0x0  }
0x30: {  	s22 =	sadd.s32 s22, s3  }
0x31: {  	p2 =	sgt.u32 s22, $0xF9  }
0x32: {  	[sflag:s24] =	ssyncadd.s32 @!p1 $0xFFFFEC00;
	s22 =	simm.s32 @!p2 $0x8100;
	s23 =	simm.s32 @!p2 $0x3  }
0x33: {  	[spmem:s21] =	stream.linear.scatter @!p2 [tilespmem:s22], [sflag:$0x3], $0x1400, $0x38;
	[tilespmem:$0x1CD80] =	vst v63  }
0x34: {  	_ =	swait.ge @!p2 [sflag:s23], $0x1400  }
0x35: {  	[sflag:s23] =	ssyncset.done @!p2 $0x0  }
0x36: {  	[sflag:s23] =	ssyncadd.s32 @!p2 $0xFFFFEC00  }
0x37: {  	s29 =	simm.s32 $0x0;
	[bflag:$0x0] =	sbarrier.arrive $0xFFFF  }
0x38: {  	[tilespmem:s29], [sflag:$0x3] =	stream.linear.gather [hbm4b:s5+s29], $0x80, $0x38;
	[tilespmem:$0x1CD80] =	vst v63  }
0x39: {  	_ =	swait.ge [sflag:s14], $0x80  }
0x3a: {  	[sflag:s14] =	ssyncset.done $0x0  }
0x3b: {  	[sflag:s14] =	ssyncadd.s32 $0xFFFFFF80  }
0x3c: {  	[tilespmem:s15], [sflag:$0x3] =	stream.linear.gather [hbm4b:s6+s29], $0x4000, $0x38;
	[tilespmem:$0x1CD80] =	vst v63  }
0x3d: {  	_ =	swait.ge [sflag:s14], $0x4000  }
0x3e: {  	[sflag:s14] =	ssyncset.done $0x0  }
0x3f: {  	[sflag:s14] =	ssyncadd.s32 $0xFFFFC000  }
0x40: {  	[spmem:s1] =	stream.indirect.scatter.add.f32 [tilespmem:s15], [sflag:$0x1], $0x80, s29, s15, $0xb8;
	[tilespmem:$0x1CD80] =	vst v63  }
0x41: {  	_ = 	snop  }
0x42: {  	[tilespmem:s16], [sflag:$0x3] =	stream.linear.gather [hbm4b:s7+s29], $0x80, $0x38;
	[tilespmem:$0x1CD80] =	vst v63  }
0x43: {  	_ =	swait.ge [sflag:s14], $0x80  }
0x44: {  	[sflag:s14] =	ssyncset.done $0x0  }
0x45: {  	[sflag:s14] =	ssyncadd.s32 $0xFFFFFF80  }
0x46: {  	[tilespmem:s17], [sflag:$0x3] =	stream.linear.gather [hbm4b:s8+s29], $0x4000, $0x38;
	[tilespmem:$0x1CD80] =	vst v63  }
0x47: {  	_ =	swait.ge [sflag:s14], $0x4000  }
0x48: {  	[sflag:s14] =	ssyncset.done $0x0  }
0x49: {  	[sflag:s14] =	ssyncadd.s32 $0xFFFFC000  }
0x4a: {  	[spmem:s1] =	stream.indirect.scatter.add.f32 [tilespmem:s17], [sflag:$0x2], $0x80, s16, s15, $0xb8;
	[tilespmem:$0x1CD80] =	vst v63  }
0x4b: {  	_ =	swait.ge [sflag:s18], $0x4000  }
0x4c: {  	s30 =	sadd.s32 $0x0, s10;
	[sflag:s18] =	ssyncset.done $0x0  }
0x4d: {  	s21 =	sadd.s32 $0x400, s30;
	[sflag:s18] =	ssyncadd.s32 $0xFFFFC000  }
0x4e: {  	[tilespmem:s2], [sflag:$0x3] =	stream.linear.gather [hbm4b:s21+s2], $0x80, $0x38;
	[tilespmem:$0x1CD80] =	vst v63  }
0x4f: {  	_ =	swait.ge [sflag:s14], $0x80  }
0x50: {  	[sflag:s14] =	ssyncset.done $0x0  }
0x51: {  	s31 =	sadd.s32 $0xFFFF0000, s11;
	[sflag:s14] =	ssyncadd.s32 $0xFFFFFF80  }
0x52: {  	[tilespmem:s15], [sflag:$0x3] =	stream.linear.gather [hbm4b:s31+s2], $0x4000, $0x38;
	[tilespmem:$0x1CD80] =	vst v63  }
0x53: {  	_ =	swait.ge [sflag:s14], $0x4000  }
0x54: {  	p1 =	sgt.u32 s12, $0x270;
	[sflag:s14] =	ssyncset.done $0x0  }
0x55: {  	s21 =	simm.s32 @!p1 $0x2;
	[sflag:s14] =	ssyncadd.s32 $0xFFFFC000  }
0x56: {  	[spmem:s1] =	stream.indirect.scatter.add.f32 [tilespmem:s15], [sflag:$0x1], $0x80, s2, s15, $0xb8;
	[tilespmem:$0x1CD80] =	vst v63  }
0x57: {  	s24 =	simm.s32 @!p1 $0x4080;
	_ =	swait.ge @!p1 [sflag:s21], $0x4000  }
0x58: {  	s25 =	simm.s32 @!p1 $0x3;
	s22 =	sadd.s32 @!p1 $0x0, s10;
	[sflag:s21] =	ssyncset.done @!p1 $0x0  }
0x59: {  	s22 =	sadd.s32 @!p1 $0x600, s22;
	s23 =	simm.s32 @!p1 $0x0;
	[sflag:s21] =	ssyncadd.s32 @!p1 $0xFFFFC000  }
0x5a: {  	[tilespmem:s24], [sflag:$0x3] =	stream.linear.gather @!p1 [hbm4b:s22+s23], $0x80, $0x38;
	[tilespmem:$0x1CD80] =	vst v63  }
0x5b: {  	_ =	swait.ge @!p1 [sflag:s25], $0x80  }
0x5c: {  	[sflag:s25] =	ssyncset.done @!p1 $0x0  }
0x5d: {  	s26 =	simm.s32 @!p1 $0x4100;
	[sflag:s25] =	ssyncadd.s32 @!p1 $0xFFFFFF80  }
0x5e: {  	[tilespmem:s26], [sflag:$0x3] =	stream.linear.gather @!p1 [hbm4b:s11+s23], $0x4000, $0x38;
	[tilespmem:$0x1CD80] =	vst v63  }
0x5f: {  	s28 =	simm.s32 @!p1 $0x80;
	s21 =	simm.s32 $0x400;
	_ =	swait.ge @!p1 [sflag:s25], $0x4000  }
0x60: {  	s22 =	sadd.s32 $0x40, s12;
	s23 =	smov.u32 s11;
	[sflag:s25] =	ssyncset.done @!p1 $0x0  }
.LBB2_6:
0x61: {  	[sflag:s25] =	ssyncadd.s32 @!p1 $0xFFFFC000  }
0x62: {  	s23 =	sadd.s32 $0x20000, s23;
	s25 =	smov.u32 s21;
	s21 =	sadd.s32 $0x400, s21  }
0x63: {  	[spmem:s1] =	stream.indirect.scatter.add.f32 @!p1 [tilespmem:s26], [sflag:$0x2], $0x80, s24, s28, $0xb8;
	[tilespmem:$0x1CD80] =	vst v63  }
0x64: {  	s24 =	sadd.s32 s25, s10;
	p2 =	sne.s32 s21, $0x2400;
	_ =	swait.ge [sflag:s18], $0x4000  }
0x65: {  	s24 =	sadd.s32 $0x400, s24;
	[sflag:s18] =	ssyncset.done $0x0  }
0x66: {  	[sflag:s18] =	ssyncadd.s32 $0xFFFFC000  }
0x67: {  	[tilespmem:s2], [sflag:$0x3] =	stream.linear.gather [hbm4b:s24+s2], $0x80, $0x38;
	[tilespmem:$0x1CD80] =	vst v63  }
0x68: {  	_ =	swait.ge [sflag:s14], $0x80  }
0x69: {  	s24 =	sadd.s32 $0xFFFF0000, s23;
	[sflag:s14] =	ssyncset.done $0x0  }
0x6a: {  	[sflag:s14] =	ssyncadd.s32 $0xFFFFFF80  }
0x6b: {  	[tilespmem:s15], [sflag:$0x3] =	stream.linear.gather [hbm4b:s24+s2], $0x4000, $0x38;
	[tilespmem:$0x1CD80] =	vst v63  }
0x6c: {  	_ =	swait.ge [sflag:s14], $0x4000  }
0x6d: {  	p1 =	sgt.u32 s22, $0x270;
	[sflag:s14] =	ssyncset.done $0x0  }
0x6e: {  	s26 =	simm.s32 @!p1 $0x2;
	s24 =	sadd.s32 @!p1 s25, s10;
	[sflag:s14] =	ssyncadd.s32 $0xFFFFC000  }
0x6f: {  	[spmem:s1] =	stream.indirect.scatter.add.f32 [tilespmem:s15], [sflag:$0x1], $0x80, s2, s15, $0xb8;
	[tilespmem:$0x1CD80] =	vst v63  }
0x70: {  	s28 =	sadd.s32 @!p1 $0x600, s24;
	_ =	swait.ge @!p1 [sflag:s26], $0x4000  }
0x71: {  	s29 =	simm.s32 @!p1 $0x0;
	s24 =	simm.s32 @!p1 $0x4080;
	[sflag:s26] =	ssyncset.done @!p1 $0x0  }
0x72: {  	s25 =	simm.s32 @!p1 $0x3;
	[sflag:s26] =	ssyncadd.s32 @!p1 $0xFFFFC000  }
0x73: {  	[tilespmem:s24], [sflag:$0x3] =	stream.linear.gather @!p1 [hbm4b:s28+s29], $0x80, $0x38;
	[tilespmem:$0x1CD80] =	vst v63  }
0x74: {  	_ =	swait.ge @!p1 [sflag:s25], $0x80  }
.Ltmp2:
0x75: {  	s26 =	simm.s32 @!p1 $0x4100;
	[sflag:s25] =	ssyncset.done @!p1 $0x0;
	(pc) =	sbr.rel @p2 .LBB2_6-.Ltmp2, $4  }
0x76: {  	[sflag:s25] =	ssyncadd.s32 @!p1 $0xFFFFFF80  }
0x77: {  	[tilespmem:s26], [sflag:$0x3] =	stream.linear.gather @!p1 [hbm4b:s23+s29], $0x4000, $0x38;
	[tilespmem:$0x1CD80] =	vst v63  }
0x78: {  	_ =	swait.ge @!p1 [sflag:s25], $0x4000  }
0x79: {  	s22 =	sadd.s32 $0x40, s22;
	s28 =	simm.s32 @!p1 $0x80;
	[sflag:s25] =	ssyncset.done @!p1 $0x0  }
0x7a: {  	[sflag:s25] =	ssyncadd.s32 @!p1 $0xFFFFC000  }
0x7b: {  	[spmem:s1] =	stream.indirect.scatter.add.f32 @!p1 [tilespmem:s26], [sflag:$0x2], $0x80, s24, s28, $0xb8;
	[tilespmem:$0x1CD80] =	vst v63  }
0x7c: {  	_ =	swait.ge [sflag:s18], $0x4000  }
0x7d: {  	[sflag:s18] =	ssyncset.done $0x0  }
0x7e: {  	[sflag:s18] =	ssyncadd.s32 $0xFFFFC000  }
0x7f: {  	_ =	swait.ge [sflag:s19], $0x4000  }
0x80: {  	s21 =	sadd.s32 $0x0, s3;
	[sflag:s19] =	ssyncset.done $0x0  }
0x81: {  	p1 =	sgt.u32 s21, $0xF9;
	[sflag:s19] =	ssyncadd.s32 $0xFFFFC000  }
0x82: {  	s21 =	simm.s32 @!p1 $0x8100;
	s23 =	simm.s32 @!p1 $0x4;
	[bflag:$0x0] =	sbarrier.arrive $0xFFFF  }
0x83: {  	[tilespmem:s21], [sflag:$0x4] =	stream.linear.gather @!p1 [spmem:s9], $0x1400, $0x38;
	[tilespmem:$0x1CD80] =	vst v63  }
0x84: {  	_ =	swait.ge @!p1 [sflag:s23], $0x1400  }
0x85: {  	s22 =	simm.s32 @!p1 $0x3;
	p2 =	por !p0, p1;
	[sflag:s23] =	ssyncset.done @!p1 $0x0  }
0x86: {  	s22 =	simm.s32 @p2 $0x4;
	[sflag:s23] =	ssyncadd.s32 @!p1 $0xFFFFEC00;
	s23 =	simm.s32 @!p1 $0x0  }
0x87: {  	[hbm4b:s13+s23] =	stream.linear.scatter @!p1 [tilespmem:s21], [sflag:s22], $0x1400, $0x38;
	[tilespmem:$0x1CD80] =	vst v63  }
0x88: {  	s25 =	sadd.s32 $0x10, s3;
	s24 =	simm.s32 $0x20;
	_ =	swait.ge @!p1 [sflag:s22], $0x1400  }
0x89: {  	s21 =	sadd.s32 $0x2800, s13;
	s23 =	sadd.s32 $0x14000, s9;
	[sflag:s22] =	ssyncset.done @!p1 $0x0  }
.LBB2_8:
0x8a: {  	[sflag:s22] =	ssyncadd.s32 @!p1 $0xFFFFEC00  }
0x8b: {  	p1 =	sgt.u32 s25, $0xF9;
	s25 =	smov.u32 s24;
	s24 =	sadd.s32 $0x10, s24  }
0x8c: {  	s26 =	simm.s32 @!p1 $0x8100;
	s28 =	simm.s32 @!p1 $0x4;
	s22 =	simm.s32 @!p1 $0x3  }
0x8d: {  	[tilespmem:s26], [sflag:$0x4] =	stream.linear.gather @!p1 [spmem:s23], $0x1400, $0x38;
	[tilespmem:$0x1CD80] =	vst v63  }
0x8e: {  	p2 =	sne.s32 s24, $0x100;
	p3 =	por !p0, p1;
	_ =	swait.ge @!p1 [sflag:s28], $0x1400  }
.Ltmp3:
0x8f: {  	[sflag:s28] =	ssyncset.done @!p1 $0x0;
	(pc) =	sbr.rel @p2 .LBB2_8-.Ltmp3, $4  }
0x90: {  	s22 =	simm.s32 @p3 $0x4;
	[sflag:s28] =	ssyncadd.s32 @!p1 $0xFFFFEC00;
	s28 =	simm.s32 @!p1 $0x0  }
0x91: {  	[hbm4b:s21+s28] =	stream.linear.scatter @!p1 [tilespmem:s26], [sflag:s22], $0x1400, $0x38;
	[tilespmem:$0x1CD80] =	vst v63  }
0x92: {  	s21 =	sadd.s32 $0x2800, s21;
	_ =	swait.ge @!p1 [sflag:s22], $0x1400  }
0x93: {  	s25 =	sadd.s32 s25, s3;
	s23 =	sadd.s32 $0x14000, s23;
	[sflag:s22] =	ssyncset.done @!p1 $0x0  }
0x94: {  	p2 =	sgt.u32 s25, $0xF9;
	[sflag:s22] =	ssyncadd.s32 @!p1 $0xFFFFEC00  }
0x95: {  	s20 =	sadd.s32 $0x1, s20;
	s22 =	simm.s32 @!p2 $0x8100;
	s24 =	simm.s32 @!p2 $0x4  }
0x96: {  	[tilespmem:s22], [sflag:$0x4] =	stream.linear.gather @!p2 [spmem:s23], $0x1400, $0x38;
	[tilespmem:$0x1CD80] =	vst v63  }
0x97: {  	p1 =	por !p0, p2;
	s23 =	simm.s32 @!p2 $0x3;
	_ =	swait.ge @!p2 [sflag:s24], $0x1400  }
0x98: {  	s23 =	simm.s32 @p1 $0x4;
	p1 =	sne.s32 s20, s4;
	[sflag:s24] =	ssyncset.done @!p2 $0x0  }
.Ltmp4:
0x99: {  	[sflag:s24] =	ssyncadd.s32 @!p2 $0xFFFFEC00;
	s24 =	simm.s32 @!p2 $0x0;
	(pc) =	sbr.rel @p1 .LBB2_1-.Ltmp4, $4  }
0x9a: {  	[hbm4b:s21+s24] =	stream.linear.scatter @!p2 [tilespmem:s22], [sflag:s23], $0x1400, $0x38;
	[tilespmem:$0x1CD80] =	vst v63  }
0x9b: {  	_ =	swait.ge @!p2 [sflag:s23], $0x1400  }
0x9c: {  	[sflag:s23] =	ssyncset.done @!p2 $0x0  }
0x9d: {  	[sflag:s23] =	ssyncadd.s32 @!p2 $0xFFFFEC00  }
0x9e: {  	_ =	sfence.sel $0x180000  }
0x9f: {  	[bflag:$0x0] =	sbarrier.arrive $0xFFFF  }
0xa0: {  	p0 =	sne.s32 s3, $0x0;
	_ =	strace $0x9000005C  }
0xa1: {  	s0 =	sadd.s32 @!p0 $0x100000, s0;
	[bflag:$0x2] =	sbarrier.arrive $0xFFFF  }
0xa2: {  	[sflag:s0] =	ssyncadd.tile.s32 @!p0 $0x1;
	_ =	shalt  }
.Lfunc_end2:
_tile_overlayer_lowered:
.L_overlay_start_2:
0xa3: {  	(tag) =	ssettag $0x2  }
0xa4: {  	s0 =	rddreg [dreg:$0x0];
	s2 =	stileid.u32  }
0xa5: {  	s1 =	rddreg [dreg:$0x1];
	p0 =	sne.s32 s2, $0x0  }
0xa6: {  	s3 =	rddreg [dreg:$0x2];
	[bflag:$0x3] =	sbarrier.arrive $0xFFFF;
	s2 =	simm.s32 @!p0 $0x1C03  }
0xa7: {  	[timem:s3], [sflag:s2] =	dma.local @!p0 [hbm:s0], s1  }
0xa8: {  	s0 =	simm.s32 @!p0 $0x3  }
0xa9: {  	_ =	swait.ge @!p0 [sflag:s0], s1  }
0xaa: {  	s1 =	ssub.s32 @!p0 $0x0, s1;
	[sflag:s0] =	ssyncset.done @!p0 $0x0  }
0xab: {  	[sflag:s0] =	ssyncadd.s32 @!p0 s1  }
0xac: {  	[bflag:$0x3] =	sbarrier.arrive $0xFFFF  }
0xad: {  	_ =	shalt  }

// kernel: kernel.22.cloned.1.call-start
scs
__scs_entry_jumppad:
0x0: {  	(pc) =	sbr.rel $0x88, $3  }
0x1: {  	(tag) =	ssettag $0x0;
	lr =	simm.s32 $0x1  }
0x2: {  	[smem:$0x3F8D] =	sst lr;
	_ =	strace $0xD0000000  }
0x3: {  	_ = 	snop  }
0x4: {  	_ = 	snop  }
0x5: {  	_ = 	snop  }
0x6: {  	_ = 	snop  }
0x7: {  	_ = 	snop  }
__scs_overlays_trampoline_lowered:
0x8: {  	[smem:$0x3F9C] =	sst s0  }
0x9: {  	[smem:$0x3F9D] =	sst s1  }
0xa: {  	[smem:$0x3F9E] =	sst s2  }
0xb: {  	[smem:$0x3F9F] =	sst s3  }
0xc: {  	[smem:$0x3FA0] =	sst s4  }
0xd: {  	[smem:$0x3FA1] =	sst s5  }
0xe: {  	[smem:$0x3FA2] =	sst s6  }
0xf: {  	[smem:$0x3FA3] =	sst s7  }
0x10: {  	[smem:$0x3FA4] =	sst s8  }
0x11: {  	[smem:$0x3FA5] =	sst s9;
	s0 =	simm.s32 @!p0 $0x0  }
0x12: {  	s1 =	sld [smem:$0x3F8B];
	s0 =	simm.s32 @p0 $0x1  }
0x13: {  	[smem:$0x3FA6] =	sst s0;
	s0 =	simm.s32 @!p1 $0x0  }
0x14: {  	s2 =	sld [smem:$0x3F8A];
	s0 =	simm.s32 @p1 $0x1  }
0x15: {  	[smem:$0x3FA7] =	sst s0;
	s0 =	simm.s32 @!p2 $0x0  }
0x16: {  	s3 =	sld [smem:$0x3FDB];
	s0 =	simm.s32 @p2 $0x1  }
0x17: {  	s4 =	simm.s32 $0x1BF5;
	[smem:$0x3FA9] =	sst s0  }
0x18: {  	s0 =	sld [smem:$0x3F8C];
	_ =	swait.ge [sflag:s4], $0x0  }
0x19: {  	s7 =	sld [smem:$0x3F8D]  }
0x1a: {  	s8 =	sadd.s32 $0xFFFFE003, lr  }
0x1b: {  	s9 =	sadd.s32 $0xFFFFFEF7, lr;
	s5 =	simm.s32 $0xFFFFFFFF;
	p2 =	slt.u32 s8, $0xFFFFF086  }
0x1c: {  	p1 =	slt.u32 s9, $0xF7A;
	s5 =	simm.s32 @!p2 $0x0  }
0x1d: {  	s5 =	simm.s32 @p1 $0x1;
	p0 =	seq.s32 s7, s2  }
0x1e: {  	s7 =	smul.u32 @!p0 $0xF7A, s2;
	p2 =	seq.s32 @!p0 s5, $0x0  }
0x1f: {  	s9 =	smul.u32 $0xF7A, s1;
	s8 =	simm.s32 @!p0 $0x1BF5;
	p2 =	por !p2, p0  }
0x20: {  	[sflag:s8] =	ssyncset.s32 @!p0 $0xFFFFF086;
	s6 =	sadd.s32 @!p0 s3, s7;
	s7 =	simm.s32 @!p0 $0x108  }
0x21: {  	s3 =	sadd.s32 s3, s9;
	s6 =	sadd.s32 @!p0 $0x88, s6;
	s7 =	simm.s32 @p2 $0x1082  }
0x22: {  	[simem:s7], [sflag:s8] =	dma.local @!p0 [hbm:s6], $0xF7A  }
0x23: {  	s9 =	sor.u32 $0xD0000000, s2;
	s6 =	simm.s32 $0x108;
	_ =	swait.ge @!p0 [sflag:s8], $0x0  }
0x24: {  	s3 =	sadd.s32 $0x88, s3;
	s6 =	simm.s32 @!p1 $0x1082;
	[sflag:s4] =	ssyncset.s32 $0xFFFFF086  }
0x25: {  	[simem:s6], [sflag:s4] =	dma.local [hbm:s3], $0xF7A  }
0x26: {  	[smem:$0x3F8D] =	sst s1;
	(tag) =	ssettag s2;
	_ =	strace s9  }
0x27: {  	s1 =	sld [smem:$0x3F9D]  }
0x28: {  	s2 =	sld [smem:$0x3F9E]  }
0x29: {  	s4 =	sld [smem:$0x3FA0]  }
0x2a: {  	p0 =	seq.s32 s5, $0x0;
	s5 =	sld [smem:$0x3FA1]  }
0x2b: {  	s6 =	sld [smem:$0x3FA2]  }
0x2c: {  	s7 =	sld [smem:$0x3FA3]  }
0x2d: {  	s3 =	simm.s32 $0x108;
	s8 =	sld [smem:$0x3FA4]  }
0x2e: {  	s3 =	simm.s32 @!p0 $0x1082;
	s9 =	sld [smem:$0x3FA5]  }
0x2f: {  	lr =	sadd.s32 s0, s3;
	s0 =	sld [smem:$0x3F9C]  }
0x30: {  	s3 =	sld [smem:$0x3F9F]  }
0x31: {  	[smem:$0x3FA8] =	sst s10  }
0x32: {  	s10 =	sld [smem:$0x3FA6];
	_ =	sdelay $0x3  }
0x33: {  	p0 =	seq.s32 s10, $0x1;
	s10 =	sld [smem:$0x3FA8];
	_ =	sdelay $0x3  }
0x34: {  	[smem:$0x3FA8] =	sst s10  }
0x35: {  	s10 =	sld [smem:$0x3FA7];
	_ =	sdelay $0x3  }
0x36: {  	p1 =	seq.s32 s10, $0x1;
	s10 =	sld [smem:$0x3FA8];
	_ =	sdelay $0x3  }
0x37: {  	[smem:$0x3FA8] =	sst s10  }
0x38: {  	s10 =	sld [smem:$0x3FA9]  }
0x39: {  	_ = 	snop;
	(pc) =	sbr.ind lr, $3  }
0x3a: {  	_ = 	snop  }
0x3b: {  	_ = 	snop  }
0x3c: {  	p2 =	seq.s32 s10, $0x1;
	s10 =	sld [smem:$0x3FA8]  }
0x3d: {  	_ =	shalt  }
0x3e: {  	_ =	shalt  }
0x3f: {  	_ =	shalt  }
0x40: {  	_ =	shalt  }
0x41: {  	_ =	shalt  }
0x42: {  	_ =	shalt  }
0x43: {  	_ =	shalt  }
0x44: {  	_ =	shalt  }
0x45: {  	_ =	shalt  }
0x46: {  	_ =	shalt  }
0x47: {  	_ =	shalt  }
0x48: {  	_ =	shalt  }
0x49: {  	_ =	shalt  }
0x4a: {  	_ =	shalt  }
0x4b: {  	_ =	shalt  }
0x4c: {  	_ =	shalt  }
0x4d: {  	_ =	shalt  }
0x4e: {  	_ =	shalt  }
0x4f: {  	_ =	shalt  }
0x50: {  	_ =	shalt  }
0x51: {  	_ =	shalt  }
0x52: {  	_ =	shalt  }
0x53: {  	_ =	shalt  }
0x54: {  	_ =	shalt  }
0x55: {  	_ =	shalt  }
0x56: {  	_ =	shalt  }
0x57: {  	_ =	shalt  }
0x58: {  	_ =	shalt  }
0x59: {  	_ =	shalt  }
0x5a: {  	_ =	shalt  }
0x5b: {  	_ =	shalt  }
0x5c: {  	_ =	shalt  }
0x5d: {  	_ =	shalt  }
0x5e: {  	_ =	shalt  }
0x5f: {  	_ =	shalt  }
0x60: {  	_ =	shalt  }
0x61: {  	_ =	shalt  }
0x62: {  	_ =	shalt  }
0x63: {  	_ =	shalt  }
0x64: {  	_ =	shalt  }
0x65: {  	_ =	shalt  }
0x66: {  	_ =	shalt  }
0x67: {  	_ =	shalt  }
0x68: {  	_ =	shalt  }
0x69: {  	_ =	shalt  }
0x6a: {  	_ =	shalt  }
0x6b: {  	_ =	shalt  }
0x6c: {  	_ =	shalt  }
0x6d: {  	_ =	shalt  }
0x6e: {  	_ =	shalt  }
0x6f: {  	_ =	shalt  }
0x70: {  	_ =	shalt  }
0x71: {  	_ =	shalt  }
0x72: {  	_ =	shalt  }
0x73: {  	_ =	shalt  }
0x74: {  	_ =	shalt  }
0x75: {  	_ =	shalt  }
0x76: {  	_ =	shalt  }
0x77: {  	_ =	shalt  }
0x78: {  	_ =	shalt  }
0x79: {  	_ =	shalt  }
0x7a: {  	_ =	shalt  }
0x7b: {  	_ =	shalt  }
0x7c: {  	_ =	shalt  }
0x7d: {  	_ =	shalt  }
0x7e: {  	_ =	shalt  }
0x7f: {  	_ =	shalt  }
0x80: {  	_ =	shalt  }
0x81: {  	_ =	shalt  }
0x82: {  	_ =	shalt  }
0x83: {  	_ =	shalt  }
0x84: {  	_ =	shalt  }
0x85: {  	_ =	shalt  }
0x86: {  	_ =	shalt  }
0x87: {  	_ =	shalt  }
.Lfunc_end0:
.L_simem_size_0:
called_computation.2_lowered:
.L_overlay_start_0:
0x88: {  	s2 =	sld [smem:$0x3FD9]  }
0x89: {  	s3 =	sld [smem:$0x3FFE];
	_ =	sdelay $0x1  }
0x8a: {  	s1 =	srdreg.scid  }
0x8b: {  	s0 =	sand.u32 $0x1, s1  }
0x8c: {  	s17 =	sshll.u32 s0, $0xA;
	s2 =	sadd.s32 s3, s2  }
0x8d: {  	s2 =	sadd.s32 s2, s17  }
0x8e: {  	[smem:$0x3FB4] =	sst s2  }
0x8f: {  	_ = 	snop  }
0x90: {  	s2 =	sld [smem:$0x3FD0];
	(tm) =	ssettm $0x1  }
0x91: {  	s18 =	sld [smem:$0x3FFB];
	_ =	sdelay $0x3  }
0x92: {  	_ =	strace s18  }
0x93: {  	s3 =	sld [smem:$0x3FFC];
	_ =	sdelay $0x3  }
0x94: {  	_ =	strace s3  }
0x95: {  	s3 =	sld [smem:$0x3FFD];
	_ =	sdelay $0x3  }
0x96: {  	_ =	strace s3  }
0x97: {  	_ =	strace $0x8FFFFFFF  }
0x98: {  	s19 =	sld [smem:$0x3FDB];
	_ =	sdelay $0x1  }
0x99: {  	s4 =	simm.s32 $_scs_section_size  }
0x9a: {  	s5 =	simm.s32 $_size__tile_overlayer_lowered;
	s6 =	simm.s32 $_tile_overlayer_lowered  }
0x9b: {  	s22 =	simm.s32 $0x1BFF;
	s21 =	sshll.u32 s6, $0x1;
	s3 =	sadd.s32 s4, s19  }
0x9c: {  	s7 =	simm.s32 $0x0;
	s20 =	sshll.u32 s5, $0x1;
	s5 =	sadd.s32 s21, s3  }
0x9d: {  	[timem:s7], [sflag:s22] =	dma.local [hbm:s5], s20  }
0x9e: {  	_ =	swait.ge [sflag:s22], s20  }
0x9f: {  	s4 =	ssub.s32 $0x0, s20;
	[sflag:s22] =	ssyncset.done $0x0  }
0xa0: {  	[sflag:s22] =	ssyncadd.s32 s4;
	_ =	sdelay $0x1  }
0xa1: {  	s23 =	simm.s32 $0x1B8B  }
0xa2: {  	_ =	swait.ge [sflag:s23], $0x1  }
0xa3: {  	[sflag:s23] =	ssyncset.done $0x0  }
0xa4: {  	s25 =	simm.s32 $0x1B8E;
	s24 =	sld [smem:$0x3FFE];
	[sflag:s23] =	ssyncadd.s32 $0xFFFFFFFF  }
0xa5: {  	s26 =	simm.s32 $execute0_lowered;
	[smem:$0x3FD2] =	sst s25  }
0xa6: {  	s5 =	sshll.u32 s26, $0x1;
	_ =	strace $0x80000046;
	[dreg:$0x1] =	wrdreg $0xFFFFFFFF  }
0xa7: {  	s28 =	simm.s32 $_size_execute0_lowered;
	s3 =	sadd.s32 s3, s5;
	[dreg:$0x0] =	wrdreg $0x0  }
0xa8: {  	s5 =	sshll.u32 s28, $0x1;
	[dreg:$0x2] =	wrdreg s3  }
0xa9: {  	[dreg:$0x3] =	wrdreg s5  }
0xaa: {  	[dreg:$0x4] =	wrdreg $0xC0  }
0xab: {  	_ =	task [dreg:s7], $0x5FFFF  }
0xac: {  	[dreg:$0x1] =	wrdreg $0xFFFFFFFF  }
0xad: {  	[dreg:$0x0] =	wrdreg $0x60  }
0xae: {  	[dreg:$0x2] =	wrdreg s2  }
0xaf: {  	[dreg:$0x3] =	wrdreg s24  }
0xb0: {  	[dreg:$0x4] =	wrdreg $0xA  }
0xb1: {  	_ =	task.clear_ibuf [dreg:s7], $0x5FFFF;
	_ =	strace $0x90000046  }
0xb2: {  	s29 =	simm.s32 $0xA;
	_ =	strace $0x80000048  }
0xb3: {  	_ =	swait.ge [sflag:s29], $0x1  }
0xb4: {  	[sflag:s29] =	ssyncadd.s32 $0xFFFFFFFF  }
0xb5: {  	_ =	strace $0x90000048  }
0xb6: {  	_ =	sfence  }
0xb7: {  	s30 =	sld [smem:$0x0];
	_ =	sdelay $0x2  }
0xb8: {  	s31 =	sshll.u32 s1, $0xD;
	s1 =	sshrl.u32 s1, $0x2  }
0xb9: {  	s3 =	sand.u32 $0x4000, s31;
	s1 =	sadd.s32 s1, s30  }
0xba: {  	s0 =	sor.u32 s3, s0;
	s1 =	sshll.u32 s1, $0x11  }
0xbb: {  	s0 =	sor.u32 s1, s0  }
0xbc: {  	s0 =	sadd.s32 $0x8F2B, s0  }
0xbd: {  	[sflag:s0] =	ssyncadd.remote.s32 $0x1  }
0xbe: {  	_ =	sfence.sel $0xFFFF  }
0xbf: {  	[dreg:$0x0] =	wrdreg $0xFFFFFFFF;
	(pc) =	sbr.abs _section_cstart, $3  }
0xc0: {  	[dreg:$0x1] =	wrdreg $0xFFFFFFFF  }
0xc1: {  	_ =	task.clear_ibuf [dreg:s7], $0x2FFFF;
	_ =	strace $0x9FFFFFFF  }
0xc2: {  	(tm) =	ssettm $0x7FFFFFFF  }
0xc3: {  	_ =	shalt  }
tec
execute0_lowered:
.L_overlay_start_1:
0x0: {  	(tag) =	ssettag $0x1  }
0x1: {  	s1 =	rddreg [dreg:$0x0]  }
0x2: {  	s0 =	rddreg [dreg:$0x1];
	s3 =	srdreg.scid;
	s2 =	simm.s32 $0x0  }
0x3: {  	s28 =	stileid.u32;
	s11 =	simm.s32 $0x3;
	s12 =	simm.s32 $0x80  }
0x4: {  	s13 =	simm.s32 $0x100;
	s14 =	simm.s32 $0x4100;
	s15 =	simm.s32 $0x1  }
0x5: {  	s16 =	simm.s32 $0x2;
	s17 =	simm.s32 $0x0;
	s4 =	sand.u32 $0x1, s3  }
0x6: {  	[smem:$0x7FF] =	sst s2;
	s8 =	sshll.u32 s28, $0x4;
	s3 =	sshll.u32 s4, $0x8  }
0x7: {  	_ =	strace $0x80000047;
	s6 =	sshll.u32 s4, $0xF;
	s7 =	ssub.s32 $0x2, s4  }
0x8: {  	s9 =	sshll.u32 s4, $0x4;
	s5 =	sadd.s32 s3, s0;
	s29 =	sshrl.u32 s7, $0x1  }
0x9: {  	s0 =	sadd.s32 s6, s0;
	s10 =	sor.u32 s9, s28;
	s6 =	ssub.s32 s7, s29  }
0xa: {  	s30 =	sadd.s32 s8, s5;
	s7 =	sshll.u32 s28, $0xB;
	s8 =	sadd.s32 $0x155800, s0  }
0xb: {  	s9 =	sadd.s32 $0x1D000, s0;
	s10 =	sor.u32 $0x20, s10;
	s31 =	smax.u32 s6, $0x1  }
0xc: {  	s5 =	sadd.s32 $0x9000, s30;
	s6 =	sadd.s32 $0x13000, s30;
	[dreg:$0x3] =	wrdreg s31  }
.LBB2_1:
0xd: {  	p0 =	por $0x1, $0x1  }
0xe: {  	s0 =	simm.s32 @!p0 $0x1  }
0xf: {  	_ =	swait.ge @!p0 [sflag:s0], $0x4000  }
0x10: {  	[sflag:s0] =	ssyncset.done @!p0 $0x0  }
0x11: {  	[sflag:s0] =	ssyncadd.s32 @!p0 $0xFFFFC000  }
0x12: {  	_ =	swait.ge @!p0 [sflag:s0], $0x4000  }
0x13: {  	[sflag:s0] =	ssyncset.done @!p0 $0x0  }
0x14: {  	s23 =	sadd.s32 $0x0, s6;
	[sflag:s0] =	ssyncadd.s32 @!p0 $0xFFFFC000  }
0x15: {  	[tilespmem:s2], [sflag:$0x3] =	stream.linear.gather [hbm4b:s23+s2], $0x80, $0x38;
	[tilespmem:$0x10200] =	vst v63  }
0x16: {  	_ =	swait.ge [sflag:s11], $0x80  }
0x17: {  	[sflag:s11] =	ssyncset.done $0x0  }
0x18: {  	s24 =	sadd.s32 $0x0, s5;
	[sflag:s11] =	ssyncadd.s32 $0xFFFFFF80  }
0x19: {  	[tilespmem:s12], [sflag:$0x3] =	stream.linear.gather [hbm4b:s24+s2], $0x80, $0x38;
	[tilespmem:$0x10200] =	vst v63  }
0x1a: {  	_ =	swait.ge [sflag:s11], $0x80  }
0x1b: {  	[sflag:s11] =	ssyncset.done $0x0  }
0x1c: {  	[sflag:s11] =	ssyncadd.s32 $0xFFFFFF80  }
0x1d: {  	[tilespmem:s13], [sflag:$0x3] =	stream.indirect.gather [hbm4b:s1+s12], $0x80, s2, s12, $0xb8;
	[tilespmem:$0x10200] =	vst v63  }
0x1e: {  	_ =	swait.ge [sflag:s11], $0x4000  }
0x1f: {  	[sflag:s11] =	ssyncset.done $0x0  }
0x20: {  	[sflag:s11] =	ssyncadd.s32 $0xFFFFC000  }
0x21: {  	[tilespmem:s14], [sflag:$0x3] =	stream.indirect.gather [hbm4b:s1+s12], $0x80, s12, s12, $0xb8;
	[tilespmem:$0x10200] =	vst v63  }
0x22: {  	p0 =	sgt.u32 s10, $0x270;
	_ =	swait.ge [sflag:s11], $0x4000  }
0x23: {  	p1 =	por @!p0 $0x1, $0x1;
	[sflag:s11] =	ssyncset.done $0x0  }
0x24: {  	s25 =	sadd.s32 s9, s7;
	p1 =	por p1, p0;
	[sflag:s11] =	ssyncadd.s32 $0xFFFFC000  }
0x25: {  	[hbm4b:s25+s2] =	stream.linear.scatter [tilespmem:s13], [sflag:$0x1], $0x4000, $0x38;
	[tilespmem:$0x10200] =	vst v63  }
0x26: {  	s26 =	sadd.s32 s8, s7;
	s18 =	simm.s32 @!p1 $0x2  }
0x27: {  	[hbm4b:s26+s2] =	stream.linear.scatter [tilespmem:s14], [sflag:$0x1], $0x4000, $0x38;
	[tilespmem:$0x10200] =	vst v63  }
0x28: {  	_ =	swait.ge @!p1 [sflag:s18], $0x4000  }
0x29: {  	[sflag:s18] =	ssyncset.done @!p1 $0x0  }
0x2a: {  	[sflag:s18] =	ssyncadd.s32 @!p1 $0xFFFFC000  }
0x2b: {  	s0 =	sadd.s32 @!p0 $0x0, s6;
	_ =	swait.ge @!p1 [sflag:s18], $0x4000  }
0x2c: {  	s23 =	simm.s32 @!p0 $0x0;
	s20 =	simm.s32 @!p0 $0x8100;
	[sflag:s18] =	ssyncset.done @!p1 $0x0  }
0x2d: {  	s0 =	sadd.s32 @!p0 $0x200, s0;
	s25 =	simm.s32 @!p0 $0x3;
	[sflag:s18] =	ssyncadd.s32 @!p1 $0xFFFFC000  }
0x2e: {  	[tilespmem:s20], [sflag:$0x3] =	stream.linear.gather @!p0 [hbm4b:s0+s23], $0x80, $0x38;
	[tilespmem:$0x10200] =	vst v63  }
0x2f: {  	s19 =	simm.s32 $0x400;
	_ =	swait.ge @!p0 [sflag:s25], $0x80  }
0x30: {  	s22 =	simm.s32 $0x800;
	s0 =	sadd.s32 @!p0 $0x0, s5;
	[sflag:s25] =	ssyncset.done @!p0 $0x0  }
0x31: {  	s28 =	simm.s32 @!p0 $0x8180;
	s0 =	sadd.s32 @!p0 $0x200, s0;
	[sflag:s25] =	ssyncadd.s32 @!p0 $0xFFFFFF80  }
0x32: {  	[tilespmem:s28], [sflag:$0x3] =	stream.linear.gather @!p0 [hbm4b:s0+s23], $0x80, $0x38;
	[tilespmem:$0x10200] =	vst v63  }
0x33: {  	s21 =	sadd.s32 $0x40, s10;
	s30 =	simm.s32 @!p0 $0x8200;
	_ =	swait.ge @!p0 [sflag:s25], $0x80  }
0x34: {  	s18 =	sadd.s32 @!p0 s8, s7;
	s0 =	sadd.s32 @!p0 s9, s7;
	[sflag:s25] =	ssyncset.done @!p0 $0x0  }
0x35: {  	s26 =	sadd.s32 @!p0 $0x10000, s0;
	s0 =	simm.s32 @!p0 $0x80;
	[sflag:s25] =	ssyncadd.s32 @!p0 $0xFFFFFF80  }
0x36: {  	[tilespmem:s30], [sflag:$0x3] =	stream.indirect.gather @!p0 [hbm4b:s1+s0], $0x80, s20, s0, $0xb8;
	[tilespmem:$0x10200] =	vst v63  }
0x37: {  	s31 =	simm.s32 @!p0 $0xC200;
	s29 =	sadd.s32 @!p0 $0x10000, s18;
	_ =	swait.ge @!p0 [sflag:s25], $0x4000  }
0x38: {  	s18 =	sadd.s32 $0x20000, s9;
	s20 =	smov.u32 s8;
	[sflag:s25] =	ssyncset.done @!p0 $0x0  }
.LBB2_2:
0x39: {  	[sflag:s25] =	ssyncadd.s32 @!p0 $0xFFFFC000  }
0x3a: {  	s20 =	sadd.s32 $0x20000, s20;
	s24 =	smov.u32 s22;
	s22 =	sadd.s32 $0x400, s22  }
0x3b: {  	[tilespmem:s31], [sflag:$0x3] =	stream.indirect.gather @!p0 [hbm4b:s1+s0], $0x80, s28, s0, $0xb8;
	[tilespmem:$0x10200] =	vst v63  }
0x3c: {  	p1 =	sne.s32 s22, $0x2800;
	_ =	swait.ge @!p0 [sflag:s25], $0x4000  }
0x3d: {  	[sflag:s25] =	ssyncset.done @!p0 $0x0  }
0x3e: {  	p2 =	seq.s32 s19, $0x0;
	[sflag:s25] =	ssyncadd.s32 @!p0 $0xFFFFC000  }
0x3f: {  	[hbm4b:s26+s23] =	stream.linear.scatter @!p0 [tilespmem:s30], [sflag:$0x2], $0x4000, $0x38;
	[tilespmem:$0x10200] =	vst v63  }
0x40: {  	s0 =	simm.s32 @!p2 $0x1  }
0x41: {  	[hbm4b:s29+s23] =	stream.linear.scatter @!p0 [tilespmem:s31], [sflag:$0x2], $0x4000, $0x38;
	[tilespmem:$0x10200] =	vst v63  }
0x42: {  	_ =	swait.ge @!p2 [sflag:s0], $0x4000  }
0x43: {  	[sflag:s0] =	ssyncset.done @!p2 $0x0  }
0x44: {  	[sflag:s0] =	ssyncadd.s32 @!p2 $0xFFFFC000  }
0x45: {  	_ =	swait.ge @!p2 [sflag:s0], $0x4000  }
0x46: {  	[sflag:s0] =	ssyncset.done @!p2 $0x0  }
0x47: {  	[sflag:s0] =	ssyncadd.s32 @!p2 $0xFFFFC000;
	s0 =	sadd.s32 s19, s6  }
0x48: {  	[tilespmem:s2], [sflag:$0x3] =	stream.linear.gather [hbm4b:s0+s2], $0x80, $0x38;
	[tilespmem:$0x10200] =	vst v63  }
0x49: {  	_ =	swait.ge [sflag:s11], $0x80  }
0x4a: {  	s0 =	sadd.s32 s19, s5;
	[sflag:s11] =	ssyncset.done $0x0  }
0x4b: {  	[sflag:s11] =	ssyncadd.s32 $0xFFFFFF80  }
0x4c: {  	[tilespmem:s12], [sflag:$0x3] =	stream.linear.gather [hbm4b:s0+s2], $0x80, $0x38;
	[tilespmem:$0x10200] =	vst v63  }
0x4d: {  	_ =	swait.ge [sflag:s11], $0x80  }
0x4e: {  	[sflag:s11] =	ssyncset.done $0x0  }
0x4f: {  	[sflag:s11] =	ssyncadd.s32 $0xFFFFFF80  }
0x50: {  	[tilespmem:s13], [sflag:$0x3] =	stream.indirect.gather [hbm4b:s1+s12], $0x80, s2, s12, $0xb8;
	[tilespmem:$0x10200] =	vst v63  }
0x51: {  	_ =	swait.ge [sflag:s11], $0x4000  }
0x52: {  	[sflag:s11] =	ssyncset.done $0x0  }
0x53: {  	[sflag:s11] =	ssyncadd.s32 $0xFFFFC000  }
0x54: {  	[tilespmem:s14], [sflag:$0x3] =	stream.indirect.gather [hbm4b:s1+s12], $0x80, s12, s12, $0xb8;
	[tilespmem:$0x10200] =	vst v63  }
0x55: {  	s0 =	sadd.s32 s20, s7;
	_ =	swait.ge [sflag:s11], $0x4000  }
0x56: {  	s23 =	sadd.s32 s18, s7;
	p0 =	sgt.u32 s21, $0x270;
	[sflag:s11] =	ssyncset.done $0x0  }
0x57: {  	s25 =	sadd.s32 @!p0 s19, s6;
	p2 =	seq.s32 @!p0 s19, $0x0;
	[sflag:s11] =	ssyncadd.s32 $0xFFFFC000  }
0x58: {  	s31 =	sadd.s32 @!p0 $0x200, s25;
	p2 =	por p2, p0;
	s19 =	sadd.s32 @!p0 s19, s5  }
0x59: {  	[hbm4b:s23+s2] =	stream.linear.scatter [tilespmem:s13], [sflag:$0x1], $0x4000, $0x38;
	[tilespmem:$0x10200] =	vst v63  }
0x5a: {  	s3 =	simm.s32 @!p0 $0x8100;
	s30 =	simm.s32 @!p2 $0x2;
	s23 =	simm.s32 @!p0 $0x0  }
0x5b: {  	[hbm4b:s0+s2] =	stream.linear.scatter [tilespmem:s14], [sflag:$0x1], $0x4000, $0x38;
	[tilespmem:$0x10200] =	vst v63  }
0x5c: {  	s4 =	sadd.s32 @!p0 $0x200, s19;
	s0 =	sadd.s32 @!p0 s18, s7;
	_ =	swait.ge @!p2 [sflag:s30], $0x4000  }
0x5d: {  	s28 =	simm.s32 @!p0 $0x8180;
	s26 =	sadd.s32 @!p0 $0x10000, s0;
	[sflag:s30] =	ssyncset.done @!p2 $0x0  }
0x5e: {  	s19 =	smov.u32 s24;
	s0 =	sadd.s32 @!p0 s20, s7;
	[sflag:s30] =	ssyncadd.s32 @!p2 $0xFFFFC000  }
0x5f: {  	s29 =	sadd.s32 @!p0 $0x10000, s0;
	_ =	swait.ge @!p2 [sflag:s30], $0x4000  }
0x60: {  	s25 =	simm.s32 @!p0 $0x3;
	[sflag:s30] =	ssyncset.done @!p2 $0x0  }
0x61: {  	s0 =	simm.s32 @!p0 $0x80;
	[sflag:s30] =	ssyncadd.s32 @!p2 $0xFFFFC000;
	s30 =	simm.s32 @!p0 $0x8200  }
0x62: {  	[tilespmem:s3], [sflag:$0x3] =	stream.linear.gather @!p0 [hbm4b:s31+s23], $0x80, $0x38;
	[tilespmem:$0x10200] =	vst v63  }
0x63: {  	_ =	swait.ge @!p0 [sflag:s25], $0x80  }
0x64: {  	[sflag:s25] =	ssyncset.done @!p0 $0x0  }
0x65: {  	s31 =	simm.s32 @!p0 $0xC200;
	[sflag:s25] =	ssyncadd.s32 @!p0 $0xFFFFFF80  }
0x66: {  	[tilespmem:s28], [sflag:$0x3] =	stream.linear.gather @!p0 [hbm4b:s4+s23], $0x80, $0x38;
	[tilespmem:$0x10200] =	vst v63  }
0x67: {  	_ =	swait.ge @!p0 [sflag:s25], $0x80  }
.Ltmp0:
0x68: {  	[sflag:s25] =	ssyncset.done @!p0 $0x0;
	(pc) =	sbr.rel @p1 .LBB2_2-.Ltmp0, $4  }
0x69: {  	[sflag:s25] =	ssyncadd.s32 @!p0 $0xFFFFFF80  }
0x6a: {  	[tilespmem:s30], [sflag:$0x3] =	stream.indirect.gather @!p0 [hbm4b:s1+s0], $0x80, s3, s0, $0xb8;
	[tilespmem:$0x10200] =	vst v63  }
0x6b: {  	_ =	swait.ge @!p0 [sflag:s25], $0x4000  }
0x6c: {  	s21 =	sadd.s32 $0x40, s21;
	s18 =	sadd.s32 $0x20000, s18;
	[sflag:s25] =	ssyncset.done @!p0 $0x0  }
0x6d: {  	[sflag:s25] =	ssyncadd.s32 @!p0 $0xFFFFC000  }
0x6e: {  	[tilespmem:s31], [sflag:$0x3] =	stream.indirect.gather @!p0 [hbm4b:s1+s0], $0x80, s28, s0, $0xb8;
	[tilespmem:$0x10200] =	vst v63  }
0x6f: {  	_ =	swait.ge @!p0 [sflag:s25], $0x4000  }
0x70: {  	[sflag:s25] =	ssyncset.done @!p0 $0x0  }
0x71: {  	p1 =	seq.s32 s19, $0x0;
	[sflag:s25] =	ssyncadd.s32 @!p0 $0xFFFFC000  }
0x72: {  	[hbm4b:s26+s23] =	stream.linear.scatter @!p0 [tilespmem:s30], [sflag:$0x2], $0x4000, $0x38;
	[tilespmem:$0x10200] =	vst v63  }
0x73: {  	s0 =	simm.s32 @!p1 $0x1  }
0x74: {  	[hbm4b:s29+s23] =	stream.linear.scatter @!p0 [tilespmem:s31], [sflag:$0x2], $0x4000, $0x38;
	[tilespmem:$0x10200] =	vst v63  }
0x75: {  	_ =	swait.ge @!p1 [sflag:s0], $0x4000  }
0x76: {  	[sflag:s0] =	ssyncset.done @!p1 $0x0  }
0x77: {  	[sflag:s0] =	ssyncadd.s32 @!p1 $0xFFFFC000  }
0x78: {  	_ =	swait.ge @!p1 [sflag:s0], $0x4000  }
0x79: {  	[sflag:s0] =	ssyncset.done @!p1 $0x0  }
0x7a: {  	s28 =	sadd.s32 s19, s6;
	[sflag:s0] =	ssyncadd.s32 @!p1 $0xFFFFC000  }
0x7b: {  	[tilespmem:s2], [sflag:$0x3] =	stream.linear.gather [hbm4b:s28+s2], $0x80, $0x38;
	[tilespmem:$0x10200] =	vst v63  }
0x7c: {  	_ =	swait.ge [sflag:s11], $0x80  }
0x7d: {  	[sflag:s11] =	ssyncset.done $0x0  }
0x7e: {  	s29 =	sadd.s32 s19, s5;
	[sflag:s11] =	ssyncadd.s32 $0xFFFFFF80  }
0x7f: {  	[tilespmem:s12], [sflag:$0x3] =	stream.linear.gather [hbm4b:s29+s2], $0x80, $0x38;
	[tilespmem:$0x10200] =	vst v63  }
0x80: {  	_ =	swait.ge [sflag:s11], $0x80  }
0x81: {  	[sflag:s11] =	ssyncset.done $0x0  }
0x82: {  	[sflag:s11] =	ssyncadd.s32 $0xFFFFFF80  }
0x83: {  	[tilespmem:s13], [sflag:$0x3] =	stream.indirect.gather [hbm4b:s1+s12], $0x80, s2, s12, $0xb8;
	[tilespmem:$0x10200] =	vst v63  }
0x84: {  	_ =	swait.ge [sflag:s11], $0x4000  }
0x85: {  	[sflag:s11] =	ssyncset.done $0x0  }
0x86: {  	[sflag:s11] =	ssyncadd.s32 $0xFFFFC000  }
0x87: {  	[tilespmem:s14], [sflag:$0x3] =	stream.indirect.gather [hbm4b:s1+s12], $0x80, s12, s12, $0xb8;
	[tilespmem:$0x10200] =	vst v63  }
0x88: {  	p0 =	sgt.u32 s21, $0x270;
	_ =	swait.ge [sflag:s11], $0x4000  }
0x89: {  	s3 =	sadd.s32 s18, s7;
	p1 =	seq.s32 @!p0 s19, $0x0;
	[sflag:s11] =	ssyncset.done $0x0  }
0x8a: {  	s0 =	sadd.s32 $0x20000, s20;
	p1 =	por p1, p0;
	[sflag:s11] =	ssyncadd.s32 $0xFFFFC000  }
0x8b: {  	[hbm4b:s3+s2] =	stream.linear.scatter [tilespmem:s13], [sflag:$0x1], $0x4000, $0x38;
	[tilespmem:$0x10200] =	vst v63  }
0x8c: {  	s30 =	sadd.s32 s0, s7;
	s4 =	simm.s32 @!p1 $0x2  }
0x8d: {  	[hbm4b:s30+s2] =	stream.linear.scatter [tilespmem:s14], [sflag:$0x1], $0x4000, $0x38;
	[tilespmem:$0x10200] =	vst v63  }
0x8e: {  	_ =	swait.ge @!p1 [sflag:s4], $0x4000  }
0x8f: {  	[sflag:s4] =	ssyncset.done @!p1 $0x0  }
0x90: {  	[sflag:s4] =	ssyncadd.s32 @!p1 $0xFFFFC000  }
0x91: {  	s21 =	simm.s32 @!p0 $0x8100;
	_ =	swait.ge @!p1 [sflag:s4], $0x4000  }
0x92: {  	s22 =	simm.s32 @!p0 $0x3;
	s3 =	sadd.s32 @!p0 s19, s6;
	[sflag:s4] =	ssyncset.done @!p1 $0x0  }
0x93: {  	s20 =	simm.s32 @!p0 $0x0;
	s3 =	sadd.s32 @!p0 $0x200, s3;
	[sflag:s4] =	ssyncadd.s32 @!p1 $0xFFFFC000  }
0x94: {  	[tilespmem:s21], [sflag:$0x3] =	stream.linear.gather @!p0 [hbm4b:s3+s20], $0x80, $0x38;
	[tilespmem:$0x10200] =	vst v63  }
0x95: {  	_ =	swait.ge @!p0 [sflag:s22], $0x80  }
0x96: {  	s3 =	sadd.s32 @!p0 s19, s5;
	[sflag:s22] =	ssyncset.done @!p0 $0x0  }
0x97: {  	s4 =	simm.s32 @!p0 $0x8180;
	s3 =	sadd.s32 @!p0 $0x200, s3;
	[sflag:s22] =	ssyncadd.s32 @!p0 $0xFFFFFF80  }
0x98: {  	[tilespmem:s4], [sflag:$0x3] =	stream.linear.gather @!p0 [hbm4b:s3+s20], $0x80, $0x38;
	[tilespmem:$0x10200] =	vst v63  }
0x99: {  	_ =	swait.ge @!p0 [sflag:s22], $0x80  }
0x9a: {  	[sflag:s22] =	ssyncset.done @!p0 $0x0  }
0x9b: {  	s19 =	simm.s32 @!p0 $0x8200;
	s3 =	simm.s32 @!p0 $0x80;
	[sflag:s22] =	ssyncadd.s32 @!p0 $0xFFFFFF80  }
0x9c: {  	[tilespmem:s19], [sflag:$0x3] =	stream.indirect.gather @!p0 [hbm4b:s1+s3], $0x80, s21, s3, $0xb8;
	[tilespmem:$0x10200] =	vst v63  }
0x9d: {  	_ =	swait.ge @!p0 [sflag:s22], $0x4000  }
0x9e: {  	[sflag:s22] =	ssyncset.done @!p0 $0x0  }
0x9f: {  	s21 =	simm.s32 @!p0 $0xC200;
	[sflag:s22] =	ssyncadd.s32 @!p0 $0xFFFFC000  }
0xa0: {  	[tilespmem:s21], [sflag:$0x3] =	stream.indirect.gather @!p0 [hbm4b:s1+s3], $0x80, s4, s3, $0xb8;
	[tilespmem:$0x10200] =	vst v63  }
0xa1: {  	_ =	swait.ge @!p0 [sflag:s22], $0x4000  }
0xa2: {  	s3 =	sadd.s32 @!p0 s18, s7;
	[sflag:s22] =	ssyncset.done @!p0 $0x0  }
0xa3: {  	s0 =	sadd.s32 @!p0 s0, s7;
	s3 =	sadd.s32 @!p0 $0x10000, s3;
	[sflag:s22] =	ssyncadd.s32 @!p0 $0xFFFFC000  }
0xa4: {  	[hbm4b:s3+s20] =	stream.linear.scatter @!p0 [tilespmem:s19], [sflag:$0x2], $0x4000, $0x38;
	[tilespmem:$0x10200] =	vst v63  }
0xa5: {  	s0 =	sadd.s32 @!p0 $0x10000, s0  }
0xa6: {  	[hbm4b:s0+s20] =	stream.linear.scatter @!p0 [tilespmem:s21], [sflag:$0x2], $0x4000, $0x38;
	[tilespmem:$0x10200] =	vst v63  }
0xa7: {  	_ =	swait.ge [sflag:s15], $0x4000  }
0xa8: {  	[sflag:s15] =	ssyncset.done $0x0  }
0xa9: {  	[sflag:s15] =	ssyncadd.s32 $0xFFFFC000  }
0xaa: {  	_ =	swait.ge [sflag:s15], $0x4000  }
0xab: {  	[sflag:s15] =	ssyncset.done $0x0  }
0xac: {  	[sflag:s15] =	ssyncadd.s32 $0xFFFFC000  }
0xad: {  	_ =	swait.ge [sflag:s16], $0x4000  }
0xae: {  	[sflag:s16] =	ssyncset.done $0x0  }
0xaf: {  	[sflag:s16] =	ssyncadd.s32 $0xFFFFC000  }
0xb0: {  	_ =	swait.ge [sflag:s16], $0x4000  }
0xb1: {  	s17 =	sadd.s32 $0x1, s17;
	s31 =	rddreg [dreg:$0x3]  }
0xb2: {  	p0 =	sne.s32 s17, s31  }
.Ltmp1:
0xb3: {  	_ = 	snop;
	(pc) =	sbr.rel @p0 .LBB2_1-.Ltmp1, $3  }
0xb4: {  	_ =	sdelay $0x1  }
0xb5: {  	[sflag:s16] =	ssyncset.done $0x0  }
0xb6: {  	[sflag:s16] =	ssyncadd.s32 $0xFFFFC000  }
0xb7: {  	_ =	sfence.sel $0x180000  }
0xb8: {  	[bflag:$0x0] =	sbarrier.arrive $0xFFFF  }
0xb9: {  	_ =	strace $0x90000047  }
0xba: {  	s0 =	stileid.u32;
	[bflag:$0x2] =	sbarrier.arrive $0xFFFF  }
0xbb: {  	p0 =	sne.s32 s0, $0x0;
	s0 =	rddreg [dreg:$0x2]  }
0xbc: {  	s0 =	sadd.s32 @!p0 $0x100000, s0  }
0xbd: {  	[sflag:s0] =	ssyncadd.tile.s32 @!p0 $0x1;
	_ =	shalt  }
.Lfunc_end2:
_tile_overlayer_lowered:
.L_overlay_start_2:
0xbe: {  	(tag) =	ssettag $0x2  }
0xbf: {  	s0 =	rddreg [dreg:$0x0];
	s2 =	stileid.u32  }
0xc0: {  	s1 =	rddreg [dreg:$0x1];
	p0 =	sne.s32 s2, $0x0  }
0xc1: {  	s3 =	rddreg [dreg:$0x2];
	[bflag:$0x3] =	sbarrier.arrive $0xFFFF;
	s2 =	simm.s32 @!p0 $0x1C03  }
0xc2: {  	[timem:s3], [sflag:s2] =	dma.local @!p0 [hbm:s0], s1  }
0xc3: {  	s0 =	simm.s32 @!p0 $0x3  }
0xc4: {  	_ =	swait.ge @!p0 [sflag:s0], s1  }
0xc5: {  	s1 =	ssub.s32 @!p0 $0x0, s1;
	[sflag:s0] =	ssyncset.done @!p0 $0x0  }
0xc6: {  	[sflag:s0] =	ssyncadd.s32 @!p0 s1  }
0xc7: {  	[bflag:$0x3] =	sbarrier.arrive $0xFFFF  }
0xc8: {  	_ =	shalt  }

// kernel: kernel.25.cloned.1.call-start
scs
__scs_entry_jumppad:
0x0: {  	(pc) =	sbr.rel $0x88, $3  }
0x1: {  	(tag) =	ssettag $0x0;
	lr =	simm.s32 $0x1  }
0x2: {  	[smem:$0x3F8D] =	sst lr;
	_ =	strace $0xD0000000  }
0x3: {  	_ = 	snop  }
0x4: {  	_ = 	snop  }
0x5: {  	_ = 	snop  }
0x6: {  	_ = 	snop  }
0x7: {  	_ = 	snop  }
__scs_overlays_trampoline_lowered:
0x8: {  	[smem:$0x3F9C] =	sst s0  }
0x9: {  	[smem:$0x3F9D] =	sst s1  }
0xa: {  	[smem:$0x3F9E] =	sst s2  }
0xb: {  	[smem:$0x3F9F] =	sst s3  }
0xc: {  	[smem:$0x3FA0] =	sst s4  }
0xd: {  	[smem:$0x3FA1] =	sst s5  }
0xe: {  	[smem:$0x3FA2] =	sst s6  }
0xf: {  	[smem:$0x3FA3] =	sst s7  }
0x10: {  	[smem:$0x3FA4] =	sst s8  }
0x11: {  	[smem:$0x3FA5] =	sst s9;
	s0 =	simm.s32 @!p0 $0x0  }
0x12: {  	s1 =	sld [smem:$0x3F8B];
	s0 =	simm.s32 @p0 $0x1  }
0x13: {  	[smem:$0x3FA6] =	sst s0;
	s0 =	simm.s32 @!p1 $0x0  }
0x14: {  	s2 =	sld [smem:$0x3F8A];
	s0 =	simm.s32 @p1 $0x1  }
0x15: {  	[smem:$0x3FA7] =	sst s0;
	s0 =	simm.s32 @!p2 $0x0  }
0x16: {  	s3 =	sld [smem:$0x3FDB];
	s0 =	simm.s32 @p2 $0x1  }
0x17: {  	s4 =	simm.s32 $0x1BF5;
	[smem:$0x3FA9] =	sst s0  }
0x18: {  	s0 =	sld [smem:$0x3F8C];
	_ =	swait.ge [sflag:s4], $0x0  }
0x19: {  	s7 =	sld [smem:$0x3F8D]  }
0x1a: {  	s8 =	sadd.s32 $0xFFFFE003, lr  }
0x1b: {  	s9 =	sadd.s32 $0xFFFFFEF7, lr;
	s5 =	simm.s32 $0xFFFFFFFF;
	p2 =	slt.u32 s8, $0xFFFFF086  }
0x1c: {  	p1 =	slt.u32 s9, $0xF7A;
	s5 =	simm.s32 @!p2 $0x0  }
0x1d: {  	s5 =	simm.s32 @p1 $0x1;
	p0 =	seq.s32 s7, s2  }
0x1e: {  	s7 =	smul.u32 @!p0 $0xF7A, s2;
	p2 =	seq.s32 @!p0 s5, $0x0  }
0x1f: {  	s9 =	smul.u32 $0xF7A, s1;
	s8 =	simm.s32 @!p0 $0x1BF5;
	p2 =	por !p2, p0  }
0x20: {  	[sflag:s8] =	ssyncset.s32 @!p0 $0xFFFFF086;
	s6 =	sadd.s32 @!p0 s3, s7;
	s7 =	simm.s32 @!p0 $0x108  }
0x21: {  	s3 =	sadd.s32 s3, s9;
	s6 =	sadd.s32 @!p0 $0x88, s6;
	s7 =	simm.s32 @p2 $0x1082  }
0x22: {  	[simem:s7], [sflag:s8] =	dma.local @!p0 [hbm:s6], $0xF7A  }
0x23: {  	s9 =	sor.u32 $0xD0000000, s2;
	s6 =	simm.s32 $0x108;
	_ =	swait.ge @!p0 [sflag:s8], $0x0  }
0x24: {  	s3 =	sadd.s32 $0x88, s3;
	s6 =	simm.s32 @!p1 $0x1082;
	[sflag:s4] =	ssyncset.s32 $0xFFFFF086  }
0x25: {  	[simem:s6], [sflag:s4] =	dma.local [hbm:s3], $0xF7A  }
0x26: {  	[smem:$0x3F8D] =	sst s1;
	(tag) =	ssettag s2;
	_ =	strace s9  }
0x27: {  	s1 =	sld [smem:$0x3F9D]  }
0x28: {  	s2 =	sld [smem:$0x3F9E]  }
0x29: {  	s4 =	sld [smem:$0x3FA0]  }
0x2a: {  	p0 =	seq.s32 s5, $0x0;
	s5 =	sld [smem:$0x3FA1]  }
0x2b: {  	s6 =	sld [smem:$0x3FA2]  }
0x2c: {  	s7 =	sld [smem:$0x3FA3]  }
0x2d: {  	s3 =	simm.s32 $0x108;
	s8 =	sld [smem:$0x3FA4]  }
0x2e: {  	s3 =	simm.s32 @!p0 $0x1082;
	s9 =	sld [smem:$0x3FA5]  }
0x2f: {  	lr =	sadd.s32 s0, s3;
	s0 =	sld [smem:$0x3F9C]  }
0x30: {  	s3 =	sld [smem:$0x3F9F]  }
0x31: {  	[smem:$0x3FA8] =	sst s10  }
0x32: {  	s10 =	sld [smem:$0x3FA6];
	_ =	sdelay $0x3  }
0x33: {  	p0 =	seq.s32 s10, $0x1;
	s10 =	sld [smem:$0x3FA8];
	_ =	sdelay $0x3  }
0x34: {  	[smem:$0x3FA8] =	sst s10  }
0x35: {  	s10 =	sld [smem:$0x3FA7];
	_ =	sdelay $0x3  }
0x36: {  	p1 =	seq.s32 s10, $0x1;
	s10 =	sld [smem:$0x3FA8];
	_ =	sdelay $0x3  }
0x37: {  	[smem:$0x3FA8] =	sst s10  }
0x38: {  	s10 =	sld [smem:$0x3FA9]  }
0x39: {  	_ = 	snop;
	(pc) =	sbr.ind lr, $3  }
0x3a: {  	_ = 	snop  }
0x3b: {  	_ = 	snop  }
0x3c: {  	p2 =	seq.s32 s10, $0x1;
	s10 =	sld [smem:$0x3FA8]  }
0x3d: {  	_ =	shalt  }
0x3e: {  	_ =	shalt  }
0x3f: {  	_ =	shalt  }
0x40: {  	_ =	shalt  }
0x41: {  	_ =	shalt  }
0x42: {  	_ =	shalt  }
0x43: {  	_ =	shalt  }
0x44: {  	_ =	shalt  }
0x45: {  	_ =	shalt  }
0x46: {  	_ =	shalt  }
0x47: {  	_ =	shalt  }
0x48: {  	_ =	shalt  }
0x49: {  	_ =	shalt  }
0x4a: {  	_ =	shalt  }
0x4b: {  	_ =	shalt  }
0x4c: {  	_ =	shalt  }
0x4d: {  	_ =	shalt  }
0x4e: {  	_ =	shalt  }
0x4f: {  	_ =	shalt  }
0x50: {  	_ =	shalt  }
0x51: {  	_ =	shalt  }
0x52: {  	_ =	shalt  }
0x53: {  	_ =	shalt  }
0x54: {  	_ =	shalt  }
0x55: {  	_ =	shalt  }
0x56: {  	_ =	shalt  }
0x57: {  	_ =	shalt  }
0x58: {  	_ =	shalt  }
0x59: {  	_ =	shalt  }
0x5a: {  	_ =	shalt  }
0x5b: {  	_ =	shalt  }
0x5c: {  	_ =	shalt  }
0x5d: {  	_ =	shalt  }
0x5e: {  	_ =	shalt  }
0x5f: {  	_ =	shalt  }
0x60: {  	_ =	shalt  }
0x61: {  	_ =	shalt  }
0x62: {  	_ =	shalt  }
0x63: {  	_ =	shalt  }
0x64: {  	_ =	shalt  }
0x65: {  	_ =	shalt  }
0x66: {  	_ =	shalt  }
0x67: {  	_ =	shalt  }
0x68: {  	_ =	shalt  }
0x69: {  	_ =	shalt  }
0x6a: {  	_ =	shalt  }
0x6b: {  	_ =	shalt  }
0x6c: {  	_ =	shalt  }
0x6d: {  	_ =	shalt  }
0x6e: {  	_ =	shalt  }
0x6f: {  	_ =	shalt  }
0x70: {  	_ =	shalt  }
0x71: {  	_ =	shalt  }
0x72: {  	_ =	shalt  }
0x73: {  	_ =	shalt  }
0x74: {  	_ =	shalt  }
0x75: {  	_ =	shalt  }
0x76: {  	_ =	shalt  }
0x77: {  	_ =	shalt  }
0x78: {  	_ =	shalt  }
0x79: {  	_ =	shalt  }
0x7a: {  	_ =	shalt  }
0x7b: {  	_ =	shalt  }
0x7c: {  	_ =	shalt  }
0x7d: {  	_ =	shalt  }
0x7e: {  	_ =	shalt  }
0x7f: {  	_ =	shalt  }
0x80: {  	_ =	shalt  }
0x81: {  	_ =	shalt  }
0x82: {  	_ =	shalt  }
0x83: {  	_ =	shalt  }
0x84: {  	_ =	shalt  }
0x85: {  	_ =	shalt  }
0x86: {  	_ =	shalt  }
0x87: {  	_ =	shalt  }
.Lfunc_end0:
.L_simem_size_0:
called_computation.3_lowered:
.L_overlay_start_0:
0x88: {  	s2 =	sld [smem:$0x3FD9]  }
0x89: {  	s3 =	sld [smem:$0x3FFE];
	_ =	sdelay $0x1  }
0x8a: {  	s1 =	srdreg.scid  }
0x8b: {  	s0 =	sand.u32 $0x1, s1  }
0x8c: {  	s17 =	sshll.u32 s0, $0xA;
	s2 =	sadd.s32 s3, s2  }
0x8d: {  	s2 =	sadd.s32 s2, s17  }
0x8e: {  	[smem:$0x3FB4] =	sst s2  }
0x8f: {  	_ = 	snop  }
0x90: {  	(tm) =	ssettm $0x1  }
0x91: {  	s18 =	sld [smem:$0x3FFB];
	_ =	sdelay $0x3  }
0x92: {  	_ =	strace s18  }
0x93: {  	s2 =	sld [smem:$0x3FFC];
	_ =	sdelay $0x3  }
0x94: {  	_ =	strace s2  }
0x95: {  	s2 =	sld [smem:$0x3FFD];
	_ =	sdelay $0x3  }
0x96: {  	_ =	strace s2  }
0x97: {  	_ =	strace $0x8FFFFFFF  }
0x98: {  	s19 =	sld [smem:$0x3FDB];
	_ =	sdelay $0x1  }
0x99: {  	s20 =	simm.s32 $_scs_section_size  }
0x9a: {  	s4 =	simm.s32 $_size__tile_overlayer_lowered;
	s5 =	simm.s32 $_tile_overlayer_lowered  }
0x9b: {  	s6 =	simm.s32 $0x1BFF;
	s21 =	sshll.u32 s5, $0x1;
	s3 =	sadd.s32 s20, s19  }
0x9c: {  	s22 =	simm.s32 $0x0;
	s4 =	sshll.u32 s4, $0x1;
	s5 =	sadd.s32 s21, s3  }
0x9d: {  	[timem:s22], [sflag:s6] =	dma.local [hbm:s5], s4  }
0x9e: {  	_ =	swait.ge [sflag:s6], s4  }
0x9f: {  	s4 =	ssub.s32 $0x0, s4;
	[sflag:s6] =	ssyncset.done $0x0  }
0xa0: {  	[sflag:s6] =	ssyncadd.s32 s4;
	_ =	sdelay $0x1  }
0xa1: {  	s23 =	simm.s32 $0x1B8B  }
0xa2: {  	_ =	swait.ge [sflag:s23], $0x1  }
0xa3: {  	[sflag:s23] =	ssyncset.done $0x0  }
0xa4: {  	[sflag:s23] =	ssyncadd.s32 $0xFFFFFFFF  }
0xa5: {  	s4 =	sld [smem:$0x0]  }
0xa6: {  	s5 =	sand.u32 $0xFFFFFFFE, s1  }
0xa7: {  	p0 =	sne.s32 s1, s5  }
0xa8: {  	s5 =	sshll.u32 @p0 s5, $0xE  }
0xa9: {  	s5 =	sadd.s32 @p0 $0x11B8D, s5;
	s6 =	sshll.u32 @p0 s4, $0x11  }
0xaa: {  	s5 =	sor.u32 @p0 s6, s5  }
0xab: {  	[sflag:s5] =	ssyncadd.remote.s32 @p0 $0x1;
	_ =	sdelay $0x1  }
0xac: {  	s5 =	simm.s32 @p0 $0x1B8D  }
0xad: {  	_ =	swait.eq @p0 [sflag:s5], $0x1  }
0xae: {  	[sflag:s5] =	ssyncadd.s32 @p0 $0xFFFFFFFF  }
0xaf: {  	s6 =	sshll.u32 @!p0 s1, $0xE  }
0xb0: {  	s6 =	sor.u32 @!p0 $0x4000, s6;
	s5 =	simm.s32 @!p0 $0x1B8D  }
0xb1: {  	s4 =	sshll.u32 @!p0 s4, $0x11;
	s6 =	sadd.s32 @!p0 $0x11B8D, s6;
	_ =	swait.eq @!p0 [sflag:s5], $0x1  }
0xb2: {  	s4 =	sor.u32 @!p0 s4, s6;
	[sflag:s5] =	ssyncadd.s32 @!p0 $0xFFFFFFFF  }
0xb3: {  	s25 =	simm.s32 $0x1B8E;
	s24 =	sld [smem:$0x3FFE];
	[sflag:s4] =	ssyncadd.remote.s32 @!p0 $0x1  }
0xb4: {  	s26 =	simm.s32 $execute0_lowered;
	[smem:$0x3FD2] =	sst s25  }
0xb5: {  	s5 =	sshll.u32 s26, $0x1;
	_ =	strace $0x80000052;
	[dreg:$0x1] =	wrdreg $0xFFFFFFFF  }
0xb6: {  	s28 =	simm.s32 $_size_execute0_lowered;
	s3 =	sadd.s32 s3, s5;
	[dreg:$0x0] =	wrdreg $0x0  }
0xb7: {  	s5 =	sshll.u32 s28, $0x1;
	[dreg:$0x2] =	wrdreg s3  }
0xb8: {  	[dreg:$0x3] =	wrdreg s5  }
0xb9: {  	[dreg:$0x4] =	wrdreg $0xC0  }
0xba: {  	_ =	task [dreg:s22], $0x5FFFF  }
0xbb: {  	[dreg:$0x1] =	wrdreg $0xFFFFFFFF  }
0xbc: {  	[dreg:$0x0] =	wrdreg $0x60  }
0xbd: {  	[dreg:$0x2] =	wrdreg s24  }
0xbe: {  	[dreg:$0x3] =	wrdreg $0x95000  }
0xbf: {  	[dreg:$0x4] =	wrdreg $0xA  }
0xc0: {  	_ =	task.clear_ibuf [dreg:s22], $0x5FFFF;
	_ =	strace $0x90000052  }
0xc1: {  	s29 =	simm.s32 $0xA;
	_ =	strace $0x80000054  }
0xc2: {  	_ =	swait.ge [sflag:s29], $0x1  }
0xc3: {  	[sflag:s29] =	ssyncadd.s32 $0xFFFFFFFF  }
0xc4: {  	_ =	strace $0x90000054  }
0xc5: {  	_ =	sfence  }
0xc6: {  	s30 =	sld [smem:$0x0];
	_ =	sdelay $0x2  }
0xc7: {  	s31 =	sshll.u32 s1, $0xD;
	s1 =	sshrl.u32 s1, $0x2  }
0xc8: {  	s4 =	sand.u32 $0x4000, s31;
	s1 =	sadd.s32 s1, s30  }
0xc9: {  	s0 =	sor.u32 s4, s0;
	s1 =	sshll.u32 s1, $0x11  }
0xca: {  	s0 =	sor.u32 s1, s0  }
0xcb: {  	s0 =	sadd.s32 $0x8F2B, s0  }
0xcc: {  	[sflag:s0] =	ssyncadd.remote.s32 $0x1  }
0xcd: {  	_ =	sfence.sel $0xFFFF  }
0xce: {  	[dreg:$0x0] =	wrdreg $0xFFFFFFFF;
	(pc) =	sbr.abs _section_cstart, $3  }
0xcf: {  	[dreg:$0x1] =	wrdreg $0xFFFFFFFF  }
0xd0: {  	_ =	task.clear_ibuf [dreg:s22], $0x2FFFF;
	_ =	strace $0x9FFFFFFF  }
0xd1: {  	(tm) =	ssettm $0x7FFFFFFF  }
tec
execute0_lowered:
.L_overlay_start_1:
0x0: {  	(tag) =	ssettag $0x1  }
0x1: {  	s3 =	rddreg [dreg:$0x0]  }
0x2: {  	s1 =	rddreg [dreg:$0x1]  }
0x3: {  	s0 =	rddreg [dreg:$0x2];
	s2 =	simm.s32 $0x0  }
0x4: {  	s4 =	srdreg.scid;
	s17 =	simm.s32 $0x4100;
	s18 =	simm.s32 $0x1  }
0x5: {  	s19 =	simm.s32 $0x2;
	s20 =	simm.s32 $0x0;
	[smem:$0x7FF] =	sst s2  }
0x6: {  	s9 =	sadd.s32 $0xB67C00, s3;
	s10 =	sadd.s32 $0x13000, s3;
	s11 =	sand.u32 $0x1, s4  }
0x7: {  	s13 =	sadd.s32 $0xA2F400, s3;
	s12 =	sadd.s32 $0xA56600, s3;
	s3 =	stileid.u32  }
0x8: {  	_ =	strace $0x80000053;
	s4 =	ssub.s32 $0x2, s11;
	s6 =	sshll.u32 s11, $0x4  }
0x9: {  	p0 =	seq.s32 s11, $0x1;
	s16 =	smul.u32 $0x5000, s3;
	s28 =	sshll.u32 s11, $0x8  }
0xa: {  	s11 =	sshll.u32 s11, $0xF;
	s29 =	sshll.u32 s3, $0xB;
	s30 =	sshll.u32 s3, $0x4  }
0xb: {  	s31 =	smul.u32 $0x280, s3;
	s5 =	sshrl.u32 s4, $0x1;
	s14 =	sor.u32 s3, s6  }
0xc: {  	s13 =	smov.u32 @p0 s12;
	s4 =	ssub.s32 s4, s5;
	s25 =	sshll.u32 s14, $0x4  }
0xd: {  	s6 =	sshll.u32 s14, $0xB;
	s7 =	sor.u32 $0x20, s14;
	s26 =	sshrl.u32 s16, $0x2  }
0xe: {  	s12 =	sor.u32 $0x60, s14;
	s13 =	sadd.s32 s31, s13;
	s14 =	simm.s32 $0x3  }
0xf: {  	s16 =	simm.s32 $0x4080;
	s4 =	smax.u32 s4, $0x1;
	s5 =	sadd.s32 s10, s25  }
0x10: {  	s6 =	sadd.s32 s9, s6;
	s8 =	sshll.u32 s7, $0x4;
	s15 =	sshll.u32 s7, $0xB  }
0x11: {  	s7 =	sadd.s32 s10, s8;
	s8 =	sadd.s32 s9, s15;
	s9 =	sadd.s32 s11, s9  }
0x12: {  	s10 =	sadd.s32 s28, s10;
	s15 =	simm.s32 $0x80;
	s11 =	sadd.s32 s29, s9  }
0x13: {  	v0 =	vimm.f32 $0.0e+00;
	s9 =	sadd.s32 s26, s1;
	s10 =	sadd.s32 s30, s10;
	s11 =	sadd.s32 $0x30000, s11  }
.LBB2_1:
0x14: {  	s21 =	simm.s32 $0x0;
	s22 =	simm.s32 $0x200  }
.LBB2_2:
0x15: {  	p1 =	sne.s32 s22, $0x4E00;
	[tilespmem:s21+$0x8170] =	vst v0  }
0x16: {  	[tilespmem:s21+$0x8100] =	vst v0  }
0x17: {  	[tilespmem:s21+$0x8110] =	vst v0  }
.Ltmp0:
0x18: {  	[tilespmem:s21+$0x8120] =	vst v0;
	(pc) =	sbr.rel @p1 .LBB2_2-.Ltmp0, $4  }
0x19: {  	[tilespmem:s21+$0x8130] =	vst v0  }
0x1a: {  	[tilespmem:s21+$0x8140] =	vst v0  }
0x1b: {  	[tilespmem:s21+$0x8150] =	vst v0  }
0x1c: {  	[tilespmem:s21+$0x8160] =	vst v0;
	s21 =	sshra.s32 s22, $0x2;
	s22 =	sadd.s32 $0x200, s22  }
0x1d: {  	[tilespmem:s21+$0x8170] =	vst v0  }
0x1e: {  	[tilespmem:s21+$0x8100] =	vst v0  }
0x1f: {  	[tilespmem:s21+$0x8110] =	vst v0  }
0x20: {  	[tilespmem:s21+$0x8120] =	vst v0  }
0x21: {  	[tilespmem:s21+$0x8130] =	vst v0  }
0x22: {  	[tilespmem:s21+$0x8140] =	vst v0;
	s22 =	sadd.s32 $0x0, s3  }
0x23: {  	[tilespmem:s21+$0x8150] =	vst v0;
	p1 =	sgt.u32 s22, $0xF9  }
0x24: {  	[tilespmem:s21+$0x8160] =	vst v0;
	s21 =	simm.s32 @!p1 $0x8100;
	s24 =	simm.s32 @!p1 $0x3  }
0x25: {  	[spmem:s9] =	stream.linear.scatter @!p1 [tilespmem:s21], [sflag:$0x3], $0x1400, $0x38;
	[tilespmem:$0x1CD80] =	vst v63  }
0x26: {  	s23 =	simm.s32 $0x20;
	_ =	swait.ge @!p1 [sflag:s24], $0x1400  }
0x27: {  	s22 =	simm.s32 $0x10;
	s21 =	sadd.s32 $0x14000, s9;
	[sflag:s24] =	ssyncset.done @!p1 $0x0  }
.LBB2_4:
0x28: {  	s25 =	sadd.s32 s22, s3;
	s22 =	smov.u32 s23;
	s23 =	sadd.s32 $0x10, s23  }
0x29: {  	[sflag:s24] =	ssyncadd.s32 @!p1 $0xFFFFEC00;
	p2 =	sne.s32 s23, $0x100  }
.Ltmp1:
0x2a: {  	p1 =	sgt.u32 s25, $0xF9;
	(pc) =	sbr.rel @p2 .LBB2_4-.Ltmp1, $4  }
0x2b: {  	s25 =	simm.s32 @!p1 $0x8100;
	s24 =	simm.s32 @!p1 $0x3  }
0x2c: {  	[spmem:s21] =	stream.linear.scatter @!p1 [tilespmem:s25], [sflag:$0x3], $0x1400, $0x38;
	[tilespmem:$0x1CD80] =	vst v63  }
0x2d: {  	_ =	swait.ge @!p1 [sflag:s24], $0x1400  }
0x2e: {  	s21 =	sadd.s32 $0x14000, s21;
	[sflag:s24] =	ssyncset.done @!p1 $0x0  }
0x2f: {  	s22 =	sadd.s32 s22, s3  }
0x30: {  	p2 =	sgt.u32 s22, $0xF9  }
0x31: {  	[sflag:s24] =	ssyncadd.s32 @!p1 $0xFFFFEC00;
	s22 =	simm.s32 @!p2 $0x8100;
	s23 =	simm.s32 @!p2 $0x3  }
0x32: {  	[spmem:s21] =	stream.linear.scatter @!p2 [tilespmem:s22], [sflag:$0x3], $0x1400, $0x38;
	[tilespmem:$0x1CD80] =	vst v63  }
0x33: {  	_ =	swait.ge @!p2 [sflag:s23], $0x1400  }
0x34: {  	[sflag:s23] =	ssyncset.done @!p2 $0x0  }
0x35: {  	[sflag:s23] =	ssyncadd.s32 @!p2 $0xFFFFEC00  }
0x36: {  	s29 =	simm.s32 $0x0;
	[bflag:$0x0] =	sbarrier.arrive $0xFFFF  }
0x37: {  	[tilespmem:s29], [sflag:$0x3] =	stream.linear.gather [hbm4b:s5+s29], $0x80, $0x38;
	[tilespmem:$0x1CD80] =	vst v63  }
0x38: {  	_ =	swait.ge [sflag:s14], $0x80  }
0x39: {  	[sflag:s14] =	ssyncset.done $0x0  }
0x3a: {  	[sflag:s14] =	ssyncadd.s32 $0xFFFFFF80  }
0x3b: {  	[tilespmem:s15], [sflag:$0x3] =	stream.linear.gather [hbm4b:s6+s29], $0x4000, $0x38;
	[tilespmem:$0x1CD80] =	vst v63  }
0x3c: {  	_ =	swait.ge [sflag:s14], $0x4000  }
0x3d: {  	[sflag:s14] =	ssyncset.done $0x0  }
0x3e: {  	[sflag:s14] =	ssyncadd.s32 $0xFFFFC000  }
0x3f: {  	[spmem:s1] =	stream.indirect.scatter.add.f32 [tilespmem:s15], [sflag:$0x1], $0x80, s29, s15, $0xb8;
	[tilespmem:$0x1CD80] =	vst v63  }
0x40: {  	_ = 	snop  }
0x41: {  	[tilespmem:s16], [sflag:$0x3] =	stream.linear.gather [hbm4b:s7+s29], $0x80, $0x38;
	[tilespmem:$0x1CD80] =	vst v63  }
0x42: {  	_ =	swait.ge [sflag:s14], $0x80  }
0x43: {  	[sflag:s14] =	ssyncset.done $0x0  }
0x44: {  	[sflag:s14] =	ssyncadd.s32 $0xFFFFFF80  }
0x45: {  	[tilespmem:s17], [sflag:$0x3] =	stream.linear.gather [hbm4b:s8+s29], $0x4000, $0x38;
	[tilespmem:$0x1CD80] =	vst v63  }
0x46: {  	_ =	swait.ge [sflag:s14], $0x4000  }
0x47: {  	[sflag:s14] =	ssyncset.done $0x0  }
0x48: {  	[sflag:s14] =	ssyncadd.s32 $0xFFFFC000  }
0x49: {  	[spmem:s1] =	stream.indirect.scatter.add.f32 [tilespmem:s17], [sflag:$0x2], $0x80, s16, s15, $0xb8;
	[tilespmem:$0x1CD80] =	vst v63  }
0x4a: {  	_ =	swait.ge [sflag:s18], $0x4000  }
0x4b: {  	s30 =	sadd.s32 $0x0, s10;
	[sflag:s18] =	ssyncset.done $0x0  }
0x4c: {  	s21 =	sadd.s32 $0x400, s30;
	[sflag:s18] =	ssyncadd.s32 $0xFFFFC000  }
0x4d: {  	[tilespmem:s2], [sflag:$0x3] =	stream.linear.gather [hbm4b:s21+s2], $0x80, $0x38;
	[tilespmem:$0x1CD80] =	vst v63  }
0x4e: {  	_ =	swait.ge [sflag:s14], $0x80  }
0x4f: {  	[sflag:s14] =	ssyncset.done $0x0  }
0x50: {  	s31 =	sadd.s32 $0xFFFF0000, s11;
	[sflag:s14] =	ssyncadd.s32 $0xFFFFFF80  }
0x51: {  	[tilespmem:s15], [sflag:$0x3] =	stream.linear.gather [hbm4b:s31+s2], $0x4000, $0x38;
	[tilespmem:$0x1CD80] =	vst v63  }
0x52: {  	_ =	swait.ge [sflag:s14], $0x4000  }
0x53: {  	p1 =	sgt.u32 s12, $0x270;
	[sflag:s14] =	ssyncset.done $0x0  }
0x54: {  	s21 =	simm.s32 @!p1 $0x2;
	[sflag:s14] =	ssyncadd.s32 $0xFFFFC000  }
0x55: {  	[spmem:s1] =	stream.indirect.scatter.add.f32 [tilespmem:s15], [sflag:$0x1], $0x80, s2, s15, $0xb8;
	[tilespmem:$0x1CD80] =	vst v63  }
0x56: {  	s24 =	simm.s32 @!p1 $0x4080;
	_ =	swait.ge @!p1 [sflag:s21], $0x4000  }
0x57: {  	s25 =	simm.s32 @!p1 $0x3;
	s22 =	sadd.s32 @!p1 $0x0, s10;
	[sflag:s21] =	ssyncset.done @!p1 $0x0  }
0x58: {  	s22 =	sadd.s32 @!p1 $0x600, s22;
	s23 =	simm.s32 @!p1 $0x0;
	[sflag:s21] =	ssyncadd.s32 @!p1 $0xFFFFC000  }
0x59: {  	[tilespmem:s24], [sflag:$0x3] =	stream.linear.gather @!p1 [hbm4b:s22+s23], $0x80, $0x38;
	[tilespmem:$0x1CD80] =	vst v63  }
0x5a: {  	_ =	swait.ge @!p1 [sflag:s25], $0x80  }
0x5b: {  	[sflag:s25] =	ssyncset.done @!p1 $0x0  }
0x5c: {  	s26 =	simm.s32 @!p1 $0x4100;
	[sflag:s25] =	ssyncadd.s32 @!p1 $0xFFFFFF80  }
0x5d: {  	[tilespmem:s26], [sflag:$0x3] =	stream.linear.gather @!p1 [hbm4b:s11+s23], $0x4000, $0x38;
	[tilespmem:$0x1CD80] =	vst v63  }
0x5e: {  	s28 =	simm.s32 @!p1 $0x80;
	s21 =	simm.s32 $0x400;
	_ =	swait.ge @!p1 [sflag:s25], $0x4000  }
0x5f: {  	s22 =	sadd.s32 $0x40, s12;
	s23 =	smov.u32 s11;
	[sflag:s25] =	ssyncset.done @!p1 $0x0  }
.LBB2_6:
0x60: {  	[sflag:s25] =	ssyncadd.s32 @!p1 $0xFFFFC000  }
0x61: {  	s23 =	sadd.s32 $0x20000, s23;
	s25 =	smov.u32 s21;
	s21 =	sadd.s32 $0x400, s21  }
0x62: {  	[spmem:s1] =	stream.indirect.scatter.add.f32 @!p1 [tilespmem:s26], [sflag:$0x2], $0x80, s24, s28, $0xb8;
	[tilespmem:$0x1CD80] =	vst v63  }
0x63: {  	s24 =	sadd.s32 s25, s10;
	p2 =	sne.s32 s21, $0x2400;
	_ =	swait.ge [sflag:s18], $0x4000  }
0x64: {  	s24 =	sadd.s32 $0x400, s24;
	[sflag:s18] =	ssyncset.done $0x0  }
0x65: {  	[sflag:s18] =	ssyncadd.s32 $0xFFFFC000  }
0x66: {  	[tilespmem:s2], [sflag:$0x3] =	stream.linear.gather [hbm4b:s24+s2], $0x80, $0x38;
	[tilespmem:$0x1CD80] =	vst v63  }
0x67: {  	_ =	swait.ge [sflag:s14], $0x80  }
0x68: {  	s24 =	sadd.s32 $0xFFFF0000, s23;
	[sflag:s14] =	ssyncset.done $0x0  }
0x69: {  	[sflag:s14] =	ssyncadd.s32 $0xFFFFFF80  }
0x6a: {  	[tilespmem:s15], [sflag:$0x3] =	stream.linear.gather [hbm4b:s24+s2], $0x4000, $0x38;
	[tilespmem:$0x1CD80] =	vst v63  }
0x6b: {  	_ =	swait.ge [sflag:s14], $0x4000  }
0x6c: {  	p1 =	sgt.u32 s22, $0x270;
	[sflag:s14] =	ssyncset.done $0x0  }
0x6d: {  	s26 =	simm.s32 @!p1 $0x2;
	s24 =	sadd.s32 @!p1 s25, s10;
	[sflag:s14] =	ssyncadd.s32 $0xFFFFC000  }
0x6e: {  	[spmem:s1] =	stream.indirect.scatter.add.f32 [tilespmem:s15], [sflag:$0x1], $0x80, s2, s15, $0xb8;
	[tilespmem:$0x1CD80] =	vst v63  }
0x6f: {  	s28 =	sadd.s32 @!p1 $0x600, s24;
	_ =	swait.ge @!p1 [sflag:s26], $0x4000  }
0x70: {  	s29 =	simm.s32 @!p1 $0x0;
	s24 =	simm.s32 @!p1 $0x4080;
	[sflag:s26] =	ssyncset.done @!p1 $0x0  }
0x71: {  	s25 =	simm.s32 @!p1 $0x3;
	[sflag:s26] =	ssyncadd.s32 @!p1 $0xFFFFC000  }
0x72: {  	[tilespmem:s24], [sflag:$0x3] =	stream.linear.gather @!p1 [hbm4b:s28+s29], $0x80, $0x38;
	[tilespmem:$0x1CD80] =	vst v63  }
0x73: {  	_ =	swait.ge @!p1 [sflag:s25], $0x80  }
.Ltmp2:
0x74: {  	s26 =	simm.s32 @!p1 $0x4100;
	[sflag:s25] =	ssyncset.done @!p1 $0x0;
	(pc) =	sbr.rel @p2 .LBB2_6-.Ltmp2, $4  }
0x75: {  	[sflag:s25] =	ssyncadd.s32 @!p1 $0xFFFFFF80  }
0x76: {  	[tilespmem:s26], [sflag:$0x3] =	stream.linear.gather @!p1 [hbm4b:s23+s29], $0x4000, $0x38;
	[tilespmem:$0x1CD80] =	vst v63  }
0x77: {  	_ =	swait.ge @!p1 [sflag:s25], $0x4000  }
0x78: {  	s22 =	sadd.s32 $0x40, s22;
	s28 =	simm.s32 @!p1 $0x80;
	[sflag:s25] =	ssyncset.done @!p1 $0x0  }
0x79: {  	[sflag:s25] =	ssyncadd.s32 @!p1 $0xFFFFC000  }
0x7a: {  	[spmem:s1] =	stream.indirect.scatter.add.f32 @!p1 [tilespmem:s26], [sflag:$0x2], $0x80, s24, s28, $0xb8;
	[tilespmem:$0x1CD80] =	vst v63  }
0x7b: {  	_ =	swait.ge [sflag:s18], $0x4000  }
0x7c: {  	[sflag:s18] =	ssyncset.done $0x0  }
0x7d: {  	[sflag:s18] =	ssyncadd.s32 $0xFFFFC000  }
0x7e: {  	_ =	swait.ge [sflag:s19], $0x4000  }
0x7f: {  	s21 =	sadd.s32 $0x0, s3;
	[sflag:s19] =	ssyncset.done $0x0  }
0x80: {  	p1 =	sgt.u32 s21, $0xF9;
	[sflag:s19] =	ssyncadd.s32 $0xFFFFC000  }
0x81: {  	s21 =	simm.s32 @!p1 $0x8100;
	s23 =	simm.s32 @!p1 $0x4;
	[bflag:$0x0] =	sbarrier.arrive $0xFFFF  }
0x82: {  	[tilespmem:s21], [sflag:$0x4] =	stream.linear.gather @!p1 [spmem:s9], $0x1400, $0x38;
	[tilespmem:$0x1CD80] =	vst v63  }
0x83: {  	_ =	swait.ge @!p1 [sflag:s23], $0x1400  }
0x84: {  	s22 =	simm.s32 @!p1 $0x3;
	p2 =	por !p0, p1;
	[sflag:s23] =	ssyncset.done @!p1 $0x0  }
0x85: {  	s22 =	simm.s32 @p2 $0x4;
	[sflag:s23] =	ssyncadd.s32 @!p1 $0xFFFFEC00;
	s23 =	simm.s32 @!p1 $0x0  }
0x86: {  	[hbm4b:s13+s23] =	stream.linear.scatter @!p1 [tilespmem:s21], [sflag:s22], $0x1400, $0x38;
	[tilespmem:$0x1CD80] =	vst v63  }
0x87: {  	s25 =	sadd.s32 $0x10, s3;
	s24 =	simm.s32 $0x20;
	_ =	swait.ge @!p1 [sflag:s22], $0x1400  }
0x88: {  	s21 =	sadd.s32 $0x2800, s13;
	s23 =	sadd.s32 $0x14000, s9;
	[sflag:s22] =	ssyncset.done @!p1 $0x0  }
.LBB2_8:
0x89: {  	[sflag:s22] =	ssyncadd.s32 @!p1 $0xFFFFEC00  }
0x8a: {  	p1 =	sgt.u32 s25, $0xF9;
	s25 =	smov.u32 s24;
	s24 =	sadd.s32 $0x10, s24  }
0x8b: {  	s26 =	simm.s32 @!p1 $0x8100;
	s28 =	simm.s32 @!p1 $0x4;
	s22 =	simm.s32 @!p1 $0x3  }
0x8c: {  	[tilespmem:s26], [sflag:$0x4] =	stream.linear.gather @!p1 [spmem:s23], $0x1400, $0x38;
	[tilespmem:$0x1CD80] =	vst v63  }
0x8d: {  	p2 =	sne.s32 s24, $0x100;
	p3 =	por !p0, p1;
	_ =	swait.ge @!p1 [sflag:s28], $0x1400  }
.Ltmp3:
0x8e: {  	[sflag:s28] =	ssyncset.done @!p1 $0x0;
	(pc) =	sbr.rel @p2 .LBB2_8-.Ltmp3, $4  }
0x8f: {  	s22 =	simm.s32 @p3 $0x4;
	[sflag:s28] =	ssyncadd.s32 @!p1 $0xFFFFEC00;
	s28 =	simm.s32 @!p1 $0x0  }
0x90: {  	[hbm4b:s21+s28] =	stream.linear.scatter @!p1 [tilespmem:s26], [sflag:s22], $0x1400, $0x38;
	[tilespmem:$0x1CD80] =	vst v63  }
0x91: {  	s21 =	sadd.s32 $0x2800, s21;
	_ =	swait.ge @!p1 [sflag:s22], $0x1400  }
0x92: {  	s25 =	sadd.s32 s25, s3;
	s23 =	sadd.s32 $0x14000, s23;
	[sflag:s22] =	ssyncset.done @!p1 $0x0  }
0x93: {  	p2 =	sgt.u32 s25, $0xF9;
	[sflag:s22] =	ssyncadd.s32 @!p1 $0xFFFFEC00  }
0x94: {  	s20 =	sadd.s32 $0x1, s20;
	s22 =	simm.s32 @!p2 $0x8100;
	s24 =	simm.s32 @!p2 $0x4  }
0x95: {  	[tilespmem:s22], [sflag:$0x4] =	stream.linear.gather @!p2 [spmem:s23], $0x1400, $0x38;
	[tilespmem:$0x1CD80] =	vst v63  }
0x96: {  	p1 =	por !p0, p2;
	s23 =	simm.s32 @!p2 $0x3;
	_ =	swait.ge @!p2 [sflag:s24], $0x1400  }
0x97: {  	s23 =	simm.s32 @p1 $0x4;
	p1 =	sne.s32 s20, s4;
	[sflag:s24] =	ssyncset.done @!p2 $0x0  }
.Ltmp4:
0x98: {  	[sflag:s24] =	ssyncadd.s32 @!p2 $0xFFFFEC00;
	s24 =	simm.s32 @!p2 $0x0;
	(pc) =	sbr.rel @p1 .LBB2_1-.Ltmp4, $4  }
0x99: {  	[hbm4b:s21+s24] =	stream.linear.scatter @!p2 [tilespmem:s22], [sflag:s23], $0x1400, $0x38;
	[tilespmem:$0x1CD80] =	vst v63  }
0x9a: {  	_ =	swait.ge @!p2 [sflag:s23], $0x1400  }
0x9b: {  	[sflag:s23] =	ssyncset.done @!p2 $0x0  }
0x9c: {  	[sflag:s23] =	ssyncadd.s32 @!p2 $0xFFFFEC00  }
0x9d: {  	_ =	sfence.sel $0x180000  }
0x9e: {  	[bflag:$0x0] =	sbarrier.arrive $0xFFFF  }
0x9f: {  	p0 =	sne.s32 s3, $0x0;
	_ =	strace $0x90000053  }
0xa0: {  	s0 =	sadd.s32 @!p0 $0x100000, s0;
	[bflag:$0x2] =	sbarrier.arrive $0xFFFF  }
0xa1: {  	[sflag:s0] =	ssyncadd.tile.s32 @!p0 $0x1;
	_ =	shalt  }
.Lfunc_end2:
_tile_overlayer_lowered:
.L_overlay_start_2:
0xa2: {  	(tag) =	ssettag $0x2  }
0xa3: {  	s0 =	rddreg [dreg:$0x0];
	s2 =	stileid.u32  }
0xa4: {  	s1 =	rddreg [dreg:$0x1];
	p0 =	sne.s32 s2, $0x0  }
0xa5: {  	s3 =	rddreg [dreg:$0x2];
	[bflag:$0x3] =	sbarrier.arrive $0xFFFF;
	s2 =	simm.s32 @!p0 $0x1C03  }
0xa6: {  	[timem:s3], [sflag:s2] =	dma.local @!p0 [hbm:s0], s1  }
0xa7: {  	s0 =	simm.s32 @!p0 $0x3  }
0xa8: {  	_ =	swait.ge @!p0 [sflag:s0], s1  }
0xa9: {  	s1 =	ssub.s32 @!p0 $0x0, s1;
	[sflag:s0] =	ssyncset.done @!p0 $0x0  }
0xaa: {  	[sflag:s0] =	ssyncadd.s32 @!p0 s1  }
0xab: {  	[bflag:$0x3] =	sbarrier.arrive $0xFFFF  }
0xac: {  	_ =	shalt  }

// kernel: kernel.28.cloned.1.call-start
scs
__scs_entry_jumppad:
0x0: {  	(pc) =	sbr.rel $0x88, $3  }
0x1: {  	(tag) =	ssettag $0x0;
	lr =	simm.s32 $0x1  }
0x2: {  	[smem:$0x3F8D] =	sst lr;
	_ =	strace $0xD0000000  }
0x3: {  	_ = 	snop  }
0x4: {  	_ = 	snop  }
0x5: {  	_ = 	snop  }
0x6: {  	_ = 	snop  }
0x7: {  	_ = 	snop  }
__scs_overlays_trampoline_lowered:
0x8: {  	[smem:$0x3F9C] =	sst s0  }
0x9: {  	[smem:$0x3F9D] =	sst s1  }
0xa: {  	[smem:$0x3F9E] =	sst s2  }
0xb: {  	[smem:$0x3F9F] =	sst s3  }
0xc: {  	[smem:$0x3FA0] =	sst s4  }
0xd: {  	[smem:$0x3FA1] =	sst s5  }
0xe: {  	[smem:$0x3FA2] =	sst s6  }
0xf: {  	[smem:$0x3FA3] =	sst s7  }
0x10: {  	[smem:$0x3FA4] =	sst s8  }
0x11: {  	[smem:$0x3FA5] =	sst s9;
	s0 =	simm.s32 @!p0 $0x0  }
0x12: {  	s1 =	sld [smem:$0x3F8B];
	s0 =	simm.s32 @p0 $0x1  }
0x13: {  	[smem:$0x3FA6] =	sst s0;
	s0 =	simm.s32 @!p1 $0x0  }
0x14: {  	s2 =	sld [smem:$0x3F8A];
	s0 =	simm.s32 @p1 $0x1  }
0x15: {  	[smem:$0x3FA7] =	sst s0;
	s0 =	simm.s32 @!p2 $0x0  }
0x16: {  	s3 =	sld [smem:$0x3FDB];
	s0 =	simm.s32 @p2 $0x1  }
0x17: {  	s4 =	simm.s32 $0x1BF5;
	[smem:$0x3FA9] =	sst s0  }
0x18: {  	s0 =	sld [smem:$0x3F8C];
	_ =	swait.ge [sflag:s4], $0x0  }
0x19: {  	s7 =	sld [smem:$0x3F8D]  }
0x1a: {  	s8 =	sadd.s32 $0xFFFFE003, lr  }
0x1b: {  	s9 =	sadd.s32 $0xFFFFFEF7, lr;
	s5 =	simm.s32 $0xFFFFFFFF;
	p2 =	slt.u32 s8, $0xFFFFF086  }
0x1c: {  	p1 =	slt.u32 s9, $0xF7A;
	s5 =	simm.s32 @!p2 $0x0  }
0x1d: {  	s5 =	simm.s32 @p1 $0x1;
	p0 =	seq.s32 s7, s2  }
0x1e: {  	s7 =	smul.u32 @!p0 $0xF7A, s2;
	p2 =	seq.s32 @!p0 s5, $0x0  }
0x1f: {  	s9 =	smul.u32 $0xF7A, s1;
	s8 =	simm.s32 @!p0 $0x1BF5;
	p2 =	por !p2, p0  }
0x20: {  	[sflag:s8] =	ssyncset.s32 @!p0 $0xFFFFF086;
	s6 =	sadd.s32 @!p0 s3, s7;
	s7 =	simm.s32 @!p0 $0x108  }
0x21: {  	s3 =	sadd.s32 s3, s9;
	s6 =	sadd.s32 @!p0 $0x88, s6;
	s7 =	simm.s32 @p2 $0x1082  }
0x22: {  	[simem:s7], [sflag:s8] =	dma.local @!p0 [hbm:s6], $0xF7A  }
0x23: {  	s9 =	sor.u32 $0xD0000000, s2;
	s6 =	simm.s32 $0x108;
	_ =	swait.ge @!p0 [sflag:s8], $0x0  }
0x24: {  	s3 =	sadd.s32 $0x88, s3;
	s6 =	simm.s32 @!p1 $0x1082;
	[sflag:s4] =	ssyncset.s32 $0xFFFFF086  }
0x25: {  	[simem:s6], [sflag:s4] =	dma.local [hbm:s3], $0xF7A  }
0x26: {  	[smem:$0x3F8D] =	sst s1;
	(tag) =	ssettag s2;
	_ =	strace s9  }
0x27: {  	s1 =	sld [smem:$0x3F9D]  }
0x28: {  	s2 =	sld [smem:$0x3F9E]  }
0x29: {  	s4 =	sld [smem:$0x3FA0]  }
0x2a: {  	p0 =	seq.s32 s5, $0x0;
	s5 =	sld [smem:$0x3FA1]  }
0x2b: {  	s6 =	sld [smem:$0x3FA2]  }
0x2c: {  	s7 =	sld [smem:$0x3FA3]  }
0x2d: {  	s3 =	simm.s32 $0x108;
	s8 =	sld [smem:$0x3FA4]  }
0x2e: {  	s3 =	simm.s32 @!p0 $0x1082;
	s9 =	sld [smem:$0x3FA5]  }
0x2f: {  	lr =	sadd.s32 s0, s3;
	s0 =	sld [smem:$0x3F9C]  }
0x30: {  	s3 =	sld [smem:$0x3F9F]  }
0x31: {  	[smem:$0x3FA8] =	sst s10  }
0x32: {  	s10 =	sld [smem:$0x3FA6];
	_ =	sdelay $0x3  }
0x33: {  	p0 =	seq.s32 s10, $0x1;
	s10 =	sld [smem:$0x3FA8];
	_ =	sdelay $0x3  }
0x34: {  	[smem:$0x3FA8] =	sst s10  }
0x35: {  	s10 =	sld [smem:$0x3FA7];
	_ =	sdelay $0x3  }
0x36: {  	p1 =	seq.s32 s10, $0x1;
	s10 =	sld [smem:$0x3FA8];
	_ =	sdelay $0x3  }
0x37: {  	[smem:$0x3FA8] =	sst s10  }
0x38: {  	s10 =	sld [smem:$0x3FA9]  }
0x39: {  	_ = 	snop;
	(pc) =	sbr.ind lr, $3  }
0x3a: {  	_ = 	snop  }
0x3b: {  	_ = 	snop  }
0x3c: {  	p2 =	seq.s32 s10, $0x1;
	s10 =	sld [smem:$0x3FA8]  }
0x3d: {  	_ =	shalt  }
0x3e: {  	_ =	shalt  }
0x3f: {  	_ =	shalt  }
0x40: {  	_ =	shalt  }
0x41: {  	_ =	shalt  }
0x42: {  	_ =	shalt  }
0x43: {  	_ =	shalt  }
0x44: {  	_ =	shalt  }
0x45: {  	_ =	shalt  }
0x46: {  	_ =	shalt  }
0x47: {  	_ =	shalt  }
0x48: {  	_ =	shalt  }
0x49: {  	_ =	shalt  }
0x4a: {  	_ =	shalt  }
0x4b: {  	_ =	shalt  }
0x4c: {  	_ =	shalt  }
0x4d: {  	_ =	shalt  }
0x4e: {  	_ =	shalt  }
0x4f: {  	_ =	shalt  }
0x50: {  	_ =	shalt  }
0x51: {  	_ =	shalt  }
0x52: {  	_ =	shalt  }
0x53: {  	_ =	shalt  }
0x54: {  	_ =	shalt  }
0x55: {  	_ =	shalt  }
0x56: {  	_ =	shalt  }
0x57: {  	_ =	shalt  }
0x58: {  	_ =	shalt  }
0x59: {  	_ =	shalt  }
0x5a: {  	_ =	shalt  }
0x5b: {  	_ =	shalt  }
0x5c: {  	_ =	shalt  }
0x5d: {  	_ =	shalt  }
0x5e: {  	_ =	shalt  }
0x5f: {  	_ =	shalt  }
0x60: {  	_ =	shalt  }
0x61: {  	_ =	shalt  }
0x62: {  	_ =	shalt  }
0x63: {  	_ =	shalt  }
0x64: {  	_ =	shalt  }
0x65: {  	_ =	shalt  }
0x66: {  	_ =	shalt  }
0x67: {  	_ =	shalt  }
0x68: {  	_ =	shalt  }
0x69: {  	_ =	shalt  }
0x6a: {  	_ =	shalt  }
0x6b: {  	_ =	shalt  }
0x6c: {  	_ =	shalt  }
0x6d: {  	_ =	shalt  }
0x6e: {  	_ =	shalt  }
0x6f: {  	_ =	shalt  }
0x70: {  	_ =	shalt  }
0x71: {  	_ =	shalt  }
0x72: {  	_ =	shalt  }
0x73: {  	_ =	shalt  }
0x74: {  	_ =	shalt  }
0x75: {  	_ =	shalt  }
0x76: {  	_ =	shalt  }
0x77: {  	_ =	shalt  }
0x78: {  	_ =	shalt  }
0x79: {  	_ =	shalt  }
0x7a: {  	_ =	shalt  }
0x7b: {  	_ =	shalt  }
0x7c: {  	_ =	shalt  }
0x7d: {  	_ =	shalt  }
0x7e: {  	_ =	shalt  }
0x7f: {  	_ =	shalt  }
0x80: {  	_ =	shalt  }
0x81: {  	_ =	shalt  }
0x82: {  	_ =	shalt  }
0x83: {  	_ =	shalt  }
0x84: {  	_ =	shalt  }
0x85: {  	_ =	shalt  }
0x86: {  	_ =	shalt  }
0x87: {  	_ =	shalt  }
.Lfunc_end0:
.L_simem_size_0:
called_computation.4_lowered:
.L_overlay_start_0:
0x88: {  	s2 =	sld [smem:$0x3FD9]  }
0x89: {  	s3 =	sld [smem:$0x3FFE];
	_ =	sdelay $0x1  }
0x8a: {  	s1 =	srdreg.scid  }
0x8b: {  	s0 =	sand.u32 $0x1, s1  }
0x8c: {  	s17 =	sshll.u32 s0, $0xA;
	s2 =	sadd.s32 s3, s2  }
0x8d: {  	s2 =	sadd.s32 s2, s17  }
0x8e: {  	[smem:$0x3FB4] =	sst s2  }
0x8f: {  	_ = 	snop  }
0x90: {  	s18 =	sld [smem:$0x3FD0];
	(tm) =	ssettm $0x1  }
0x91: {  	s19 =	sld [smem:$0x3FFB];
	_ =	sdelay $0x3  }
0x92: {  	_ =	strace s19  }
0x93: {  	s2 =	sld [smem:$0x3FFC];
	_ =	sdelay $0x3  }
0x94: {  	_ =	strace s2  }
0x95: {  	s2 =	sld [smem:$0x3FFD];
	_ =	sdelay $0x3  }
0x96: {  	_ =	strace s2  }
0x97: {  	_ =	strace $0x8FFFFFFF  }
0x98: {  	s20 =	sld [smem:$0x3FDB];
	_ =	sdelay $0x1  }
0x99: {  	s4 =	simm.s32 $_scs_section_size  }
0x9a: {  	s5 =	simm.s32 $_size__tile_overlayer_lowered;
	s6 =	simm.s32 $_tile_overlayer_lowered  }
0x9b: {  	s7 =	simm.s32 $0x1BFF;
	s21 =	sshll.u32 s6, $0x1;
	s4 =	sadd.s32 s4, s20  }
0x9c: {  	s22 =	simm.s32 $0x0;
	s5 =	sshll.u32 s5, $0x1;
	s6 =	sadd.s32 s21, s4  }
0x9d: {  	[timem:s22], [sflag:s7] =	dma.local [hbm:s6], s5  }
0x9e: {  	_ =	swait.ge [sflag:s7], s5  }
0x9f: {  	s5 =	ssub.s32 $0x0, s5;
	[sflag:s7] =	ssyncset.done $0x0  }
0xa0: {  	[sflag:s7] =	ssyncadd.s32 s5;
	_ =	sdelay $0x1  }
0xa1: {  	s23 =	simm.s32 $0x1B8B  }
0xa2: {  	_ =	swait.ge [sflag:s23], $0x1  }
0xa3: {  	[sflag:s23] =	ssyncset.done $0x0  }
0xa4: {  	[sflag:s23] =	ssyncadd.s32 $0xFFFFFFFF  }
0xa5: {  	s5 =	sld [smem:$0x0]  }
0xa6: {  	s6 =	sand.u32 $0xFFFFFFFE, s1  }
0xa7: {  	p0 =	sne.s32 s1, s6  }
0xa8: {  	s6 =	sshll.u32 @p0 s6, $0xE  }
0xa9: {  	s6 =	sadd.s32 @p0 $0x11B8D, s6;
	s7 =	sshll.u32 @p0 s5, $0x11  }
0xaa: {  	s6 =	sor.u32 @p0 s7, s6  }
0xab: {  	[sflag:s6] =	ssyncadd.remote.s32 @p0 $0x1;
	_ =	sdelay $0x1  }
0xac: {  	s6 =	simm.s32 @p0 $0x1B8D  }
0xad: {  	_ =	swait.eq @p0 [sflag:s6], $0x1  }
0xae: {  	[sflag:s6] =	ssyncadd.s32 @p0 $0xFFFFFFFF  }
0xaf: {  	s7 =	sshll.u32 @!p0 s1, $0xE  }
0xb0: {  	s7 =	sor.u32 @!p0 $0x4000, s7;
	s6 =	simm.s32 @!p0 $0x1B8D  }
0xb1: {  	s5 =	sshll.u32 @!p0 s5, $0x11;
	s7 =	sadd.s32 @!p0 $0x11B8D, s7;
	_ =	swait.eq @!p0 [sflag:s6], $0x1  }
0xb2: {  	s5 =	sor.u32 @!p0 s5, s7;
	[sflag:s6] =	ssyncadd.s32 @!p0 $0xFFFFFFFF  }
0xb3: {  	s25 =	simm.s32 $0x1B8E;
	s24 =	sld [smem:$0x3FFE];
	[sflag:s5] =	ssyncadd.remote.s32 @!p0 $0x1  }
0xb4: {  	s26 =	simm.s32 $execute0_lowered;
	[smem:$0x3FD2] =	sst s25  }
0xb5: {  	s6 =	sshll.u32 s26, $0x1;
	_ =	strace $0x80000049;
	[dreg:$0x1] =	wrdreg $0xFFFFFFFF  }
0xb6: {  	s28 =	simm.s32 $_size_execute0_lowered;
	s4 =	sadd.s32 s4, s6;
	[dreg:$0x0] =	wrdreg $0x0  }
0xb7: {  	s6 =	sshll.u32 s28, $0x1;
	[dreg:$0x2] =	wrdreg s4  }
0xb8: {  	[dreg:$0x3] =	wrdreg s6  }
0xb9: {  	[dreg:$0x4] =	wrdreg $0xC0  }
0xba: {  	_ =	task [dreg:s22], $0x5FFFF  }
0xbb: {  	[dreg:$0x1] =	wrdreg $0xFFFFFFFF  }
0xbc: {  	[dreg:$0x0] =	wrdreg $0x60  }
0xbd: {  	[dreg:$0x2] =	wrdreg s18  }
0xbe: {  	[dreg:$0x3] =	wrdreg s24  }
0xbf: {  	[dreg:$0x4] =	wrdreg $0xB  }
0xc0: {  	_ =	task.clear_ibuf [dreg:s22], $0x5FFFF;
	_ =	strace $0x90000049  }
0xc1: {  	s29 =	simm.s32 $0xB;
	_ =	strace $0x8000004B  }
0xc2: {  	_ =	swait.ge [sflag:s29], $0x1  }
0xc3: {  	[sflag:s29] =	ssyncadd.s32 $0xFFFFFFFF  }
0xc4: {  	_ =	strace $0x9000004B  }
0xc5: {  	_ =	sfence  }
0xc6: {  	s30 =	sld [smem:$0x0];
	_ =	sdelay $0x2  }
0xc7: {  	s31 =	sshll.u32 s1, $0xD;
	s1 =	sshrl.u32 s1, $0x2  }
0xc8: {  	s4 =	sand.u32 $0x4000, s31;
	s1 =	sadd.s32 s1, s30  }
0xc9: {  	s0 =	sor.u32 s4, s0;
	s1 =	sshll.u32 s1, $0x11  }
0xca: {  	s0 =	sor.u32 s1, s0  }
0xcb: {  	s0 =	sadd.s32 $0x8F2B, s0  }
0xcc: {  	[sflag:s0] =	ssyncadd.remote.s32 $0x1  }
0xcd: {  	_ =	sfence.sel $0xFFFF  }
0xce: {  	[dreg:$0x0] =	wrdreg $0xFFFFFFFF;
	(pc) =	sbr.abs _section_cstart, $3  }
0xcf: {  	[dreg:$0x1] =	wrdreg $0xFFFFFFFF  }
0xd0: {  	_ =	task.clear_ibuf [dreg:s22], $0x2FFFF;
	_ =	strace $0x9FFFFFFF  }
0xd1: {  	(tm) =	ssettm $0x7FFFFFFF  }
tec
execute0_lowered:
.L_overlay_start_1:
0x0: {  	(tag) =	ssettag $0x1  }
0x1: {  	s1 =	rddreg [dreg:$0x0]  }
0x2: {  	s0 =	rddreg [dreg:$0x1];
	s3 =	srdreg.scid;
	s2 =	simm.s32 $0x0  }
0x3: {  	s28 =	stileid.u32;
	s11 =	simm.s32 $0x3;
	s12 =	simm.s32 $0x80  }
0x4: {  	s13 =	simm.s32 $0x100;
	s14 =	simm.s32 $0x4100;
	s15 =	simm.s32 $0x1  }
0x5: {  	s16 =	simm.s32 $0x2;
	s17 =	simm.s32 $0x0;
	s4 =	sand.u32 $0x1, s3  }
0x6: {  	[smem:$0x7FF] =	sst s2;
	s8 =	sshll.u32 s28, $0x4;
	s3 =	sshll.u32 s4, $0x8  }
0x7: {  	_ =	strace $0x8000004A;
	s6 =	sshll.u32 s4, $0xF;
	s7 =	ssub.s32 $0x2, s4  }
0x8: {  	s9 =	sshll.u32 s4, $0x4;
	s5 =	sadd.s32 s3, s0;
	s29 =	sshrl.u32 s7, $0x1  }
0x9: {  	s0 =	sadd.s32 s6, s0;
	s10 =	sor.u32 s9, s28;
	s6 =	ssub.s32 s7, s29  }
0xa: {  	s30 =	sadd.s32 s8, s5;
	s7 =	sshll.u32 s28, $0xB;
	s8 =	sadd.s32 $0x3C6800, s0  }
0xb: {  	s9 =	sadd.s32 $0x28E000, s0;
	s10 =	sor.u32 $0x20, s10;
	s31 =	smax.u32 s6, $0x1  }
0xc: {  	s5 =	sadd.s32 $0xB800, s30;
	s6 =	sadd.s32 $0x15800, s30;
	[dreg:$0x3] =	wrdreg s31  }
.LBB2_1:
0xd: {  	p0 =	por $0x1, $0x1  }
0xe: {  	s0 =	simm.s32 @!p0 $0x1  }
0xf: {  	_ =	swait.ge @!p0 [sflag:s0], $0x4000  }
0x10: {  	[sflag:s0] =	ssyncset.done @!p0 $0x0  }
0x11: {  	[sflag:s0] =	ssyncadd.s32 @!p0 $0xFFFFC000  }
0x12: {  	_ =	swait.ge @!p0 [sflag:s0], $0x4000  }
0x13: {  	[sflag:s0] =	ssyncset.done @!p0 $0x0  }
0x14: {  	s23 =	sadd.s32 $0x0, s6;
	[sflag:s0] =	ssyncadd.s32 @!p0 $0xFFFFC000  }
0x15: {  	[tilespmem:s2], [sflag:$0x3] =	stream.linear.gather [hbm4b:s23+s2], $0x80, $0x38;
	[tilespmem:$0x10200] =	vst v63  }
0x16: {  	_ =	swait.ge [sflag:s11], $0x80  }
0x17: {  	[sflag:s11] =	ssyncset.done $0x0  }
0x18: {  	s24 =	sadd.s32 $0x0, s5;
	[sflag:s11] =	ssyncadd.s32 $0xFFFFFF80  }
0x19: {  	[tilespmem:s12], [sflag:$0x3] =	stream.linear.gather [hbm4b:s24+s2], $0x80, $0x38;
	[tilespmem:$0x10200] =	vst v63  }
0x1a: {  	_ =	swait.ge [sflag:s11], $0x80  }
0x1b: {  	[sflag:s11] =	ssyncset.done $0x0  }
0x1c: {  	[sflag:s11] =	ssyncadd.s32 $0xFFFFFF80  }
0x1d: {  	[tilespmem:s13], [sflag:$0x3] =	stream.indirect.gather [hbm4b:s1+s12], $0x80, s2, s12, $0xb8;
	[tilespmem:$0x10200] =	vst v63  }
0x1e: {  	_ =	swait.ge [sflag:s11], $0x4000  }
0x1f: {  	[sflag:s11] =	ssyncset.done $0x0  }
0x20: {  	[sflag:s11] =	ssyncadd.s32 $0xFFFFC000  }
0x21: {  	[tilespmem:s14], [sflag:$0x3] =	stream.indirect.gather [hbm4b:s1+s12], $0x80, s12, s12, $0xb8;
	[tilespmem:$0x10200] =	vst v63  }
0x22: {  	p0 =	sgt.u32 s10, $0x270;
	_ =	swait.ge [sflag:s11], $0x4000  }
0x23: {  	p1 =	por @!p0 $0x1, $0x1;
	[sflag:s11] =	ssyncset.done $0x0  }
0x24: {  	s25 =	sadd.s32 s9, s7;
	p1 =	por p1, p0;
	[sflag:s11] =	ssyncadd.s32 $0xFFFFC000  }
0x25: {  	[hbm4b:s25+s2] =	stream.linear.scatter [tilespmem:s13], [sflag:$0x1], $0x4000, $0x38;
	[tilespmem:$0x10200] =	vst v63  }
0x26: {  	s26 =	sadd.s32 s8, s7;
	s18 =	simm.s32 @!p1 $0x2  }
0x27: {  	[hbm4b:s26+s2] =	stream.linear.scatter [tilespmem:s14], [sflag:$0x1], $0x4000, $0x38;
	[tilespmem:$0x10200] =	vst v63  }
0x28: {  	_ =	swait.ge @!p1 [sflag:s18], $0x4000  }
0x29: {  	[sflag:s18] =	ssyncset.done @!p1 $0x0  }
0x2a: {  	[sflag:s18] =	ssyncadd.s32 @!p1 $0xFFFFC000  }
0x2b: {  	s0 =	sadd.s32 @!p0 $0x0, s6;
	_ =	swait.ge @!p1 [sflag:s18], $0x4000  }
0x2c: {  	s23 =	simm.s32 @!p0 $0x0;
	s20 =	simm.s32 @!p0 $0x8100;
	[sflag:s18] =	ssyncset.done @!p1 $0x0  }
0x2d: {  	s0 =	sadd.s32 @!p0 $0x200, s0;
	s25 =	simm.s32 @!p0 $0x3;
	[sflag:s18] =	ssyncadd.s32 @!p1 $0xFFFFC000  }
0x2e: {  	[tilespmem:s20], [sflag:$0x3] =	stream.linear.gather @!p0 [hbm4b:s0+s23], $0x80, $0x38;
	[tilespmem:$0x10200] =	vst v63  }
0x2f: {  	s19 =	simm.s32 $0x400;
	_ =	swait.ge @!p0 [sflag:s25], $0x80  }
0x30: {  	s22 =	simm.s32 $0x800;
	s0 =	sadd.s32 @!p0 $0x0, s5;
	[sflag:s25] =	ssyncset.done @!p0 $0x0  }
0x31: {  	s28 =	simm.s32 @!p0 $0x8180;
	s0 =	sadd.s32 @!p0 $0x200, s0;
	[sflag:s25] =	ssyncadd.s32 @!p0 $0xFFFFFF80  }
0x32: {  	[tilespmem:s28], [sflag:$0x3] =	stream.linear.gather @!p0 [hbm4b:s0+s23], $0x80, $0x38;
	[tilespmem:$0x10200] =	vst v63  }
0x33: {  	s21 =	sadd.s32 $0x40, s10;
	s30 =	simm.s32 @!p0 $0x8200;
	_ =	swait.ge @!p0 [sflag:s25], $0x80  }
0x34: {  	s18 =	sadd.s32 @!p0 s8, s7;
	s0 =	sadd.s32 @!p0 s9, s7;
	[sflag:s25] =	ssyncset.done @!p0 $0x0  }
0x35: {  	s26 =	sadd.s32 @!p0 $0x10000, s0;
	s0 =	simm.s32 @!p0 $0x80;
	[sflag:s25] =	ssyncadd.s32 @!p0 $0xFFFFFF80  }
0x36: {  	[tilespmem:s30], [sflag:$0x3] =	stream.indirect.gather @!p0 [hbm4b:s1+s0], $0x80, s20, s0, $0xb8;
	[tilespmem:$0x10200] =	vst v63  }
0x37: {  	s31 =	simm.s32 @!p0 $0xC200;
	s29 =	sadd.s32 @!p0 $0x10000, s18;
	_ =	swait.ge @!p0 [sflag:s25], $0x4000  }
0x38: {  	s18 =	sadd.s32 $0x20000, s9;
	s20 =	smov.u32 s8;
	[sflag:s25] =	ssyncset.done @!p0 $0x0  }
.LBB2_2:
0x39: {  	[sflag:s25] =	ssyncadd.s32 @!p0 $0xFFFFC000  }
0x3a: {  	s20 =	sadd.s32 $0x20000, s20;
	s24 =	smov.u32 s22;
	s22 =	sadd.s32 $0x400, s22  }
0x3b: {  	[tilespmem:s31], [sflag:$0x3] =	stream.indirect.gather @!p0 [hbm4b:s1+s0], $0x80, s28, s0, $0xb8;
	[tilespmem:$0x10200] =	vst v63  }
0x3c: {  	p1 =	sne.s32 s22, $0x2800;
	_ =	swait.ge @!p0 [sflag:s25], $0x4000  }
0x3d: {  	[sflag:s25] =	ssyncset.done @!p0 $0x0  }
0x3e: {  	p2 =	seq.s32 s19, $0x0;
	[sflag:s25] =	ssyncadd.s32 @!p0 $0xFFFFC000  }
0x3f: {  	[hbm4b:s26+s23] =	stream.linear.scatter @!p0 [tilespmem:s30], [sflag:$0x2], $0x4000, $0x38;
	[tilespmem:$0x10200] =	vst v63  }
0x40: {  	s0 =	simm.s32 @!p2 $0x1  }
0x41: {  	[hbm4b:s29+s23] =	stream.linear.scatter @!p0 [tilespmem:s31], [sflag:$0x2], $0x4000, $0x38;
	[tilespmem:$0x10200] =	vst v63  }
0x42: {  	_ =	swait.ge @!p2 [sflag:s0], $0x4000  }
0x43: {  	[sflag:s0] =	ssyncset.done @!p2 $0x0  }
0x44: {  	[sflag:s0] =	ssyncadd.s32 @!p2 $0xFFFFC000  }
0x45: {  	_ =	swait.ge @!p2 [sflag:s0], $0x4000  }
0x46: {  	[sflag:s0] =	ssyncset.done @!p2 $0x0  }
0x47: {  	[sflag:s0] =	ssyncadd.s32 @!p2 $0xFFFFC000;
	s0 =	sadd.s32 s19, s6  }
0x48: {  	[tilespmem:s2], [sflag:$0x3] =	stream.linear.gather [hbm4b:s0+s2], $0x80, $0x38;
	[tilespmem:$0x10200] =	vst v63  }
0x49: {  	_ =	swait.ge [sflag:s11], $0x80  }
0x4a: {  	s0 =	sadd.s32 s19, s5;
	[sflag:s11] =	ssyncset.done $0x0  }
0x4b: {  	[sflag:s11] =	ssyncadd.s32 $0xFFFFFF80  }
0x4c: {  	[tilespmem:s12], [sflag:$0x3] =	stream.linear.gather [hbm4b:s0+s2], $0x80, $0x38;
	[tilespmem:$0x10200] =	vst v63  }
0x4d: {  	_ =	swait.ge [sflag:s11], $0x80  }
0x4e: {  	[sflag:s11] =	ssyncset.done $0x0  }
0x4f: {  	[sflag:s11] =	ssyncadd.s32 $0xFFFFFF80  }
0x50: {  	[tilespmem:s13], [sflag:$0x3] =	stream.indirect.gather [hbm4b:s1+s12], $0x80, s2, s12, $0xb8;
	[tilespmem:$0x10200] =	vst v63  }
0x51: {  	_ =	swait.ge [sflag:s11], $0x4000  }
0x52: {  	[sflag:s11] =	ssyncset.done $0x0  }
0x53: {  	[sflag:s11] =	ssyncadd.s32 $0xFFFFC000  }
0x54: {  	[tilespmem:s14], [sflag:$0x3] =	stream.indirect.gather [hbm4b:s1+s12], $0x80, s12, s12, $0xb8;
	[tilespmem:$0x10200] =	vst v63  }
0x55: {  	s0 =	sadd.s32 s20, s7;
	_ =	swait.ge [sflag:s11], $0x4000  }
0x56: {  	s23 =	sadd.s32 s18, s7;
	p0 =	sgt.u32 s21, $0x270;
	[sflag:s11] =	ssyncset.done $0x0  }
0x57: {  	s25 =	sadd.s32 @!p0 s19, s6;
	p2 =	seq.s32 @!p0 s19, $0x0;
	[sflag:s11] =	ssyncadd.s32 $0xFFFFC000  }
0x58: {  	s31 =	sadd.s32 @!p0 $0x200, s25;
	p2 =	por p2, p0;
	s19 =	sadd.s32 @!p0 s19, s5  }
0x59: {  	[hbm4b:s23+s2] =	stream.linear.scatter [tilespmem:s13], [sflag:$0x1], $0x4000, $0x38;
	[tilespmem:$0x10200] =	vst v63  }
0x5a: {  	s3 =	simm.s32 @!p0 $0x8100;
	s30 =	simm.s32 @!p2 $0x2;
	s23 =	simm.s32 @!p0 $0x0  }
0x5b: {  	[hbm4b:s0+s2] =	stream.linear.scatter [tilespmem:s14], [sflag:$0x1], $0x4000, $0x38;
	[tilespmem:$0x10200] =	vst v63  }
0x5c: {  	s4 =	sadd.s32 @!p0 $0x200, s19;
	s0 =	sadd.s32 @!p0 s18, s7;
	_ =	swait.ge @!p2 [sflag:s30], $0x4000  }
0x5d: {  	s28 =	simm.s32 @!p0 $0x8180;
	s26 =	sadd.s32 @!p0 $0x10000, s0;
	[sflag:s30] =	ssyncset.done @!p2 $0x0  }
0x5e: {  	s19 =	smov.u32 s24;
	s0 =	sadd.s32 @!p0 s20, s7;
	[sflag:s30] =	ssyncadd.s32 @!p2 $0xFFFFC000  }
0x5f: {  	s29 =	sadd.s32 @!p0 $0x10000, s0;
	_ =	swait.ge @!p2 [sflag:s30], $0x4000  }
0x60: {  	s25 =	simm.s32 @!p0 $0x3;
	[sflag:s30] =	ssyncset.done @!p2 $0x0  }
0x61: {  	s0 =	simm.s32 @!p0 $0x80;
	[sflag:s30] =	ssyncadd.s32 @!p2 $0xFFFFC000;
	s30 =	simm.s32 @!p0 $0x8200  }
0x62: {  	[tilespmem:s3], [sflag:$0x3] =	stream.linear.gather @!p0 [hbm4b:s31+s23], $0x80, $0x38;
	[tilespmem:$0x10200] =	vst v63  }
0x63: {  	_ =	swait.ge @!p0 [sflag:s25], $0x80  }
0x64: {  	[sflag:s25] =	ssyncset.done @!p0 $0x0  }
0x65: {  	s31 =	simm.s32 @!p0 $0xC200;
	[sflag:s25] =	ssyncadd.s32 @!p0 $0xFFFFFF80  }
0x66: {  	[tilespmem:s28], [sflag:$0x3] =	stream.linear.gather @!p0 [hbm4b:s4+s23], $0x80, $0x38;
	[tilespmem:$0x10200] =	vst v63  }
0x67: {  	_ =	swait.ge @!p0 [sflag:s25], $0x80  }
.Ltmp0:
0x68: {  	[sflag:s25] =	ssyncset.done @!p0 $0x0;
	(pc) =	sbr.rel @p1 .LBB2_2-.Ltmp0, $4  }
0x69: {  	[sflag:s25] =	ssyncadd.s32 @!p0 $0xFFFFFF80  }
0x6a: {  	[tilespmem:s30], [sflag:$0x3] =	stream.indirect.gather @!p0 [hbm4b:s1+s0], $0x80, s3, s0, $0xb8;
	[tilespmem:$0x10200] =	vst v63  }
0x6b: {  	_ =	swait.ge @!p0 [sflag:s25], $0x4000  }
0x6c: {  	s21 =	sadd.s32 $0x40, s21;
	s18 =	sadd.s32 $0x20000, s18;
	[sflag:s25] =	ssyncset.done @!p0 $0x0  }
0x6d: {  	[sflag:s25] =	ssyncadd.s32 @!p0 $0xFFFFC000  }
0x6e: {  	[tilespmem:s31], [sflag:$0x3] =	stream.indirect.gather @!p0 [hbm4b:s1+s0], $0x80, s28, s0, $0xb8;
	[tilespmem:$0x10200] =	vst v63  }
0x6f: {  	_ =	swait.ge @!p0 [sflag:s25], $0x4000  }
0x70: {  	[sflag:s25] =	ssyncset.done @!p0 $0x0  }
0x71: {  	p1 =	seq.s32 s19, $0x0;
	[sflag:s25] =	ssyncadd.s32 @!p0 $0xFFFFC000  }
0x72: {  	[hbm4b:s26+s23] =	stream.linear.scatter @!p0 [tilespmem:s30], [sflag:$0x2], $0x4000, $0x38;
	[tilespmem:$0x10200] =	vst v63  }
0x73: {  	s0 =	simm.s32 @!p1 $0x1  }
0x74: {  	[hbm4b:s29+s23] =	stream.linear.scatter @!p0 [tilespmem:s31], [sflag:$0x2], $0x4000, $0x38;
	[tilespmem:$0x10200] =	vst v63  }
0x75: {  	_ =	swait.ge @!p1 [sflag:s0], $0x4000  }
0x76: {  	[sflag:s0] =	ssyncset.done @!p1 $0x0  }
0x77: {  	[sflag:s0] =	ssyncadd.s32 @!p1 $0xFFFFC000  }
0x78: {  	_ =	swait.ge @!p1 [sflag:s0], $0x4000  }
0x79: {  	[sflag:s0] =	ssyncset.done @!p1 $0x0  }
0x7a: {  	s28 =	sadd.s32 s19, s6;
	[sflag:s0] =	ssyncadd.s32 @!p1 $0xFFFFC000  }
0x7b: {  	[tilespmem:s2], [sflag:$0x3] =	stream.linear.gather [hbm4b:s28+s2], $0x80, $0x38;
	[tilespmem:$0x10200] =	vst v63  }
0x7c: {  	_ =	swait.ge [sflag:s11], $0x80  }
0x7d: {  	[sflag:s11] =	ssyncset.done $0x0  }
0x7e: {  	s29 =	sadd.s32 s19, s5;
	[sflag:s11] =	ssyncadd.s32 $0xFFFFFF80  }
0x7f: {  	[tilespmem:s12], [sflag:$0x3] =	stream.linear.gather [hbm4b:s29+s2], $0x80, $0x38;
	[tilespmem:$0x10200] =	vst v63  }
0x80: {  	_ =	swait.ge [sflag:s11], $0x80  }
0x81: {  	[sflag:s11] =	ssyncset.done $0x0  }
0x82: {  	[sflag:s11] =	ssyncadd.s32 $0xFFFFFF80  }
0x83: {  	[tilespmem:s13], [sflag:$0x3] =	stream.indirect.gather [hbm4b:s1+s12], $0x80, s2, s12, $0xb8;
	[tilespmem:$0x10200] =	vst v63  }
0x84: {  	_ =	swait.ge [sflag:s11], $0x4000  }
0x85: {  	[sflag:s11] =	ssyncset.done $0x0  }
0x86: {  	[sflag:s11] =	ssyncadd.s32 $0xFFFFC000  }
0x87: {  	[tilespmem:s14], [sflag:$0x3] =	stream.indirect.gather [hbm4b:s1+s12], $0x80, s12, s12, $0xb8;
	[tilespmem:$0x10200] =	vst v63  }
0x88: {  	p0 =	sgt.u32 s21, $0x270;
	_ =	swait.ge [sflag:s11], $0x4000  }
0x89: {  	s3 =	sadd.s32 s18, s7;
	p1 =	seq.s32 @!p0 s19, $0x0;
	[sflag:s11] =	ssyncset.done $0x0  }
0x8a: {  	s0 =	sadd.s32 $0x20000, s20;
	p1 =	por p1, p0;
	[sflag:s11] =	ssyncadd.s32 $0xFFFFC000  }
0x8b: {  	[hbm4b:s3+s2] =	stream.linear.scatter [tilespmem:s13], [sflag:$0x1], $0x4000, $0x38;
	[tilespmem:$0x10200] =	vst v63  }
0x8c: {  	s30 =	sadd.s32 s0, s7;
	s4 =	simm.s32 @!p1 $0x2  }
0x8d: {  	[hbm4b:s30+s2] =	stream.linear.scatter [tilespmem:s14], [sflag:$0x1], $0x4000, $0x38;
	[tilespmem:$0x10200] =	vst v63  }
0x8e: {  	_ =	swait.ge @!p1 [sflag:s4], $0x4000  }
0x8f: {  	[sflag:s4] =	ssyncset.done @!p1 $0x0  }
0x90: {  	[sflag:s4] =	ssyncadd.s32 @!p1 $0xFFFFC000  }
0x91: {  	s21 =	simm.s32 @!p0 $0x8100;
	_ =	swait.ge @!p1 [sflag:s4], $0x4000  }
0x92: {  	s22 =	simm.s32 @!p0 $0x3;
	s3 =	sadd.s32 @!p0 s19, s6;
	[sflag:s4] =	ssyncset.done @!p1 $0x0  }
0x93: {  	s20 =	simm.s32 @!p0 $0x0;
	s3 =	sadd.s32 @!p0 $0x200, s3;
	[sflag:s4] =	ssyncadd.s32 @!p1 $0xFFFFC000  }
0x94: {  	[tilespmem:s21], [sflag:$0x3] =	stream.linear.gather @!p0 [hbm4b:s3+s20], $0x80, $0x38;
	[tilespmem:$0x10200] =	vst v63  }
0x95: {  	_ =	swait.ge @!p0 [sflag:s22], $0x80  }
0x96: {  	s3 =	sadd.s32 @!p0 s19, s5;
	[sflag:s22] =	ssyncset.done @!p0 $0x0  }
0x97: {  	s4 =	simm.s32 @!p0 $0x8180;
	s3 =	sadd.s32 @!p0 $0x200, s3;
	[sflag:s22] =	ssyncadd.s32 @!p0 $0xFFFFFF80  }
0x98: {  	[tilespmem:s4], [sflag:$0x3] =	stream.linear.gather @!p0 [hbm4b:s3+s20], $0x80, $0x38;
	[tilespmem:$0x10200] =	vst v63  }
0x99: {  	_ =	swait.ge @!p0 [sflag:s22], $0x80  }
0x9a: {  	[sflag:s22] =	ssyncset.done @!p0 $0x0  }
0x9b: {  	s19 =	simm.s32 @!p0 $0x8200;
	s3 =	simm.s32 @!p0 $0x80;
	[sflag:s22] =	ssyncadd.s32 @!p0 $0xFFFFFF80  }
0x9c: {  	[tilespmem:s19], [sflag:$0x3] =	stream.indirect.gather @!p0 [hbm4b:s1+s3], $0x80, s21, s3, $0xb8;
	[tilespmem:$0x10200] =	vst v63  }
0x9d: {  	_ =	swait.ge @!p0 [sflag:s22], $0x4000  }
0x9e: {  	[sflag:s22] =	ssyncset.done @!p0 $0x0  }
0x9f: {  	s21 =	simm.s32 @!p0 $0xC200;
	[sflag:s22] =	ssyncadd.s32 @!p0 $0xFFFFC000  }
0xa0: {  	[tilespmem:s21], [sflag:$0x3] =	stream.indirect.gather @!p0 [hbm4b:s1+s3], $0x80, s4, s3, $0xb8;
	[tilespmem:$0x10200] =	vst v63  }
0xa1: {  	_ =	swait.ge @!p0 [sflag:s22], $0x4000  }
0xa2: {  	s3 =	sadd.s32 @!p0 s18, s7;
	[sflag:s22] =	ssyncset.done @!p0 $0x0  }
0xa3: {  	s0 =	sadd.s32 @!p0 s0, s7;
	s3 =	sadd.s32 @!p0 $0x10000, s3;
	[sflag:s22] =	ssyncadd.s32 @!p0 $0xFFFFC000  }
0xa4: {  	[hbm4b:s3+s20] =	stream.linear.scatter @!p0 [tilespmem:s19], [sflag:$0x2], $0x4000, $0x38;
	[tilespmem:$0x10200] =	vst v63  }
0xa5: {  	s0 =	sadd.s32 @!p0 $0x10000, s0  }
0xa6: {  	[hbm4b:s0+s20] =	stream.linear.scatter @!p0 [tilespmem:s21], [sflag:$0x2], $0x4000, $0x38;
	[tilespmem:$0x10200] =	vst v63  }
0xa7: {  	_ =	swait.ge [sflag:s15], $0x4000  }
0xa8: {  	[sflag:s15] =	ssyncset.done $0x0  }
0xa9: {  	[sflag:s15] =	ssyncadd.s32 $0xFFFFC000  }
0xaa: {  	_ =	swait.ge [sflag:s15], $0x4000  }
0xab: {  	[sflag:s15] =	ssyncset.done $0x0  }
0xac: {  	[sflag:s15] =	ssyncadd.s32 $0xFFFFC000  }
0xad: {  	_ =	swait.ge [sflag:s16], $0x4000  }
0xae: {  	[sflag:s16] =	ssyncset.done $0x0  }
0xaf: {  	[sflag:s16] =	ssyncadd.s32 $0xFFFFC000  }
0xb0: {  	_ =	swait.ge [sflag:s16], $0x4000  }
0xb1: {  	s17 =	sadd.s32 $0x1, s17;
	s31 =	rddreg [dreg:$0x3]  }
0xb2: {  	p0 =	sne.s32 s17, s31  }
.Ltmp1:
0xb3: {  	_ = 	snop;
	(pc) =	sbr.rel @p0 .LBB2_1-.Ltmp1, $3  }
0xb4: {  	_ =	sdelay $0x1  }
0xb5: {  	[sflag:s16] =	ssyncset.done $0x0  }
0xb6: {  	[sflag:s16] =	ssyncadd.s32 $0xFFFFC000  }
0xb7: {  	_ =	sfence.sel $0x180000  }
0xb8: {  	[bflag:$0x0] =	sbarrier.arrive $0xFFFF  }
0xb9: {  	_ =	strace $0x9000004A  }
0xba: {  	s0 =	stileid.u32;
	[bflag:$0x2] =	sbarrier.arrive $0xFFFF  }
0xbb: {  	p0 =	sne.s32 s0, $0x0;
	s0 =	rddreg [dreg:$0x2]  }
0xbc: {  	s0 =	sadd.s32 @!p0 $0x100000, s0  }
0xbd: {  	[sflag:s0] =	ssyncadd.tile.s32 @!p0 $0x1;
	_ =	shalt  }
.Lfunc_end2:
_tile_overlayer_lowered:
.L_overlay_start_2:
0xbe: {  	(tag) =	ssettag $0x2  }
0xbf: {  	s0 =	rddreg [dreg:$0x0];
	s2 =	stileid.u32  }
0xc0: {  	s1 =	rddreg [dreg:$0x1];
	p0 =	sne.s32 s2, $0x0  }
0xc1: {  	s3 =	rddreg [dreg:$0x2];
	[bflag:$0x3] =	sbarrier.arrive $0xFFFF;
	s2 =	simm.s32 @!p0 $0x1C03  }
0xc2: {  	[timem:s3], [sflag:s2] =	dma.local @!p0 [hbm:s0], s1  }
0xc3: {  	s0 =	simm.s32 @!p0 $0x3  }
0xc4: {  	_ =	swait.ge @!p0 [sflag:s0], s1  }
0xc5: {  	s1 =	ssub.s32 @!p0 $0x0, s1;
	[sflag:s0] =	ssyncset.done @!p0 $0x0  }
0xc6: {  	[sflag:s0] =	ssyncadd.s32 @!p0 s1  }
0xc7: {  	[bflag:$0x3] =	sbarrier.arrive $0xFFFF  }
0xc8: {  	_ =	shalt  }

// kernel: kernel.31.cloned.1.call-start
scs
__scs_entry_jumppad:
0x0: {  	(pc) =	sbr.rel $0x88, $3  }
0x1: {  	(tag) =	ssettag $0x0;
	lr =	simm.s32 $0x1  }
0x2: {  	[smem:$0x3F8D] =	sst lr;
	_ =	strace $0xD0000000  }
0x3: {  	_ = 	snop  }
0x4: {  	_ = 	snop  }
0x5: {  	_ = 	snop  }
0x6: {  	_ = 	snop  }
0x7: {  	_ = 	snop  }
__scs_overlays_trampoline_lowered:
0x8: {  	[smem:$0x3F9C] =	sst s0  }
0x9: {  	[smem:$0x3F9D] =	sst s1  }
0xa: {  	[smem:$0x3F9E] =	sst s2  }
0xb: {  	[smem:$0x3F9F] =	sst s3  }
0xc: {  	[smem:$0x3FA0] =	sst s4  }
0xd: {  	[smem:$0x3FA1] =	sst s5  }
0xe: {  	[smem:$0x3FA2] =	sst s6  }
0xf: {  	[smem:$0x3FA3] =	sst s7  }
0x10: {  	[smem:$0x3FA4] =	sst s8  }
0x11: {  	[smem:$0x3FA5] =	sst s9;
	s0 =	simm.s32 @!p0 $0x0  }
0x12: {  	s1 =	sld [smem:$0x3F8B];
	s0 =	simm.s32 @p0 $0x1  }
0x13: {  	[smem:$0x3FA6] =	sst s0;
	s0 =	simm.s32 @!p1 $0x0  }
0x14: {  	s2 =	sld [smem:$0x3F8A];
	s0 =	simm.s32 @p1 $0x1  }
0x15: {  	[smem:$0x3FA7] =	sst s0;
	s0 =	simm.s32 @!p2 $0x0  }
0x16: {  	s3 =	sld [smem:$0x3FDB];
	s0 =	simm.s32 @p2 $0x1  }
0x17: {  	s4 =	simm.s32 $0x1BF5;
	[smem:$0x3FA9] =	sst s0  }
0x18: {  	s0 =	sld [smem:$0x3F8C];
	_ =	swait.ge [sflag:s4], $0x0  }
0x19: {  	s7 =	sld [smem:$0x3F8D]  }
0x1a: {  	s8 =	sadd.s32 $0xFFFFE003, lr  }
0x1b: {  	s9 =	sadd.s32 $0xFFFFFEF7, lr;
	s5 =	simm.s32 $0xFFFFFFFF;
	p2 =	slt.u32 s8, $0xFFFFF086  }
0x1c: {  	p1 =	slt.u32 s9, $0xF7A;
	s5 =	simm.s32 @!p2 $0x0  }
0x1d: {  	s5 =	simm.s32 @p1 $0x1;
	p0 =	seq.s32 s7, s2  }
0x1e: {  	s7 =	smul.u32 @!p0 $0xF7A, s2;
	p2 =	seq.s32 @!p0 s5, $0x0  }
0x1f: {  	s9 =	smul.u32 $0xF7A, s1;
	s8 =	simm.s32 @!p0 $0x1BF5;
	p2 =	por !p2, p0  }
0x20: {  	[sflag:s8] =	ssyncset.s32 @!p0 $0xFFFFF086;
	s6 =	sadd.s32 @!p0 s3, s7;
	s7 =	simm.s32 @!p0 $0x108  }
0x21: {  	s3 =	sadd.s32 s3, s9;
	s6 =	sadd.s32 @!p0 $0x88, s6;
	s7 =	simm.s32 @p2 $0x1082  }
0x22: {  	[simem:s7], [sflag:s8] =	dma.local @!p0 [hbm:s6], $0xF7A  }
0x23: {  	s9 =	sor.u32 $0xD0000000, s2;
	s6 =	simm.s32 $0x108;
	_ =	swait.ge @!p0 [sflag:s8], $0x0  }
0x24: {  	s3 =	sadd.s32 $0x88, s3;
	s6 =	simm.s32 @!p1 $0x1082;
	[sflag:s4] =	ssyncset.s32 $0xFFFFF086  }
0x25: {  	[simem:s6], [sflag:s4] =	dma.local [hbm:s3], $0xF7A  }
0x26: {  	[smem:$0x3F8D] =	sst s1;
	(tag) =	ssettag s2;
	_ =	strace s9  }
0x27: {  	s1 =	sld [smem:$0x3F9D]  }
0x28: {  	s2 =	sld [smem:$0x3F9E]  }
0x29: {  	s4 =	sld [smem:$0x3FA0]  }
0x2a: {  	p0 =	seq.s32 s5, $0x0;
	s5 =	sld [smem:$0x3FA1]  }
0x2b: {  	s6 =	sld [smem:$0x3FA2]  }
0x2c: {  	s7 =	sld [smem:$0x3FA3]  }
0x2d: {  	s3 =	simm.s32 $0x108;
	s8 =	sld [smem:$0x3FA4]  }
0x2e: {  	s3 =	simm.s32 @!p0 $0x1082;
	s9 =	sld [smem:$0x3FA5]  }
0x2f: {  	lr =	sadd.s32 s0, s3;
	s0 =	sld [smem:$0x3F9C]  }
0x30: {  	s3 =	sld [smem:$0x3F9F]  }
0x31: {  	[smem:$0x3FA8] =	sst s10  }
0x32: {  	s10 =	sld [smem:$0x3FA6];
	_ =	sdelay $0x3  }
0x33: {  	p0 =	seq.s32 s10, $0x1;
	s10 =	sld [smem:$0x3FA8];
	_ =	sdelay $0x3  }
0x34: {  	[smem:$0x3FA8] =	sst s10  }
0x35: {  	s10 =	sld [smem:$0x3FA7];
	_ =	sdelay $0x3  }
0x36: {  	p1 =	seq.s32 s10, $0x1;
	s10 =	sld [smem:$0x3FA8];
	_ =	sdelay $0x3  }
0x37: {  	[smem:$0x3FA8] =	sst s10  }
0x38: {  	s10 =	sld [smem:$0x3FA9]  }
0x39: {  	_ = 	snop;
	(pc) =	sbr.ind lr, $3  }
0x3a: {  	_ = 	snop  }
0x3b: {  	_ = 	snop  }
0x3c: {  	p2 =	seq.s32 s10, $0x1;
	s10 =	sld [smem:$0x3FA8]  }
0x3d: {  	_ =	shalt  }
0x3e: {  	_ =	shalt  }
0x3f: {  	_ =	shalt  }
0x40: {  	_ =	shalt  }
0x41: {  	_ =	shalt  }
0x42: {  	_ =	shalt  }
0x43: {  	_ =	shalt  }
0x44: {  	_ =	shalt  }
0x45: {  	_ =	shalt  }
0x46: {  	_ =	shalt  }
0x47: {  	_ =	shalt  }
0x48: {  	_ =	shalt  }
0x49: {  	_ =	shalt  }
0x4a: {  	_ =	shalt  }
0x4b: {  	_ =	shalt  }
0x4c: {  	_ =	shalt  }
0x4d: {  	_ =	shalt  }
0x4e: {  	_ =	shalt  }
0x4f: {  	_ =	shalt  }
0x50: {  	_ =	shalt  }
0x51: {  	_ =	shalt  }
0x52: {  	_ =	shalt  }
0x53: {  	_ =	shalt  }
0x54: {  	_ =	shalt  }
0x55: {  	_ =	shalt  }
0x56: {  	_ =	shalt  }
0x57: {  	_ =	shalt  }
0x58: {  	_ =	shalt  }
0x59: {  	_ =	shalt  }
0x5a: {  	_ =	shalt  }
0x5b: {  	_ =	shalt  }
0x5c: {  	_ =	shalt  }
0x5d: {  	_ =	shalt  }
0x5e: {  	_ =	shalt  }
0x5f: {  	_ =	shalt  }
0x60: {  	_ =	shalt  }
0x61: {  	_ =	shalt  }
0x62: {  	_ =	shalt  }
0x63: {  	_ =	shalt  }
0x64: {  	_ =	shalt  }
0x65: {  	_ =	shalt  }
0x66: {  	_ =	shalt  }
0x67: {  	_ =	shalt  }
0x68: {  	_ =	shalt  }
0x69: {  	_ =	shalt  }
0x6a: {  	_ =	shalt  }
0x6b: {  	_ =	shalt  }
0x6c: {  	_ =	shalt  }
0x6d: {  	_ =	shalt  }
0x6e: {  	_ =	shalt  }
0x6f: {  	_ =	shalt  }
0x70: {  	_ =	shalt  }
0x71: {  	_ =	shalt  }
0x72: {  	_ =	shalt  }
0x73: {  	_ =	shalt  }
0x74: {  	_ =	shalt  }
0x75: {  	_ =	shalt  }
0x76: {  	_ =	shalt  }
0x77: {  	_ =	shalt  }
0x78: {  	_ =	shalt  }
0x79: {  	_ =	shalt  }
0x7a: {  	_ =	shalt  }
0x7b: {  	_ =	shalt  }
0x7c: {  	_ =	shalt  }
0x7d: {  	_ =	shalt  }
0x7e: {  	_ =	shalt  }
0x7f: {  	_ =	shalt  }
0x80: {  	_ =	shalt  }
0x81: {  	_ =	shalt  }
0x82: {  	_ =	shalt  }
0x83: {  	_ =	shalt  }
0x84: {  	_ =	shalt  }
0x85: {  	_ =	shalt  }
0x86: {  	_ =	shalt  }
0x87: {  	_ =	shalt  }
.Lfunc_end0:
.L_simem_size_0:
called_computation.5_lowered:
.L_overlay_start_0:
0x88: {  	s2 =	sld [smem:$0x3FD9]  }
0x89: {  	s3 =	sld [smem:$0x3FFE];
	_ =	sdelay $0x1  }
0x8a: {  	s1 =	srdreg.scid  }
0x8b: {  	s0 =	sand.u32 $0x1, s1  }
0x8c: {  	s17 =	sshll.u32 s0, $0xA;
	s2 =	sadd.s32 s3, s2  }
0x8d: {  	s2 =	sadd.s32 s2, s17  }
0x8e: {  	[smem:$0x3FB4] =	sst s2  }
0x8f: {  	_ = 	snop  }
0x90: {  	(tm) =	ssettm $0x1  }
0x91: {  	s18 =	sld [smem:$0x3FFB];
	_ =	sdelay $0x3  }
0x92: {  	_ =	strace s18  }
0x93: {  	s2 =	sld [smem:$0x3FFC];
	_ =	sdelay $0x3  }
0x94: {  	_ =	strace s2  }
0x95: {  	s2 =	sld [smem:$0x3FFD];
	_ =	sdelay $0x3  }
0x96: {  	_ =	strace s2  }
0x97: {  	_ =	strace $0x8FFFFFFF  }
0x98: {  	s19 =	sld [smem:$0x3FDB];
	_ =	sdelay $0x1  }
0x99: {  	s20 =	simm.s32 $_scs_section_size  }
0x9a: {  	s4 =	simm.s32 $_size__tile_overlayer_lowered;
	s5 =	simm.s32 $_tile_overlayer_lowered  }
0x9b: {  	s6 =	simm.s32 $0x1BFF;
	s21 =	sshll.u32 s5, $0x1;
	s3 =	sadd.s32 s20, s19  }
0x9c: {  	s22 =	simm.s32 $0x0;
	s4 =	sshll.u32 s4, $0x1;
	s5 =	sadd.s32 s21, s3  }
0x9d: {  	[timem:s22], [sflag:s6] =	dma.local [hbm:s5], s4  }
0x9e: {  	_ =	swait.ge [sflag:s6], s4  }
0x9f: {  	s4 =	ssub.s32 $0x0, s4;
	[sflag:s6] =	ssyncset.done $0x0  }
0xa0: {  	[sflag:s6] =	ssyncadd.s32 s4;
	_ =	sdelay $0x1  }
0xa1: {  	s23 =	simm.s32 $0x1B8B  }
0xa2: {  	_ =	swait.ge [sflag:s23], $0x1  }
0xa3: {  	[sflag:s23] =	ssyncset.done $0x0  }
0xa4: {  	[sflag:s23] =	ssyncadd.s32 $0xFFFFFFFF  }
0xa5: {  	s4 =	sld [smem:$0x0]  }
0xa6: {  	s5 =	sand.u32 $0xFFFFFFFE, s1  }
0xa7: {  	p0 =	sne.s32 s1, s5  }
0xa8: {  	s5 =	sshll.u32 @p0 s5, $0xE  }
0xa9: {  	s5 =	sadd.s32 @p0 $0x11B8D, s5;
	s6 =	sshll.u32 @p0 s4, $0x11  }
0xaa: {  	s5 =	sor.u32 @p0 s6, s5  }
0xab: {  	[sflag:s5] =	ssyncadd.remote.s32 @p0 $0x1;
	_ =	sdelay $0x1  }
0xac: {  	s5 =	simm.s32 @p0 $0x1B8D  }
0xad: {  	_ =	swait.eq @p0 [sflag:s5], $0x1  }
0xae: {  	[sflag:s5] =	ssyncadd.s32 @p0 $0xFFFFFFFF  }
0xaf: {  	s6 =	sshll.u32 @!p0 s1, $0xE  }
0xb0: {  	s6 =	sor.u32 @!p0 $0x4000, s6;
	s5 =	simm.s32 @!p0 $0x1B8D  }
0xb1: {  	s4 =	sshll.u32 @!p0 s4, $0x11;
	s6 =	sadd.s32 @!p0 $0x11B8D, s6;
	_ =	swait.eq @!p0 [sflag:s5], $0x1  }
0xb2: {  	s4 =	sor.u32 @!p0 s4, s6;
	[sflag:s5] =	ssyncadd.s32 @!p0 $0xFFFFFFFF  }
0xb3: {  	s25 =	simm.s32 $0x1B8E;
	s24 =	sld [smem:$0x3FFE];
	[sflag:s4] =	ssyncadd.remote.s32 @!p0 $0x1  }
0xb4: {  	s26 =	simm.s32 $execute0_lowered;
	[smem:$0x3FD2] =	sst s25  }
0xb5: {  	s5 =	sshll.u32 s26, $0x1;
	_ =	strace $0x80000055;
	[dreg:$0x1] =	wrdreg $0xFFFFFFFF  }
0xb6: {  	s28 =	simm.s32 $_size_execute0_lowered;
	s3 =	sadd.s32 s3, s5;
	[dreg:$0x0] =	wrdreg $0x0  }
0xb7: {  	s5 =	sshll.u32 s28, $0x1;
	[dreg:$0x2] =	wrdreg s3  }
0xb8: {  	[dreg:$0x3] =	wrdreg s5  }
0xb9: {  	[dreg:$0x4] =	wrdreg $0xC0  }
0xba: {  	_ =	task [dreg:s22], $0x5FFFF  }
0xbb: {  	[dreg:$0x1] =	wrdreg $0xFFFFFFFF  }
0xbc: {  	[dreg:$0x0] =	wrdreg $0x60  }
0xbd: {  	[dreg:$0x2] =	wrdreg s24  }
0xbe: {  	[dreg:$0x3] =	wrdreg $0x95000  }
0xbf: {  	[dreg:$0x4] =	wrdreg $0xB  }
0xc0: {  	_ =	task.clear_ibuf [dreg:s22], $0x5FFFF;
	_ =	strace $0x90000055  }
0xc1: {  	s29 =	simm.s32 $0xB;
	_ =	strace $0x80000057  }
0xc2: {  	_ =	swait.ge [sflag:s29], $0x1  }
0xc3: {  	[sflag:s29] =	ssyncadd.s32 $0xFFFFFFFF  }
0xc4: {  	_ =	strace $0x90000057  }
0xc5: {  	_ =	sfence  }
0xc6: {  	s30 =	sld [smem:$0x0];
	_ =	sdelay $0x2  }
0xc7: {  	s31 =	sshll.u32 s1, $0xD;
	s1 =	sshrl.u32 s1, $0x2  }
0xc8: {  	s4 =	sand.u32 $0x4000, s31;
	s1 =	sadd.s32 s1, s30  }
0xc9: {  	s0 =	sor.u32 s4, s0;
	s1 =	sshll.u32 s1, $0x11  }
0xca: {  	s0 =	sor.u32 s1, s0  }
0xcb: {  	s0 =	sadd.s32 $0x8F2B, s0  }
0xcc: {  	[sflag:s0] =	ssyncadd.remote.s32 $0x1  }
0xcd: {  	_ =	sfence.sel $0xFFFF  }
0xce: {  	[dreg:$0x0] =	wrdreg $0xFFFFFFFF;
	(pc) =	sbr.abs _section_cstart, $3  }
0xcf: {  	[dreg:$0x1] =	wrdreg $0xFFFFFFFF  }
0xd0: {  	_ =	task.clear_ibuf [dreg:s22], $0x2FFFF;
	_ =	strace $0x9FFFFFFF  }
0xd1: {  	(tm) =	ssettm $0x7FFFFFFF  }
tec
execute0_lowered:
.L_overlay_start_1:
0x0: {  	(tag) =	ssettag $0x1  }
0x1: {  	s3 =	rddreg [dreg:$0x0]  }
0x2: {  	s1 =	rddreg [dreg:$0x1]  }
0x3: {  	s0 =	rddreg [dreg:$0x2];
	s2 =	simm.s32 $0x0  }
0x4: {  	s4 =	srdreg.scid;
	s17 =	simm.s32 $0x4100;
	s18 =	simm.s32 $0x1  }
0x5: {  	s19 =	simm.s32 $0x2;
	s20 =	simm.s32 $0x0;
	[smem:$0x7FF] =	sst s2  }
0x6: {  	s9 =	sadd.s32 $0x155800, s3;
	s10 =	sadd.s32 $0x15800, s3;
	s11 =	sand.u32 $0x1, s4  }
0x7: {  	s13 =	sadd.s32 $0xA7D800, s3;
	s12 =	sadd.s32 $0xAA4A00, s3;
	s3 =	stileid.u32  }
0x8: {  	_ =	strace $0x80000056;
	s4 =	ssub.s32 $0x2, s11;
	s6 =	sshll.u32 s11, $0x4  }
0x9: {  	p0 =	seq.s32 s11, $0x1;
	s16 =	smul.u32 $0x5000, s3;
	s28 =	sshll.u32 s11, $0x8  }
0xa: {  	s11 =	sshll.u32 s11, $0xF;
	s29 =	sshll.u32 s3, $0xB;
	s30 =	sshll.u32 s3, $0x4  }
0xb: {  	s31 =	smul.u32 $0x280, s3;
	s5 =	sshrl.u32 s4, $0x1;
	s14 =	sor.u32 s3, s6  }
0xc: {  	s13 =	smov.u32 @p0 s12;
	s4 =	ssub.s32 s4, s5;
	s25 =	sshll.u32 s14, $0x4  }
0xd: {  	s6 =	sshll.u32 s14, $0xB;
	s7 =	sor.u32 $0x20, s14;
	s26 =	sshrl.u32 s16, $0x2  }
0xe: {  	s12 =	sor.u32 $0x60, s14;
	s13 =	sadd.s32 s31, s13;
	s14 =	simm.s32 $0x3  }
0xf: {  	s16 =	simm.s32 $0x4080;
	s4 =	smax.u32 s4, $0x1;
	s5 =	sadd.s32 s10, s25  }
0x10: {  	s6 =	sadd.s32 s9, s6;
	s8 =	sshll.u32 s7, $0x4;
	s15 =	sshll.u32 s7, $0xB  }
0x11: {  	s7 =	sadd.s32 s10, s8;
	s8 =	sadd.s32 s9, s15;
	s9 =	sadd.s32 s11, s9  }
0x12: {  	s10 =	sadd.s32 s28, s10;
	s15 =	simm.s32 $0x80;
	s11 =	sadd.s32 s29, s9  }
0x13: {  	v0 =	vimm.f32 $0.0e+00;
	s9 =	sadd.s32 s26, s1;
	s10 =	sadd.s32 s30, s10;
	s11 =	sadd.s32 $0x30000, s11  }
.LBB2_1:
0x14: {  	s21 =	simm.s32 $0x0;
	s22 =	simm.s32 $0x200  }
.LBB2_2:
0x15: {  	p1 =	sne.s32 s22, $0x4E00;
	[tilespmem:s21+$0x8170] =	vst v0  }
0x16: {  	[tilespmem:s21+$0x8100] =	vst v0  }
0x17: {  	[tilespmem:s21+$0x8110] =	vst v0  }
.Ltmp0:
0x18: {  	[tilespmem:s21+$0x8120] =	vst v0;
	(pc) =	sbr.rel @p1 .LBB2_2-.Ltmp0, $4  }
0x19: {  	[tilespmem:s21+$0x8130] =	vst v0  }
0x1a: {  	[tilespmem:s21+$0x8140] =	vst v0  }
0x1b: {  	[tilespmem:s21+$0x8150] =	vst v0  }
0x1c: {  	[tilespmem:s21+$0x8160] =	vst v0;
	s21 =	sshra.s32 s22, $0x2;
	s22 =	sadd.s32 $0x200, s22  }
0x1d: {  	[tilespmem:s21+$0x8170] =	vst v0  }
0x1e: {  	[tilespmem:s21+$0x8100] =	vst v0  }
0x1f: {  	[tilespmem:s21+$0x8110] =	vst v0  }
0x20: {  	[tilespmem:s21+$0x8120] =	vst v0  }
0x21: {  	[tilespmem:s21+$0x8130] =	vst v0  }
0x22: {  	[tilespmem:s21+$0x8140] =	vst v0;
	s22 =	sadd.s32 $0x0, s3  }
0x23: {  	[tilespmem:s21+$0x8150] =	vst v0;
	p1 =	sgt.u32 s22, $0xF9  }
0x24: {  	[tilespmem:s21+$0x8160] =	vst v0;
	s21 =	simm.s32 @!p1 $0x8100;
	s24 =	simm.s32 @!p1 $0x3  }
0x25: {  	[spmem:s9] =	stream.linear.scatter @!p1 [tilespmem:s21], [sflag:$0x3], $0x1400, $0x38;
	[tilespmem:$0x1CD80] =	vst v63  }
0x26: {  	s23 =	simm.s32 $0x20;
	_ =	swait.ge @!p1 [sflag:s24], $0x1400  }
0x27: {  	s22 =	simm.s32 $0x10;
	s21 =	sadd.s32 $0x14000, s9;
	[sflag:s24] =	ssyncset.done @!p1 $0x0  }
.LBB2_4:
0x28: {  	s25 =	sadd.s32 s22, s3;
	s22 =	smov.u32 s23;
	s23 =	sadd.s32 $0x10, s23  }
0x29: {  	[sflag:s24] =	ssyncadd.s32 @!p1 $0xFFFFEC00;
	p2 =	sne.s32 s23, $0x100  }
.Ltmp1:
0x2a: {  	p1 =	sgt.u32 s25, $0xF9;
	(pc) =	sbr.rel @p2 .LBB2_4-.Ltmp1, $4  }
0x2b: {  	s25 =	simm.s32 @!p1 $0x8100;
	s24 =	simm.s32 @!p1 $0x3  }
0x2c: {  	[spmem:s21] =	stream.linear.scatter @!p1 [tilespmem:s25], [sflag:$0x3], $0x1400, $0x38;
	[tilespmem:$0x1CD80] =	vst v63  }
0x2d: {  	_ =	swait.ge @!p1 [sflag:s24], $0x1400  }
0x2e: {  	s21 =	sadd.s32 $0x14000, s21;
	[sflag:s24] =	ssyncset.done @!p1 $0x0  }
0x2f: {  	s22 =	sadd.s32 s22, s3  }
0x30: {  	p2 =	sgt.u32 s22, $0xF9  }
0x31: {  	[sflag:s24] =	ssyncadd.s32 @!p1 $0xFFFFEC00;
	s22 =	simm.s32 @!p2 $0x8100;
	s23 =	simm.s32 @!p2 $0x3  }
0x32: {  	[spmem:s21] =	stream.linear.scatter @!p2 [tilespmem:s22], [sflag:$0x3], $0x1400, $0x38;
	[tilespmem:$0x1CD80] =	vst v63  }
0x33: {  	_ =	swait.ge @!p2 [sflag:s23], $0x1400  }
0x34: {  	[sflag:s23] =	ssyncset.done @!p2 $0x0  }
0x35: {  	[sflag:s23] =	ssyncadd.s32 @!p2 $0xFFFFEC00  }
0x36: {  	s29 =	simm.s32 $0x0;
	[bflag:$0x0] =	sbarrier.arrive $0xFFFF  }
0x37: {  	[tilespmem:s29], [sflag:$0x3] =	stream.linear.gather [hbm4b:s5+s29], $0x80, $0x38;
	[tilespmem:$0x1CD80] =	vst v63  }
0x38: {  	_ =	swait.ge [sflag:s14], $0x80  }
0x39: {  	[sflag:s14] =	ssyncset.done $0x0  }
0x3a: {  	[sflag:s14] =	ssyncadd.s32 $0xFFFFFF80  }
0x3b: {  	[tilespmem:s15], [sflag:$0x3] =	stream.linear.gather [hbm4b:s6+s29], $0x4000, $0x38;
	[tilespmem:$0x1CD80] =	vst v63  }
0x3c: {  	_ =	swait.ge [sflag:s14], $0x4000  }
0x3d: {  	[sflag:s14] =	ssyncset.done $0x0  }
0x3e: {  	[sflag:s14] =	ssyncadd.s32 $0xFFFFC000  }
0x3f: {  	[spmem:s1] =	stream.indirect.scatter.add.f32 [tilespmem:s15], [sflag:$0x1], $0x80, s29, s15, $0xb8;
	[tilespmem:$0x1CD80] =	vst v63  }
0x40: {  	_ = 	snop  }
0x41: {  	[tilespmem:s16], [sflag:$0x3] =	stream.linear.gather [hbm4b:s7+s29], $0x80, $0x38;
	[tilespmem:$0x1CD80] =	vst v63  }
0x42: {  	_ =	swait.ge [sflag:s14], $0x80  }
0x43: {  	[sflag:s14] =	ssyncset.done $0x0  }
0x44: {  	[sflag:s14] =	ssyncadd.s32 $0xFFFFFF80  }
0x45: {  	[tilespmem:s17], [sflag:$0x3] =	stream.linear.gather [hbm4b:s8+s29], $0x4000, $0x38;
	[tilespmem:$0x1CD80] =	vst v63  }
0x46: {  	_ =	swait.ge [sflag:s14], $0x4000  }
0x47: {  	[sflag:s14] =	ssyncset.done $0x0  }
0x48: {  	[sflag:s14] =	ssyncadd.s32 $0xFFFFC000  }
0x49: {  	[spmem:s1] =	stream.indirect.scatter.add.f32 [tilespmem:s17], [sflag:$0x2], $0x80, s16, s15, $0xb8;
	[tilespmem:$0x1CD80] =	vst v63  }
0x4a: {  	_ =	swait.ge [sflag:s18], $0x4000  }
0x4b: {  	s30 =	sadd.s32 $0x0, s10;
	[sflag:s18] =	ssyncset.done $0x0  }
0x4c: {  	s21 =	sadd.s32 $0x400, s30;
	[sflag:s18] =	ssyncadd.s32 $0xFFFFC000  }
0x4d: {  	[tilespmem:s2], [sflag:$0x3] =	stream.linear.gather [hbm4b:s21+s2], $0x80, $0x38;
	[tilespmem:$0x1CD80] =	vst v63  }
0x4e: {  	_ =	swait.ge [sflag:s14], $0x80  }
0x4f: {  	[sflag:s14] =	ssyncset.done $0x0  }
0x50: {  	s31 =	sadd.s32 $0xFFFF0000, s11;
	[sflag:s14] =	ssyncadd.s32 $0xFFFFFF80  }
0x51: {  	[tilespmem:s15], [sflag:$0x3] =	stream.linear.gather [hbm4b:s31+s2], $0x4000, $0x38;
	[tilespmem:$0x1CD80] =	vst v63  }
0x52: {  	_ =	swait.ge [sflag:s14], $0x4000  }
0x53: {  	p1 =	sgt.u32 s12, $0x270;
	[sflag:s14] =	ssyncset.done $0x0  }
0x54: {  	s21 =	simm.s32 @!p1 $0x2;
	[sflag:s14] =	ssyncadd.s32 $0xFFFFC000  }
0x55: {  	[spmem:s1] =	stream.indirect.scatter.add.f32 [tilespmem:s15], [sflag:$0x1], $0x80, s2, s15, $0xb8;
	[tilespmem:$0x1CD80] =	vst v63  }
0x56: {  	s24 =	simm.s32 @!p1 $0x4080;
	_ =	swait.ge @!p1 [sflag:s21], $0x4000  }
0x57: {  	s25 =	simm.s32 @!p1 $0x3;
	s22 =	sadd.s32 @!p1 $0x0, s10;
	[sflag:s21] =	ssyncset.done @!p1 $0x0  }
0x58: {  	s22 =	sadd.s32 @!p1 $0x600, s22;
	s23 =	simm.s32 @!p1 $0x0;
	[sflag:s21] =	ssyncadd.s32 @!p1 $0xFFFFC000  }
0x59: {  	[tilespmem:s24], [sflag:$0x3] =	stream.linear.gather @!p1 [hbm4b:s22+s23], $0x80, $0x38;
	[tilespmem:$0x1CD80] =	vst v63  }
0x5a: {  	_ =	swait.ge @!p1 [sflag:s25], $0x80  }
0x5b: {  	[sflag:s25] =	ssyncset.done @!p1 $0x0  }
0x5c: {  	s26 =	simm.s32 @!p1 $0x4100;
	[sflag:s25] =	ssyncadd.s32 @!p1 $0xFFFFFF80  }
0x5d: {  	[tilespmem:s26], [sflag:$0x3] =	stream.linear.gather @!p1 [hbm4b:s11+s23], $0x4000, $0x38;
	[tilespmem:$0x1CD80] =	vst v63  }
0x5e: {  	s28 =	simm.s32 @!p1 $0x80;
	s21 =	simm.s32 $0x400;
	_ =	swait.ge @!p1 [sflag:s25], $0x4000  }
0x5f: {  	s22 =	sadd.s32 $0x40, s12;
	s23 =	smov.u32 s11;
	[sflag:s25] =	ssyncset.done @!p1 $0x0  }
.LBB2_6:
0x60: {  	[sflag:s25] =	ssyncadd.s32 @!p1 $0xFFFFC000  }
0x61: {  	s23 =	sadd.s32 $0x20000, s23;
	s25 =	smov.u32 s21;
	s21 =	sadd.s32 $0x400, s21  }
0x62: {  	[spmem:s1] =	stream.indirect.scatter.add.f32 @!p1 [tilespmem:s26], [sflag:$0x2], $0x80, s24, s28, $0xb8;
	[tilespmem:$0x1CD80] =	vst v63  }
0x63: {  	s24 =	sadd.s32 s25, s10;
	p2 =	sne.s32 s21, $0x2400;
	_ =	swait.ge [sflag:s18], $0x4000  }
0x64: {  	s24 =	sadd.s32 $0x400, s24;
	[sflag:s18] =	ssyncset.done $0x0  }
0x65: {  	[sflag:s18] =	ssyncadd.s32 $0xFFFFC000  }
0x66: {  	[tilespmem:s2], [sflag:$0x3] =	stream.linear.gather [hbm4b:s24+s2], $0x80, $0x38;
	[tilespmem:$0x1CD80] =	vst v63  }
0x67: {  	_ =	swait.ge [sflag:s14], $0x80  }
0x68: {  	s24 =	sadd.s32 $0xFFFF0000, s23;
	[sflag:s14] =	ssyncset.done $0x0  }
0x69: {  	[sflag:s14] =	ssyncadd.s32 $0xFFFFFF80  }
0x6a: {  	[tilespmem:s15], [sflag:$0x3] =	stream.linear.gather [hbm4b:s24+s2], $0x4000, $0x38;
	[tilespmem:$0x1CD80] =	vst v63  }
0x6b: {  	_ =	swait.ge [sflag:s14], $0x4000  }
0x6c: {  	p1 =	sgt.u32 s22, $0x270;
	[sflag:s14] =	ssyncset.done $0x0  }
0x6d: {  	s26 =	simm.s32 @!p1 $0x2;
	s24 =	sadd.s32 @!p1 s25, s10;
	[sflag:s14] =	ssyncadd.s32 $0xFFFFC000  }
0x6e: {  	[spmem:s1] =	stream.indirect.scatter.add.f32 [tilespmem:s15], [sflag:$0x1], $0x80, s2, s15, $0xb8;
	[tilespmem:$0x1CD80] =	vst v63  }
0x6f: {  	s28 =	sadd.s32 @!p1 $0x600, s24;
	_ =	swait.ge @!p1 [sflag:s26], $0x4000  }
0x70: {  	s29 =	simm.s32 @!p1 $0x0;
	s24 =	simm.s32 @!p1 $0x4080;
	[sflag:s26] =	ssyncset.done @!p1 $0x0  }
0x71: {  	s25 =	simm.s32 @!p1 $0x3;
	[sflag:s26] =	ssyncadd.s32 @!p1 $0xFFFFC000  }
0x72: {  	[tilespmem:s24], [sflag:$0x3] =	stream.linear.gather @!p1 [hbm4b:s28+s29], $0x80, $0x38;
	[tilespmem:$0x1CD80] =	vst v63  }
0x73: {  	_ =	swait.ge @!p1 [sflag:s25], $0x80  }
.Ltmp2:
0x74: {  	s26 =	simm.s32 @!p1 $0x4100;
	[sflag:s25] =	ssyncset.done @!p1 $0x0;
	(pc) =	sbr.rel @p2 .LBB2_6-.Ltmp2, $4  }
0x75: {  	[sflag:s25] =	ssyncadd.s32 @!p1 $0xFFFFFF80  }
0x76: {  	[tilespmem:s26], [sflag:$0x3] =	stream.linear.gather @!p1 [hbm4b:s23+s29], $0x4000, $0x38;
	[tilespmem:$0x1CD80] =	vst v63  }
0x77: {  	_ =	swait.ge @!p1 [sflag:s25], $0x4000  }
0x78: {  	s22 =	sadd.s32 $0x40, s22;
	s28 =	simm.s32 @!p1 $0x80;
	[sflag:s25] =	ssyncset.done @!p1 $0x0  }
0x79: {  	[sflag:s25] =	ssyncadd.s32 @!p1 $0xFFFFC000  }
0x7a: {  	[spmem:s1] =	stream.indirect.scatter.add.f32 @!p1 [tilespmem:s26], [sflag:$0x2], $0x80, s24, s28, $0xb8;
	[tilespmem:$0x1CD80] =	vst v63  }
0x7b: {  	_ =	swait.ge [sflag:s18], $0x4000  }
0x7c: {  	[sflag:s18] =	ssyncset.done $0x0  }
0x7d: {  	[sflag:s18] =	ssyncadd.s32 $0xFFFFC000  }
0x7e: {  	_ =	swait.ge [sflag:s19], $0x4000  }
0x7f: {  	s21 =	sadd.s32 $0x0, s3;
	[sflag:s19] =	ssyncset.done $0x0  }
0x80: {  	p1 =	sgt.u32 s21, $0xF9;
	[sflag:s19] =	ssyncadd.s32 $0xFFFFC000  }
0x81: {  	s21 =	simm.s32 @!p1 $0x8100;
	s23 =	simm.s32 @!p1 $0x4;
	[bflag:$0x0] =	sbarrier.arrive $0xFFFF  }
0x82: {  	[tilespmem:s21], [sflag:$0x4] =	stream.linear.gather @!p1 [spmem:s9], $0x1400, $0x38;
	[tilespmem:$0x1CD80] =	vst v63  }
0x83: {  	_ =	swait.ge @!p1 [sflag:s23], $0x1400  }
0x84: {  	s22 =	simm.s32 @!p1 $0x3;
	p2 =	por !p0, p1;
	[sflag:s23] =	ssyncset.done @!p1 $0x0  }
0x85: {  	s22 =	simm.s32 @p2 $0x4;
	[sflag:s23] =	ssyncadd.s32 @!p1 $0xFFFFEC00;
	s23 =	simm.s32 @!p1 $0x0  }
0x86: {  	[hbm4b:s13+s23] =	stream.linear.scatter @!p1 [tilespmem:s21], [sflag:s22], $0x1400, $0x38;
	[tilespmem:$0x1CD80] =	vst v63  }
0x87: {  	s25 =	sadd.s32 $0x10, s3;
	s24 =	simm.s32 $0x20;
	_ =	swait.ge @!p1 [sflag:s22], $0x1400  }
0x88: {  	s21 =	sadd.s32 $0x2800, s13;
	s23 =	sadd.s32 $0x14000, s9;
	[sflag:s22] =	ssyncset.done @!p1 $0x0  }
.LBB2_8:
0x89: {  	[sflag:s22] =	ssyncadd.s32 @!p1 $0xFFFFEC00  }
0x8a: {  	p1 =	sgt.u32 s25, $0xF9;
	s25 =	smov.u32 s24;
	s24 =	sadd.s32 $0x10, s24  }
0x8b: {  	s26 =	simm.s32 @!p1 $0x8100;
	s28 =	simm.s32 @!p1 $0x4;
	s22 =	simm.s32 @!p1 $0x3  }
0x8c: {  	[tilespmem:s26], [sflag:$0x4] =	stream.linear.gather @!p1 [spmem:s23], $0x1400, $0x38;
	[tilespmem:$0x1CD80] =	vst v63  }
0x8d: {  	p2 =	sne.s32 s24, $0x100;
	p3 =	por !p0, p1;
	_ =	swait.ge @!p1 [sflag:s28], $0x1400  }
.Ltmp3:
0x8e: {  	[sflag:s28] =	ssyncset.done @!p1 $0x0;
	(pc) =	sbr.rel @p2 .LBB2_8-.Ltmp3, $4  }
0x8f: {  	s22 =	simm.s32 @p3 $0x4;
	[sflag:s28] =	ssyncadd.s32 @!p1 $0xFFFFEC00;
	s28 =	simm.s32 @!p1 $0x0  }
0x90: {  	[hbm4b:s21+s28] =	stream.linear.scatter @!p1 [tilespmem:s26], [sflag:s22], $0x1400, $0x38;
	[tilespmem:$0x1CD80] =	vst v63  }
0x91: {  	s21 =	sadd.s32 $0x2800, s21;
	_ =	swait.ge @!p1 [sflag:s22], $0x1400  }
0x92: {  	s25 =	sadd.s32 s25, s3;
	s23 =	sadd.s32 $0x14000, s23;
	[sflag:s22] =	ssyncset.done @!p1 $0x0  }
0x93: {  	p2 =	sgt.u32 s25, $0xF9;
	[sflag:s22] =	ssyncadd.s32 @!p1 $0xFFFFEC00  }
0x94: {  	s20 =	sadd.s32 $0x1, s20;
	s22 =	simm.s32 @!p2 $0x8100;
	s24 =	simm.s32 @!p2 $0x4  }
0x95: {  	[tilespmem:s22], [sflag:$0x4] =	stream.linear.gather @!p2 [spmem:s23], $0x1400, $0x38;
	[tilespmem:$0x1CD80] =	vst v63  }
0x96: {  	p1 =	por !p0, p2;
	s23 =	simm.s32 @!p2 $0x3;
	_ =	swait.ge @!p2 [sflag:s24], $0x1400  }
0x97: {  	s23 =	simm.s32 @p1 $0x4;
	p1 =	sne.s32 s20, s4;
	[sflag:s24] =	ssyncset.done @!p2 $0x0  }
.Ltmp4:
0x98: {  	[sflag:s24] =	ssyncadd.s32 @!p2 $0xFFFFEC00;
	s24 =	simm.s32 @!p2 $0x0;
	(pc) =	sbr.rel @p1 .LBB2_1-.Ltmp4, $4  }
0x99: {  	[hbm4b:s21+s24] =	stream.linear.scatter @!p2 [tilespmem:s22], [sflag:s23], $0x1400, $0x38;
	[tilespmem:$0x1CD80] =	vst v63  }
0x9a: {  	_ =	swait.ge @!p2 [sflag:s23], $0x1400  }
0x9b: {  	[sflag:s23] =	ssyncset.done @!p2 $0x0  }
0x9c: {  	[sflag:s23] =	ssyncadd.s32 @!p2 $0xFFFFEC00  }
0x9d: {  	_ =	sfence.sel $0x180000  }
0x9e: {  	[bflag:$0x0] =	sbarrier.arrive $0xFFFF  }
0x9f: {  	p0 =	sne.s32 s3, $0x0;
	_ =	strace $0x90000056  }
0xa0: {  	s0 =	sadd.s32 @!p0 $0x100000, s0;
	[bflag:$0x2] =	sbarrier.arrive $0xFFFF  }
0xa1: {  	[sflag:s0] =	ssyncadd.tile.s32 @!p0 $0x1;
	_ =	shalt  }
.Lfunc_end2:
_tile_overlayer_lowered:
.L_overlay_start_2:
0xa2: {  	(tag) =	ssettag $0x2  }
0xa3: {  	s0 =	rddreg [dreg:$0x0];
	s2 =	stileid.u32  }
0xa4: {  	s1 =	rddreg [dreg:$0x1];
	p0 =	sne.s32 s2, $0x0  }
0xa5: {  	s3 =	rddreg [dreg:$0x2];
	[bflag:$0x3] =	sbarrier.arrive $0xFFFF;
	s2 =	simm.s32 @!p0 $0x1C03  }
0xa6: {  	[timem:s3], [sflag:s2] =	dma.local @!p0 [hbm:s0], s1  }
0xa7: {  	s0 =	simm.s32 @!p0 $0x3  }
0xa8: {  	_ =	swait.ge @!p0 [sflag:s0], s1  }
0xa9: {  	s1 =	ssub.s32 @!p0 $0x0, s1;
	[sflag:s0] =	ssyncset.done @!p0 $0x0  }
0xaa: {  	[sflag:s0] =	ssyncadd.s32 @!p0 s1  }
0xab: {  	[bflag:$0x3] =	sbarrier.arrive $0xFFFF  }
0xac: {  	_ =	shalt  }

// kernel: kernel.34.cloned.1.call-start
scs
__scs_entry_jumppad:
0x0: {  	(pc) =	sbr.rel $0x88, $3  }
0x1: {  	(tag) =	ssettag $0x0;
	lr =	simm.s32 $0x1  }
0x2: {  	[smem:$0x3F8D] =	sst lr;
	_ =	strace $0xD0000000  }
0x3: {  	_ = 	snop  }
0x4: {  	_ = 	snop  }
0x5: {  	_ = 	snop  }
0x6: {  	_ = 	snop  }
0x7: {  	_ = 	snop  }
__scs_overlays_trampoline_lowered:
0x8: {  	[smem:$0x3F9C] =	sst s0  }
0x9: {  	[smem:$0x3F9D] =	sst s1  }
0xa: {  	[smem:$0x3F9E] =	sst s2  }
0xb: {  	[smem:$0x3F9F] =	sst s3  }
0xc: {  	[smem:$0x3FA0] =	sst s4  }
0xd: {  	[smem:$0x3FA1] =	sst s5  }
0xe: {  	[smem:$0x3FA2] =	sst s6  }
0xf: {  	[smem:$0x3FA3] =	sst s7  }
0x10: {  	[smem:$0x3FA4] =	sst s8  }
0x11: {  	[smem:$0x3FA5] =	sst s9;
	s0 =	simm.s32 @!p0 $0x0  }
0x12: {  	s1 =	sld [smem:$0x3F8B];
	s0 =	simm.s32 @p0 $0x1  }
0x13: {  	[smem:$0x3FA6] =	sst s0;
	s0 =	simm.s32 @!p1 $0x0  }
0x14: {  	s2 =	sld [smem:$0x3F8A];
	s0 =	simm.s32 @p1 $0x1  }
0x15: {  	[smem:$0x3FA7] =	sst s0;
	s0 =	simm.s32 @!p2 $0x0  }
0x16: {  	s3 =	sld [smem:$0x3FDB];
	s0 =	simm.s32 @p2 $0x1  }
0x17: {  	s4 =	simm.s32 $0x1BF5;
	[smem:$0x3FA9] =	sst s0  }
0x18: {  	s0 =	sld [smem:$0x3F8C];
	_ =	swait.ge [sflag:s4], $0x0  }
0x19: {  	s7 =	sld [smem:$0x3F8D]  }
0x1a: {  	s8 =	sadd.s32 $0xFFFFE003, lr  }
0x1b: {  	s9 =	sadd.s32 $0xFFFFFEF7, lr;
	s5 =	simm.s32 $0xFFFFFFFF;
	p2 =	slt.u32 s8, $0xFFFFF086  }
0x1c: {  	p1 =	slt.u32 s9, $0xF7A;
	s5 =	simm.s32 @!p2 $0x0  }
0x1d: {  	s5 =	simm.s32 @p1 $0x1;
	p0 =	seq.s32 s7, s2  }
0x1e: {  	s7 =	smul.u32 @!p0 $0xF7A, s2;
	p2 =	seq.s32 @!p0 s5, $0x0  }
0x1f: {  	s9 =	smul.u32 $0xF7A, s1;
	s8 =	simm.s32 @!p0 $0x1BF5;
	p2 =	por !p2, p0  }
0x20: {  	[sflag:s8] =	ssyncset.s32 @!p0 $0xFFFFF086;
	s6 =	sadd.s32 @!p0 s3, s7;
	s7 =	simm.s32 @!p0 $0x108  }
0x21: {  	s3 =	sadd.s32 s3, s9;
	s6 =	sadd.s32 @!p0 $0x88, s6;
	s7 =	simm.s32 @p2 $0x1082  }
0x22: {  	[simem:s7], [sflag:s8] =	dma.local @!p0 [hbm:s6], $0xF7A  }
0x23: {  	s9 =	sor.u32 $0xD0000000, s2;
	s6 =	simm.s32 $0x108;
	_ =	swait.ge @!p0 [sflag:s8], $0x0  }
0x24: {  	s3 =	sadd.s32 $0x88, s3;
	s6 =	simm.s32 @!p1 $0x1082;
	[sflag:s4] =	ssyncset.s32 $0xFFFFF086  }
0x25: {  	[simem:s6], [sflag:s4] =	dma.local [hbm:s3], $0xF7A  }
0x26: {  	[smem:$0x3F8D] =	sst s1;
	(tag) =	ssettag s2;
	_ =	strace s9  }
0x27: {  	s1 =	sld [smem:$0x3F9D]  }
0x28: {  	s2 =	sld [smem:$0x3F9E]  }
0x29: {  	s4 =	sld [smem:$0x3FA0]  }
0x2a: {  	p0 =	seq.s32 s5, $0x0;
	s5 =	sld [smem:$0x3FA1]  }
0x2b: {  	s6 =	sld [smem:$0x3FA2]  }
0x2c: {  	s7 =	sld [smem:$0x3FA3]  }
0x2d: {  	s3 =	simm.s32 $0x108;
	s8 =	sld [smem:$0x3FA4]  }
0x2e: {  	s3 =	simm.s32 @!p0 $0x1082;
	s9 =	sld [smem:$0x3FA5]  }
0x2f: {  	lr =	sadd.s32 s0, s3;
	s0 =	sld [smem:$0x3F9C]  }
0x30: {  	s3 =	sld [smem:$0x3F9F]  }
0x31: {  	[smem:$0x3FA8] =	sst s10  }
0x32: {  	s10 =	sld [smem:$0x3FA6];
	_ =	sdelay $0x3  }
0x33: {  	p0 =	seq.s32 s10, $0x1;
	s10 =	sld [smem:$0x3FA8];
	_ =	sdelay $0x3  }
0x34: {  	[smem:$0x3FA8] =	sst s10  }
0x35: {  	s10 =	sld [smem:$0x3FA7];
	_ =	sdelay $0x3  }
0x36: {  	p1 =	seq.s32 s10, $0x1;
	s10 =	sld [smem:$0x3FA8];
	_ =	sdelay $0x3  }
0x37: {  	[smem:$0x3FA8] =	sst s10  }
0x38: {  	s10 =	sld [smem:$0x3FA9]  }
0x39: {  	_ = 	snop;
	(pc) =	sbr.ind lr, $3  }
0x3a: {  	_ = 	snop  }
0x3b: {  	_ = 	snop  }
0x3c: {  	p2 =	seq.s32 s10, $0x1;
	s10 =	sld [smem:$0x3FA8]  }
0x3d: {  	_ =	shalt  }
0x3e: {  	_ =	shalt  }
0x3f: {  	_ =	shalt  }
0x40: {  	_ =	shalt  }
0x41: {  	_ =	shalt  }
0x42: {  	_ =	shalt  }
0x43: {  	_ =	shalt  }
0x44: {  	_ =	shalt  }
0x45: {  	_ =	shalt  }
0x46: {  	_ =	shalt  }
0x47: {  	_ =	shalt  }
0x48: {  	_ =	shalt  }
0x49: {  	_ =	shalt  }
0x4a: {  	_ =	shalt  }
0x4b: {  	_ =	shalt  }
0x4c: {  	_ =	shalt  }
0x4d: {  	_ =	shalt  }
0x4e: {  	_ =	shalt  }
0x4f: {  	_ =	shalt  }
0x50: {  	_ =	shalt  }
0x51: {  	_ =	shalt  }
0x52: {  	_ =	shalt  }
0x53: {  	_ =	shalt  }
0x54: {  	_ =	shalt  }
0x55: {  	_ =	shalt  }
0x56: {  	_ =	shalt  }
0x57: {  	_ =	shalt  }
0x58: {  	_ =	shalt  }
0x59: {  	_ =	shalt  }
0x5a: {  	_ =	shalt  }
0x5b: {  	_ =	shalt  }
0x5c: {  	_ =	shalt  }
0x5d: {  	_ =	shalt  }
0x5e: {  	_ =	shalt  }
0x5f: {  	_ =	shalt  }
0x60: {  	_ =	shalt  }
0x61: {  	_ =	shalt  }
0x62: {  	_ =	shalt  }
0x63: {  	_ =	shalt  }
0x64: {  	_ =	shalt  }
0x65: {  	_ =	shalt  }
0x66: {  	_ =	shalt  }
0x67: {  	_ =	shalt  }
0x68: {  	_ =	shalt  }
0x69: {  	_ =	shalt  }
0x6a: {  	_ =	shalt  }
0x6b: {  	_ =	shalt  }
0x6c: {  	_ =	shalt  }
0x6d: {  	_ =	shalt  }
0x6e: {  	_ =	shalt  }
0x6f: {  	_ =	shalt  }
0x70: {  	_ =	shalt  }
0x71: {  	_ =	shalt  }
0x72: {  	_ =	shalt  }
0x73: {  	_ =	shalt  }
0x74: {  	_ =	shalt  }
0x75: {  	_ =	shalt  }
0x76: {  	_ =	shalt  }
0x77: {  	_ =	shalt  }
0x78: {  	_ =	shalt  }
0x79: {  	_ =	shalt  }
0x7a: {  	_ =	shalt  }
0x7b: {  	_ =	shalt  }
0x7c: {  	_ =	shalt  }
0x7d: {  	_ =	shalt  }
0x7e: {  	_ =	shalt  }
0x7f: {  	_ =	shalt  }
0x80: {  	_ =	shalt  }
0x81: {  	_ =	shalt  }
0x82: {  	_ =	shalt  }
0x83: {  	_ =	shalt  }
0x84: {  	_ =	shalt  }
0x85: {  	_ =	shalt  }
0x86: {  	_ =	shalt  }
0x87: {  	_ =	shalt  }
.Lfunc_end0:
.L_simem_size_0:
called_computation.6_lowered:
.L_overlay_start_0:
0x88: {  	s2 =	sld [smem:$0x3FD9]  }
0x89: {  	s3 =	sld [smem:$0x3FFE];
	_ =	sdelay $0x1  }
0x8a: {  	s1 =	srdreg.scid  }
0x8b: {  	s0 =	sand.u32 $0x1, s1  }
0x8c: {  	s17 =	sshll.u32 s0, $0xA;
	s2 =	sadd.s32 s3, s2  }
0x8d: {  	s2 =	sadd.s32 s2, s17  }
0x8e: {  	[smem:$0x3FB4] =	sst s2  }
0x8f: {  	_ = 	snop  }
0x90: {  	s18 =	sld [smem:$0x3FD0];
	(tm) =	ssettm $0x1  }
0x91: {  	s19 =	sld [smem:$0x3FFB];
	_ =	sdelay $0x3  }
0x92: {  	_ =	strace s19  }
0x93: {  	s2 =	sld [smem:$0x3FFC];
	_ =	sdelay $0x3  }
0x94: {  	_ =	strace s2  }
0x95: {  	s2 =	sld [smem:$0x3FFD];
	_ =	sdelay $0x3  }
0x96: {  	_ =	strace s2  }
0x97: {  	_ =	strace $0x8FFFFFFF  }
0x98: {  	s20 =	sld [smem:$0x3FDB];
	_ =	sdelay $0x1  }
0x99: {  	s4 =	simm.s32 $_scs_section_size  }
0x9a: {  	s5 =	simm.s32 $_size__tile_overlayer_lowered;
	s6 =	simm.s32 $_tile_overlayer_lowered  }
0x9b: {  	s7 =	simm.s32 $0x1BFF;
	s21 =	sshll.u32 s6, $0x1;
	s4 =	sadd.s32 s4, s20  }
0x9c: {  	s22 =	simm.s32 $0x0;
	s5 =	sshll.u32 s5, $0x1;
	s6 =	sadd.s32 s21, s4  }
0x9d: {  	[timem:s22], [sflag:s7] =	dma.local [hbm:s6], s5  }
0x9e: {  	_ =	swait.ge [sflag:s7], s5  }
0x9f: {  	s5 =	ssub.s32 $0x0, s5;
	[sflag:s7] =	ssyncset.done $0x0  }
0xa0: {  	[sflag:s7] =	ssyncadd.s32 s5;
	_ =	sdelay $0x1  }
0xa1: {  	s23 =	simm.s32 $0x1B8B  }
0xa2: {  	_ =	swait.ge [sflag:s23], $0x1  }
0xa3: {  	[sflag:s23] =	ssyncset.done $0x0  }
0xa4: {  	[sflag:s23] =	ssyncadd.s32 $0xFFFFFFFF  }
0xa5: {  	s5 =	sld [smem:$0x0]  }
0xa6: {  	s6 =	sand.u32 $0xFFFFFFFE, s1  }
0xa7: {  	p0 =	sne.s32 s1, s6  }
0xa8: {  	s6 =	sshll.u32 @p0 s6, $0xE  }
0xa9: {  	s6 =	sadd.s32 @p0 $0x11B8D, s6;
	s7 =	sshll.u32 @p0 s5, $0x11  }
0xaa: {  	s6 =	sor.u32 @p0 s7, s6  }
0xab: {  	[sflag:s6] =	ssyncadd.remote.s32 @p0 $0x1;
	_ =	sdelay $0x1  }
0xac: {  	s6 =	simm.s32 @p0 $0x1B8D  }
0xad: {  	_ =	swait.eq @p0 [sflag:s6], $0x1  }
0xae: {  	[sflag:s6] =	ssyncadd.s32 @p0 $0xFFFFFFFF  }
0xaf: {  	s7 =	sshll.u32 @!p0 s1, $0xE  }
0xb0: {  	s7 =	sor.u32 @!p0 $0x4000, s7;
	s6 =	simm.s32 @!p0 $0x1B8D  }
0xb1: {  	s5 =	sshll.u32 @!p0 s5, $0x11;
	s7 =	sadd.s32 @!p0 $0x11B8D, s7;
	_ =	swait.eq @!p0 [sflag:s6], $0x1  }
0xb2: {  	s5 =	sor.u32 @!p0 s5, s7;
	[sflag:s6] =	ssyncadd.s32 @!p0 $0xFFFFFFFF  }
0xb3: {  	s25 =	simm.s32 $0x1B8E;
	s24 =	sld [smem:$0x3FFE];
	[sflag:s5] =	ssyncadd.remote.s32 @!p0 $0x1  }
0xb4: {  	s26 =	simm.s32 $execute0_lowered;
	[smem:$0x3FD2] =	sst s25  }
0xb5: {  	s6 =	sshll.u32 s26, $0x1;
	_ =	strace $0x8000004C;
	[dreg:$0x1] =	wrdreg $0xFFFFFFFF  }
0xb6: {  	s28 =	simm.s32 $_size_execute0_lowered;
	s4 =	sadd.s32 s4, s6;
	[dreg:$0x0] =	wrdreg $0x0  }
0xb7: {  	s6 =	sshll.u32 s28, $0x1;
	[dreg:$0x2] =	wrdreg s4  }
0xb8: {  	[dreg:$0x3] =	wrdreg s6  }
0xb9: {  	[dreg:$0x4] =	wrdreg $0xC0  }
0xba: {  	_ =	task [dreg:s22], $0x5FFFF  }
0xbb: {  	[dreg:$0x1] =	wrdreg $0xFFFFFFFF  }
0xbc: {  	[dreg:$0x0] =	wrdreg $0x60  }
0xbd: {  	[dreg:$0x2] =	wrdreg s18  }
0xbe: {  	[dreg:$0x3] =	wrdreg s24  }
0xbf: {  	[dreg:$0x4] =	wrdreg $0xC  }
0xc0: {  	_ =	task.clear_ibuf [dreg:s22], $0x5FFFF;
	_ =	strace $0x9000004C  }
0xc1: {  	s29 =	simm.s32 $0xC;
	_ =	strace $0x8000004E  }
0xc2: {  	_ =	swait.ge [sflag:s29], $0x1  }
0xc3: {  	[sflag:s29] =	ssyncadd.s32 $0xFFFFFFFF  }
0xc4: {  	_ =	strace $0x9000004E  }
0xc5: {  	_ =	sfence  }
0xc6: {  	s30 =	sld [smem:$0x0];
	_ =	sdelay $0x2  }
0xc7: {  	s31 =	sshll.u32 s1, $0xD;
	s1 =	sshrl.u32 s1, $0x2  }
0xc8: {  	s4 =	sand.u32 $0x4000, s31;
	s1 =	sadd.s32 s1, s30  }
0xc9: {  	s0 =	sor.u32 s4, s0;
	s1 =	sshll.u32 s1, $0x11  }
0xca: {  	s0 =	sor.u32 s1, s0  }
0xcb: {  	s0 =	sadd.s32 $0x8F2B, s0  }
0xcc: {  	[sflag:s0] =	ssyncadd.remote.s32 $0x1  }
0xcd: {  	_ =	sfence.sel $0xFFFF  }
0xce: {  	[dreg:$0x0] =	wrdreg $0xFFFFFFFF;
	(pc) =	sbr.abs _section_cstart, $3  }
0xcf: {  	[dreg:$0x1] =	wrdreg $0xFFFFFFFF  }
0xd0: {  	_ =	task.clear_ibuf [dreg:s22], $0x2FFFF;
	_ =	strace $0x9FFFFFFF  }
0xd1: {  	(tm) =	ssettm $0x7FFFFFFF  }
tec
execute0_lowered:
.L_overlay_start_1:
0x0: {  	(tag) =	ssettag $0x1  }
0x1: {  	s1 =	rddreg [dreg:$0x0]  }
0x2: {  	s0 =	rddreg [dreg:$0x1];
	s3 =	srdreg.scid;
	s2 =	simm.s32 $0x0  }
0x3: {  	s28 =	stileid.u32;
	s11 =	simm.s32 $0x3;
	s12 =	simm.s32 $0x80  }
0x4: {  	s13 =	simm.s32 $0x100;
	s14 =	simm.s32 $0x4100;
	s15 =	simm.s32 $0x1  }
0x5: {  	s16 =	simm.s32 $0x2;
	s17 =	simm.s32 $0x0;
	s4 =	sand.u32 $0x1, s3  }
0x6: {  	[smem:$0x7FF] =	sst s2;
	s8 =	sshll.u32 s28, $0x4;
	s3 =	sshll.u32 s4, $0x8  }
0x7: {  	_ =	strace $0x8000004D;
	s6 =	sshll.u32 s4, $0xF;
	s7 =	ssub.s32 $0x2, s4  }
0x8: {  	s9 =	sshll.u32 s4, $0x4;
	s5 =	sadd.s32 s3, s0;
	s29 =	sshrl.u32 s7, $0x1  }
0x9: {  	s0 =	sadd.s32 s6, s0;
	s10 =	sor.u32 s9, s28;
	s6 =	ssub.s32 s7, s29  }
0xa: {  	s30 =	sadd.s32 s8, s5;
	s7 =	sshll.u32 s28, $0xB;
	s8 =	sadd.s32 $0x637800, s0  }
0xb: {  	s9 =	sadd.s32 $0x4FF000, s0;
	s10 =	sor.u32 $0x20, s10;
	s31 =	smax.u32 s6, $0x1  }
0xc: {  	s5 =	sadd.s32 $0xE000, s30;
	s6 =	sadd.s32 $0x18000, s30;
	[dreg:$0x3] =	wrdreg s31  }
.LBB2_1:
0xd: {  	p0 =	por $0x1, $0x1  }
0xe: {  	s0 =	simm.s32 @!p0 $0x1  }
0xf: {  	_ =	swait.ge @!p0 [sflag:s0], $0x4000  }
0x10: {  	[sflag:s0] =	ssyncset.done @!p0 $0x0  }
0x11: {  	[sflag:s0] =	ssyncadd.s32 @!p0 $0xFFFFC000  }
0x12: {  	_ =	swait.ge @!p0 [sflag:s0], $0x4000  }
0x13: {  	[sflag:s0] =	ssyncset.done @!p0 $0x0  }
0x14: {  	s23 =	sadd.s32 $0x0, s6;
	[sflag:s0] =	ssyncadd.s32 @!p0 $0xFFFFC000  }
0x15: {  	[tilespmem:s2], [sflag:$0x3] =	stream.linear.gather [hbm4b:s23+s2], $0x80, $0x38;
	[tilespmem:$0x10200] =	vst v63  }
0x16: {  	_ =	swait.ge [sflag:s11], $0x80  }
0x17: {  	[sflag:s11] =	ssyncset.done $0x0  }
0x18: {  	s24 =	sadd.s32 $0x0, s5;
	[sflag:s11] =	ssyncadd.s32 $0xFFFFFF80  }
0x19: {  	[tilespmem:s12], [sflag:$0x3] =	stream.linear.gather [hbm4b:s24+s2], $0x80, $0x38;
	[tilespmem:$0x10200] =	vst v63  }
0x1a: {  	_ =	swait.ge [sflag:s11], $0x80  }
0x1b: {  	[sflag:s11] =	ssyncset.done $0x0  }
0x1c: {  	[sflag:s11] =	ssyncadd.s32 $0xFFFFFF80  }
0x1d: {  	[tilespmem:s13], [sflag:$0x3] =	stream.indirect.gather [hbm4b:s1+s12], $0x80, s2, s12, $0xb8;
	[tilespmem:$0x10200] =	vst v63  }
0x1e: {  	_ =	swait.ge [sflag:s11], $0x4000  }
0x1f: {  	[sflag:s11] =	ssyncset.done $0x0  }
0x20: {  	[sflag:s11] =	ssyncadd.s32 $0xFFFFC000  }
0x21: {  	[tilespmem:s14], [sflag:$0x3] =	stream.indirect.gather [hbm4b:s1+s12], $0x80, s12, s12, $0xb8;
	[tilespmem:$0x10200] =	vst v63  }
0x22: {  	p0 =	sgt.u32 s10, $0x270;
	_ =	swait.ge [sflag:s11], $0x4000  }
0x23: {  	p1 =	por @!p0 $0x1, $0x1;
	[sflag:s11] =	ssyncset.done $0x0  }
0x24: {  	s25 =	sadd.s32 s9, s7;
	p1 =	por p1, p0;
	[sflag:s11] =	ssyncadd.s32 $0xFFFFC000  }
0x25: {  	[hbm4b:s25+s2] =	stream.linear.scatter [tilespmem:s13], [sflag:$0x1], $0x4000, $0x38;
	[tilespmem:$0x10200] =	vst v63  }
0x26: {  	s26 =	sadd.s32 s8, s7;
	s18 =	simm.s32 @!p1 $0x2  }
0x27: {  	[hbm4b:s26+s2] =	stream.linear.scatter [tilespmem:s14], [sflag:$0x1], $0x4000, $0x38;
	[tilespmem:$0x10200] =	vst v63  }
0x28: {  	_ =	swait.ge @!p1 [sflag:s18], $0x4000  }
0x29: {  	[sflag:s18] =	ssyncset.done @!p1 $0x0  }
0x2a: {  	[sflag:s18] =	ssyncadd.s32 @!p1 $0xFFFFC000  }
0x2b: {  	s0 =	sadd.s32 @!p0 $0x0, s6;
	_ =	swait.ge @!p1 [sflag:s18], $0x4000  }
0x2c: {  	s23 =	simm.s32 @!p0 $0x0;
	s20 =	simm.s32 @!p0 $0x8100;
	[sflag:s18] =	ssyncset.done @!p1 $0x0  }
0x2d: {  	s0 =	sadd.s32 @!p0 $0x200, s0;
	s25 =	simm.s32 @!p0 $0x3;
	[sflag:s18] =	ssyncadd.s32 @!p1 $0xFFFFC000  }
0x2e: {  	[tilespmem:s20], [sflag:$0x3] =	stream.linear.gather @!p0 [hbm4b:s0+s23], $0x80, $0x38;
	[tilespmem:$0x10200] =	vst v63  }
0x2f: {  	s19 =	simm.s32 $0x400;
	_ =	swait.ge @!p0 [sflag:s25], $0x80  }
0x30: {  	s22 =	simm.s32 $0x800;
	s0 =	sadd.s32 @!p0 $0x0, s5;
	[sflag:s25] =	ssyncset.done @!p0 $0x0  }
0x31: {  	s28 =	simm.s32 @!p0 $0x8180;
	s0 =	sadd.s32 @!p0 $0x200, s0;
	[sflag:s25] =	ssyncadd.s32 @!p0 $0xFFFFFF80  }
0x32: {  	[tilespmem:s28], [sflag:$0x3] =	stream.linear.gather @!p0 [hbm4b:s0+s23], $0x80, $0x38;
	[tilespmem:$0x10200] =	vst v63  }
0x33: {  	s21 =	sadd.s32 $0x40, s10;
	s30 =	simm.s32 @!p0 $0x8200;
	_ =	swait.ge @!p0 [sflag:s25], $0x80  }
0x34: {  	s18 =	sadd.s32 @!p0 s8, s7;
	s0 =	sadd.s32 @!p0 s9, s7;
	[sflag:s25] =	ssyncset.done @!p0 $0x0  }
0x35: {  	s26 =	sadd.s32 @!p0 $0x10000, s0;
	s0 =	simm.s32 @!p0 $0x80;
	[sflag:s25] =	ssyncadd.s32 @!p0 $0xFFFFFF80  }
0x36: {  	[tilespmem:s30], [sflag:$0x3] =	stream.indirect.gather @!p0 [hbm4b:s1+s0], $0x80, s20, s0, $0xb8;
	[tilespmem:$0x10200] =	vst v63  }
0x37: {  	s31 =	simm.s32 @!p0 $0xC200;
	s29 =	sadd.s32 @!p0 $0x10000, s18;
	_ =	swait.ge @!p0 [sflag:s25], $0x4000  }
0x38: {  	s18 =	sadd.s32 $0x20000, s9;
	s20 =	smov.u32 s8;
	[sflag:s25] =	ssyncset.done @!p0 $0x0  }
.LBB2_2:
0x39: {  	[sflag:s25] =	ssyncadd.s32 @!p0 $0xFFFFC000  }
0x3a: {  	s20 =	sadd.s32 $0x20000, s20;
	s24 =	smov.u32 s22;
	s22 =	sadd.s32 $0x400, s22  }
0x3b: {  	[tilespmem:s31], [sflag:$0x3] =	stream.indirect.gather @!p0 [hbm4b:s1+s0], $0x80, s28, s0, $0xb8;
	[tilespmem:$0x10200] =	vst v63  }
0x3c: {  	p1 =	sne.s32 s22, $0x2800;
	_ =	swait.ge @!p0 [sflag:s25], $0x4000  }
0x3d: {  	[sflag:s25] =	ssyncset.done @!p0 $0x0  }
0x3e: {  	p2 =	seq.s32 s19, $0x0;
	[sflag:s25] =	ssyncadd.s32 @!p0 $0xFFFFC000  }
0x3f: {  	[hbm4b:s26+s23] =	stream.linear.scatter @!p0 [tilespmem:s30], [sflag:$0x2], $0x4000, $0x38;
	[tilespmem:$0x10200] =	vst v63  }
0x40: {  	s0 =	simm.s32 @!p2 $0x1  }
0x41: {  	[hbm4b:s29+s23] =	stream.linear.scatter @!p0 [tilespmem:s31], [sflag:$0x2], $0x4000, $0x38;
	[tilespmem:$0x10200] =	vst v63  }
0x42: {  	_ =	swait.ge @!p2 [sflag:s0], $0x4000  }
0x43: {  	[sflag:s0] =	ssyncset.done @!p2 $0x0  }
0x44: {  	[sflag:s0] =	ssyncadd.s32 @!p2 $0xFFFFC000  }
0x45: {  	_ =	swait.ge @!p2 [sflag:s0], $0x4000  }
0x46: {  	[sflag:s0] =	ssyncset.done @!p2 $0x0  }
0x47: {  	[sflag:s0] =	ssyncadd.s32 @!p2 $0xFFFFC000;
	s0 =	sadd.s32 s19, s6  }
0x48: {  	[tilespmem:s2], [sflag:$0x3] =	stream.linear.gather [hbm4b:s0+s2], $0x80, $0x38;
	[tilespmem:$0x10200] =	vst v63  }
0x49: {  	_ =	swait.ge [sflag:s11], $0x80  }
0x4a: {  	s0 =	sadd.s32 s19, s5;
	[sflag:s11] =	ssyncset.done $0x0  }
0x4b: {  	[sflag:s11] =	ssyncadd.s32 $0xFFFFFF80  }
0x4c: {  	[tilespmem:s12], [sflag:$0x3] =	stream.linear.gather [hbm4b:s0+s2], $0x80, $0x38;
	[tilespmem:$0x10200] =	vst v63  }
0x4d: {  	_ =	swait.ge [sflag:s11], $0x80  }
0x4e: {  	[sflag:s11] =	ssyncset.done $0x0  }
0x4f: {  	[sflag:s11] =	ssyncadd.s32 $0xFFFFFF80  }
0x50: {  	[tilespmem:s13], [sflag:$0x3] =	stream.indirect.gather [hbm4b:s1+s12], $0x80, s2, s12, $0xb8;
	[tilespmem:$0x10200] =	vst v63  }
0x51: {  	_ =	swait.ge [sflag:s11], $0x4000  }
0x52: {  	[sflag:s11] =	ssyncset.done $0x0  }
0x53: {  	[sflag:s11] =	ssyncadd.s32 $0xFFFFC000  }
0x54: {  	[tilespmem:s14], [sflag:$0x3] =	stream.indirect.gather [hbm4b:s1+s12], $0x80, s12, s12, $0xb8;
	[tilespmem:$0x10200] =	vst v63  }
0x55: {  	s0 =	sadd.s32 s20, s7;
	_ =	swait.ge [sflag:s11], $0x4000  }
0x56: {  	s23 =	sadd.s32 s18, s7;
	p0 =	sgt.u32 s21, $0x270;
	[sflag:s11] =	ssyncset.done $0x0  }
0x57: {  	s25 =	sadd.s32 @!p0 s19, s6;
	p2 =	seq.s32 @!p0 s19, $0x0;
	[sflag:s11] =	ssyncadd.s32 $0xFFFFC000  }
0x58: {  	s31 =	sadd.s32 @!p0 $0x200, s25;
	p2 =	por p2, p0;
	s19 =	sadd.s32 @!p0 s19, s5  }
0x59: {  	[hbm4b:s23+s2] =	stream.linear.scatter [tilespmem:s13], [sflag:$0x1], $0x4000, $0x38;
	[tilespmem:$0x10200] =	vst v63  }
0x5a: {  	s3 =	simm.s32 @!p0 $0x8100;
	s30 =	simm.s32 @!p2 $0x2;
	s23 =	simm.s32 @!p0 $0x0  }
0x5b: {  	[hbm4b:s0+s2] =	stream.linear.scatter [tilespmem:s14], [sflag:$0x1], $0x4000, $0x38;
	[tilespmem:$0x10200] =	vst v63  }
0x5c: {  	s4 =	sadd.s32 @!p0 $0x200, s19;
	s0 =	sadd.s32 @!p0 s18, s7;
	_ =	swait.ge @!p2 [sflag:s30], $0x4000  }
0x5d: {  	s28 =	simm.s32 @!p0 $0x8180;
	s26 =	sadd.s32 @!p0 $0x10000, s0;
	[sflag:s30] =	ssyncset.done @!p2 $0x0  }
0x5e: {  	s19 =	smov.u32 s24;
	s0 =	sadd.s32 @!p0 s20, s7;
	[sflag:s30] =	ssyncadd.s32 @!p2 $0xFFFFC000  }
0x5f: {  	s29 =	sadd.s32 @!p0 $0x10000, s0;
	_ =	swait.ge @!p2 [sflag:s30], $0x4000  }
0x60: {  	s25 =	simm.s32 @!p0 $0x3;
	[sflag:s30] =	ssyncset.done @!p2 $0x0  }
0x61: {  	s0 =	simm.s32 @!p0 $0x80;
	[sflag:s30] =	ssyncadd.s32 @!p2 $0xFFFFC000;
	s30 =	simm.s32 @!p0 $0x8200  }
0x62: {  	[tilespmem:s3], [sflag:$0x3] =	stream.linear.gather @!p0 [hbm4b:s31+s23], $0x80, $0x38;
	[tilespmem:$0x10200] =	vst v63  }
0x63: {  	_ =	swait.ge @!p0 [sflag:s25], $0x80  }
0x64: {  	[sflag:s25] =	ssyncset.done @!p0 $0x0  }
0x65: {  	s31 =	simm.s32 @!p0 $0xC200;
	[sflag:s25] =	ssyncadd.s32 @!p0 $0xFFFFFF80  }
0x66: {  	[tilespmem:s28], [sflag:$0x3] =	stream.linear.gather @!p0 [hbm4b:s4+s23], $0x80, $0x38;
	[tilespmem:$0x10200] =	vst v63  }
0x67: {  	_ =	swait.ge @!p0 [sflag:s25], $0x80  }
.Ltmp0:
0x68: {  	[sflag:s25] =	ssyncset.done @!p0 $0x0;
	(pc) =	sbr.rel @p1 .LBB2_2-.Ltmp0, $4  }
0x69: {  	[sflag:s25] =	ssyncadd.s32 @!p0 $0xFFFFFF80  }
0x6a: {  	[tilespmem:s30], [sflag:$0x3] =	stream.indirect.gather @!p0 [hbm4b:s1+s0], $0x80, s3, s0, $0xb8;
	[tilespmem:$0x10200] =	vst v63  }
0x6b: {  	_ =	swait.ge @!p0 [sflag:s25], $0x4000  }
0x6c: {  	s21 =	sadd.s32 $0x40, s21;
	s18 =	sadd.s32 $0x20000, s18;
	[sflag:s25] =	ssyncset.done @!p0 $0x0  }
0x6d: {  	[sflag:s25] =	ssyncadd.s32 @!p0 $0xFFFFC000  }
0x6e: {  	[tilespmem:s31], [sflag:$0x3] =	stream.indirect.gather @!p0 [hbm4b:s1+s0], $0x80, s28, s0, $0xb8;
	[tilespmem:$0x10200] =	vst v63  }
0x6f: {  	_ =	swait.ge @!p0 [sflag:s25], $0x4000  }
0x70: {  	[sflag:s25] =	ssyncset.done @!p0 $0x0  }
0x71: {  	p1 =	seq.s32 s19, $0x0;
	[sflag:s25] =	ssyncadd.s32 @!p0 $0xFFFFC000  }
0x72: {  	[hbm4b:s26+s23] =	stream.linear.scatter @!p0 [tilespmem:s30], [sflag:$0x2], $0x4000, $0x38;
	[tilespmem:$0x10200] =	vst v63  }
0x73: {  	s0 =	simm.s32 @!p1 $0x1  }
0x74: {  	[hbm4b:s29+s23] =	stream.linear.scatter @!p0 [tilespmem:s31], [sflag:$0x2], $0x4000, $0x38;
	[tilespmem:$0x10200] =	vst v63  }
0x75: {  	_ =	swait.ge @!p1 [sflag:s0], $0x4000  }
0x76: {  	[sflag:s0] =	ssyncset.done @!p1 $0x0  }
0x77: {  	[sflag:s0] =	ssyncadd.s32 @!p1 $0xFFFFC000  }
0x78: {  	_ =	swait.ge @!p1 [sflag:s0], $0x4000  }
0x79: {  	[sflag:s0] =	ssyncset.done @!p1 $0x0  }
0x7a: {  	s28 =	sadd.s32 s19, s6;
	[sflag:s0] =	ssyncadd.s32 @!p1 $0xFFFFC000  }
0x7b: {  	[tilespmem:s2], [sflag:$0x3] =	stream.linear.gather [hbm4b:s28+s2], $0x80, $0x38;
	[tilespmem:$0x10200] =	vst v63  }
0x7c: {  	_ =	swait.ge [sflag:s11], $0x80  }
0x7d: {  	[sflag:s11] =	ssyncset.done $0x0  }
0x7e: {  	s29 =	sadd.s32 s19, s5;
	[sflag:s11] =	ssyncadd.s32 $0xFFFFFF80  }
0x7f: {  	[tilespmem:s12], [sflag:$0x3] =	stream.linear.gather [hbm4b:s29+s2], $0x80, $0x38;
	[tilespmem:$0x10200] =	vst v63  }
0x80: {  	_ =	swait.ge [sflag:s11], $0x80  }
0x81: {  	[sflag:s11] =	ssyncset.done $0x0  }
0x82: {  	[sflag:s11] =	ssyncadd.s32 $0xFFFFFF80  }
0x83: {  	[tilespmem:s13], [sflag:$0x3] =	stream.indirect.gather [hbm4b:s1+s12], $0x80, s2, s12, $0xb8;
	[tilespmem:$0x10200] =	vst v63  }
0x84: {  	_ =	swait.ge [sflag:s11], $0x4000  }
0x85: {  	[sflag:s11] =	ssyncset.done $0x0  }
0x86: {  	[sflag:s11] =	ssyncadd.s32 $0xFFFFC000  }
0x87: {  	[tilespmem:s14], [sflag:$0x3] =	stream.indirect.gather [hbm4b:s1+s12], $0x80, s12, s12, $0xb8;
	[tilespmem:$0x10200] =	vst v63  }
0x88: {  	p0 =	sgt.u32 s21, $0x270;
	_ =	swait.ge [sflag:s11], $0x4000  }
0x89: {  	s3 =	sadd.s32 s18, s7;
	p1 =	seq.s32 @!p0 s19, $0x0;
	[sflag:s11] =	ssyncset.done $0x0  }
0x8a: {  	s0 =	sadd.s32 $0x20000, s20;
	p1 =	por p1, p0;
	[sflag:s11] =	ssyncadd.s32 $0xFFFFC000  }
0x8b: {  	[hbm4b:s3+s2] =	stream.linear.scatter [tilespmem:s13], [sflag:$0x1], $0x4000, $0x38;
	[tilespmem:$0x10200] =	vst v63  }
0x8c: {  	s30 =	sadd.s32 s0, s7;
	s4 =	simm.s32 @!p1 $0x2  }
0x8d: {  	[hbm4b:s30+s2] =	stream.linear.scatter [tilespmem:s14], [sflag:$0x1], $0x4000, $0x38;
	[tilespmem:$0x10200] =	vst v63  }
0x8e: {  	_ =	swait.ge @!p1 [sflag:s4], $0x4000  }
0x8f: {  	[sflag:s4] =	ssyncset.done @!p1 $0x0  }
0x90: {  	[sflag:s4] =	ssyncadd.s32 @!p1 $0xFFFFC000  }
0x91: {  	s21 =	simm.s32 @!p0 $0x8100;
	_ =	swait.ge @!p1 [sflag:s4], $0x4000  }
0x92: {  	s22 =	simm.s32 @!p0 $0x3;
	s3 =	sadd.s32 @!p0 s19, s6;
	[sflag:s4] =	ssyncset.done @!p1 $0x0  }
0x93: {  	s20 =	simm.s32 @!p0 $0x0;
	s3 =	sadd.s32 @!p0 $0x200, s3;
	[sflag:s4] =	ssyncadd.s32 @!p1 $0xFFFFC000  }
0x94: {  	[tilespmem:s21], [sflag:$0x3] =	stream.linear.gather @!p0 [hbm4b:s3+s20], $0x80, $0x38;
	[tilespmem:$0x10200] =	vst v63  }
0x95: {  	_ =	swait.ge @!p0 [sflag:s22], $0x80  }
0x96: {  	s3 =	sadd.s32 @!p0 s19, s5;
	[sflag:s22] =	ssyncset.done @!p0 $0x0  }
0x97: {  	s4 =	simm.s32 @!p0 $0x8180;
	s3 =	sadd.s32 @!p0 $0x200, s3;
	[sflag:s22] =	ssyncadd.s32 @!p0 $0xFFFFFF80  }
0x98: {  	[tilespmem:s4], [sflag:$0x3] =	stream.linear.gather @!p0 [hbm4b:s3+s20], $0x80, $0x38;
	[tilespmem:$0x10200] =	vst v63  }
0x99: {  	_ =	swait.ge @!p0 [sflag:s22], $0x80  }
0x9a: {  	[sflag:s22] =	ssyncset.done @!p0 $0x0  }
0x9b: {  	s19 =	simm.s32 @!p0 $0x8200;
	s3 =	simm.s32 @!p0 $0x80;
	[sflag:s22] =	ssyncadd.s32 @!p0 $0xFFFFFF80  }
0x9c: {  	[tilespmem:s19], [sflag:$0x3] =	stream.indirect.gather @!p0 [hbm4b:s1+s3], $0x80, s21, s3, $0xb8;
	[tilespmem:$0x10200] =	vst v63  }
0x9d: {  	_ =	swait.ge @!p0 [sflag:s22], $0x4000  }
0x9e: {  	[sflag:s22] =	ssyncset.done @!p0 $0x0  }
0x9f: {  	s21 =	simm.s32 @!p0 $0xC200;
	[sflag:s22] =	ssyncadd.s32 @!p0 $0xFFFFC000  }
0xa0: {  	[tilespmem:s21], [sflag:$0x3] =	stream.indirect.gather @!p0 [hbm4b:s1+s3], $0x80, s4, s3, $0xb8;
	[tilespmem:$0x10200] =	vst v63  }
0xa1: {  	_ =	swait.ge @!p0 [sflag:s22], $0x4000  }
0xa2: {  	s3 =	sadd.s32 @!p0 s18, s7;
	[sflag:s22] =	ssyncset.done @!p0 $0x0  }
0xa3: {  	s0 =	sadd.s32 @!p0 s0, s7;
	s3 =	sadd.s32 @!p0 $0x10000, s3;
	[sflag:s22] =	ssyncadd.s32 @!p0 $0xFFFFC000  }
0xa4: {  	[hbm4b:s3+s20] =	stream.linear.scatter @!p0 [tilespmem:s19], [sflag:$0x2], $0x4000, $0x38;
	[tilespmem:$0x10200] =	vst v63  }
0xa5: {  	s0 =	sadd.s32 @!p0 $0x10000, s0  }
0xa6: {  	[hbm4b:s0+s20] =	stream.linear.scatter @!p0 [tilespmem:s21], [sflag:$0x2], $0x4000, $0x38;
	[tilespmem:$0x10200] =	vst v63  }
0xa7: {  	_ =	swait.ge [sflag:s15], $0x4000  }
0xa8: {  	[sflag:s15] =	ssyncset.done $0x0  }
0xa9: {  	[sflag:s15] =	ssyncadd.s32 $0xFFFFC000  }
0xaa: {  	_ =	swait.ge [sflag:s15], $0x4000  }
0xab: {  	[sflag:s15] =	ssyncset.done $0x0  }
0xac: {  	[sflag:s15] =	ssyncadd.s32 $0xFFFFC000  }
0xad: {  	_ =	swait.ge [sflag:s16], $0x4000  }
0xae: {  	[sflag:s16] =	ssyncset.done $0x0  }
0xaf: {  	[sflag:s16] =	ssyncadd.s32 $0xFFFFC000  }
0xb0: {  	_ =	swait.ge [sflag:s16], $0x4000  }
0xb1: {  	s17 =	sadd.s32 $0x1, s17;
	s31 =	rddreg [dreg:$0x3]  }
0xb2: {  	p0 =	sne.s32 s17, s31  }
.Ltmp1:
0xb3: {  	_ = 	snop;
	(pc) =	sbr.rel @p0 .LBB2_1-.Ltmp1, $3  }
0xb4: {  	_ =	sdelay $0x1  }
0xb5: {  	[sflag:s16] =	ssyncset.done $0x0  }
0xb6: {  	[sflag:s16] =	ssyncadd.s32 $0xFFFFC000  }
0xb7: {  	_ =	sfence.sel $0x180000  }
0xb8: {  	[bflag:$0x0] =	sbarrier.arrive $0xFFFF  }
0xb9: {  	_ =	strace $0x9000004D  }
0xba: {  	s0 =	stileid.u32;
	[bflag:$0x2] =	sbarrier.arrive $0xFFFF  }
0xbb: {  	p0 =	sne.s32 s0, $0x0;
	s0 =	rddreg [dreg:$0x2]  }
0xbc: {  	s0 =	sadd.s32 @!p0 $0x100000, s0  }
0xbd: {  	[sflag:s0] =	ssyncadd.tile.s32 @!p0 $0x1;
	_ =	shalt  }
.Lfunc_end2:
_tile_overlayer_lowered:
.L_overlay_start_2:
0xbe: {  	(tag) =	ssettag $0x2  }
0xbf: {  	s0 =	rddreg [dreg:$0x0];
	s2 =	stileid.u32  }
0xc0: {  	s1 =	rddreg [dreg:$0x1];
	p0 =	sne.s32 s2, $0x0  }
0xc1: {  	s3 =	rddreg [dreg:$0x2];
	[bflag:$0x3] =	sbarrier.arrive $0xFFFF;
	s2 =	simm.s32 @!p0 $0x1C03  }
0xc2: {  	[timem:s3], [sflag:s2] =	dma.local @!p0 [hbm:s0], s1  }
0xc3: {  	s0 =	simm.s32 @!p0 $0x3  }
0xc4: {  	_ =	swait.ge @!p0 [sflag:s0], s1  }
0xc5: {  	s1 =	ssub.s32 @!p0 $0x0, s1;
	[sflag:s0] =	ssyncset.done @!p0 $0x0  }
0xc6: {  	[sflag:s0] =	ssyncadd.s32 @!p0 s1  }
0xc7: {  	[bflag:$0x3] =	sbarrier.arrive $0xFFFF  }
0xc8: {  	_ =	shalt  }

// kernel: kernel.37.cloned.1.call-start
scs
__scs_entry_jumppad:
0x0: {  	(pc) =	sbr.rel $0x88, $3  }
0x1: {  	(tag) =	ssettag $0x0;
	lr =	simm.s32 $0x1  }
0x2: {  	[smem:$0x3F8D] =	sst lr;
	_ =	strace $0xD0000000  }
0x3: {  	_ = 	snop  }
0x4: {  	_ = 	snop  }
0x5: {  	_ = 	snop  }
0x6: {  	_ = 	snop  }
0x7: {  	_ = 	snop  }
__scs_overlays_trampoline_lowered:
0x8: {  	[smem:$0x3F9C] =	sst s0  }
0x9: {  	[smem:$0x3F9D] =	sst s1  }
0xa: {  	[smem:$0x3F9E] =	sst s2  }
0xb: {  	[smem:$0x3F9F] =	sst s3  }
0xc: {  	[smem:$0x3FA0] =	sst s4  }
0xd: {  	[smem:$0x3FA1] =	sst s5  }
0xe: {  	[smem:$0x3FA2] =	sst s6  }
0xf: {  	[smem:$0x3FA3] =	sst s7  }
0x10: {  	[smem:$0x3FA4] =	sst s8  }
0x11: {  	[smem:$0x3FA5] =	sst s9;
	s0 =	simm.s32 @!p0 $0x0  }
0x12: {  	s1 =	sld [smem:$0x3F8B];
	s0 =	simm.s32 @p0 $0x1  }
0x13: {  	[smem:$0x3FA6] =	sst s0;
	s0 =	simm.s32 @!p1 $0x0  }
0x14: {  	s2 =	sld [smem:$0x3F8A];
	s0 =	simm.s32 @p1 $0x1  }
0x15: {  	[smem:$0x3FA7] =	sst s0;
	s0 =	simm.s32 @!p2 $0x0  }
0x16: {  	s3 =	sld [smem:$0x3FDB];
	s0 =	simm.s32 @p2 $0x1  }
0x17: {  	s4 =	simm.s32 $0x1BF5;
	[smem:$0x3FA9] =	sst s0  }
0x18: {  	s0 =	sld [smem:$0x3F8C];
	_ =	swait.ge [sflag:s4], $0x0  }
0x19: {  	s7 =	sld [smem:$0x3F8D]  }
0x1a: {  	s8 =	sadd.s32 $0xFFFFE003, lr  }
0x1b: {  	s9 =	sadd.s32 $0xFFFFFEF7, lr;
	s5 =	simm.s32 $0xFFFFFFFF;
	p2 =	slt.u32 s8, $0xFFFFF086  }
0x1c: {  	p1 =	slt.u32 s9, $0xF7A;
	s5 =	simm.s32 @!p2 $0x0  }
0x1d: {  	s5 =	simm.s32 @p1 $0x1;
	p0 =	seq.s32 s7, s2  }
0x1e: {  	s7 =	smul.u32 @!p0 $0xF7A, s2;
	p2 =	seq.s32 @!p0 s5, $0x0  }
0x1f: {  	s9 =	smul.u32 $0xF7A, s1;
	s8 =	simm.s32 @!p0 $0x1BF5;
	p2 =	por !p2, p0  }
0x20: {  	[sflag:s8] =	ssyncset.s32 @!p0 $0xFFFFF086;
	s6 =	sadd.s32 @!p0 s3, s7;
	s7 =	simm.s32 @!p0 $0x108  }
0x21: {  	s3 =	sadd.s32 s3, s9;
	s6 =	sadd.s32 @!p0 $0x88, s6;
	s7 =	simm.s32 @p2 $0x1082  }
0x22: {  	[simem:s7], [sflag:s8] =	dma.local @!p0 [hbm:s6], $0xF7A  }
0x23: {  	s9 =	sor.u32 $0xD0000000, s2;
	s6 =	simm.s32 $0x108;
	_ =	swait.ge @!p0 [sflag:s8], $0x0  }
0x24: {  	s3 =	sadd.s32 $0x88, s3;
	s6 =	simm.s32 @!p1 $0x1082;
	[sflag:s4] =	ssyncset.s32 $0xFFFFF086  }
0x25: {  	[simem:s6], [sflag:s4] =	dma.local [hbm:s3], $0xF7A  }
0x26: {  	[smem:$0x3F8D] =	sst s1;
	(tag) =	ssettag s2;
	_ =	strace s9  }
0x27: {  	s1 =	sld [smem:$0x3F9D]  }
0x28: {  	s2 =	sld [smem:$0x3F9E]  }
0x29: {  	s4 =	sld [smem:$0x3FA0]  }
0x2a: {  	p0 =	seq.s32 s5, $0x0;
	s5 =	sld [smem:$0x3FA1]  }
0x2b: {  	s6 =	sld [smem:$0x3FA2]  }
0x2c: {  	s7 =	sld [smem:$0x3FA3]  }
0x2d: {  	s3 =	simm.s32 $0x108;
	s8 =	sld [smem:$0x3FA4]  }
0x2e: {  	s3 =	simm.s32 @!p0 $0x1082;
	s9 =	sld [smem:$0x3FA5]  }
0x2f: {  	lr =	sadd.s32 s0, s3;
	s0 =	sld [smem:$0x3F9C]  }
0x30: {  	s3 =	sld [smem:$0x3F9F]  }
0x31: {  	[smem:$0x3FA8] =	sst s10  }
0x32: {  	s10 =	sld [smem:$0x3FA6];
	_ =	sdelay $0x3  }
0x33: {  	p0 =	seq.s32 s10, $0x1;
	s10 =	sld [smem:$0x3FA8];
	_ =	sdelay $0x3  }
0x34: {  	[smem:$0x3FA8] =	sst s10  }
0x35: {  	s10 =	sld [smem:$0x3FA7];
	_ =	sdelay $0x3  }
0x36: {  	p1 =	seq.s32 s10, $0x1;
	s10 =	sld [smem:$0x3FA8];
	_ =	sdelay $0x3  }
0x37: {  	[smem:$0x3FA8] =	sst s10  }
0x38: {  	s10 =	sld [smem:$0x3FA9]  }
0x39: {  	_ = 	snop;
	(pc) =	sbr.ind lr, $3  }
0x3a: {  	_ = 	snop  }
0x3b: {  	_ = 	snop  }
0x3c: {  	p2 =	seq.s32 s10, $0x1;
	s10 =	sld [smem:$0x3FA8]  }
0x3d: {  	_ =	shalt  }
0x3e: {  	_ =	shalt  }
0x3f: {  	_ =	shalt  }
0x40: {  	_ =	shalt  }
0x41: {  	_ =	shalt  }
0x42: {  	_ =	shalt  }
0x43: {  	_ =	shalt  }
0x44: {  	_ =	shalt  }
0x45: {  	_ =	shalt  }
0x46: {  	_ =	shalt  }
0x47: {  	_ =	shalt  }
0x48: {  	_ =	shalt  }
0x49: {  	_ =	shalt  }
0x4a: {  	_ =	shalt  }
0x4b: {  	_ =	shalt  }
0x4c: {  	_ =	shalt  }
0x4d: {  	_ =	shalt  }
0x4e: {  	_ =	shalt  }
0x4f: {  	_ =	shalt  }
0x50: {  	_ =	shalt  }
0x51: {  	_ =	shalt  }
0x52: {  	_ =	shalt  }
0x53: {  	_ =	shalt  }
0x54: {  	_ =	shalt  }
0x55: {  	_ =	shalt  }
0x56: {  	_ =	shalt  }
0x57: {  	_ =	shalt  }
0x58: {  	_ =	shalt  }
0x59: {  	_ =	shalt  }
0x5a: {  	_ =	shalt  }
0x5b: {  	_ =	shalt  }
0x5c: {  	_ =	shalt  }
0x5d: {  	_ =	shalt  }
0x5e: {  	_ =	shalt  }
0x5f: {  	_ =	shalt  }
0x60: {  	_ =	shalt  }
0x61: {  	_ =	shalt  }
0x62: {  	_ =	shalt  }
0x63: {  	_ =	shalt  }
0x64: {  	_ =	shalt  }
0x65: {  	_ =	shalt  }
0x66: {  	_ =	shalt  }
0x67: {  	_ =	shalt  }
0x68: {  	_ =	shalt  }
0x69: {  	_ =	shalt  }
0x6a: {  	_ =	shalt  }
0x6b: {  	_ =	shalt  }
0x6c: {  	_ =	shalt  }
0x6d: {  	_ =	shalt  }
0x6e: {  	_ =	shalt  }
0x6f: {  	_ =	shalt  }
0x70: {  	_ =	shalt  }
0x71: {  	_ =	shalt  }
0x72: {  	_ =	shalt  }
0x73: {  	_ =	shalt  }
0x74: {  	_ =	shalt  }
0x75: {  	_ =	shalt  }
0x76: {  	_ =	shalt  }
0x77: {  	_ =	shalt  }
0x78: {  	_ =	shalt  }
0x79: {  	_ =	shalt  }
0x7a: {  	_ =	shalt  }
0x7b: {  	_ =	shalt  }
0x7c: {  	_ =	shalt  }
0x7d: {  	_ =	shalt  }
0x7e: {  	_ =	shalt  }
0x7f: {  	_ =	shalt  }
0x80: {  	_ =	shalt  }
0x81: {  	_ =	shalt  }
0x82: {  	_ =	shalt  }
0x83: {  	_ =	shalt  }
0x84: {  	_ =	shalt  }
0x85: {  	_ =	shalt  }
0x86: {  	_ =	shalt  }
0x87: {  	_ =	shalt  }
.Lfunc_end0:
.L_simem_size_0:
called_computation.7_lowered:
.L_overlay_start_0:
0x88: {  	s2 =	sld [smem:$0x3FD9]  }
0x89: {  	s3 =	sld [smem:$0x3FFE];
	_ =	sdelay $0x1  }
0x8a: {  	s1 =	srdreg.scid  }
0x8b: {  	s0 =	sand.u32 $0x1, s1  }
0x8c: {  	s17 =	sshll.u32 s0, $0xA;
	s2 =	sadd.s32 s3, s2  }
0x8d: {  	s2 =	sadd.s32 s2, s17  }
0x8e: {  	[smem:$0x3FB4] =	sst s2  }
0x8f: {  	_ = 	snop  }
0x90: {  	(tm) =	ssettm $0x1  }
0x91: {  	s18 =	sld [smem:$0x3FFB];
	_ =	sdelay $0x3  }
0x92: {  	_ =	strace s18  }
0x93: {  	s2 =	sld [smem:$0x3FFC];
	_ =	sdelay $0x3  }
0x94: {  	_ =	strace s2  }
0x95: {  	s2 =	sld [smem:$0x3FFD];
	_ =	sdelay $0x3  }
0x96: {  	_ =	strace s2  }
0x97: {  	_ =	strace $0x8FFFFFFF  }
0x98: {  	s19 =	sld [smem:$0x3FDB];
	_ =	sdelay $0x1  }
0x99: {  	s20 =	simm.s32 $_scs_section_size  }
0x9a: {  	s4 =	simm.s32 $_size__tile_overlayer_lowered;
	s5 =	simm.s32 $_tile_overlayer_lowered  }
0x9b: {  	s6 =	simm.s32 $0x1BFF;
	s21 =	sshll.u32 s5, $0x1;
	s3 =	sadd.s32 s20, s19  }
0x9c: {  	s22 =	simm.s32 $0x0;
	s4 =	sshll.u32 s4, $0x1;
	s5 =	sadd.s32 s21, s3  }
0x9d: {  	[timem:s22], [sflag:s6] =	dma.local [hbm:s5], s4  }
0x9e: {  	_ =	swait.ge [sflag:s6], s4  }
0x9f: {  	s4 =	ssub.s32 $0x0, s4;
	[sflag:s6] =	ssyncset.done $0x0  }
0xa0: {  	[sflag:s6] =	ssyncadd.s32 s4;
	_ =	sdelay $0x1  }
0xa1: {  	s23 =	simm.s32 $0x1B8B  }
0xa2: {  	_ =	swait.ge [sflag:s23], $0x1  }
0xa3: {  	[sflag:s23] =	ssyncset.done $0x0  }
0xa4: {  	[sflag:s23] =	ssyncadd.s32 $0xFFFFFFFF  }
0xa5: {  	s4 =	sld [smem:$0x0]  }
0xa6: {  	s5 =	sand.u32 $0xFFFFFFFE, s1  }
0xa7: {  	p0 =	sne.s32 s1, s5  }
0xa8: {  	s5 =	sshll.u32 @p0 s5, $0xE  }
0xa9: {  	s5 =	sadd.s32 @p0 $0x11B8D, s5;
	s6 =	sshll.u32 @p0 s4, $0x11  }
0xaa: {  	s5 =	sor.u32 @p0 s6, s5  }
0xab: {  	[sflag:s5] =	ssyncadd.remote.s32 @p0 $0x1;
	_ =	sdelay $0x1  }
0xac: {  	s5 =	simm.s32 @p0 $0x1B8D  }
0xad: {  	_ =	swait.eq @p0 [sflag:s5], $0x1  }
0xae: {  	[sflag:s5] =	ssyncadd.s32 @p0 $0xFFFFFFFF  }
0xaf: {  	s6 =	sshll.u32 @!p0 s1, $0xE  }
0xb0: {  	s6 =	sor.u32 @!p0 $0x4000, s6;
	s5 =	simm.s32 @!p0 $0x1B8D  }
0xb1: {  	s4 =	sshll.u32 @!p0 s4, $0x11;
	s6 =	sadd.s32 @!p0 $0x11B8D, s6;
	_ =	swait.eq @!p0 [sflag:s5], $0x1  }
0xb2: {  	s4 =	sor.u32 @!p0 s4, s6;
	[sflag:s5] =	ssyncadd.s32 @!p0 $0xFFFFFFFF  }
0xb3: {  	s25 =	simm.s32 $0x1B8E;
	s24 =	sld [smem:$0x3FFE];
	[sflag:s4] =	ssyncadd.remote.s32 @!p0 $0x1  }
0xb4: {  	s26 =	simm.s32 $execute0_lowered;
	[smem:$0x3FD2] =	sst s25  }
0xb5: {  	s5 =	sshll.u32 s26, $0x1;
	_ =	strace $0x80000058;
	[dreg:$0x1] =	wrdreg $0xFFFFFFFF  }
0xb6: {  	s28 =	simm.s32 $_size_execute0_lowered;
	s3 =	sadd.s32 s3, s5;
	[dreg:$0x0] =	wrdreg $0x0  }
0xb7: {  	s5 =	sshll.u32 s28, $0x1;
	[dreg:$0x2] =	wrdreg s3  }
0xb8: {  	[dreg:$0x3] =	wrdreg s5  }
0xb9: {  	[dreg:$0x4] =	wrdreg $0xC0  }
0xba: {  	_ =	task [dreg:s22], $0x5FFFF  }
0xbb: {  	[dreg:$0x1] =	wrdreg $0xFFFFFFFF  }
0xbc: {  	[dreg:$0x0] =	wrdreg $0x60  }
0xbd: {  	[dreg:$0x2] =	wrdreg s24  }
0xbe: {  	[dreg:$0x3] =	wrdreg $0x95000  }
0xbf: {  	[dreg:$0x4] =	wrdreg $0xC  }
0xc0: {  	_ =	task.clear_ibuf [dreg:s22], $0x5FFFF;
	_ =	strace $0x90000058  }
0xc1: {  	s29 =	simm.s32 $0xC;
	_ =	strace $0x8000005A  }
0xc2: {  	_ =	swait.ge [sflag:s29], $0x1  }
0xc3: {  	[sflag:s29] =	ssyncadd.s32 $0xFFFFFFFF  }
0xc4: {  	_ =	strace $0x9000005A  }
0xc5: {  	_ =	sfence  }
0xc6: {  	s30 =	sld [smem:$0x0];
	_ =	sdelay $0x2  }
0xc7: {  	s31 =	sshll.u32 s1, $0xD;
	s1 =	sshrl.u32 s1, $0x2  }
0xc8: {  	s4 =	sand.u32 $0x4000, s31;
	s1 =	sadd.s32 s1, s30  }
0xc9: {  	s0 =	sor.u32 s4, s0;
	s1 =	sshll.u32 s1, $0x11  }
0xca: {  	s0 =	sor.u32 s1, s0  }
0xcb: {  	s0 =	sadd.s32 $0x8F2B, s0  }
0xcc: {  	[sflag:s0] =	ssyncadd.remote.s32 $0x1  }
0xcd: {  	_ =	sfence.sel $0xFFFF  }
0xce: {  	[dreg:$0x0] =	wrdreg $0xFFFFFFFF;
	(pc) =	sbr.abs _section_cstart, $3  }
0xcf: {  	[dreg:$0x1] =	wrdreg $0xFFFFFFFF  }
0xd0: {  	_ =	task.clear_ibuf [dreg:s22], $0x2FFFF;
	_ =	strace $0x9FFFFFFF  }
0xd1: {  	(tm) =	ssettm $0x7FFFFFFF  }
tec
execute0_lowered:
.L_overlay_start_1:
0x0: {  	(tag) =	ssettag $0x1  }
0x1: {  	s3 =	rddreg [dreg:$0x0]  }
0x2: {  	s1 =	rddreg [dreg:$0x1]  }
0x3: {  	s0 =	rddreg [dreg:$0x2];
	s2 =	simm.s32 $0x0  }
0x4: {  	s4 =	srdreg.scid;
	s17 =	simm.s32 $0x4100;
	s18 =	simm.s32 $0x1  }
0x5: {  	s19 =	simm.s32 $0x2;
	s20 =	simm.s32 $0x0;
	[smem:$0x7FF] =	sst s2  }
0x6: {  	s9 =	sadd.s32 $0x28E000, s3;
	s10 =	sadd.s32 $0x18000, s3;
	s11 =	sand.u32 $0x1, s4  }
0x7: {  	s13 =	sadd.s32 $0x9E1000, s3;
	s12 =	sadd.s32 $0xACBC00, s3;
	s3 =	stileid.u32  }
0x8: {  	_ =	strace $0x80000059;
	s4 =	ssub.s32 $0x2, s11;
	s6 =	sshll.u32 s11, $0x4  }
0x9: {  	p0 =	seq.s32 s11, $0x1;
	s16 =	smul.u32 $0x5000, s3;
	s28 =	sshll.u32 s11, $0x8  }
0xa: {  	s11 =	sshll.u32 s11, $0xF;
	s29 =	sshll.u32 s3, $0xB;
	s30 =	sshll.u32 s3, $0x4  }
0xb: {  	s31 =	smul.u32 $0x280, s3;
	s5 =	sshrl.u32 s4, $0x1;
	s14 =	sor.u32 s3, s6  }
0xc: {  	s13 =	smov.u32 @p0 s12;
	s4 =	ssub.s32 s4, s5;
	s25 =	sshll.u32 s14, $0x4  }
0xd: {  	s6 =	sshll.u32 s14, $0xB;
	s7 =	sor.u32 $0x20, s14;
	s26 =	sshrl.u32 s16, $0x2  }
0xe: {  	s12 =	sor.u32 $0x60, s14;
	s13 =	sadd.s32 s31, s13;
	s14 =	simm.s32 $0x3  }
0xf: {  	s16 =	simm.s32 $0x4080;
	s4 =	smax.u32 s4, $0x1;
	s5 =	sadd.s32 s10, s25  }
0x10: {  	s6 =	sadd.s32 s9, s6;
	s8 =	sshll.u32 s7, $0x4;
	s15 =	sshll.u32 s7, $0xB  }
0x11: {  	s7 =	sadd.s32 s10, s8;
	s8 =	sadd.s32 s9, s15;
	s9 =	sadd.s32 s11, s9  }
0x12: {  	s10 =	sadd.s32 s28, s10;
	s15 =	simm.s32 $0x80;
	s11 =	sadd.s32 s29, s9  }
0x13: {  	v0 =	vimm.f32 $0.0e+00;
	s9 =	sadd.s32 s26, s1;
	s10 =	sadd.s32 s30, s10;
	s11 =	sadd.s32 $0x30000, s11  }
.LBB2_1:
0x14: {  	s21 =	simm.s32 $0x0;
	s22 =	simm.s32 $0x200  }
.LBB2_2:
0x15: {  	p1 =	sne.s32 s22, $0x4E00;
	[tilespmem:s21+$0x8170] =	vst v0  }
0x16: {  	[tilespmem:s21+$0x8100] =	vst v0  }
0x17: {  	[tilespmem:s21+$0x8110] =	vst v0  }
.Ltmp0:
0x18: {  	[tilespmem:s21+$0x8120] =	vst v0;
	(pc) =	sbr.rel @p1 .LBB2_2-.Ltmp0, $4  }
0x19: {  	[tilespmem:s21+$0x8130] =	vst v0  }
0x1a: {  	[tilespmem:s21+$0x8140] =	vst v0  }
0x1b: {  	[tilespmem:s21+$0x8150] =	vst v0  }
0x1c: {  	[tilespmem:s21+$0x8160] =	vst v0;
	s21 =	sshra.s32 s22, $0x2;
	s22 =	sadd.s32 $0x200, s22  }
0x1d: {  	[tilespmem:s21+$0x8170] =	vst v0  }
0x1e: {  	[tilespmem:s21+$0x8100] =	vst v0  }
0x1f: {  	[tilespmem:s21+$0x8110] =	vst v0  }
0x20: {  	[tilespmem:s21+$0x8120] =	vst v0  }
0x21: {  	[tilespmem:s21+$0x8130] =	vst v0  }
0x22: {  	[tilespmem:s21+$0x8140] =	vst v0;
	s22 =	sadd.s32 $0x0, s3  }
0x23: {  	[tilespmem:s21+$0x8150] =	vst v0;
	p1 =	sgt.u32 s22, $0xF9  }
0x24: {  	[tilespmem:s21+$0x8160] =	vst v0;
	s21 =	simm.s32 @!p1 $0x8100;
	s24 =	simm.s32 @!p1 $0x3  }
0x25: {  	[spmem:s9] =	stream.linear.scatter @!p1 [tilespmem:s21], [sflag:$0x3], $0x1400, $0x38;
	[tilespmem:$0x1CD80] =	vst v63  }
0x26: {  	s23 =	simm.s32 $0x20;
	_ =	swait.ge @!p1 [sflag:s24], $0x1400  }
0x27: {  	s22 =	simm.s32 $0x10;
	s21 =	sadd.s32 $0x14000, s9;
	[sflag:s24] =	ssyncset.done @!p1 $0x0  }
.LBB2_4:
0x28: {  	s25 =	sadd.s32 s22, s3;
	s22 =	smov.u32 s23;
	s23 =	sadd.s32 $0x10, s23  }
0x29: {  	[sflag:s24] =	ssyncadd.s32 @!p1 $0xFFFFEC00;
	p2 =	sne.s32 s23, $0x100  }
.Ltmp1:
0x2a: {  	p1 =	sgt.u32 s25, $0xF9;
	(pc) =	sbr.rel @p2 .LBB2_4-.Ltmp1, $4  }
0x2b: {  	s25 =	simm.s32 @!p1 $0x8100;
	s24 =	simm.s32 @!p1 $0x3  }
0x2c: {  	[spmem:s21] =	stream.linear.scatter @!p1 [tilespmem:s25], [sflag:$0x3], $0x1400, $0x38;
	[tilespmem:$0x1CD80] =	vst v63  }
0x2d: {  	_ =	swait.ge @!p1 [sflag:s24], $0x1400  }
0x2e: {  	s21 =	sadd.s32 $0x14000, s21;
	[sflag:s24] =	ssyncset.done @!p1 $0x0  }
0x2f: {  	s22 =	sadd.s32 s22, s3  }
0x30: {  	p2 =	sgt.u32 s22, $0xF9  }
0x31: {  	[sflag:s24] =	ssyncadd.s32 @!p1 $0xFFFFEC00;
	s22 =	simm.s32 @!p2 $0x8100;
	s23 =	simm.s32 @!p2 $0x3  }
0x32: {  	[spmem:s21] =	stream.linear.scatter @!p2 [tilespmem:s22], [sflag:$0x3], $0x1400, $0x38;
	[tilespmem:$0x1CD80] =	vst v63  }
0x33: {  	_ =	swait.ge @!p2 [sflag:s23], $0x1400  }
0x34: {  	[sflag:s23] =	ssyncset.done @!p2 $0x0  }
0x35: {  	[sflag:s23] =	ssyncadd.s32 @!p2 $0xFFFFEC00  }
0x36: {  	s29 =	simm.s32 $0x0;
	[bflag:$0x0] =	sbarrier.arrive $0xFFFF  }
0x37: {  	[tilespmem:s29], [sflag:$0x3] =	stream.linear.gather [hbm4b:s5+s29], $0x80, $0x38;
	[tilespmem:$0x1CD80] =	vst v63  }
0x38: {  	_ =	swait.ge [sflag:s14], $0x80  }
0x39: {  	[sflag:s14] =	ssyncset.done $0x0  }
0x3a: {  	[sflag:s14] =	ssyncadd.s32 $0xFFFFFF80  }
0x3b: {  	[tilespmem:s15], [sflag:$0x3] =	stream.linear.gather [hbm4b:s6+s29], $0x4000, $0x38;
	[tilespmem:$0x1CD80] =	vst v63  }
0x3c: {  	_ =	swait.ge [sflag:s14], $0x4000  }
0x3d: {  	[sflag:s14] =	ssyncset.done $0x0  }
0x3e: {  	[sflag:s14] =	ssyncadd.s32 $0xFFFFC000  }
0x3f: {  	[spmem:s1] =	stream.indirect.scatter.add.f32 [tilespmem:s15], [sflag:$0x1], $0x80, s29, s15, $0xb8;
	[tilespmem:$0x1CD80] =	vst v63  }
0x40: {  	_ = 	snop  }
0x41: {  	[tilespmem:s16], [sflag:$0x3] =	stream.linear.gather [hbm4b:s7+s29], $0x80, $0x38;
	[tilespmem:$0x1CD80] =	vst v63  }
0x42: {  	_ =	swait.ge [sflag:s14], $0x80  }
0x43: {  	[sflag:s14] =	ssyncset.done $0x0  }
0x44: {  	[sflag:s14] =	ssyncadd.s32 $0xFFFFFF80  }
0x45: {  	[tilespmem:s17], [sflag:$0x3] =	stream.linear.gather [hbm4b:s8+s29], $0x4000, $0x38;
	[tilespmem:$0x1CD80] =	vst v63  }
0x46: {  	_ =	swait.ge [sflag:s14], $0x4000  }
0x47: {  	[sflag:s14] =	ssyncset.done $0x0  }
0x48: {  	[sflag:s14] =	ssyncadd.s32 $0xFFFFC000  }
0x49: {  	[spmem:s1] =	stream.indirect.scatter.add.f32 [tilespmem:s17], [sflag:$0x2], $0x80, s16, s15, $0xb8;
	[tilespmem:$0x1CD80] =	vst v63  }
0x4a: {  	_ =	swait.ge [sflag:s18], $0x4000  }
0x4b: {  	s30 =	sadd.s32 $0x0, s10;
	[sflag:s18] =	ssyncset.done $0x0  }
0x4c: {  	s21 =	sadd.s32 $0x400, s30;
	[sflag:s18] =	ssyncadd.s32 $0xFFFFC000  }
0x4d: {  	[tilespmem:s2], [sflag:$0x3] =	stream.linear.gather [hbm4b:s21+s2], $0x80, $0x38;
	[tilespmem:$0x1CD80] =	vst v63  }
0x4e: {  	_ =	swait.ge [sflag:s14], $0x80  }
0x4f: {  	[sflag:s14] =	ssyncset.done $0x0  }
0x50: {  	s31 =	sadd.s32 $0xFFFF0000, s11;
	[sflag:s14] =	ssyncadd.s32 $0xFFFFFF80  }
0x51: {  	[tilespmem:s15], [sflag:$0x3] =	stream.linear.gather [hbm4b:s31+s2], $0x4000, $0x38;
	[tilespmem:$0x1CD80] =	vst v63  }
0x52: {  	_ =	swait.ge [sflag:s14], $0x4000  }
0x53: {  	p1 =	sgt.u32 s12, $0x270;
	[sflag:s14] =	ssyncset.done $0x0  }
0x54: {  	s21 =	simm.s32 @!p1 $0x2;
	[sflag:s14] =	ssyncadd.s32 $0xFFFFC000  }
0x55: {  	[spmem:s1] =	stream.indirect.scatter.add.f32 [tilespmem:s15], [sflag:$0x1], $0x80, s2, s15, $0xb8;
	[tilespmem:$0x1CD80] =	vst v63  }
0x56: {  	s24 =	simm.s32 @!p1 $0x4080;
	_ =	swait.ge @!p1 [sflag:s21], $0x4000  }
0x57: {  	s25 =	simm.s32 @!p1 $0x3;
	s22 =	sadd.s32 @!p1 $0x0, s10;
	[sflag:s21] =	ssyncset.done @!p1 $0x0  }
0x58: {  	s22 =	sadd.s32 @!p1 $0x600, s22;
	s23 =	simm.s32 @!p1 $0x0;
	[sflag:s21] =	ssyncadd.s32 @!p1 $0xFFFFC000  }
0x59: {  	[tilespmem:s24], [sflag:$0x3] =	stream.linear.gather @!p1 [hbm4b:s22+s23], $0x80, $0x38;
	[tilespmem:$0x1CD80] =	vst v63  }
0x5a: {  	_ =	swait.ge @!p1 [sflag:s25], $0x80  }
0x5b: {  	[sflag:s25] =	ssyncset.done @!p1 $0x0  }
0x5c: {  	s26 =	simm.s32 @!p1 $0x4100;
	[sflag:s25] =	ssyncadd.s32 @!p1 $0xFFFFFF80  }
0x5d: {  	[tilespmem:s26], [sflag:$0x3] =	stream.linear.gather @!p1 [hbm4b:s11+s23], $0x4000, $0x38;
	[tilespmem:$0x1CD80] =	vst v63  }
0x5e: {  	s28 =	simm.s32 @!p1 $0x80;
	s21 =	simm.s32 $0x400;
	_ =	swait.ge @!p1 [sflag:s25], $0x4000  }
0x5f: {  	s22 =	sadd.s32 $0x40, s12;
	s23 =	smov.u32 s11;
	[sflag:s25] =	ssyncset.done @!p1 $0x0  }
.LBB2_6:
0x60: {  	[sflag:s25] =	ssyncadd.s32 @!p1 $0xFFFFC000  }
0x61: {  	s23 =	sadd.s32 $0x20000, s23;
	s25 =	smov.u32 s21;
	s21 =	sadd.s32 $0x400, s21  }
0x62: {  	[spmem:s1] =	stream.indirect.scatter.add.f32 @!p1 [tilespmem:s26], [sflag:$0x2], $0x80, s24, s28, $0xb8;
	[tilespmem:$0x1CD80] =	vst v63  }
0x63: {  	s24 =	sadd.s32 s25, s10;
	p2 =	sne.s32 s21, $0x2400;
	_ =	swait.ge [sflag:s18], $0x4000  }
0x64: {  	s24 =	sadd.s32 $0x400, s24;
	[sflag:s18] =	ssyncset.done $0x0  }
0x65: {  	[sflag:s18] =	ssyncadd.s32 $0xFFFFC000  }
0x66: {  	[tilespmem:s2], [sflag:$0x3] =	stream.linear.gather [hbm4b:s24+s2], $0x80, $0x38;
	[tilespmem:$0x1CD80] =	vst v63  }
0x67: {  	_ =	swait.ge [sflag:s14], $0x80  }
0x68: {  	s24 =	sadd.s32 $0xFFFF0000, s23;
	[sflag:s14] =	ssyncset.done $0x0  }
0x69: {  	[sflag:s14] =	ssyncadd.s32 $0xFFFFFF80  }
0x6a: {  	[tilespmem:s15], [sflag:$0x3] =	stream.linear.gather [hbm4b:s24+s2], $0x4000, $0x38;
	[tilespmem:$0x1CD80] =	vst v63  }
0x6b: {  	_ =	swait.ge [sflag:s14], $0x4000  }
0x6c: {  	p1 =	sgt.u32 s22, $0x270;
	[sflag:s14] =	ssyncset.done $0x0  }
0x6d: {  	s26 =	simm.s32 @!p1 $0x2;
	s24 =	sadd.s32 @!p1 s25, s10;
	[sflag:s14] =	ssyncadd.s32 $0xFFFFC000  }
0x6e: {  	[spmem:s1] =	stream.indirect.scatter.add.f32 [tilespmem:s15], [sflag:$0x1], $0x80, s2, s15, $0xb8;
	[tilespmem:$0x1CD80] =	vst v63  }
0x6f: {  	s28 =	sadd.s32 @!p1 $0x600, s24;
	_ =	swait.ge @!p1 [sflag:s26], $0x4000  }
0x70: {  	s29 =	simm.s32 @!p1 $0x0;
	s24 =	simm.s32 @!p1 $0x4080;
	[sflag:s26] =	ssyncset.done @!p1 $0x0  }
0x71: {  	s25 =	simm.s32 @!p1 $0x3;
	[sflag:s26] =	ssyncadd.s32 @!p1 $0xFFFFC000  }
0x72: {  	[tilespmem:s24], [sflag:$0x3] =	stream.linear.gather @!p1 [hbm4b:s28+s29], $0x80, $0x38;
	[tilespmem:$0x1CD80] =	vst v63  }
0x73: {  	_ =	swait.ge @!p1 [sflag:s25], $0x80  }
.Ltmp2:
0x74: {  	s26 =	simm.s32 @!p1 $0x4100;
	[sflag:s25] =	ssyncset.done @!p1 $0x0;
	(pc) =	sbr.rel @p2 .LBB2_6-.Ltmp2, $4  }
0x75: {  	[sflag:s25] =	ssyncadd.s32 @!p1 $0xFFFFFF80  }
0x76: {  	[tilespmem:s26], [sflag:$0x3] =	stream.linear.gather @!p1 [hbm4b:s23+s29], $0x4000, $0x38;
	[tilespmem:$0x1CD80] =	vst v63  }
0x77: {  	_ =	swait.ge @!p1 [sflag:s25], $0x4000  }
0x78: {  	s22 =	sadd.s32 $0x40, s22;
	s28 =	simm.s32 @!p1 $0x80;
	[sflag:s25] =	ssyncset.done @!p1 $0x0  }
0x79: {  	[sflag:s25] =	ssyncadd.s32 @!p1 $0xFFFFC000  }
0x7a: {  	[spmem:s1] =	stream.indirect.scatter.add.f32 @!p1 [tilespmem:s26], [sflag:$0x2], $0x80, s24, s28, $0xb8;
	[tilespmem:$0x1CD80] =	vst v63  }
0x7b: {  	_ =	swait.ge [sflag:s18], $0x4000  }
0x7c: {  	[sflag:s18] =	ssyncset.done $0x0  }
0x7d: {  	[sflag:s18] =	ssyncadd.s32 $0xFFFFC000  }
0x7e: {  	_ =	swait.ge [sflag:s19], $0x4000  }
0x7f: {  	s21 =	sadd.s32 $0x0, s3;
	[sflag:s19] =	ssyncset.done $0x0  }
0x80: {  	p1 =	sgt.u32 s21, $0xF9;
	[sflag:s19] =	ssyncadd.s32 $0xFFFFC000  }
0x81: {  	s21 =	simm.s32 @!p1 $0x8100;
	s23 =	simm.s32 @!p1 $0x4;
	[bflag:$0x0] =	sbarrier.arrive $0xFFFF  }
0x82: {  	[tilespmem:s21], [sflag:$0x4] =	stream.linear.gather @!p1 [spmem:s9], $0x1400, $0x38;
	[tilespmem:$0x1CD80] =	vst v63  }
0x83: {  	_ =	swait.ge @!p1 [sflag:s23], $0x1400  }
0x84: {  	s22 =	simm.s32 @!p1 $0x3;
	p2 =	por !p0, p1;
	[sflag:s23] =	ssyncset.done @!p1 $0x0  }
0x85: {  	s22 =	simm.s32 @p2 $0x4;
	[sflag:s23] =	ssyncadd.s32 @!p1 $0xFFFFEC00;
	s23 =	simm.s32 @!p1 $0x0  }
0x86: {  	[hbm4b:s13+s23] =	stream.linear.scatter @!p1 [tilespmem:s21], [sflag:s22], $0x1400, $0x38;
	[tilespmem:$0x1CD80] =	vst v63  }
0x87: {  	s25 =	sadd.s32 $0x10, s3;
	s24 =	simm.s32 $0x20;
	_ =	swait.ge @!p1 [sflag:s22], $0x1400  }
0x88: {  	s21 =	sadd.s32 $0x2800, s13;
	s23 =	sadd.s32 $0x14000, s9;
	[sflag:s22] =	ssyncset.done @!p1 $0x0  }
.LBB2_8:
0x89: {  	[sflag:s22] =	ssyncadd.s32 @!p1 $0xFFFFEC00  }
0x8a: {  	p1 =	sgt.u32 s25, $0xF9;
	s25 =	smov.u32 s24;
	s24 =	sadd.s32 $0x10, s24  }
0x8b: {  	s26 =	simm.s32 @!p1 $0x8100;
	s28 =	simm.s32 @!p1 $0x4;
	s22 =	simm.s32 @!p1 $0x3  }
0x8c: {  	[tilespmem:s26], [sflag:$0x4] =	stream.linear.gather @!p1 [spmem:s23], $0x1400, $0x38;
	[tilespmem:$0x1CD80] =	vst v63  }
0x8d: {  	p2 =	sne.s32 s24, $0x100;
	p3 =	por !p0, p1;
	_ =	swait.ge @!p1 [sflag:s28], $0x1400  }
.Ltmp3:
0x8e: {  	[sflag:s28] =	ssyncset.done @!p1 $0x0;
	(pc) =	sbr.rel @p2 .LBB2_8-.Ltmp3, $4  }
0x8f: {  	s22 =	simm.s32 @p3 $0x4;
	[sflag:s28] =	ssyncadd.s32 @!p1 $0xFFFFEC00;
	s28 =	simm.s32 @!p1 $0x0  }
0x90: {  	[hbm4b:s21+s28] =	stream.linear.scatter @!p1 [tilespmem:s26], [sflag:s22], $0x1400, $0x38;
	[tilespmem:$0x1CD80] =	vst v63  }
0x91: {  	s21 =	sadd.s32 $0x2800, s21;
	_ =	swait.ge @!p1 [sflag:s22], $0x1400  }
0x92: {  	s25 =	sadd.s32 s25, s3;
	s23 =	sadd.s32 $0x14000, s23;
	[sflag:s22] =	ssyncset.done @!p1 $0x0  }
0x93: {  	p2 =	sgt.u32 s25, $0xF9;
	[sflag:s22] =	ssyncadd.s32 @!p1 $0xFFFFEC00  }
0x94: {  	s20 =	sadd.s32 $0x1, s20;
	s22 =	simm.s32 @!p2 $0x8100;
	s24 =	simm.s32 @!p2 $0x4  }
0x95: {  	[tilespmem:s22], [sflag:$0x4] =	stream.linear.gather @!p2 [spmem:s23], $0x1400, $0x38;
	[tilespmem:$0x1CD80] =	vst v63  }
0x96: {  	p1 =	por !p0, p2;
	s23 =	simm.s32 @!p2 $0x3;
	_ =	swait.ge @!p2 [sflag:s24], $0x1400  }
0x97: {  	s23 =	simm.s32 @p1 $0x4;
	p1 =	sne.s32 s20, s4;
	[sflag:s24] =	ssyncset.done @!p2 $0x0  }
.Ltmp4:
0x98: {  	[sflag:s24] =	ssyncadd.s32 @!p2 $0xFFFFEC00;
	s24 =	simm.s32 @!p2 $0x0;
	(pc) =	sbr.rel @p1 .LBB2_1-.Ltmp4, $4  }
0x99: {  	[hbm4b:s21+s24] =	stream.linear.scatter @!p2 [tilespmem:s22], [sflag:s23], $0x1400, $0x38;
	[tilespmem:$0x1CD80] =	vst v63  }
0x9a: {  	_ =	swait.ge @!p2 [sflag:s23], $0x1400  }
0x9b: {  	[sflag:s23] =	ssyncset.done @!p2 $0x0  }
0x9c: {  	[sflag:s23] =	ssyncadd.s32 @!p2 $0xFFFFEC00  }
0x9d: {  	_ =	sfence.sel $0x180000  }
0x9e: {  	[bflag:$0x0] =	sbarrier.arrive $0xFFFF  }
0x9f: {  	p0 =	sne.s32 s3, $0x0;
	_ =	strace $0x90000059  }
0xa0: {  	s0 =	sadd.s32 @!p0 $0x100000, s0;
	[bflag:$0x2] =	sbarrier.arrive $0xFFFF  }
0xa1: {  	[sflag:s0] =	ssyncadd.tile.s32 @!p0 $0x1;
	_ =	shalt  }
.Lfunc_end2:
_tile_overlayer_lowered:
.L_overlay_start_2:
0xa2: {  	(tag) =	ssettag $0x2  }
0xa3: {  	s0 =	rddreg [dreg:$0x0];
	s2 =	stileid.u32  }
0xa4: {  	s1 =	rddreg [dreg:$0x1];
	p0 =	sne.s32 s2, $0x0  }
0xa5: {  	s3 =	rddreg [dreg:$0x2];
	[bflag:$0x3] =	sbarrier.arrive $0xFFFF;
	s2 =	simm.s32 @!p0 $0x1C03  }
0xa6: {  	[timem:s3], [sflag:s2] =	dma.local @!p0 [hbm:s0], s1  }
0xa7: {  	s0 =	simm.s32 @!p0 $0x3  }
0xa8: {  	_ =	swait.ge @!p0 [sflag:s0], s1  }
0xa9: {  	s1 =	ssub.s32 @!p0 $0x0, s1;
	[sflag:s0] =	ssyncset.done @!p0 $0x0  }
0xaa: {  	[sflag:s0] =	ssyncadd.s32 @!p0 s1  }
0xab: {  	[bflag:$0x3] =	sbarrier.arrive $0xFFFF  }
0xac: {  	_ =	shalt  }

</sc_bundles>
